<compile_context>
chip_gen: v7x
topology: tpu7x:2x2x1
jax: 0.10.2.dev20260603
libtpu: 0.0.44.dev20260713+nightly
codegen_flags: <defaults>
</compile_context>

<pallas_src>
import functools

import jax
import jax.numpy as jnp
from jax import lax
from jax.experimental import pallas as pl
from jax.experimental.pallas import tpu as pltpu
from jax.experimental.pallas import tpu_sc as plsc

PS = 64
K = 64
TEMP = 0.3
NOISE = 0.5
STRIDE = 16
GRID = 29

NC = 2
NS = 16
NW = NC * NS

PATCHES_PER_TILE = (16 * K) // NW
IMG_ROWS = 3 * PS * 4
LBL_ROWS = 1 * PS * 4
IMG_CHUNKS = IMG_ROWS // 128
LBL_CHUNKS = LBL_ROWS // 128


def _sc_patch_gather(image, labels, harr, warr):
    mesh = plsc.VectorSubcoreMesh(
        core_axis_name="c", subcore_axis_name="s",
        num_cores=NC, num_subcores=NS)

    ppt = PATCHES_PER_TILE

    @functools.partial(
        pl.kernel,
        out_type=[
            jax.ShapeDtypeStruct((16 * K, 3, PS, PS), jnp.float32),
            jax.ShapeDtypeStruct((16 * K, 1, PS, PS), jnp.float32),
        ],
        mesh=mesh,
        scratch_types=[
            pltpu.VMEM((ppt,), jnp.int32),
            pltpu.VMEM((ppt,), jnp.int32),
            pltpu.VMEM((3, PS, PS), jnp.float32),
            pltpu.VMEM((1, PS, PS), jnp.float32),
            pltpu.SemaphoreType.DMA,
        ],
        compiler_params=pltpu.CompilerParams(use_tc_tiling_on_sc=False),
    )
    def k(img_hbm, lbl_hbm, h_hbm, w_hbm, out_img, out_lbl,
          h_v, w_v, ibuf, lbuf, sem):
        wid = lax.axis_index("s") * NC + lax.axis_index("c")
        pltpu.sync_copy(h_hbm.at[pl.ds(wid * ppt, ppt)], h_v)
        pltpu.sync_copy(w_hbm.at[pl.ds(wid * ppt, ppt)], w_v)

        def chunk_body(cidx, carry):
            hv = h_v[pl.ds(cidx * 16, 16)]
            wv = w_v[pl.ds(cidx * 16, 16)]
            for lane in range(16):
                h = pl.multiple_of(hv[lane], 16)
                w = pl.multiple_of(wv[lane], 16)
                patch = wid * ppt + cidx * 16 + lane
                b = patch // K
                descs = []
                for c in range(3):
                    descs.append(pltpu.async_copy(
                        img_hbm.at[b, c, pl.ds(h, PS), pl.ds(w, PS)],
                        ibuf.at[c], sem))
                descs.append(pltpu.async_copy(
                    lbl_hbm.at[b, 0, pl.ds(h, PS), pl.ds(w, PS)],
                    lbuf.at[0], sem))
                for d in descs:
                    d.wait()
                pltpu.sync_copy(ibuf, out_img.at[patch])
                pltpu.sync_copy(lbuf, out_lbl.at[patch])
            return carry

        lax.fori_loop(0, ppt // 16, chunk_body, 0)

    return k(image, labels, harr, warr)


def kernel(image, labels, weights):
    B, C, H, W = image.shape
    ps = PS

    s = lax.reduce_window(weights, 0.0, lax.add,
                          (1, 1, ps, ps), (1, 1, STRIDE, STRIDE), 'VALID')
    scores = (s / float(ps * ps)).reshape(B, GRID * GRID)
    smin = jnp.min(scores, axis=1, keepdims=True)
    smax = jnp.max(scores, axis=1, keepdims=True)
    srange = jnp.clip(smax - smin, 1e-06, None)
    normalized = (scores - smin) / srange
    scaled = normalized / TEMP
    nkey = jax.random.fold_in(jax.random.key(0), 1)
    scaled = scaled + jax.random.uniform(nkey, scaled.shape, dtype=scaled.dtype) * NOISE
    probs = jax.nn.softmax(scaled, axis=1)
    gkey = jax.random.fold_in(jax.random.key(0), 2)
    gumbel = jax.random.gumbel(gkey, probs.shape, dtype=probs.dtype)
    _, idx = jax.lax.top_k(jnp.log(probs + 1e-20) + gumbel, K)
    row = idx // GRID
    col = idx % GRID
    h = jnp.clip(row * STRIDE, 0, H - ps).astype(jnp.int32)
    w = jnp.clip(col * STRIDE, 0, W - ps).astype(jnp.int32)
    coords = jnp.stack([h, w], axis=-1)

    out_img, out_lbl = _sc_patch_gather(
        image, labels, h.reshape(B * K), w.reshape(B * K))
    patches = out_img.reshape(B, K, C, ps, ps)
    patch_labels = out_lbl.reshape(B, K, 1, ps, ps)
    return patches, patch_labels, coords

# --- scband reference (transcript-rebuilt; emitter-appended) ---
"""Pipeline reference for scband-patch-sampler-44092134261573 (READ-ONLY COPY).

The authoritative reference and input builder live on the scoring server;
editing this copy changes nothing except your own understanding.
"""

import jax, jax.numpy as jnp
import numpy as np

PS = 64
K = 64
TEMP = 0.3
NOISE = 0.5
STRIDE_DIV = 4


def setup_inputs(seed: int = 0) -> dict:
    key = jax.random.key(seed)
    k1, k2, k3 = jax.random.split(key, 3)
    image = jax.random.normal(k1, (16, 3, 512, 512), dtype=jnp.float32)
    labels = jax.random.uniform(k2, (16, 1, 512, 512), dtype=jnp.float32)
    weights = jax.random.uniform(k3, (16, 1, 512, 512), dtype=jnp.float32)
    return {"image": image, "labels": labels, "weights": weights}


def _avg_pool2d(x, ps, stride):
    s = jax.lax.reduce_window(x, 0.0, jax.lax.add,
                              (1, 1, ps, ps), (1, 1, stride, stride), 'VALID')
    return s / float(ps * ps)


def reference(image, labels, weights):
    B, C, H, W = image.shape
    ps = PS
    stride = max(1, ps // STRIDE_DIV)
    grid_h = max(1, (H - ps) // stride + 1)
    grid_w = max(1, (W - ps) // stride + 1)
    # compute_scores: avg_pool2d over the weight map; for these shapes the
    # pooled output is exactly (grid_h, grid_w) so no interpolation is needed.
    scores = _avg_pool2d(weights, ps, stride).reshape(B, grid_h * grid_w)
    # sample_indices: min-max normalize, temperature scale, exploration noise
    # (module defaults to training=True), softmax, then multinomial without
    # replacement via the Gumbel-top-k trick (distributionally equivalent).
    smin = jnp.min(scores, axis=1, keepdims=True)
    smax = jnp.max(scores, axis=1, keepdims=True)
    srange = jnp.clip(smax - smin, 1e-06, None)
    normalized = (scores - smin) / srange
    scaled = normalized / TEMP
    nkey = jax.random.fold_in(jax.random.key(0), 1)
    scaled = scaled + jax.random.uniform(nkey, scaled.shape, dtype=scaled.dtype) * NOISE
    probs = jax.nn.softmax(scaled, axis=1)
    gkey = jax.random.fold_in(jax.random.key(0), 2)
    gumbel = jax.random.gumbel(gkey, probs.shape, dtype=probs.dtype)
    k_safe = min(K, scores.shape[1])
    _, idx = jax.lax.top_k(jnp.log(probs + 1e-20) + gumbel, k_safe)
    # indices_to_coords
    row = idx // grid_w
    col = idx % grid_w
    h = jnp.clip(row * stride, 0, H - ps).astype(jnp.int32)
    w = jnp.clip(col * stride, 0, W - ps).astype(jnp.int32)
    # extract_patches (k_safe == K so no zero padding branch needed)
    def per_batch(img_b, lab_b, hb, wb):
        def one(hh, ww):
            p = jax.lax.dynamic_slice(img_b, (jnp.int32(0), hh, ww), (C, ps, ps))
            l = jax.lax.dynamic_slice(lab_b, (jnp.int32(0), hh, ww), (1, ps, ps))
            return p, l
        return jax.vmap(one)(hb, wb)
    patches, patch_labels = jax.vmap(per_batch)(image, labels, h, w)
    coords = jnp.stack([h, w], axis=-1)
    return patches, patch_labels, coords

if __name__ == "__main__":
    import jax
    _d = setup_inputs()
    print(jax.jit(kernel)(*tuple(_d.values())))

</pallas_src>

<mosaic_0001>
#map = affine_map<(d0, d1) -> (0, 0, 0, 0)>
#map1 = affine_map<(d0, d1) -> (0)>
module attributes {stable_mosaic.version = 14 : i64} {
  func.func @k(%arg0: i32, %arg1: i32, %arg2: memref<16x3x512x512xf32, #tpu.memory_space<hbm>>, %arg3: memref<16x1x512x512xf32, #tpu.memory_space<hbm>>, %arg4: memref<1024xi32, #tpu.memory_space<hbm>>, %arg5: memref<1024xi32, #tpu.memory_space<hbm>>, %arg6: memref<1024x3x64x64xf32, #tpu.memory_space<hbm>>, %arg7: memref<1024x1x64x64xf32, #tpu.memory_space<hbm>>, %arg8: memref<32xi32, #tpu.memory_space<vmem>>, %arg9: memref<32xi32, #tpu.memory_space<vmem>>, %arg10: memref<3x64x64xf32, #tpu.memory_space<vmem>>, %arg11: memref<1x64x64xf32, #tpu.memory_space<vmem>>, %arg12: memref<!tpu.dma_semaphore, #tpu.memory_space<semaphore_mem>>) attributes {dimension_semantics = [#tpu.dimension_semantics<core_parallel>, #tpu.dimension_semantics<subcore_parallel>], iteration_bounds = array<i64: 2, 16>, scalar_prefetch = 0 : i64, scratch_operands = 5 : i64, tpu.core_type = #tpu.core_type<sc_vector_subcore>, window_params = [{transform_indices = #map}, {transform_indices = #map}, {transform_indices = #map1}, {transform_indices = #map1}, {transform_indices = #map}, {transform_indices = #map}]} {
    %mul3A = arith.constant 2 : i32
    %mul3A_0 = arith.muli %arg1, %mul3A : i32
    %add3A = arith.addi %mul3A_0, %arg0 : i32
    %mul3A_1 = arith.constant 32 : i32
    %mul3A_2 = arith.muli %add3A, %mul3A_1 : i32
    "tpu.region"() ({
      %run_scoped3A = tpu.sem_alloc : memref<!tpu.dma_semaphore, #tpu.memory_space<semaphore_mem>>
      %dma_start3A = tpu.memref_slice %arg4[%mul3A_2] : memref<1024xi32, #tpu.memory_space<hbm>> -> memref<32xi32, #tpu.memory_space<hbm>>
      %dma_start3A_10 = tpu.memref_slice %arg4[%mul3A_2] : memref<1024xi32, #tpu.memory_space<hbm>> -> memref<32xi32, #tpu.memory_space<hbm>>
      tpu.enqueue_dma source(%dma_start3A_10 : memref<32xi32, #tpu.memory_space<hbm>>) target(%arg8 : memref<32xi32, #tpu.memory_space<vmem>>) target_semaphore(%run_scoped3A : memref<!tpu.dma_semaphore, #tpu.memory_space<semaphore_mem>>)
      %dma_wait3A = tpu.memref_slice %arg4[%mul3A_2] : memref<1024xi32, #tpu.memory_space<hbm>> -> memref<32xi32, #tpu.memory_space<hbm>>
      %dma_wait3A_11 = tpu.memref_slice %arg4[%mul3A_2] : memref<1024xi32, #tpu.memory_space<hbm>> -> memref<32xi32, #tpu.memory_space<hbm>>
      tpu.wait_dma2 semaphore(%run_scoped3A : memref<!tpu.dma_semaphore, #tpu.memory_space<semaphore_mem>>) src(%dma_wait3A_11 : memref<32xi32, #tpu.memory_space<hbm>>) dst(%arg8 : memref<32xi32, #tpu.memory_space<vmem>>)
      tpu.yield
    }) : () -> ()
    %mul3A_3 = arith.constant 32 : i32
    %mul3A_4 = arith.muli %add3A, %mul3A_3 : i32
    "tpu.region"() ({
      %run_scoped3A = tpu.sem_alloc : memref<!tpu.dma_semaphore, #tpu.memory_space<semaphore_mem>>
      %dma_start3A = tpu.memref_slice %arg5[%mul3A_4] : memref<1024xi32, #tpu.memory_space<hbm>> -> memref<32xi32, #tpu.memory_space<hbm>>
      %dma_start3A_10 = tpu.memref_slice %arg5[%mul3A_4] : memref<1024xi32, #tpu.memory_space<hbm>> -> memref<32xi32, #tpu.memory_space<hbm>>
      tpu.enqueue_dma source(%dma_start3A_10 : memref<32xi32, #tpu.memory_space<hbm>>) target(%arg9 : memref<32xi32, #tpu.memory_space<vmem>>) target_semaphore(%run_scoped3A : memref<!tpu.dma_semaphore, #tpu.memory_space<semaphore_mem>>)
      %dma_wait3A = tpu.memref_slice %arg5[%mul3A_4] : memref<1024xi32, #tpu.memory_space<hbm>> -> memref<32xi32, #tpu.memory_space<hbm>>
      %dma_wait3A_11 = tpu.memref_slice %arg5[%mul3A_4] : memref<1024xi32, #tpu.memory_space<hbm>> -> memref<32xi32, #tpu.memory_space<hbm>>
      tpu.wait_dma2 semaphore(%run_scoped3A : memref<!tpu.dma_semaphore, #tpu.memory_space<semaphore_mem>>) src(%dma_wait3A_11 : memref<32xi32, #tpu.memory_space<hbm>>) dst(%arg9 : memref<32xi32, #tpu.memory_space<vmem>>)
      tpu.yield
    }) : () -> ()
    %scan3A = arith.constant 0 : i32
    %scan3A_5 = arith.constant 0 : i32
    %scan3A_6 = arith.constant 2 : i32
    %scan3A_7 = arith.addi %scan3A_5, %scan3A_6 : i32
    %scan3A_8 = arith.constant 1 : i32
    scf.for %scan3A_10 = %scan3A_5 to %scan3A_7 step %scan3A_8  : i32 {
      %mul3A_11 = arith.constant 16 : i32
      %mul3A_12 = arith.muli %scan3A_10, %mul3A_11 : i32
      %get3A = arith.index_cast %mul3A_12 : i32 to index
      %get3A_13 = tpu.vector_load %arg8[%get3A] {strides = array<i32>} : memref<32xi32, #tpu.memory_space<vmem>>, vector<16xi32>,
      %get3A_14 = vector.shape_cast %get3A_13 : vector<16xi32> to vector<16xi32>
      %mul3A_15 = arith.constant 16 : i32
      %mul3A_16 = arith.muli %scan3A_10, %mul3A_15 : i32
      %get3A_17 = arith.index_cast %mul3A_16 : i32 to index
      %get3A_18 = tpu.vector_load %arg9[%get3A_17] {strides = array<i32>} : memref<32xi32, #tpu.memory_space<vmem>>, vector<16xi32>,
      %get3A_19 = vector.shape_cast %get3A_18 : vector<16xi32> to vector<16xi32>
      %slice3A = vector.extract_strided_slice %get3A_14 {offsets = [0], sizes = [1], strides = [1]} : vector<16xi32> to vector<1xi32>
      %squeeze3A = vector.extract %slice3A[0] : i32 from vector<1xi32>
      %multiple_of3A = tpu.assume_multiple %squeeze3A, 16 : i32
      %slice3A_20 = vector.extract_strided_slice %get3A_19 {offsets = [0], sizes = [1], strides = [1]} : vector<16xi32> to vector<1xi32>
      %squeeze3A_21 = vector.extract %slice3A_20[0] : i32 from vector<1xi32>
      %multiple_of3A_22 = tpu.assume_multiple %squeeze3A_21, 16 : i32
      %mul3A_23 = arith.constant 32 : i32
      %mul3A_24 = arith.muli %add3A, %mul3A_23 : i32
      %mul3A_25 = arith.constant 16 : i32
      %mul3A_26 = arith.muli %scan3A_10, %mul3A_25 : i32
      %add3A_27 = arith.addi %mul3A_24, %mul3A_26 : i32
      %add3A_28 = arith.constant 0 : i32
      %add3A_29 = arith.addi %add3A_27, %add3A_28 : i32
      %jit3A = arith.constant 64 : i32
      %div3A = arith.divsi %add3A_29, %jit3A : i32
      %sign3A = arith.constant 0 : i32
      %sign3A_30 = arith.cmpi sgt, %add3A_29, %sign3A : i32
      %sign3A_31 = arith.extui %sign3A_30 : i1 to i32
      %sign3A_32 = arith.constant 0 : i32
      %sign3A_33 = arith.cmpi slt, %add3A_29, %sign3A_32 : i32
      %sign3A_34 = arith.extui %sign3A_33 : i1 to i32
      %sign3A_35 = arith.subi %sign3A_31, %sign3A_34 : i32
      %sign3A_36 = arith.constant 0 : i32
      %sign3A_37 = arith.cmpi sgt, %jit3A, %sign3A_36 : i32
      %sign3A_38 = arith.extui %sign3A_37 : i1 to i32
      %sign3A_39 = arith.constant 0 : i32
      %sign3A_40 = arith.cmpi slt, %jit3A, %sign3A_39 : i32
      %sign3A_41 = arith.extui %sign3A_40 : i1 to i32
      %sign3A_42 = arith.subi %sign3A_38, %sign3A_41 : i32
      %ne3A = arith.cmpi ne, %sign3A_35, %sign3A_42 : i32
      %rem3A = arith.remsi %add3A_29, %jit3A : i32
      %ne3A_43 = arith.constant 0 : i32
      %ne3A_44 = arith.cmpi ne, %rem3A, %ne3A_43 : i32
      %and3A = arith.andi %ne3A, %ne3A_44 : i1
      %sub3A = arith.constant 1 : i32
      %sub3A_45 = arith.subi %div3A, %sub3A : i32
      %select_n3A = arith.select %and3A, %sub3A_45, %div3A : i32
      %dma_start3A = arith.constant 0 : i32
      %dma_start3A_46 = arith.constant 0 : i32
      %dma_start3A_47 = arith.constant 0 : i32
      %dma_start3A_48 = arith.constant 0 : i32
      %dma_start3A_49 = tpu.memref_slice %arg10[%dma_start3A_46, %dma_start3A_47, %dma_start3A_48] : memref<3x64x64xf32, #tpu.memory_space<vmem>> -> memref<1x64x64xf32, #tpu.memory_space<vmem>>
      %dma_start3A_50 = tpu.memref_squeeze %dma_start3A_49 : memref<1x64x64xf32, #tpu.memory_space<vmem>> -> memref<64x64xf32, #tpu.memory_space<vmem>>
      %dma_start3A_51 = tpu.memref_slice %arg2[%select_n3A, %dma_start3A, %multiple_of3A, %multiple_of3A_22] : memref<16x3x512x512xf32, #tpu.memory_space<hbm>> -> memref<1x1x64x64xf32, #tpu.memory_space<hbm>>
      %dma_start3A_52 = tpu.memref_squeeze %dma_start3A_51 : memref<1x1x64x64xf32, #tpu.memory_space<hbm>> -> memref<64x64xf32, #tpu.memory_space<hbm>>
      %dma_start3A_53 = arith.constant 0 : i32
      %dma_start3A_54 = arith.constant 0 : i32
      %dma_start3A_55 = tpu.memref_slice %arg10[%dma_start3A_46, %dma_start3A_53, %dma_start3A_54] : memref<3x64x64xf32, #tpu.memory_space<vmem>> -> memref<1x64x64xf32, #tpu.memory_space<vmem>>
      %dma_start3A_56 = tpu.memref_squeeze %dma_start3A_55 : memref<1x64x64xf32, #tpu.memory_space<vmem>> -> memref<64x64xf32, #tpu.memory_space<vmem>>
      %dma_start3A_57 = tpu.memref_slice %arg2[%select_n3A, %dma_start3A, %multiple_of3A, %multiple_of3A_22] : memref<16x3x512x512xf32, #tpu.memory_space<hbm>> -> memref<1x1x64x64xf32, #tpu.memory_space<hbm>>
      %dma_start3A_58 = tpu.memref_squeeze %dma_start3A_57 : memref<1x1x64x64xf32, #tpu.memory_space<hbm>> -> memref<64x64xf32, #tpu.memory_space<hbm>>
      tpu.enqueue_dma source(%dma_start3A_58 : memref<64x64xf32, #tpu.memory_space<hbm>>) target(%dma_start3A_56 : memref<64x64xf32, #tpu.memory_space<vmem>>) target_semaphore(%arg12 : memref<!tpu.dma_semaphore, #tpu.memory_space<semaphore_mem>>)
      %dma_start3A_59 = arith.constant 1 : i32
      %dma_start3A_60 = arith.constant 1 : i32
      %dma_start3A_61 = arith.constant 0 : i32
      %dma_start3A_62 = arith.constant 0 : i32
      %dma_start3A_63 = tpu.memref_slice %arg10[%dma_start3A_60, %dma_start3A_61, %dma_start3A_62] : memref<3x64x64xf32, #tpu.memory_space<vmem>> -> memref<1x64x64xf32, #tpu.memory_space<vmem>>
      %dma_start3A_64 = tpu.memref_squeeze %dma_start3A_63 : memref<1x64x64xf32, #tpu.memory_space<vmem>> -> memref<64x64xf32, #tpu.memory_space<vmem>>
      %dma_start3A_65 = tpu.memref_slice %arg2[%select_n3A, %dma_start3A_59, %multiple_of3A, %multiple_of3A_22] : memref<16x3x512x512xf32, #tpu.memory_space<hbm>> -> memref<1x1x64x64xf32, #tpu.memory_space<hbm>>
      %dma_start3A_66 = tpu.memref_squeeze %dma_start3A_65 : memref<1x1x64x64xf32, #tpu.memory_space<hbm>> -> memref<64x64xf32, #tpu.memory_space<hbm>>
      %dma_start3A_67 = arith.constant 0 : i32
      %dma_start3A_68 = arith.constant 0 : i32
      %dma_start3A_69 = tpu.memref_slice %arg10[%dma_start3A_60, %dma_start3A_67, %dma_start3A_68] : memref<3x64x64xf32, #tpu.memory_space<vmem>> -> memref<1x64x64xf32, #tpu.memory_space<vmem>>
      %dma_start3A_70 = tpu.memref_squeeze %dma_start3A_69 : memref<1x64x64xf32, #tpu.memory_space<vmem>> -> memref<64x64xf32, #tpu.memory_space<vmem>>
      %dma_start3A_71 = tpu.memref_slice %arg2[%select_n3A, %dma_start3A_59, %multiple_of3A, %multiple_of3A_22] : memref<16x3x512x512xf32, #tpu.memory_space<hbm>> -> memref<1x1x64x64xf32, #tpu.memory_space<hbm>>
      %dma_start3A_72 = tpu.memref_squeeze %dma_start3A_71 : memref<1x1x64x64xf32, #tpu.memory_space<hbm>> -> memref<64x64xf32, #tpu.memory_space<hbm>>
      tpu.enqueue_dma source(%dma_start3A_72 : memref<64x64xf32, #tpu.memory_space<hbm>>) target(%dma_start3A_70 : memref<64x64xf32, #tpu.memory_space<vmem>>) target_semaphore(%arg12 : memref<!tpu.dma_semaphore, #tpu.memory_space<semaphore_mem>>)
      %dma_start3A_73 = arith.constant 2 : i32
      %dma_start3A_74 = arith.constant 2 : i32
      %dma_start3A_75 = arith.constant 0 : i32
      %dma_start3A_76 = arith.constant 0 : i32
      %dma_start3A_77 = tpu.memref_slice %arg10[%dma_start3A_74, %dma_start3A_75, %dma_start3A_76] : memref<3x64x64xf32, #tpu.memory_space<vmem>> -> memref<1x64x64xf32, #tpu.memory_space<vmem>>
      %dma_start3A_78 = tpu.memref_squeeze %dma_start3A_77 : memref<1x64x64xf32, #tpu.memory_space<vmem>> -> memref<64x64xf32, #tpu.memory_space<vmem>>
      %dma_start3A_79 = tpu.memref_slice %arg2[%select_n3A, %dma_start3A_73, %multiple_of3A, %multiple_of3A_22] : memref<16x3x512x512xf32, #tpu.memory_space<hbm>> -> memref<1x1x64x64xf32, #tpu.memory_space<hbm>>
      %dma_start3A_80 = tpu.memref_squeeze %dma_start3A_79 : memref<1x1x64x64xf32, #tpu.memory_space<hbm>> -> memref<64x64xf32, #tpu.memory_space<hbm>>
      %dma_start3A_81 = arith.constant 0 : i32
      %dma_start3A_82 = arith.constant 0 : i32
      %dma_start3A_83 = tpu.memref_slice %arg10[%dma_start3A_74, %dma_start3A_81, %dma_start3A_82] : memref<3x64x64xf32, #tpu.memory_space<vmem>> -> memref<1x64x64xf32, #tpu.memory_space<vmem>>
      %dma_start3A_84 = tpu.memref_squeeze %dma_start3A_83 : memref<1x64x64xf32, #tpu.memory_space<vmem>> -> memref<64x64xf32, #tpu.memory_space<vmem>>
      %dma_start3A_85 = tpu.memref_slice %arg2[%select_n3A, %dma_start3A_73, %multiple_of3A, %multiple_of3A_22] : memref<16x3x512x512xf32, #tpu.memory_space<hbm>> -> memref<1x1x64x64xf32, #tpu.memory_space<hbm>>
      %dma_start3A_86 = tpu.memref_squeeze %dma_start3A_85 : memref<1x1x64x64xf32, #tpu.memory_space<hbm>> -> memref<64x64xf32, #tpu.memory_space<hbm>>
      tpu.enqueue_dma source(%dma_start3A_86 : memref<64x64xf32, #tpu.memory_space<hbm>>) target(%dma_start3A_84 : memref<64x64xf32, #tpu.memory_space<vmem>>) target_semaphore(%arg12 : memref<!tpu.dma_semaphore, #tpu.memory_space<semaphore_mem>>)
      %dma_start3A_87 = arith.constant 0 : i32
      %dma_start3A_88 = arith.constant 0 : i32
      %dma_start3A_89 = arith.constant 0 : i32
      %dma_start3A_90 = arith.constant 0 : i32
      %dma_start3A_91 = tpu.memref_slice %arg11[%dma_start3A_88, %dma_start3A_89, %dma_start3A_90] : memref<1x64x64xf32, #tpu.memory_space<vmem>> -> memref<1x64x64xf32, #tpu.memory_space<vmem>>
      %dma_start3A_92 = tpu.memref_squeeze %dma_start3A_91 : memref<1x64x64xf32, #tpu.memory_space<vmem>> -> memref<64x64xf32, #tpu.memory_space<vmem>>
      %dma_start3A_93 = tpu.memref_slice %arg3[%select_n3A, %dma_start3A_87, %multiple_of3A, %multiple_of3A_22] : memref<16x1x512x512xf32, #tpu.memory_space<hbm>> -> memref<1x1x64x64xf32, #tpu.memory_space<hbm>>
      %dma_start3A_94 = tpu.memref_squeeze %dma_start3A_93 : memref<1x1x64x64xf32, #tpu.memory_space<hbm>> -> memref<64x64xf32, #tpu.memory_space<hbm>>
      %dma_start3A_95 = arith.constant 0 : i32
      %dma_start3A_96 = arith.constant 0 : i32
      %dma_start3A_97 = tpu.memref_slice %arg11[%dma_start3A_88, %dma_start3A_95, %dma_start3A_96] : memref<1x64x64xf32, #tpu.memory_space<vmem>> -> memref<1x64x64xf32, #tpu.memory_space<vmem>>
      %dma_start3A_98 = tpu.memref_squeeze %dma_start3A_97 : memref<1x64x64xf32, #tpu.memory_space<vmem>> -> memref<64x64xf32, #tpu.memory_space<vmem>>
      %dma_start3A_99 = tpu.memref_slice %arg3[%select_n3A, %dma_start3A_87, %multiple_of3A, %multiple_of3A_22] : memref<16x1x512x512xf32, #tpu.memory_space<hbm>> -> memref<1x1x64x64xf32, #tpu.memory_space<hbm>>
      %dma_start3A_100 = tpu.memref_squeeze %dma_start3A_99 : memref<1x1x64x64xf32, #tpu.memory_space<hbm>> -> memref<64x64xf32, #tpu.memory_space<hbm>>
      tpu.enqueue_dma source(%dma_start3A_100 : memref<64x64xf32, #tpu.memory_space<hbm>>) target(%dma_start3A_98 : memref<64x64xf32, #tpu.memory_space<vmem>>) target_semaphore(%arg12 : memref<!tpu.dma_semaphore, #tpu.memory_space<semaphore_mem>>)
      %dma_wait3A = arith.constant 0 : i32
      %dma_wait3A_101 = arith.constant 0 : i32
      %dma_wait3A_102 = arith.constant 0 : i32
      %dma_wait3A_103 = arith.constant 0 : i32
      %dma_wait3A_104 = tpu.memref_slice %arg10[%dma_wait3A_101, %dma_wait3A_102, %dma_wait3A_103] : memref<3x64x64xf32, #tpu.memory_space<vmem>> -> memref<1x64x64xf32, #tpu.memory_space<vmem>>
      %dma_wait3A_105 = tpu.memref_squeeze %dma_wait3A_104 : memref<1x64x64xf32, #tpu.memory_space<vmem>> -> memref<64x64xf32, #tpu.memory_space<vmem>>
      %dma_wait3A_106 = tpu.memref_slice %arg2[%select_n3A, %dma_wait3A, %multiple_of3A, %multiple_of3A_22] : memref<16x3x512x512xf32, #tpu.memory_space<hbm>> -> memref<1x1x64x64xf32, #tpu.memory_space<hbm>>
      %dma_wait3A_107 = tpu.memref_squeeze %dma_wait3A_106 : memref<1x1x64x64xf32, #tpu.memory_space<hbm>> -> memref<64x64xf32, #tpu.memory_space<hbm>>
      %dma_wait3A_108 = arith.constant 0 : i32
      %dma_wait3A_109 = arith.constant 0 : i32
      %dma_wait3A_110 = tpu.memref_slice %arg10[%dma_wait3A_101, %dma_wait3A_108, %dma_wait3A_109] : memref<3x64x64xf32, #tpu.memory_space<vmem>> -> memref<1x64x64xf32, #tpu.memory_space<vmem>>
      %dma_wait3A_111 = tpu.memref_squeeze %dma_wait3A_110 : memref<1x64x64xf32, #tpu.memory_space<vmem>> -> memref<64x64xf32, #tpu.memory_space<vmem>>
      %dma_wait3A_112 = tpu.memref_slice %arg2[%select_n3A, %dma_wait3A, %multiple_of3A, %multiple_of3A_22] : memref<16x3x512x512xf32, #tpu.memory_space<hbm>> -> memref<1x1x64x64xf32, #tpu.memory_space<hbm>>
      %dma_wait3A_113 = tpu.memref_squeeze %dma_wait3A_112 : memref<1x1x64x64xf32, #tpu.memory_space<hbm>> -> memref<64x64xf32, #tpu.memory_space<hbm>>
      tpu.wait_dma2 semaphore(%arg12 : memref<!tpu.dma_semaphore, #tpu.memory_space<semaphore_mem>>) src(%dma_wait3A_113 : memref<64x64xf32, #tpu.memory_space<hbm>>) dst(%dma_wait3A_111 : memref<64x64xf32, #tpu.memory_space<vmem>>)
      %dma_wait3A_114 = arith.constant 1 : i32
      %dma_wait3A_115 = arith.constant 1 : i32
      %dma_wait3A_116 = arith.constant 0 : i32
      %dma_wait3A_117 = arith.constant 0 : i32
      %dma_wait3A_118 = tpu.memref_slice %arg10[%dma_wait3A_115, %dma_wait3A_116, %dma_wait3A_117] : memref<3x64x64xf32, #tpu.memory_space<vmem>> -> memref<1x64x64xf32, #tpu.memory_space<vmem>>
      %dma_wait3A_119 = tpu.memref_squeeze %dma_wait3A_118 : memref<1x64x64xf32, #tpu.memory_space<vmem>> -> memref<64x64xf32, #tpu.memory_space<vmem>>
      %dma_wait3A_120 = tpu.memref_slice %arg2[%select_n3A, %dma_wait3A_114, %multiple_of3A, %multiple_of3A_22] : memref<16x3x512x512xf32, #tpu.memory_space<hbm>> -> memref<1x1x64x64xf32, #tpu.memory_space<hbm>>
      %dma_wait3A_121 = tpu.memref_squeeze %dma_wait3A_120 : memref<1x1x64x64xf32, #tpu.memory_space<hbm>> -> memref<64x64xf32, #tpu.memory_space<hbm>>
      %dma_wait3A_122 = arith.constant 0 : i32
      %dma_wait3A_123 = arith.constant 0 : i32
      %dma_wait3A_124 = tpu.memref_slice %arg10[%dma_wait3A_115, %dma_wait3A_122, %dma_wait3A_123] : memref<3x64x64xf32, #tpu.memory_space<vmem>> -> memref<1x64x64xf32, #tpu.memory_space<vmem>>
      %dma_wait3A_125 = tpu.memref_squeeze %dma_wait3A_124 : memref<1x64x64xf32, #tpu.memory_space<vmem>> -> memref<64x64xf32, #tpu.memory_space<vmem>>
      %dma_wait3A_126 = tpu.memref_slice %arg2[%select_n3A, %dma_wait3A_114, %multiple_of3A, %multiple_of3A_22] : memref<16x3x512x512xf32, #tpu.memory_space<hbm>> -> memref<1x1x64x64xf32, #tpu.memory_space<hbm>>
      %dma_wait3A_127 = tpu.memref_squeeze %dma_wait3A_126 : memref<1x1x64x64xf32, #tpu.memory_space<hbm>> -> memref<64x64xf32, #tpu.memory_space<hbm>>
      tpu.wait_dma2 semaphore(%arg12 : memref<!tpu.dma_semaphore, #tpu.memory_space<semaphore_mem>>) src(%dma_wait3A_127 : memref<64x64xf32, #tpu.memory_space<hbm>>) dst(%dma_wait3A_125 : memref<64x64xf32, #tpu.memory_space<vmem>>)
      %dma_wait3A_128 = arith.constant 2 : i32
      %dma_wait3A_129 = arith.constant 2 : i32
      %dma_wait3A_130 = arith.constant 0 : i32
      %dma_wait3A_131 = arith.constant 0 : i32
      %dma_wait3A_132 = tpu.memref_slice %arg10[%dma_wait3A_129, %dma_wait3A_130, %dma_wait3A_131] : memref<3x64x64xf32, #tpu.memory_space<vmem>> -> memref<1x64x64xf32, #tpu.memory_space<vmem>>
      %dma_wait3A_133 = tpu.memref_squeeze %dma_wait3A_132 : memref<1x64x64xf32, #tpu.memory_space<vmem>> -> memref<64x64xf32, #tpu.memory_space<vmem>>
      %dma_wait3A_134 = tpu.memref_slice %arg2[%select_n3A, %dma_wait3A_128, %multiple_of3A, %multiple_of3A_22] : memref<16x3x512x512xf32, #tpu.memory_space<hbm>> -> memref<1x1x64x64xf32, #tpu.memory_space<hbm>>
      %dma_wait3A_135 = tpu.memref_squeeze %dma_wait3A_134 : memref<1x1x64x64xf32, #tpu.memory_space<hbm>> -> memref<64x64xf32, #tpu.memory_space<hbm>>
      %dma_wait3A_136 = arith.constant 0 : i32
      %dma_wait3A_137 = arith.constant 0 : i32
      %dma_wait3A_138 = tpu.memref_slice %arg10[%dma_wait3A_129, %dma_wait3A_136, %dma_wait3A_137] : memref<3x64x64xf32, #tpu.memory_space<vmem>> -> memref<1x64x64xf32, #tpu.memory_space<vmem>>
      %dma_wait3A_139 = tpu.memref_squeeze %dma_wait3A_138 : memref<1x64x64xf32, #tpu.memory_space<vmem>> -> memref<64x64xf32, #tpu.memory_space<vmem>>
      %dma_wait3A_140 = tpu.memref_slice %arg2[%select_n3A, %dma_wait3A_128, %multiple_of3A, %multiple_of3A_22] : memref<16x3x512x512xf32, #tpu.memory_space<hbm>> -> memref<1x1x64x64xf32, #tpu.memory_space<hbm>>
      %dma_wait3A_141 = tpu.memref_squeeze %dma_wait3A_140 : memref<1x1x64x64xf32, #tpu.memory_space<hbm>> -> memref<64x64xf32, #tpu.memory_space<hbm>>
      tpu.wait_dma2 semaphore(%arg12 : memref<!tpu.dma_semaphore, #tpu.memory_space<semaphore_mem>>) src(%dma_wait3A_141 : memref<64x64xf32, #tpu.memory_space<hbm>>) dst(%dma_wait3A_139 : memref<64x64xf32, #tpu.memory_space<vmem>>)
      %dma_wait3A_142 = arith.constant 0 : i32
      %dma_wait3A_143 = arith.constant 0 : i32
      %dma_wait3A_144 = arith.constant 0 : i32
      %dma_wait3A_145 = arith.constant 0 : i32
      %dma_wait3A_146 = tpu.memref_slice %arg11[%dma_wait3A_143, %dma_wait3A_144, %dma_wait3A_145] : memref<1x64x64xf32, #tpu.memory_space<vmem>> -> memref<1x64x64xf32, #tpu.memory_space<vmem>>
      %dma_wait3A_147 = tpu.memref_squeeze %dma_wait3A_146 : memref<1x64x64xf32, #tpu.memory_space<vmem>> -> memref<64x64xf32, #tpu.memory_space<vmem>>
      %dma_wait3A_148 = tpu.memref_slice %arg3[%select_n3A, %dma_wait3A_142, %multiple_of3A, %multiple_of3A_22] : memref<16x1x512x512xf32, #tpu.memory_space<hbm>> -> memref<1x1x64x64xf32, #tpu.memory_space<hbm>>
      %dma_wait3A_149 = tpu.memref_squeeze %dma_wait3A_148 : memref<1x1x64x64xf32, #tpu.memory_space<hbm>> -> memref<64x64xf32, #tpu.memory_space<hbm>>
      %dma_wait3A_150 = arith.constant 0 : i32
      %dma_wait3A_151 = arith.constant 0 : i32
      %dma_wait3A_152 = tpu.memref_slice %arg11[%dma_wait3A_143, %dma_wait3A_150, %dma_wait3A_151] : memref<1x64x64xf32, #tpu.memory_space<vmem>> -> memref<1x64x64xf32, #tpu.memory_space<vmem>>
      %dma_wait3A_153 = tpu.memref_squeeze %dma_wait3A_152 : memref<1x64x64xf32, #tpu.memory_space<vmem>> -> memref<64x64xf32, #tpu.memory_space<vmem>>
      %dma_wait3A_154 = tpu.memref_slice %arg3[%select_n3A, %dma_wait3A_142, %multiple_of3A, %multiple_of3A_22] : memref<16x1x512x512xf32, #tpu.memory_space<hbm>> -> memref<1x1x64x64xf32, #tpu.memory_space<hbm>>
      %dma_wait3A_155 = tpu.memref_squeeze %dma_wait3A_154 : memref<1x1x64x64xf32, #tpu.memory_space<hbm>> -> memref<64x64xf32, #tpu.memory_space<hbm>>
      tpu.wait_dma2 semaphore(%arg12 : memref<!tpu.dma_semaphore, #tpu.memory_space<semaphore_mem>>) src(%dma_wait3A_155 : memref<64x64xf32, #tpu.memory_space<hbm>>) dst(%dma_wait3A_153 : memref<64x64xf32, #tpu.memory_space<vmem>>)
      "tpu.region"() ({
        %run_scoped3A = tpu.sem_alloc : memref<!tpu.dma_semaphore, #tpu.memory_space<semaphore_mem>>
        %dma_start3A_2391 = arith.constant 0 : i32
        %dma_start3A_2392 = arith.constant 0 : i32
        %dma_start3A_2393 = arith.constant 0 : i32
        %dma_start3A_2394 = tpu.memref_slice %arg6[%add3A_29, %dma_start3A_2391, %dma_start3A_2392, %dma_start3A_2393] : memref<1024x3x64x64xf32, #tpu.memory_space<hbm>> -> memref<1x3x64x64xf32, #tpu.memory_space<hbm>>
        %dma_start3A_2395 = tpu.memref_squeeze %dma_start3A_2394 : memref<1x3x64x64xf32, #tpu.memory_space<hbm>> -> memref<3x64x64xf32, #tpu.memory_space<hbm>>
        %dma_start3A_2396 = arith.constant 0 : i32
        %dma_start3A_2397 = arith.constant 0 : i32
        %dma_start3A_2398 = arith.constant 0 : i32
        %dma_start3A_2399 = tpu.memref_slice %arg6[%add3A_29, %dma_start3A_2396, %dma_start3A_2397, %dma_start3A_2398] : memref<1024x3x64x64xf32, #tpu.memory_space<hbm>> -> memref<1x3x64x64xf32, #tpu.memory_space<hbm>>
        %dma_start3A_2400 = tpu.memref_squeeze %dma_start3A_2399 : memref<1x3x64x64xf32, #tpu.memory_space<hbm>> -> memref<3x64x64xf32, #tpu.memory_space<hbm>>
        tpu.enqueue_dma source(%arg10 : memref<3x64x64xf32, #tpu.memory_space<vmem>>) target(%dma_start3A_2400 : memref<3x64x64xf32, #tpu.memory_space<hbm>>) target_semaphore(%run_scoped3A : memref<!tpu.dma_semaphore, #tpu.memory_space<semaphore_mem>>)
        %dma_wait3A_2401 = arith.constant 0 : i32
        %dma_wait3A_2402 = arith.constant 0 : i32
        %dma_wait3A_2403 = arith.constant 0 : i32
        %dma_wait3A_2404 = tpu.memref_slice %arg6[%add3A_29, %dma_wait3A_2401, %dma_wait3A_2402, %dma_wait3A_2403] : memref<1024x3x64x64xf32, #tpu.memory_space<hbm>> -> memref<1x3x64x64xf32, #tpu.memory_space<hbm>>
        %dma_wait3A_2405 = tpu.memref_squeeze %dma_wait3A_2404 : memref<1x3x64x64xf32, #tpu.memory_space<hbm>> -> memref<3x64x64xf32, #tpu.memory_space<hbm>>
        %dma_wait3A_2406 = arith.constant 0 : i32
        %dma_wait3A_2407 = arith.constant 0 : i32
        %dma_wait3A_2408 = arith.constant 0 : i32
        %dma_wait3A_2409 = tpu.memref_slice %arg6[%add3A_29, %dma_wait3A_2406, %dma_wait3A_2407, %dma_wait3A_2408] : memref<1024x3x64x64xf32, #tpu.memory_space<hbm>> -> memref<1x3x64x64xf32, #tpu.memory_space<hbm>>
        %dma_wait3A_2410 = tpu.memref_squeeze %dma_wait3A_2409 : memref<1x3x64x64xf32, #tpu.memory_space<hbm>> -> memref<3x64x64xf32, #tpu.memory_space<hbm>>
        tpu.wait_dma2 semaphore(%run_scoped3A : memref<!tpu.dma_semaphore, #tpu.memory_space<semaphore_mem>>) src(%arg10 : memref<3x64x64xf32, #tpu.memory_space<vmem>>) dst(%dma_wait3A_2410 : memref<3x64x64xf32, #tpu.memory_space<hbm>>)
        tpu.yield
      }) : () -> ()
      "tpu.region"() ({
        %run_scoped3A = tpu.sem_alloc : memref<!tpu.dma_semaphore, #tpu.memory_space<semaphore_mem>>
        %dma_start3A_2391 = arith.constant 0 : i32
        %dma_start3A_2392 = arith.constant 0 : i32
        %dma_start3A_2393 = arith.constant 0 : i32
        %dma_start3A_2394 = tpu.memref_slice %arg7[%add3A_29, %dma_start3A_2391, %dma_start3A_2392, %dma_start3A_2393] : memref<1024x1x64x64xf32, #tpu.memory_space<hbm>> -> memref<1x1x64x64xf32, #tpu.memory_space<hbm>>
        %dma_start3A_2395 = tpu.memref_squeeze %dma_start3A_2394 : memref<1x1x64x64xf32, #tpu.memory_space<hbm>> -> memref<1x64x64xf32, #tpu.memory_space<hbm>>
        %dma_start3A_2396 = arith.constant 0 : i32
        %dma_start3A_2397 = arith.constant 0 : i32
        %dma_start3A_2398 = arith.constant 0 : i32
        %dma_start3A_2399 = tpu.memref_slice %arg7[%add3A_29, %dma_start3A_2396, %dma_start3A_2397, %dma_start3A_2398] : memref<1024x1x64x64xf32, #tpu.memory_space<hbm>> -> memref<1x1x64x64xf32, #tpu.memory_space<hbm>>
        %dma_start3A_2400 = tpu.memref_squeeze %dma_start3A_2399 : memref<1x1x64x64xf32, #tpu.memory_space<hbm>> -> memref<1x64x64xf32, #tpu.memory_space<hbm>>
        tpu.enqueue_dma source(%arg11 : memref<1x64x64xf32, #tpu.memory_space<vmem>>) target(%dma_start3A_2400 : memref<1x64x64xf32, #tpu.memory_space<hbm>>) target_semaphore(%run_scoped3A : memref<!tpu.dma_semaphore, #tpu.memory_space<semaphore_mem>>)
        %dma_wait3A_2401 = arith.constant 0 : i32
        %dma_wait3A_2402 = arith.constant 0 : i32
        %dma_wait3A_2403 = arith.constant 0 : i32
        %dma_wait3A_2404 = tpu.memref_slice %arg7[%add3A_29, %dma_wait3A_2401, %dma_wait3A_2402, %dma_wait3A_2403] : memref<1024x1x64x64xf32, #tpu.memory_space<hbm>> -> memref<1x1x64x64xf32, #tpu.memory_space<hbm>>
        %dma_wait3A_2405 = tpu.memref_squeeze %dma_wait3A_2404 : memref<1x1x64x64xf32, #tpu.memory_space<hbm>> -> memref<1x64x64xf32, #tpu.memory_space<hbm>>
        %dma_wait3A_2406 = arith.constant 0 : i32
        %dma_wait3A_2407 = arith.constant 0 : i32
        %dma_wait3A_2408 = arith.constant 0 : i32
        %dma_wait3A_2409 = tpu.memref_slice %arg7[%add3A_29, %dma_wait3A_2406, %dma_wait3A_2407, %dma_wait3A_2408] : memref<1024x1x64x64xf32, #tpu.memory_space<hbm>> -> memref<1x1x64x64xf32, #tpu.memory_space<hbm>>
        %dma_wait3A_2410 = tpu.memref_squeeze %dma_wait3A_2409 : memref<1x1x64x64xf32, #tpu.memory_space<hbm>> -> memref<1x64x64xf32, #tpu.memory_space<hbm>>
        tpu.wait_dma2 semaphore(%run_scoped3A : memref<!tpu.dma_semaphore, #tpu.memory_space<semaphore_mem>>) src(%arg11 : memref<1x64x64xf32, #tpu.memory_space<vmem>>) dst(%dma_wait3A_2410 : memref<1x64x64xf32, #tpu.memory_space<hbm>>)
        tpu.yield
      }) : () -> ()
      %slice3A_156 = vector.extract_strided_slice %get3A_14 {offsets = [1], sizes = [1], strides = [1]} : vector<16xi32> to vector<1xi32>
      %squeeze3A_157 = vector.extract %slice3A_156[0] : i32 from vector<1xi32>
      %multiple_of3A_158 = tpu.assume_multiple %squeeze3A_157, 16 : i32
      %slice3A_159 = vector.extract_strided_slice %get3A_19 {offsets = [1], sizes = [1], strides = [1]} : vector<16xi32> to vector<1xi32>
      %squeeze3A_160 = vector.extract %slice3A_159[0] : i32 from vector<1xi32>
      %multiple_of3A_161 = tpu.assume_multiple %squeeze3A_160, 16 : i32
      %mul3A_162 = arith.constant 32 : i32
      %mul3A_163 = arith.muli %add3A, %mul3A_162 : i32
      %mul3A_164 = arith.constant 16 : i32
      %mul3A_165 = arith.muli %scan3A_10, %mul3A_164 : i32
      %add3A_166 = arith.addi %mul3A_163, %mul3A_165 : i32
      %add3A_167 = arith.constant 1 : i32
      %add3A_168 = arith.addi %add3A_166, %add3A_167 : i32
      %jit3A_169 = arith.constant 64 : i32
      %div3A_170 = arith.divsi %add3A_168, %jit3A_169 : i32
      %sign3A_171 = arith.constant 0 : i32
      %sign3A_172 = arith.cmpi sgt, %add3A_168, %sign3A_171 : i32
      %sign3A_173 = arith.extui %sign3A_172 : i1 to i32
      %sign3A_174 = arith.constant 0 : i32
      %sign3A_175 = arith.cmpi slt, %add3A_168, %sign3A_174 : i32
      %sign3A_176 = arith.extui %sign3A_175 : i1 to i32
      %sign3A_177 = arith.subi %sign3A_173, %sign3A_176 : i32
      %sign3A_178 = arith.constant 0 : i32
      %sign3A_179 = arith.cmpi sgt, %jit3A_169, %sign3A_178 : i32
      %sign3A_180 = arith.extui %sign3A_179 : i1 to i32
      %sign3A_181 = arith.constant 0 : i32
      %sign3A_182 = arith.cmpi slt, %jit3A_169, %sign3A_181 : i32
      %sign3A_183 = arith.extui %sign3A_182 : i1 to i32
      %sign3A_184 = arith.subi %sign3A_180, %sign3A_183 : i32
      %ne3A_185 = arith.cmpi ne, %sign3A_177, %sign3A_184 : i32
      %rem3A_186 = arith.remsi %add3A_168, %jit3A_169 : i32
      %ne3A_187 = arith.constant 0 : i32
      %ne3A_188 = arith.cmpi ne, %rem3A_186, %ne3A_187 : i32
      %and3A_189 = arith.andi %ne3A_185, %ne3A_188 : i1
      %sub3A_190 = arith.constant 1 : i32
      %sub3A_191 = arith.subi %div3A_170, %sub3A_190 : i32
      %select_n3A_192 = arith.select %and3A_189, %sub3A_191, %div3A_170 : i32
      %dma_start3A_193 = arith.constant 0 : i32
      %dma_start3A_194 = arith.constant 0 : i32
      %dma_start3A_195 = arith.constant 0 : i32
      %dma_start3A_196 = arith.constant 0 : i32
      %dma_start3A_197 = tpu.memref_slice %arg10[%dma_start3A_194, %dma_start3A_195, %dma_start3A_196] : memref<3x64x64xf32, #tpu.memory_space<vmem>> -> memref<1x64x64xf32, #tpu.memory_space<vmem>>
      %dma_start3A_198 = tpu.memref_squeeze %dma_start3A_197 : memref<1x64x64xf32, #tpu.memory_space<vmem>> -> memref<64x64xf32, #tpu.memory_space<vmem>>
      %dma_start3A_199 = tpu.memref_slice %arg2[%select_n3A_192, %dma_start3A_193, %multiple_of3A_158, %multiple_of3A_161] : memref<16x3x512x512xf32, #tpu.memory_space<hbm>> -> memref<1x1x64x64xf32, #tpu.memory_space<hbm>>
      %dma_start3A_200 = tpu.memref_squeeze %dma_start3A_199 : memref<1x1x64x64xf32, #tpu.memory_space<hbm>> -> memref<64x64xf32, #tpu.memory_space<hbm>>
      %dma_start3A_201 = arith.constant 0 : i32
      %dma_start3A_202 = arith.constant 0 : i32
      %dma_start3A_203 = tpu.memref_slice %arg10[%dma_start3A_194, %dma_start3A_201, %dma_start3A_202] : memref<3x64x64xf32, #tpu.memory_space<vmem>> -> memref<1x64x64xf32, #tpu.memory_space<vmem>>
      %dma_start3A_204 = tpu.memref_squeeze %dma_start3A_203 : memref<1x64x64xf32, #tpu.memory_space<vmem>> -> memref<64x64xf32, #tpu.memory_space<vmem>>
      %dma_start3A_205 = tpu.memref_slice %arg2[%select_n3A_192, %dma_start3A_193, %multiple_of3A_158, %multiple_of3A_161] : memref<16x3x512x512xf32, #tpu.memory_space<hbm>> -> memref<1x1x64x64xf32, #tpu.memory_space<hbm>>
      %dma_start3A_206 = tpu.memref_squeeze %dma_start3A_205 : memref<1x1x64x64xf32, #tpu.memory_space<hbm>> -> memref<64x64xf32, #tpu.memory_space<hbm>>
      tpu.enqueue_dma source(%dma_start3A_206 : memref<64x64xf32, #tpu.memory_space<hbm>>) target(%dma_start3A_204 : memref<64x64xf32, #tpu.memory_space<vmem>>) target_semaphore(%arg12 : memref<!tpu.dma_semaphore, #tpu.memory_space<semaphore_mem>>)
      %dma_start3A_207 = arith.constant 1 : i32
      %dma_start3A_208 = arith.constant 1 : i32
      %dma_start3A_209 = arith.constant 0 : i32
      %dma_start3A_210 = arith.constant 0 : i32
      %dma_start3A_211 = tpu.memref_slice %arg10[%dma_start3A_208, %dma_start3A_209, %dma_start3A_210] : memref<3x64x64xf32, #tpu.memory_space<vmem>> -> memref<1x64x64xf32, #tpu.memory_space<vmem>>
      %dma_start3A_212 = tpu.memref_squeeze %dma_start3A_211 : memref<1x64x64xf32, #tpu.memory_space<vmem>> -> memref<64x64xf32, #tpu.memory_space<vmem>>
      %dma_start3A_213 = tpu.memref_slice %arg2[%select_n3A_192, %dma_start3A_207, %multiple_of3A_158, %multiple_of3A_161] : memref<16x3x512x512xf32, #tpu.memory_space<hbm>> -> memref<1x1x64x64xf32, #tpu.memory_space<hbm>>
      %dma_start3A_214 = tpu.memref_squeeze %dma_start3A_213 : memref<1x1x64x64xf32, #tpu.memory_space<hbm>> -> memref<64x64xf32, #tpu.memory_space<hbm>>
      %dma_start3A_215 = arith.constant 0 : i32
      %dma_start3A_216 = arith.constant 0 : i32
      %dma_start3A_217 = tpu.memref_slice %arg10[%dma_start3A_208, %dma_start3A_215, %dma_start3A_216] : memref<3x64x64xf32, #tpu.memory_space<vmem>> -> memref<1x64x64xf32, #tpu.memory_space<vmem>>
      %dma_start3A_218 = tpu.memref_squeeze %dma_start3A_217 : memref<1x64x64xf32, #tpu.memory_space<vmem>> -> memref<64x64xf32, #tpu.memory_space<vmem>>
      %dma_start3A_219 = tpu.memref_slice %arg2[%select_n3A_192, %dma_start3A_207, %multiple_of3A_158, %multiple_of3A_161] : memref<16x3x512x512xf32, #tpu.memory_space<hbm>> -> memref<1x1x64x64xf32, #tpu.memory_space<hbm>>
      %dma_start3A_220 = tpu.memref_squeeze %dma_start3A_219 : memref<1x1x64x64xf32, #tpu.memory_space<hbm>> -> memref<64x64xf32, #tpu.memory_space<hbm>>
      tpu.enqueue_dma source(%dma_start3A_220 : memref<64x64xf32, #tpu.memory_space<hbm>>) target(%dma_start3A_218 : memref<64x64xf32, #tpu.memory_space<vmem>>) target_semaphore(%arg12 : memref<!tpu.dma_semaphore, #tpu.memory_space<semaphore_mem>>)
      %dma_start3A_221 = arith.constant 2 : i32
      %dma_start3A_222 = arith.constant 2 : i32
      %dma_start3A_223 = arith.constant 0 : i32
      %dma_start3A_224 = arith.constant 0 : i32
      %dma_start3A_225 = tpu.memref_slice %arg10[%dma_start3A_222, %dma_start3A_223, %dma_start3A_224] : memref<3x64x64xf32, #tpu.memory_space<vmem>> -> memref<1x64x64xf32, #tpu.memory_space<vmem>>
      %dma_start3A_226 = tpu.memref_squeeze %dma_start3A_225 : memref<1x64x64xf32, #tpu.memory_space<vmem>> -> memref<64x64xf32, #tpu.memory_space<vmem>>
      %dma_start3A_227 = tpu.memref_slice %arg2[%select_n3A_192, %dma_start3A_221, %multiple_of3A_158, %multiple_of3A_161] : memref<16x3x512x512xf32, #tpu.memory_space<hbm>> -> memref<1x1x64x64xf32, #tpu.memory_space<hbm>>
      %dma_start3A_228 = tpu.memref_squeeze %dma_start3A_227 : memref<1x1x64x64xf32, #tpu.memory_space<hbm>> -> memref<64x64xf32, #tpu.memory_space<hbm>>
      %dma_start3A_229 = arith.constant 0 : i32
      %dma_start3A_230 = arith.constant 0 : i32
      %dma_start3A_231 = tpu.memref_slice %arg10[%dma_start3A_222, %dma_start3A_229, %dma_start3A_230] : memref<3x64x64xf32, #tpu.memory_space<vmem>> -> memref<1x64x64xf32, #tpu.memory_space<vmem>>
      %dma_start3A_232 = tpu.memref_squeeze %dma_start3A_231 : memref<1x64x64xf32, #tpu.memory_space<vmem>> -> memref<64x64xf32, #tpu.memory_space<vmem>>
      %dma_start3A_233 = tpu.memref_slice %arg2[%select_n3A_192, %dma_start3A_221, %multiple_of3A_158, %multiple_of3A_161] : memref<16x3x512x512xf32, #tpu.memory_space<hbm>> -> memref<1x1x64x64xf32, #tpu.memory_space<hbm>>
      %dma_start3A_234 = tpu.memref_squeeze %dma_start3A_233 : memref<1x1x64x64xf32, #tpu.memory_space<hbm>> -> memref<64x64xf32, #tpu.memory_space<hbm>>
      tpu.enqueue_dma source(%dma_start3A_234 : memref<64x64xf32, #tpu.memory_space<hbm>>) target(%dma_start3A_232 : memref<64x64xf32, #tpu.memory_space<vmem>>) target_semaphore(%arg12 : memref<!tpu.dma_semaphore, #tpu.memory_space<semaphore_mem>>)
      %dma_start3A_235 = arith.constant 0 : i32
      %dma_start3A_236 = arith.constant 0 : i32
      %dma_start3A_237 = arith.constant 0 : i32
      %dma_start3A_238 = arith.constant 0 : i32
      %dma_start3A_239 = tpu.memref_slice %arg11[%dma_start3A_236, %dma_start3A_237, %dma_start3A_238] : memref<1x64x64xf32, #tpu.memory_space<vmem>> -> memref<1x64x64xf32, #tpu.memory_space<vmem>>
      %dma_start3A_240 = tpu.memref_squeeze %dma_start3A_239 : memref<1x64x64xf32, #tpu.memory_space<vmem>> -> memref<64x64xf32, #tpu.memory_space<vmem>>
      %dma_start3A_241 = tpu.memref_slice %arg3[%select_n3A_192, %dma_start3A_235, %multiple_of3A_158, %multiple_of3A_161] : memref<16x1x512x512xf32, #tpu.memory_space<hbm>> -> memref<1x1x64x64xf32, #tpu.memory_space<hbm>>
      %dma_start3A_242 = tpu.memref_squeeze %dma_start3A_241 : memref<1x1x64x64xf32, #tpu.memory_space<hbm>> -> memref<64x64xf32, #tpu.memory_space<hbm>>
      %dma_start3A_243 = arith.constant 0 : i32
      %dma_start3A_244 = arith.constant 0 : i32
      %dma_start3A_245 = tpu.memref_slice %arg11[%dma_start3A_236, %dma_start3A_243, %dma_start3A_244] : memref<1x64x64xf32, #tpu.memory_space<vmem>> -> memref<1x64x64xf32, #tpu.memory_space<vmem>>
      %dma_start3A_246 = tpu.memref_squeeze %dma_start3A_245 : memref<1x64x64xf32, #tpu.memory_space<vmem>> -> memref<64x64xf32, #tpu.memory_space<vmem>>
      %dma_start3A_247 = tpu.memref_slice %arg3[%select_n3A_192, %dma_start3A_235, %multiple_of3A_158, %multiple_of3A_161] : memref<16x1x512x512xf32, #tpu.memory_space<hbm>> -> memref<1x1x64x64xf32, #tpu.memory_space<hbm>>
      %dma_start3A_248 = tpu.memref_squeeze %dma_start3A_247 : memref<1x1x64x64xf32, #tpu.memory_space<hbm>> -> memref<64x64xf32, #tpu.memory_space<hbm>>
      tpu.enqueue_dma source(%dma_start3A_248 : memref<64x64xf32, #tpu.memory_space<hbm>>) target(%dma_start3A_246 : memref<64x64xf32, #tpu.memory_space<vmem>>) target_semaphore(%arg12 : memref<!tpu.dma_semaphore, #tpu.memory_space<semaphore_mem>>)
      %dma_wait3A_249 = arith.constant 0 : i32
      %dma_wait3A_250 = arith.constant 0 : i32
      %dma_wait3A_251 = arith.constant 0 : i32
      %dma_wait3A_252 = arith.constant 0 : i32
      %dma_wait3A_253 = tpu.memref_slice %arg10[%dma_wait3A_250, %dma_wait3A_251, %dma_wait3A_252] : memref<3x64x64xf32, #tpu.memory_space<vmem>> -> memref<1x64x64xf32, #tpu.memory_space<vmem>>
      %dma_wait3A_254 = tpu.memref_squeeze %dma_wait3A_253 : memref<1x64x64xf32, #tpu.memory_space<vmem>> -> memref<64x64xf32, #tpu.memory_space<vmem>>
      %dma_wait3A_255 = tpu.memref_slice %arg2[%select_n3A_192, %dma_wait3A_249, %multiple_of3A_158, %multiple_of3A_161] : memref<16x3x512x512xf32, #tpu.memory_space<hbm>> -> memref<1x1x64x64xf32, #tpu.memory_space<hbm>>
      %dma_wait3A_256 = tpu.memref_squeeze %dma_wait3A_255 : memref<1x1x64x64xf32, #tpu.memory_space<hbm>> -> memref<64x64xf32, #tpu.memory_space<hbm>>
      %dma_wait3A_257 = arith.constant 0 : i32
      %dma_wait3A_258 = arith.constant 0 : i32
      %dma_wait3A_259 = tpu.memref_slice %arg10[%dma_wait3A_250, %dma_wait3A_257, %dma_wait3A_258] : memref<3x64x64xf32, #tpu.memory_space<vmem>> -> memref<1x64x64xf32, #tpu.memory_space<vmem>>
      %dma_wait3A_260 = tpu.memref_squeeze %dma_wait3A_259 : memref<1x64x64xf32, #tpu.memory_space<vmem>> -> memref<64x64xf32, #tpu.memory_space<vmem>>
      %dma_wait3A_261 = tpu.memref_slice %arg2[%select_n3A_192, %dma_wait3A_249, %multiple_of3A_158, %multiple_of3A_161] : memref<16x3x512x512xf32, #tpu.memory_space<hbm>> -> memref<1x1x64x64xf32, #tpu.memory_space<hbm>>
      %dma_wait3A_262 = tpu.memref_squeeze %dma_wait3A_261 : memref<1x1x64x64xf32, #tpu.memory_space<hbm>> -> memref<64x64xf32, #tpu.memory_space<hbm>>
      tpu.wait_dma2 semaphore(%arg12 : memref<!tpu.dma_semaphore, #tpu.memory_space<semaphore_mem>>) src(%dma_wait3A_262 : memref<64x64xf32, #tpu.memory_space<hbm>>) dst(%dma_wait3A_260 : memref<64x64xf32, #tpu.memory_space<vmem>>)
      %dma_wait3A_263 = arith.constant 1 : i32
      %dma_wait3A_264 = arith.constant 1 : i32
      %dma_wait3A_265 = arith.constant 0 : i32
      %dma_wait3A_266 = arith.constant 0 : i32
      %dma_wait3A_267 = tpu.memref_slice %arg10[%dma_wait3A_264, %dma_wait3A_265, %dma_wait3A_266] : memref<3x64x64xf32, #tpu.memory_space<vmem>> -> memref<1x64x64xf32, #tpu.memory_space<vmem>>
      %dma_wait3A_268 = tpu.memref_squeeze %dma_wait3A_267 : memref<1x64x64xf32, #tpu.memory_space<vmem>> -> memref<64x64xf32, #tpu.memory_space<vmem>>
      %dma_wait3A_269 = tpu.memref_slice %arg2[%select_n3A_192, %dma_wait3A_263, %multiple_of3A_158, %multiple_of3A_161] : memref<16x3x512x512xf32, #tpu.memory_space<hbm>> -> memref<1x1x64x64xf32, #tpu.memory_space<hbm>>
      %dma_wait3A_270 = tpu.memref_squeeze %dma_wait3A_269 : memref<1x1x64x64xf32, #tpu.memory_space<hbm>> -> memref<64x64xf32, #tpu.memory_space<hbm>>
      %dma_wait3A_271 = arith.constant 0 : i32
      %dma_wait3A_272 = arith.constant 0 : i32
      %dma_wait3A_273 = tpu.memref_slice %arg10[%dma_wait3A_264, %dma_wait3A_271, %dma_wait3A_272] : memref<3x64x64xf32, #tpu.memory_space<vmem>> -> memref<1x64x64xf32, #tpu.memory_space<vmem>>
      %dma_wait3A_274 = tpu.memref_squeeze %dma_wait3A_273 : memref<1x64x64xf32, #tpu.memory_space<vmem>> -> memref<64x64xf32, #tpu.memory_space<vmem>>
      %dma_wait3A_275 = tpu.memref_slice %arg2[%select_n3A_192, %dma_wait3A_263, %multiple_of3A_158, %multiple_of3A_161] : memref<16x3x512x512xf32, #tpu.memory_space<hbm>> -> memref<1x1x64x64xf32, #tpu.memory_space<hbm>>
      %dma_wait3A_276 = tpu.memref_squeeze %dma_wait3A_275 : memref<1x1x64x64xf32, #tpu.memory_space<hbm>> -> memref<64x64xf32, #tpu.memory_space<hbm>>
      tpu.wait_dma2 semaphore(%arg12 : memref<!tpu.dma_semaphore, #tpu.memory_space<semaphore_mem>>) src(%dma_wait3A_276 : memref<64x64xf32, #tpu.memory_space<hbm>>) dst(%dma_wait3A_274 : memref<64x64xf32, #tpu.memory_space<vmem>>)
      %dma_wait3A_277 = arith.constant 2 : i32
      %dma_wait3A_278 = arith.constant 2 : i32
      %dma_wait3A_279 = arith.constant 0 : i32
      %dma_wait3A_280 = arith.constant 0 : i32
      %dma_wait3A_281 = tpu.memref_slice %arg10[%dma_wait3A_278, %dma_wait3A_279, %dma_wait3A_280] : memref<3x64x64xf32, #tpu.memory_space<vmem>> -> memref<1x64x64xf32, #tpu.memory_space<vmem>>
      %dma_wait3A_282 = tpu.memref_squeeze %dma_wait3A_281 : memref<1x64x64xf32, #tpu.memory_space<vmem>> -> memref<64x64xf32, #tpu.memory_space<vmem>>
      %dma_wait3A_283 = tpu.memref_slice %arg2[%select_n3A_192, %dma_wait3A_277, %multiple_of3A_158, %multiple_of3A_161] : memref<16x3x512x512xf32, #tpu.memory_space<hbm>> -> memref<1x1x64x64xf32, #tpu.memory_space<hbm>>
      %dma_wait3A_284 = tpu.memref_squeeze %dma_wait3A_283 : memref<1x1x64x64xf32, #tpu.memory_space<hbm>> -> memref<64x64xf32, #tpu.memory_space<hbm>>
      %dma_wait3A_285 = arith.constant 0 : i32
      %dma_wait3A_286 = arith.constant 0 : i32
      %dma_wait3A_287 = tpu.memref_slice %arg10[%dma_wait3A_278, %dma_wait3A_285, %dma_wait3A_286] : memref<3x64x64xf32, #tpu.memory_space<vmem>> -> memref<1x64x64xf32, #tpu.memory_space<vmem>>
      %dma_wait3A_288 = tpu.memref_squeeze %dma_wait3A_287 : memref<1x64x64xf32, #tpu.memory_space<vmem>> -> memref<64x64xf32, #tpu.memory_space<vmem>>
      %dma_wait3A_289 = tpu.memref_slice %arg2[%select_n3A_192, %dma_wait3A_277, %multiple_of3A_158, %multiple_of3A_161] : memref<16x3x512x512xf32, #tpu.memory_space<hbm>> -> memref<1x1x64x64xf32, #tpu.memory_space<hbm>>
      %dma_wait3A_290 = tpu.memref_squeeze %dma_wait3A_289 : memref<1x1x64x64xf32, #tpu.memory_space<hbm>> -> memref<64x64xf32, #tpu.memory_space<hbm>>
      tpu.wait_dma2 semaphore(%arg12 : memref<!tpu.dma_semaphore, #tpu.memory_space<semaphore_mem>>) src(%dma_wait3A_290 : memref<64x64xf32, #tpu.memory_space<hbm>>) dst(%dma_wait3A_288 : memref<64x64xf32, #tpu.memory_space<vmem>>)
      %dma_wait3A_291 = arith.constant 0 : i32
      %dma_wait3A_292 = arith.constant 0 : i32
      %dma_wait3A_293 = arith.constant 0 : i32
      %dma_wait3A_294 = arith.constant 0 : i32
      %dma_wait3A_295 = tpu.memref_slice %arg11[%dma_wait3A_292, %dma_wait3A_293, %dma_wait3A_294] : memref<1x64x64xf32, #tpu.memory_space<vmem>> -> memref<1x64x64xf32, #tpu.memory_space<vmem>>
      %dma_wait3A_296 = tpu.memref_squeeze %dma_wait3A_295 : memref<1x64x64xf32, #tpu.memory_space<vmem>> -> memref<64x64xf32, #tpu.memory_space<vmem>>
      %dma_wait3A_297 = tpu.memref_slice %arg3[%select_n3A_192, %dma_wait3A_291, %multiple_of3A_158, %multiple_of3A_161] : memref<16x1x512x512xf32, #tpu.memory_space<hbm>> -> memref<1x1x64x64xf32, #tpu.memory_space<hbm>>
      %dma_wait3A_298 = tpu.memref_squeeze %dma_wait3A_297 : memref<1x1x64x64xf32, #tpu.memory_space<hbm>> -> memref<64x64xf32, #tpu.memory_space<hbm>>
      %dma_wait3A_299 = arith.constant 0 : i32
      %dma_wait3A_300 = arith.constant 0 : i32
      %dma_wait3A_301 = tpu.memref_slice %arg11[%dma_wait3A_292, %dma_wait3A_299, %dma_wait3A_300] : memref<1x64x64xf32, #tpu.memory_space<vmem>> -> memref<1x64x64xf32, #tpu.memory_space<vmem>>
      %dma_wait3A_302 = tpu.memref_squeeze %dma_wait3A_301 : memref<1x64x64xf32, #tpu.memory_space<vmem>> -> memref<64x64xf32, #tpu.memory_space<vmem>>
      %dma_wait3A_303 = tpu.memref_slice %arg3[%select_n3A_192, %dma_wait3A_291, %multiple_of3A_158, %multiple_of3A_161] : memref<16x1x512x512xf32, #tpu.memory_space<hbm>> -> memref<1x1x64x64xf32, #tpu.memory_space<hbm>>
      %dma_wait3A_304 = tpu.memref_squeeze %dma_wait3A_303 : memref<1x1x64x64xf32, #tpu.memory_space<hbm>> -> memref<64x64xf32, #tpu.memory_space<hbm>>
      tpu.wait_dma2 semaphore(%arg12 : memref<!tpu.dma_semaphore, #tpu.memory_space<semaphore_mem>>) src(%dma_wait3A_304 : memref<64x64xf32, #tpu.memory_space<hbm>>) dst(%dma_wait3A_302 : memref<64x64xf32, #tpu.memory_space<vmem>>)
      "tpu.region"() ({
        %run_scoped3A = tpu.sem_alloc : memref<!tpu.dma_semaphore, #tpu.memory_space<semaphore_mem>>
        %dma_start3A_2391 = arith.constant 0 : i32
        %dma_start3A_2392 = arith.constant 0 : i32
        %dma_start3A_2393 = arith.constant 0 : i32
        %dma_start3A_2394 = tpu.memref_slice %arg6[%add3A_168, %dma_start3A_2391, %dma_start3A_2392, %dma_start3A_2393] : memref<1024x3x64x64xf32, #tpu.memory_space<hbm>> -> memref<1x3x64x64xf32, #tpu.memory_space<hbm>>
        %dma_start3A_2395 = tpu.memref_squeeze %dma_start3A_2394 : memref<1x3x64x64xf32, #tpu.memory_space<hbm>> -> memref<3x64x64xf32, #tpu.memory_space<hbm>>
        %dma_start3A_2396 = arith.constant 0 : i32
        %dma_start3A_2397 = arith.constant 0 : i32
        %dma_start3A_2398 = arith.constant 0 : i32
        %dma_start3A_2399 = tpu.memref_slice %arg6[%add3A_168, %dma_start3A_2396, %dma_start3A_2397, %dma_start3A_2398] : memref<1024x3x64x64xf32, #tpu.memory_space<hbm>> -> memref<1x3x64x64xf32, #tpu.memory_space<hbm>>
        %dma_start3A_2400 = tpu.memref_squeeze %dma_start3A_2399 : memref<1x3x64x64xf32, #tpu.memory_space<hbm>> -> memref<3x64x64xf32, #tpu.memory_space<hbm>>
        tpu.enqueue_dma source(%arg10 : memref<3x64x64xf32, #tpu.memory_space<vmem>>) target(%dma_start3A_2400 : memref<3x64x64xf32, #tpu.memory_space<hbm>>) target_semaphore(%run_scoped3A : memref<!tpu.dma_semaphore, #tpu.memory_space<semaphore_mem>>)
        %dma_wait3A_2401 = arith.constant 0 : i32
        %dma_wait3A_2402 = arith.constant 0 : i32
        %dma_wait3A_2403 = arith.constant 0 : i32
        %dma_wait3A_2404 = tpu.memref_slice %arg6[%add3A_168, %dma_wait3A_2401, %dma_wait3A_2402, %dma_wait3A_2403] : memref<1024x3x64x64xf32, #tpu.memory_space<hbm>> -> memref<1x3x64x64xf32, #tpu.memory_space<hbm>>
        %dma_wait3A_2405 = tpu.memref_squeeze %dma_wait3A_2404 : memref<1x3x64x64xf32, #tpu.memory_space<hbm>> -> memref<3x64x64xf32, #tpu.memory_space<hbm>>
        %dma_wait3A_2406 = arith.constant 0 : i32
        %dma_wait3A_2407 = arith.constant 0 : i32
        %dma_wait3A_2408 = arith.constant 0 : i32
        %dma_wait3A_2409 = tpu.memref_slice %arg6[%add3A_168, %dma_wait3A_2406, %dma_wait3A_2407, %dma_wait3A_2408] : memref<1024x3x64x64xf32, #tpu.memory_space<hbm>> -> memref<1x3x64x64xf32, #tpu.memory_space<hbm>>
        %dma_wait3A_2410 = tpu.memref_squeeze %dma_wait3A_2409 : memref<1x3x64x64xf32, #tpu.memory_space<hbm>> -> memref<3x64x64xf32, #tpu.memory_space<hbm>>
        tpu.wait_dma2 semaphore(%run_scoped3A : memref<!tpu.dma_semaphore, #tpu.memory_space<semaphore_mem>>) src(%arg10 : memref<3x64x64xf32, #tpu.memory_space<vmem>>) dst(%dma_wait3A_2410 : memref<3x64x64xf32, #tpu.memory_space<hbm>>)
        tpu.yield
      }) : () -> ()
      "tpu.region"() ({
        %run_scoped3A = tpu.sem_alloc : memref<!tpu.dma_semaphore, #tpu.memory_space<semaphore_mem>>
        %dma_start3A_2391 = arith.constant 0 : i32
        %dma_start3A_2392 = arith.constant 0 : i32
        %dma_start3A_2393 = arith.constant 0 : i32
        %dma_start3A_2394 = tpu.memref_slice %arg7[%add3A_168, %dma_start3A_2391, %dma_start3A_2392, %dma_start3A_2393] : memref<1024x1x64x64xf32, #tpu.memory_space<hbm>> -> memref<1x1x64x64xf32, #tpu.memory_space<hbm>>
        %dma_start3A_2395 = tpu.memref_squeeze %dma_start3A_2394 : memref<1x1x64x64xf32, #tpu.memory_space<hbm>> -> memref<1x64x64xf32, #tpu.memory_space<hbm>>
        %dma_start3A_2396 = arith.constant 0 : i32
        %dma_start3A_2397 = arith.constant 0 : i32
        %dma_start3A_2398 = arith.constant 0 : i32
        %dma_start3A_2399 = tpu.memref_slice %arg7[%add3A_168, %dma_start3A_2396, %dma_start3A_2397, %dma_start3A_2398] : memref<1024x1x64x64xf32, #tpu.memory_space<hbm>> -> memref<1x1x64x64xf32, #tpu.memory_space<hbm>>
        %dma_start3A_2400 = tpu.memref_squeeze %dma_start3A_2399 : memref<1x1x64x64xf32, #tpu.memory_space<hbm>> -> memref<1x64x64xf32, #tpu.memory_space<hbm>>
        tpu.enqueue_dma source(%arg11 : memref<1x64x64xf32, #tpu.memory_space<vmem>>) target(%dma_start3A_2400 : memref<1x64x64xf32, #tpu.memory_space<hbm>>) target_semaphore(%run_scoped3A : memref<!tpu.dma_semaphore, #tpu.memory_space<semaphore_mem>>)
        %dma_wait3A_2401 = arith.constant 0 : i32
        %dma_wait3A_2402 = arith.constant 0 : i32
        %dma_wait3A_2403 = arith.constant 0 : i32
        %dma_wait3A_2404 = tpu.memref_slice %arg7[%add3A_168, %dma_wait3A_2401, %dma_wait3A_2402, %dma_wait3A_2403] : memref<1024x1x64x64xf32, #tpu.memory_space<hbm>> -> memref<1x1x64x64xf32, #tpu.memory_space<hbm>>
        %dma_wait3A_2405 = tpu.memref_squeeze %dma_wait3A_2404 : memref<1x1x64x64xf32, #tpu.memory_space<hbm>> -> memref<1x64x64xf32, #tpu.memory_space<hbm>>
        %dma_wait3A_2406 = arith.constant 0 : i32
        %dma_wait3A_2407 = arith.constant 0 : i32
        %dma_wait3A_2408 = arith.constant 0 : i32
        %dma_wait3A_2409 = tpu.memref_slice %arg7[%add3A_168, %dma_wait3A_2406, %dma_wait3A_2407, %dma_wait3A_2408] : memref<1024x1x64x64xf32, #tpu.memory_space<hbm>> -> memref<1x1x64x64xf32, #tpu.memory_space<hbm>>
        %dma_wait3A_2410 = tpu.memref_squeeze %dma_wait3A_2409 : memref<1x1x64x64xf32, #tpu.memory_space<hbm>> -> memref<1x64x64xf32, #tpu.memory_space<hbm>>
        tpu.wait_dma2 semaphore(%run_scoped3A : memref<!tpu.dma_semaphore, #tpu.memory_space<semaphore_mem>>) src(%arg11 : memref<1x64x64xf32, #tpu.memory_space<vmem>>) dst(%dma_wait3A_2410 : memref<1x64x64xf32, #tpu.memory_space<hbm>>)
        tpu.yield
      }) : () -> ()
      %slice3A_305 = vector.extract_strided_slice %get3A_14 {offsets = [2], sizes = [1], strides = [1]} : vector<16xi32> to vector<1xi32>
      %squeeze3A_306 = vector.extract %slice3A_305[0] : i32 from vector<1xi32>
      %multiple_of3A_307 = tpu.assume_multiple %squeeze3A_306, 16 : i32
      %slice3A_308 = vector.extract_strided_slice %get3A_19 {offsets = [2], sizes = [1], strides = [1]} : vector<16xi32> to vector<1xi32>
      %squeeze3A_309 = vector.extract %slice3A_308[0] : i32 from vector<1xi32>
      %multiple_of3A_310 = tpu.assume_multiple %squeeze3A_309, 16 : i32
      %mul3A_311 = arith.constant 32 : i32
      %mul3A_312 = arith.muli %add3A, %mul3A_311 : i32
      %mul3A_313 = arith.constant 16 : i32
      %mul3A_314 = arith.muli %scan3A_10, %mul3A_313 : i32
      %add3A_315 = arith.addi %mul3A_312, %mul3A_314 : i32
      %add3A_316 = arith.constant 2 : i32
      %add3A_317 = arith.addi %add3A_315, %add3A_316 : i32
      %jit3A_318 = arith.constant 64 : i32
      %div3A_319 = arith.divsi %add3A_317, %jit3A_318 : i32
      %sign3A_320 = arith.constant 0 : i32
      %sign3A_321 = arith.cmpi sgt, %add3A_317, %sign3A_320 : i32
      %sign3A_322 = arith.extui %sign3A_321 : i1 to i32
      %sign3A_323 = arith.constant 0 : i32
      %sign3A_324 = arith.cmpi slt, %add3A_317, %sign3A_323 : i32
      %sign3A_325 = arith.extui %sign3A_324 : i1 to i32
      %sign3A_326 = arith.subi %sign3A_322, %sign3A_325 : i32
      %sign3A_327 = arith.constant 0 : i32
      %sign3A_328 = arith.cmpi sgt, %jit3A_318, %sign3A_327 : i32
      %sign3A_329 = arith.extui %sign3A_328 : i1 to i32
      %sign3A_330 = arith.constant 0 : i32
      %sign3A_331 = arith.cmpi slt, %jit3A_318, %sign3A_330 : i32
      %sign3A_332 = arith.extui %sign3A_331 : i1 to i32
      %sign3A_333 = arith.subi %sign3A_329, %sign3A_332 : i32
      %ne3A_334 = arith.cmpi ne, %sign3A_326, %sign3A_333 : i32
      %rem3A_335 = arith.remsi %add3A_317, %jit3A_318 : i32
      %ne3A_336 = arith.constant 0 : i32
      %ne3A_337 = arith.cmpi ne, %rem3A_335, %ne3A_336 : i32
      %and3A_338 = arith.andi %ne3A_334, %ne3A_337 : i1
      %sub3A_339 = arith.constant 1 : i32
      %sub3A_340 = arith.subi %div3A_319, %sub3A_339 : i32
      %select_n3A_341 = arith.select %and3A_338, %sub3A_340, %div3A_319 : i32
      %dma_start3A_342 = arith.constant 0 : i32
      %dma_start3A_343 = arith.constant 0 : i32
      %dma_start3A_344 = arith.constant 0 : i32
      %dma_start3A_345 = arith.constant 0 : i32
      %dma_start3A_346 = tpu.memref_slice %arg10[%dma_start3A_343, %dma_start3A_344, %dma_start3A_345] : memref<3x64x64xf32, #tpu.memory_space<vmem>> -> memref<1x64x64xf32, #tpu.memory_space<vmem>>
      %dma_start3A_347 = tpu.memref_squeeze %dma_start3A_346 : memref<1x64x64xf32, #tpu.memory_space<vmem>> -> memref<64x64xf32, #tpu.memory_space<vmem>>
      %dma_start3A_348 = tpu.memref_slice %arg2[%select_n3A_341, %dma_start3A_342, %multiple_of3A_307, %multiple_of3A_310] : memref<16x3x512x512xf32, #tpu.memory_space<hbm>> -> memref<1x1x64x64xf32, #tpu.memory_space<hbm>>
      %dma_start3A_349 = tpu.memref_squeeze %dma_start3A_348 : memref<1x1x64x64xf32, #tpu.memory_space<hbm>> -> memref<64x64xf32, #tpu.memory_space<hbm>>
      %dma_start3A_350 = arith.constant 0 : i32
      %dma_start3A_351 = arith.constant 0 : i32
      %dma_start3A_352 = tpu.memref_slice %arg10[%dma_start3A_343, %dma_start3A_350, %dma_start3A_351] : memref<3x64x64xf32, #tpu.memory_space<vmem>> -> memref<1x64x64xf32, #tpu.memory_space<vmem>>
      %dma_start3A_353 = tpu.memref_squeeze %dma_start3A_352 : memref<1x64x64xf32, #tpu.memory_space<vmem>> -> memref<64x64xf32, #tpu.memory_space<vmem>>
      %dma_start3A_354 = tpu.memref_slice %arg2[%select_n3A_341, %dma_start3A_342, %multiple_of3A_307, %multiple_of3A_310] : memref<16x3x512x512xf32, #tpu.memory_space<hbm>> -> memref<1x1x64x64xf32, #tpu.memory_space<hbm>>
      %dma_start3A_355 = tpu.memref_squeeze %dma_start3A_354 : memref<1x1x64x64xf32, #tpu.memory_space<hbm>> -> memref<64x64xf32, #tpu.memory_space<hbm>>
      tpu.enqueue_dma source(%dma_start3A_355 : memref<64x64xf32, #tpu.memory_space<hbm>>) target(%dma_start3A_353 : memref<64x64xf32, #tpu.memory_space<vmem>>) target_semaphore(%arg12 : memref<!tpu.dma_semaphore, #tpu.memory_space<semaphore_mem>>)
      %dma_start3A_356 = arith.constant 1 : i32
      %dma_start3A_357 = arith.constant 1 : i32
      %dma_start3A_358 = arith.constant 0 : i32
      %dma_start3A_359 = arith.constant 0 : i32
      %dma_start3A_360 = tpu.memref_slice %arg10[%dma_start3A_357, %dma_start3A_358, %dma_start3A_359] : memref<3x64x64xf32, #tpu.memory_space<vmem>> -> memref<1x64x64xf32, #tpu.memory_space<vmem>>
      %dma_start3A_361 = tpu.memref_squeeze %dma_start3A_360 : memref<1x64x64xf32, #tpu.memory_space<vmem>> -> memref<64x64xf32, #tpu.memory_space<vmem>>
      %dma_start3A_362 = tpu.memref_slice %arg2[%select_n3A_341, %dma_start3A_356, %multiple_of3A_307, %multiple_of3A_310] : memref<16x3x512x512xf32, #tpu.memory_space<hbm>> -> memref<1x1x64x64xf32, #tpu.memory_space<hbm>>
      %dma_start3A_363 = tpu.memref_squeeze %dma_start3A_362 : memref<1x1x64x64xf32, #tpu.memory_space<hbm>> -> memref<64x64xf32, #tpu.memory_space<hbm>>
      %dma_start3A_364 = arith.constant 0 : i32
      %dma_start3A_365 = arith.constant 0 : i32
      %dma_start3A_366 = tpu.memref_slice %arg10[%dma_start3A_357, %dma_start3A_364, %dma_start3A_365] : memref<3x64x64xf32, #tpu.memory_space<vmem>> -> memref<1x64x64xf32, #tpu.memory_space<vmem>>
      %dma_start3A_367 = tpu.memref_squeeze %dma_start3A_366 : memref<1x64x64xf32, #tpu.memory_space<vmem>> -> memref<64x64xf32, #tpu.memory_space<vmem>>
      %dma_start3A_368 = tpu.memref_slice %arg2[%select_n3A_341, %dma_start3A_356, %multiple_of3A_307, %multiple_of3A_310] : memref<16x3x512x512xf32, #tpu.memory_space<hbm>> -> memref<1x1x64x64xf32, #tpu.memory_space<hbm>>
      %dma_start3A_369 = tpu.memref_squeeze %dma_start3A_368 : memref<1x1x64x64xf32, #tpu.memory_space<hbm>> -> memref<64x64xf32, #tpu.memory_space<hbm>>
      tpu.enqueue_dma source(%dma_start3A_369 : memref<64x64xf32, #tpu.memory_space<hbm>>) target(%dma_start3A_367 : memref<64x64xf32, #tpu.memory_space<vmem>>) target_semaphore(%arg12 : memref<!tpu.dma_semaphore, #tpu.memory_space<semaphore_mem>>)
      %dma_start3A_370 = arith.constant 2 : i32
      %dma_start3A_371 = arith.constant 2 : i32
      %dma_start3A_372 = arith.constant 0 : i32
      %dma_start3A_373 = arith.constant 0 : i32
      %dma_start3A_374 = tpu.memref_slice %arg10[%dma_start3A_371, %dma_start3A_372, %dma_start3A_373] : memref<3x64x64xf32, #tpu.memory_space<vmem>> -> memref<1x64x64xf32, #tpu.memory_space<vmem>>
      %dma_start3A_375 = tpu.memref_squeeze %dma_start3A_374 : memref<1x64x64xf32, #tpu.memory_space<vmem>> -> memref<64x64xf32, #tpu.memory_space<vmem>>
      %dma_start3A_376 = tpu.memref_slice %arg2[%select_n3A_341, %dma_start3A_370, %multiple_of3A_307, %multiple_of3A_310] : memref<16x3x512x512xf32, #tpu.memory_space<hbm>> -> memref<1x1x64x64xf32, #tpu.memory_space<hbm>>
      %dma_start3A_377 = tpu.memref_squeeze %dma_start3A_376 : memref<1x1x64x64xf32, #tpu.memory_space<hbm>> -> memref<64x64xf32, #tpu.memory_space<hbm>>
      %dma_start3A_378 = arith.constant 0 : i32
      %dma_start3A_379 = arith.constant 0 : i32
      %dma_start3A_380 = tpu.memref_slice %arg10[%dma_start3A_371, %dma_start3A_378, %dma_start3A_379] : memref<3x64x64xf32, #tpu.memory_space<vmem>> -> memref<1x64x64xf32, #tpu.memory_space<vmem>>
      %dma_start3A_381 = tpu.memref_squeeze %dma_start3A_380 : memref<1x64x64xf32, #tpu.memory_space<vmem>> -> memref<64x64xf32, #tpu.memory_space<vmem>>
      %dma_start3A_382 = tpu.memref_slice %arg2[%select_n3A_341, %dma_start3A_370, %multiple_of3A_307, %multiple_of3A_310] : memref<16x3x512x512xf32, #tpu.memory_space<hbm>> -> memref<1x1x64x64xf32, #tpu.memory_space<hbm>>
      %dma_start3A_383 = tpu.memref_squeeze %dma_start3A_382 : memref<1x1x64x64xf32, #tpu.memory_space<hbm>> -> memref<64x64xf32, #tpu.memory_space<hbm>>
      tpu.enqueue_dma source(%dma_start3A_383 : memref<64x64xf32, #tpu.memory_space<hbm>>) target(%dma_start3A_381 : memref<64x64xf32, #tpu.memory_space<vmem>>) target_semaphore(%arg12 : memref<!tpu.dma_semaphore, #tpu.memory_space<semaphore_mem>>)
      %dma_start3A_384 = arith.constant 0 : i32
      %dma_start3A_385 = arith.constant 0 : i32
      %dma_start3A_386 = arith.constant 0 : i32
      %dma_start3A_387 = arith.constant 0 : i32
      %dma_start3A_388 = tpu.memref_slice %arg11[%dma_start3A_385, %dma_start3A_386, %dma_start3A_387] : memref<1x64x64xf32, #tpu.memory_space<vmem>> -> memref<1x64x64xf32, #tpu.memory_space<vmem>>
      %dma_start3A_389 = tpu.memref_squeeze %dma_start3A_388 : memref<1x64x64xf32, #tpu.memory_space<vmem>> -> memref<64x64xf32, #tpu.memory_space<vmem>>
      %dma_start3A_390 = tpu.memref_slice %arg3[%select_n3A_341, %dma_start3A_384, %multiple_of3A_307, %multiple_of3A_310] : memref<16x1x512x512xf32, #tpu.memory_space<hbm>> -> memref<1x1x64x64xf32, #tpu.memory_space<hbm>>
      %dma_start3A_391 = tpu.memref_squeeze %dma_start3A_390 : memref<1x1x64x64xf32, #tpu.memory_space<hbm>> -> memref<64x64xf32, #tpu.memory_space<hbm>>
      %dma_start3A_392 = arith.constant 0 : i32
      %dma_start3A_393 = arith.constant 0 : i32
      %dma_start3A_394 = tpu.memref_slice %arg11[%dma_start3A_385, %dma_start3A_392, %dma_start3A_393] : memref<1x64x64xf32, #tpu.memory_space<vmem>> -> memref<1x64x64xf32, #tpu.memory_space<vmem>>
      %dma_start3A_395 = tpu.memref_squeeze %dma_start3A_394 : memref<1x64x64xf32, #tpu.memory_space<vmem>> -> memref<64x64xf32, #tpu.memory_space<vmem>>
      %dma_start3A_396 = tpu.memref_slice %arg3[%select_n3A_341, %dma_start3A_384, %multiple_of3A_307, %multiple_of3A_310] : memref<16x1x512x512xf32, #tpu.memory_space<hbm>> -> memref<1x1x64x64xf32, #tpu.memory_space<hbm>>
      %dma_start3A_397 = tpu.memref_squeeze %dma_start3A_396 : memref<1x1x64x64xf32, #tpu.memory_space<hbm>> -> memref<64x64xf32, #tpu.memory_space<hbm>>
      tpu.enqueue_dma source(%dma_start3A_397 : memref<64x64xf32, #tpu.memory_space<hbm>>) target(%dma_start3A_395 : memref<64x64xf32, #tpu.memory_space<vmem>>) target_semaphore(%arg12 : memref<!tpu.dma_semaphore, #tpu.memory_space<semaphore_mem>>)
      %dma_wait3A_398 = arith.constant 0 : i32
      %dma_wait3A_399 = arith.constant 0 : i32
      %dma_wait3A_400 = arith.constant 0 : i32
      %dma_wait3A_401 = arith.constant 0 : i32
      %dma_wait3A_402 = tpu.memref_slice %arg10[%dma_wait3A_399, %dma_wait3A_400, %dma_wait3A_401] : memref<3x64x64xf32, #tpu.memory_space<vmem>> -> memref<1x64x64xf32, #tpu.memory_space<vmem>>
      %dma_wait3A_403 = tpu.memref_squeeze %dma_wait3A_402 : memref<1x64x64xf32, #tpu.memory_space<vmem>> -> memref<64x64xf32, #tpu.memory_space<vmem>>
      %dma_wait3A_404 = tpu.memref_slice %arg2[%select_n3A_341, %dma_wait3A_398, %multiple_of3A_307, %multiple_of3A_310] : memref<16x3x512x512xf32, #tpu.memory_space<hbm>> -> memref<1x1x64x64xf32, #tpu.memory_space<hbm>>
      %dma_wait3A_405 = tpu.memref_squeeze %dma_wait3A_404 : memref<1x1x64x64xf32, #tpu.memory_space<hbm>> -> memref<64x64xf32, #tpu.memory_space<hbm>>
      %dma_wait3A_406 = arith.constant 0 : i32
      %dma_wait3A_407 = arith.constant 0 : i32
      %dma_wait3A_408 = tpu.memref_slice %arg10[%dma_wait3A_399, %dma_wait3A_406, %dma_wait3A_407] : memref<3x64x64xf32, #tpu.memory_space<vmem>> -> memref<1x64x64xf32, #tpu.memory_space<vmem>>
      %dma_wait3A_409 = tpu.memref_squeeze %dma_wait3A_408 : memref<1x64x64xf32, #tpu.memory_space<vmem>> -> memref<64x64xf32, #tpu.memory_space<vmem>>
      %dma_wait3A_410 = tpu.memref_slice %arg2[%select_n3A_341, %dma_wait3A_398, %multiple_of3A_307, %multiple_of3A_310] : memref<16x3x512x512xf32, #tpu.memory_space<hbm>> -> memref<1x1x64x64xf32, #tpu.memory_space<hbm>>
      %dma_wait3A_411 = tpu.memref_squeeze %dma_wait3A_410 : memref<1x1x64x64xf32, #tpu.memory_space<hbm>> -> memref<64x64xf32, #tpu.memory_space<hbm>>
      tpu.wait_dma2 semaphore(%arg12 : memref<!tpu.dma_semaphore, #tpu.memory_space<semaphore_mem>>) src(%dma_wait3A_411 : memref<64x64xf32, #tpu.memory_space<hbm>>) dst(%dma_wait3A_409 : memref<64x64xf32, #tpu.memory_space<vmem>>)
      %dma_wait3A_412 = arith.constant 1 : i32
      %dma_wait3A_413 = arith.constant 1 : i32
      %dma_wait3A_414 = arith.constant 0 : i32
      %dma_wait3A_415 = arith.constant 0 : i32
      %dma_wait3A_416 = tpu.memref_slice %arg10[%dma_wait3A_413, %dma_wait3A_414, %dma_wait3A_415] : memref<3x64x64xf32, #tpu.memory_space<vmem>> -> memref<1x64x64xf32, #tpu.memory_space<vmem>>
      %dma_wait3A_417 = tpu.memref_squeeze %dma_wait3A_416 : memref<1x64x64xf32, #tpu.memory_space<vmem>> -> memref<64x64xf32, #tpu.memory_space<vmem>>
      %dma_wait3A_418 = tpu.memref_slice %arg2[%select_n3A_341, %dma_wait3A_412, %multiple_of3A_307, %multiple_of3A_310] : memref<16x3x512x512xf32, #tpu.memory_space<hbm>> -> memref<1x1x64x64xf32, #tpu.memory_space<hbm>>
      %dma_wait3A_419 = tpu.memref_squeeze %dma_wait3A_418 : memref<1x1x64x64xf32, #tpu.memory_space<hbm>> -> memref<64x64xf32, #tpu.memory_space<hbm>>
      %dma_wait3A_420 = arith.constant 0 : i32
      %dma_wait3A_421 = arith.constant 0 : i32
      %dma_wait3A_422 = tpu.memref_slice %arg10[%dma_wait3A_413, %dma_wait3A_420, %dma_wait3A_421] : memref<3x64x64xf32, #tpu.memory_space<vmem>> -> memref<1x64x64xf32, #tpu.memory_space<vmem>>
      %dma_wait3A_423 = tpu.memref_squeeze %dma_wait3A_422 : memref<1x64x64xf32, #tpu.memory_space<vmem>> -> memref<64x64xf32, #tpu.memory_space<vmem>>
      %dma_wait3A_424 = tpu.memref_slice %arg2[%select_n3A_341, %dma_wait3A_412, %multiple_of3A_307, %multiple_of3A_310] : memref<16x3x512x512xf32, #tpu.memory_space<hbm>> -> memref<1x1x64x64xf32, #tpu.memory_space<hbm>>
      %dma_wait3A_425 = tpu.memref_squeeze %dma_wait3A_424 : memref<1x1x64x64xf32, #tpu.memory_space<hbm>> -> memref<64x64xf32, #tpu.memory_space<hbm>>
      tpu.wait_dma2 semaphore(%arg12 : memref<!tpu.dma_semaphore, #tpu.memory_space<semaphore_mem>>) src(%dma_wait3A_425 : memref<64x64xf32, #tpu.memory_space<hbm>>) dst(%dma_wait3A_423 : memref<64x64xf32, #tpu.memory_space<vmem>>)
      %dma_wait3A_426 = arith.constant 2 : i32
      %dma_wait3A_427 = arith.constant 2 : i32
      %dma_wait3A_428 = arith.constant 0 : i32
      %dma_wait3A_429 = arith.constant 0 : i32
      %dma_wait3A_430 = tpu.memref_slice %arg10[%dma_wait3A_427, %dma_wait3A_428, %dma_wait3A_429] : memref<3x64x64xf32, #tpu.memory_space<vmem>> -> memref<1x64x64xf32, #tpu.memory_space<vmem>>
      %dma_wait3A_431 = tpu.memref_squeeze %dma_wait3A_430 : memref<1x64x64xf32, #tpu.memory_space<vmem>> -> memref<64x64xf32, #tpu.memory_space<vmem>>
      %dma_wait3A_432 = tpu.memref_slice %arg2[%select_n3A_341, %dma_wait3A_426, %multiple_of3A_307, %multiple_of3A_310] : memref<16x3x512x512xf32, #tpu.memory_space<hbm>> -> memref<1x1x64x64xf32, #tpu.memory_space<hbm>>
      %dma_wait3A_433 = tpu.memref_squeeze %dma_wait3A_432 : memref<1x1x64x64xf32, #tpu.memory_space<hbm>> -> memref<64x64xf32, #tpu.memory_space<hbm>>
      %dma_wait3A_434 = arith.constant 0 : i32
      %dma_wait3A_435 = arith.constant 0 : i32
      %dma_wait3A_436 = tpu.memref_slice %arg10[%dma_wait3A_427, %dma_wait3A_434, %dma_wait3A_435] : memref<3x64x64xf32, #tpu.memory_space<vmem>> -> memref<1x64x64xf32, #tpu.memory_space<vmem>>
      %dma_wait3A_437 = tpu.memref_squeeze %dma_wait3A_436 : memref<1x64x64xf32, #tpu.memory_space<vmem>> -> memref<64x64xf32, #tpu.memory_space<vmem>>
      %dma_wait3A_438 = tpu.memref_slice %arg2[%select_n3A_341, %dma_wait3A_426, %multiple_of3A_307, %multiple_of3A_310] : memref<16x3x512x512xf32, #tpu.memory_space<hbm>> -> memref<1x1x64x64xf32, #tpu.memory_space<hbm>>
      %dma_wait3A_439 = tpu.memref_squeeze %dma_wait3A_438 : memref<1x1x64x64xf32, #tpu.memory_space<hbm>> -> memref<64x64xf32, #tpu.memory_space<hbm>>
      tpu.wait_dma2 semaphore(%arg12 : memref<!tpu.dma_semaphore, #tpu.memory_space<semaphore_mem>>) src(%dma_wait3A_439 : memref<64x64xf32, #tpu.memory_space<hbm>>) dst(%dma_wait3A_437 : memref<64x64xf32, #tpu.memory_space<vmem>>)
      %dma_wait3A_440 = arith.constant 0 : i32
      %dma_wait3A_441 = arith.constant 0 : i32
      %dma_wait3A_442 = arith.constant 0 : i32
      %dma_wait3A_443 = arith.constant 0 : i32
      %dma_wait3A_444 = tpu.memref_slice %arg11[%dma_wait3A_441, %dma_wait3A_442, %dma_wait3A_443] : memref<1x64x64xf32, #tpu.memory_space<vmem>> -> memref<1x64x64xf32, #tpu.memory_space<vmem>>
      %dma_wait3A_445 = tpu.memref_squeeze %dma_wait3A_444 : memref<1x64x64xf32, #tpu.memory_space<vmem>> -> memref<64x64xf32, #tpu.memory_space<vmem>>
      %dma_wait3A_446 = tpu.memref_slice %arg3[%select_n3A_341, %dma_wait3A_440, %multiple_of3A_307, %multiple_of3A_310] : memref<16x1x512x512xf32, #tpu.memory_space<hbm>> -> memref<1x1x64x64xf32, #tpu.memory_space<hbm>>
      %dma_wait3A_447 = tpu.memref_squeeze %dma_wait3A_446 : memref<1x1x64x64xf32, #tpu.memory_space<hbm>> -> memref<64x64xf32, #tpu.memory_space<hbm>>
      %dma_wait3A_448 = arith.constant 0 : i32
      %dma_wait3A_449 = arith.constant 0 : i32
      %dma_wait3A_450 = tpu.memref_slice %arg11[%dma_wait3A_441, %dma_wait3A_448, %dma_wait3A_449] : memref<1x64x64xf32, #tpu.memory_space<vmem>> -> memref<1x64x64xf32, #tpu.memory_space<vmem>>
      %dma_wait3A_451 = tpu.memref_squeeze %dma_wait3A_450 : memref<1x64x64xf32, #tpu.memory_space<vmem>> -> memref<64x64xf32, #tpu.memory_space<vmem>>
      %dma_wait3A_452 = tpu.memref_slice %arg3[%select_n3A_341, %dma_wait3A_440, %multiple_of3A_307, %multiple_of3A_310] : memref<16x1x512x512xf32, #tpu.memory_space<hbm>> -> memref<1x1x64x64xf32, #tpu.memory_space<hbm>>
      %dma_wait3A_453 = tpu.memref_squeeze %dma_wait3A_452 : memref<1x1x64x64xf32, #tpu.memory_space<hbm>> -> memref<64x64xf32, #tpu.memory_space<hbm>>
      tpu.wait_dma2 semaphore(%arg12 : memref<!tpu.dma_semaphore, #tpu.memory_space<semaphore_mem>>) src(%dma_wait3A_453 : memref<64x64xf32, #tpu.memory_space<hbm>>) dst(%dma_wait3A_451 : memref<64x64xf32, #tpu.memory_space<vmem>>)
      "tpu.region"() ({
        %run_scoped3A = tpu.sem_alloc : memref<!tpu.dma_semaphore, #tpu.memory_space<semaphore_mem>>
        %dma_start3A_2391 = arith.constant 0 : i32
        %dma_start3A_2392 = arith.constant 0 : i32
        %dma_start3A_2393 = arith.constant 0 : i32
        %dma_start3A_2394 = tpu.memref_slice %arg6[%add3A_317, %dma_start3A_2391, %dma_start3A_2392, %dma_start3A_2393] : memref<1024x3x64x64xf32, #tpu.memory_space<hbm>> -> memref<1x3x64x64xf32, #tpu.memory_space<hbm>>
        %dma_start3A_2395 = tpu.memref_squeeze %dma_start3A_2394 : memref<1x3x64x64xf32, #tpu.memory_space<hbm>> -> memref<3x64x64xf32, #tpu.memory_space<hbm>>
        %dma_start3A_2396 = arith.constant 0 : i32
        %dma_start3A_2397 = arith.constant 0 : i32
        %dma_start3A_2398 = arith.constant 0 : i32
        %dma_start3A_2399 = tpu.memref_slice %arg6[%add3A_317, %dma_start3A_2396, %dma_start3A_2397, %dma_start3A_2398] : memref<1024x3x64x64xf32, #tpu.memory_space<hbm>> -> memref<1x3x64x64xf32, #tpu.memory_space<hbm>>
        %dma_start3A_2400 = tpu.memref_squeeze %dma_start3A_2399 : memref<1x3x64x64xf32, #tpu.memory_space<hbm>> -> memref<3x64x64xf32, #tpu.memory_space<hbm>>
        tpu.enqueue_dma source(%arg10 : memref<3x64x64xf32, #tpu.memory_space<vmem>>) target(%dma_start3A_2400 : memref<3x64x64xf32, #tpu.memory_space<hbm>>) target_semaphore(%run_scoped3A : memref<!tpu.dma_semaphore, #tpu.memory_space<semaphore_mem>>)
        %dma_wait3A_2401 = arith.constant 0 : i32
        %dma_wait3A_2402 = arith.constant 0 : i32
        %dma_wait3A_2403 = arith.constant 0 : i32
        %dma_wait3A_2404 = tpu.memref_slice %arg6[%add3A_317, %dma_wait3A_2401, %dma_wait3A_2402, %dma_wait3A_2403] : memref<1024x3x64x64xf32, #tpu.memory_space<hbm>> -> memref<1x3x64x64xf32, #tpu.memory_space<hbm>>
        %dma_wait3A_2405 = tpu.memref_squeeze %dma_wait3A_2404 : memref<1x3x64x64xf32, #tpu.memory_space<hbm>> -> memref<3x64x64xf32, #tpu.memory_space<hbm>>
        %dma_wait3A_2406 = arith.constant 0 : i32
        %dma_wait3A_2407 = arith.constant 0 : i32
        %dma_wait3A_2408 = arith.constant 0 : i32
        %dma_wait3A_2409 = tpu.memref_slice %arg6[%add3A_317, %dma_wait3A_2406, %dma_wait3A_2407, %dma_wait3A_2408] : memref<1024x3x64x64xf32, #tpu.memory_space<hbm>> -> memref<1x3x64x64xf32, #tpu.memory_space<hbm>>
        %dma_wait3A_2410 = tpu.memref_squeeze %dma_wait3A_2409 : memref<1x3x64x64xf32, #tpu.memory_space<hbm>> -> memref<3x64x64xf32, #tpu.memory_space<hbm>>
        tpu.wait_dma2 semaphore(%run_scoped3A : memref<!tpu.dma_semaphore, #tpu.memory_space<semaphore_mem>>) src(%arg10 : memref<3x64x64xf32, #tpu.memory_space<vmem>>) dst(%dma_wait3A_2410 : memref<3x64x64xf32, #tpu.memory_space<hbm>>)
        tpu.yield
      }) : () -> ()
      "tpu.region"() ({
        %run_scoped3A = tpu.sem_alloc : memref<!tpu.dma_semaphore, #tpu.memory_space<semaphore_mem>>
        %dma_start3A_2391 = arith.constant 0 : i32
        %dma_start3A_2392 = arith.constant 0 : i32
        %dma_start3A_2393 = arith.constant 0 : i32
        %dma_start3A_2394 = tpu.memref_slice %arg7[%add3A_317, %dma_start3A_2391, %dma_start3A_2392, %dma_start3A_2393] : memref<1024x1x64x64xf32, #tpu.memory_space<hbm>> -> memref<1x1x64x64xf32, #tpu.memory_space<hbm>>
        %dma_start3A_2395 = tpu.memref_squeeze %dma_start3A_2394 : memref<1x1x64x64xf32, #tpu.memory_space<hbm>> -> memref<1x64x64xf32, #tpu.memory_space<hbm>>
        %dma_start3A_2396 = arith.constant 0 : i32
        %dma_start3A_2397 = arith.constant 0 : i32
        %dma_start3A_2398 = arith.constant 0 : i32
        %dma_start3A_2399 = tpu.memref_slice %arg7[%add3A_317, %dma_start3A_2396, %dma_start3A_2397, %dma_start3A_2398] : memref<1024x1x64x64xf32, #tpu.memory_space<hbm>> -> memref<1x1x64x64xf32, #tpu.memory_space<hbm>>
        %dma_start3A_2400 = tpu.memref_squeeze %dma_start3A_2399 : memref<1x1x64x64xf32, #tpu.memory_space<hbm>> -> memref<1x64x64xf32, #tpu.memory_space<hbm>>
        tpu.enqueue_dma source(%arg11 : memref<1x64x64xf32, #tpu.memory_space<vmem>>) target(%dma_start3A_2400 : memref<1x64x64xf32, #tpu.memory_space<hbm>>) target_semaphore(%run_scoped3A : memref<!tpu.dma_semaphore, #tpu.memory_space<semaphore_mem>>)
        %dma_wait3A_2401 = arith.constant 0 : i32
        %dma_wait3A_2402 = arith.constant 0 : i32
        %dma_wait3A_2403 = arith.constant 0 : i32
        %dma_wait3A_2404 = tpu.memref_slice %arg7[%add3A_317, %dma_wait3A_2401, %dma_wait3A_2402, %dma_wait3A_2403] : memref<1024x1x64x64xf32, #tpu.memory_space<hbm>> -> memref<1x1x64x64xf32, #tpu.memory_space<hbm>>
        %dma_wait3A_2405 = tpu.memref_squeeze %dma_wait3A_2404 : memref<1x1x64x64xf32, #tpu.memory_space<hbm>> -> memref<1x64x64xf32, #tpu.memory_space<hbm>>
        %dma_wait3A_2406 = arith.constant 0 : i32
        %dma_wait3A_2407 = arith.constant 0 : i32
        %dma_wait3A_2408 = arith.constant 0 : i32
        %dma_wait3A_2409 = tpu.memref_slice %arg7[%add3A_317, %dma_wait3A_2406, %dma_wait3A_2407, %dma_wait3A_2408] : memref<1024x1x64x64xf32, #tpu.memory_space<hbm>> -> memref<1x1x64x64xf32, #tpu.memory_space<hbm>>
        %dma_wait3A_2410 = tpu.memref_squeeze %dma_wait3A_2409 : memref<1x1x64x64xf32, #tpu.memory_space<hbm>> -> memref<1x64x64xf32, #tpu.memory_space<hbm>>
        tpu.wait_dma2 semaphore(%run_scoped3A : memref<!tpu.dma_semaphore, #tpu.memory_space<semaphore_mem>>) src(%arg11 : memref<1x64x64xf32, #tpu.memory_space<vmem>>) dst(%dma_wait3A_2410 : memref<1x64x64xf32, #tpu.memory_space<hbm>>)
        tpu.yield
      }) : () -> ()
      %slice3A_454 = vector.extract_strided_slice %get3A_14 {offsets = [3], sizes = [1], strides = [1]} : vector<16xi32> to vector<1xi32>
      %squeeze3A_455 = vector.extract %slice3A_454[0] : i32 from vector<1xi32>
      %multiple_of3A_456 = tpu.assume_multiple %squeeze3A_455, 16 : i32
      %slice3A_457 = vector.extract_strided_slice %get3A_19 {offsets = [3], sizes = [1], strides = [1]} : vector<16xi32> to vector<1xi32>
      %squeeze3A_458 = vector.extract %slice3A_457[0] : i32 from vector<1xi32>
      %multiple_of3A_459 = tpu.assume_multiple %squeeze3A_458, 16 : i32
      %mul3A_460 = arith.constant 32 : i32
      %mul3A_461 = arith.muli %add3A, %mul3A_460 : i32
      %mul3A_462 = arith.constant 16 : i32
      %mul3A_463 = arith.muli %scan3A_10, %mul3A_462 : i32
      %add3A_464 = arith.addi %mul3A_461, %mul3A_463 : i32
      %add3A_465 = arith.constant 3 : i32
      %add3A_466 = arith.addi %add3A_464, %add3A_465 : i32
      %jit3A_467 = arith.constant 64 : i32
      %div3A_468 = arith.divsi %add3A_466, %jit3A_467 : i32
      %sign3A_469 = arith.constant 0 : i32
      %sign3A_470 = arith.cmpi sgt, %add3A_466, %sign3A_469 : i32
      %sign3A_471 = arith.extui %sign3A_470 : i1 to i32
      %sign3A_472 = arith.constant 0 : i32
      %sign3A_473 = arith.cmpi slt, %add3A_466, %sign3A_472 : i32
      %sign3A_474 = arith.extui %sign3A_473 : i1 to i32
      %sign3A_475 = arith.subi %sign3A_471, %sign3A_474 : i32
      %sign3A_476 = arith.constant 0 : i32
      %sign3A_477 = arith.cmpi sgt, %jit3A_467, %sign3A_476 : i32
      %sign3A_478 = arith.extui %sign3A_477 : i1 to i32
      %sign3A_479 = arith.constant 0 : i32
      %sign3A_480 = arith.cmpi slt, %jit3A_467, %sign3A_479 : i32
      %sign3A_481 = arith.extui %sign3A_480 : i1 to i32
      %sign3A_482 = arith.subi %sign3A_478, %sign3A_481 : i32
      %ne3A_483 = arith.cmpi ne, %sign3A_475, %sign3A_482 : i32
      %rem3A_484 = arith.remsi %add3A_466, %jit3A_467 : i32
      %ne3A_485 = arith.constant 0 : i32
      %ne3A_486 = arith.cmpi ne, %rem3A_484, %ne3A_485 : i32
      %and3A_487 = arith.andi %ne3A_483, %ne3A_486 : i1
      %sub3A_488 = arith.constant 1 : i32
      %sub3A_489 = arith.subi %div3A_468, %sub3A_488 : i32
      %select_n3A_490 = arith.select %and3A_487, %sub3A_489, %div3A_468 : i32
      %dma_start3A_491 = arith.constant 0 : i32
      %dma_start3A_492 = arith.constant 0 : i32
      %dma_start3A_493 = arith.constant 0 : i32
      %dma_start3A_494 = arith.constant 0 : i32
      %dma_start3A_495 = tpu.memref_slice %arg10[%dma_start3A_492, %dma_start3A_493, %dma_start3A_494] : memref<3x64x64xf32, #tpu.memory_space<vmem>> -> memref<1x64x64xf32, #tpu.memory_space<vmem>>
      %dma_start3A_496 = tpu.memref_squeeze %dma_start3A_495 : memref<1x64x64xf32, #tpu.memory_space<vmem>> -> memref<64x64xf32, #tpu.memory_space<vmem>>
      %dma_start3A_497 = tpu.memref_slice %arg2[%select_n3A_490, %dma_start3A_491, %multiple_of3A_456, %multiple_of3A_459] : memref<16x3x512x512xf32, #tpu.memory_space<hbm>> -> memref<1x1x64x64xf32, #tpu.memory_space<hbm>>
      %dma_start3A_498 = tpu.memref_squeeze %dma_start3A_497 : memref<1x1x64x64xf32, #tpu.memory_space<hbm>> -> memref<64x64xf32, #tpu.memory_space<hbm>>
      %dma_start3A_499 = arith.constant 0 : i32
      %dma_start3A_500 = arith.constant 0 : i32
      %dma_start3A_501 = tpu.memref_slice %arg10[%dma_start3A_492, %dma_start3A_499, %dma_start3A_500] : memref<3x64x64xf32, #tpu.memory_space<vmem>> -> memref<1x64x64xf32, #tpu.memory_space<vmem>>
      %dma_start3A_502 = tpu.memref_squeeze %dma_start3A_501 : memref<1x64x64xf32, #tpu.memory_space<vmem>> -> memref<64x64xf32, #tpu.memory_space<vmem>>
      %dma_start3A_503 = tpu.memref_slice %arg2[%select_n3A_490, %dma_start3A_491, %multiple_of3A_456, %multiple_of3A_459] : memref<16x3x512x512xf32, #tpu.memory_space<hbm>> -> memref<1x1x64x64xf32, #tpu.memory_space<hbm>>
      %dma_start3A_504 = tpu.memref_squeeze %dma_start3A_503 : memref<1x1x64x64xf32, #tpu.memory_space<hbm>> -> memref<64x64xf32, #tpu.memory_space<hbm>>
      tpu.enqueue_dma source(%dma_start3A_504 : memref<64x64xf32, #tpu.memory_space<hbm>>) target(%dma_start3A_502 : memref<64x64xf32, #tpu.memory_space<vmem>>) target_semaphore(%arg12 : memref<!tpu.dma_semaphore, #tpu.memory_space<semaphore_mem>>)
      %dma_start3A_505 = arith.constant 1 : i32
      %dma_start3A_506 = arith.constant 1 : i32
      %dma_start3A_507 = arith.constant 0 : i32
      %dma_start3A_508 = arith.constant 0 : i32
      %dma_start3A_509 = tpu.memref_slice %arg10[%dma_start3A_506, %dma_start3A_507, %dma_start3A_508] : memref<3x64x64xf32, #tpu.memory_space<vmem>> -> memref<1x64x64xf32, #tpu.memory_space<vmem>>
      %dma_start3A_510 = tpu.memref_squeeze %dma_start3A_509 : memref<1x64x64xf32, #tpu.memory_space<vmem>> -> memref<64x64xf32, #tpu.memory_space<vmem>>
      %dma_start3A_511 = tpu.memref_slice %arg2[%select_n3A_490, %dma_start3A_505, %multiple_of3A_456, %multiple_of3A_459] : memref<16x3x512x512xf32, #tpu.memory_space<hbm>> -> memref<1x1x64x64xf32, #tpu.memory_space<hbm>>
      %dma_start3A_512 = tpu.memref_squeeze %dma_start3A_511 : memref<1x1x64x64xf32, #tpu.memory_space<hbm>> -> memref<64x64xf32, #tpu.memory_space<hbm>>
      %dma_start3A_513 = arith.constant 0 : i32
      %dma_start3A_514 = arith.constant 0 : i32
      %dma_start3A_515 = tpu.memref_slice %arg10[%dma_start3A_506, %dma_start3A_513, %dma_start3A_514] : memref<3x64x64xf32, #tpu.memory_space<vmem>> -> memref<1x64x64xf32, #tpu.memory_space<vmem>>
      %dma_start3A_516 = tpu.memref_squeeze %dma_start3A_515 : memref<1x64x64xf32, #tpu.memory_space<vmem>> -> memref<64x64xf32, #tpu.memory_space<vmem>>
      %dma_start3A_517 = tpu.memref_slice %arg2[%select_n3A_490, %dma_start3A_505, %multiple_of3A_456, %multiple_of3A_459] : memref<16x3x512x512xf32, #tpu.memory_space<hbm>> -> memref<1x1x64x64xf32, #tpu.memory_space<hbm>>
      %dma_start3A_518 = tpu.memref_squeeze %dma_start3A_517 : memref<1x1x64x64xf32, #tpu.memory_space<hbm>> -> memref<64x64xf32, #tpu.memory_space<hbm>>
      tpu.enqueue_dma source(%dma_start3A_518 : memref<64x64xf32, #tpu.memory_space<hbm>>) target(%dma_start3A_516 : memref<64x64xf32, #tpu.memory_space<vmem>>) target_semaphore(%arg12 : memref<!tpu.dma_semaphore, #tpu.memory_space<semaphore_mem>>)
      %dma_start3A_519 = arith.constant 2 : i32
      %dma_start3A_520 = arith.constant 2 : i32
      %dma_start3A_521 = arith.constant 0 : i32
      %dma_start3A_522 = arith.constant 0 : i32
      %dma_start3A_523 = tpu.memref_slice %arg10[%dma_start3A_520, %dma_start3A_521, %dma_start3A_522] : memref<3x64x64xf32, #tpu.memory_space<vmem>> -> memref<1x64x64xf32, #tpu.memory_space<vmem>>
      %dma_start3A_524 = tpu.memref_squeeze %dma_start3A_523 : memref<1x64x64xf32, #tpu.memory_space<vmem>> -> memref<64x64xf32, #tpu.memory_space<vmem>>
      %dma_start3A_525 = tpu.memref_slice %arg2[%select_n3A_490, %dma_start3A_519, %multiple_of3A_456, %multiple_of3A_459] : memref<16x3x512x512xf32, #tpu.memory_space<hbm>> -> memref<1x1x64x64xf32, #tpu.memory_space<hbm>>
      %dma_start3A_526 = tpu.memref_squeeze %dma_start3A_525 : memref<1x1x64x64xf32, #tpu.memory_space<hbm>> -> memref<64x64xf32, #tpu.memory_space<hbm>>
      %dma_start3A_527 = arith.constant 0 : i32
      %dma_start3A_528 = arith.constant 0 : i32
      %dma_start3A_529 = tpu.memref_slice %arg10[%dma_start3A_520, %dma_start3A_527, %dma_start3A_528] : memref<3x64x64xf32, #tpu.memory_space<vmem>> -> memref<1x64x64xf32, #tpu.memory_space<vmem>>
      %dma_start3A_530 = tpu.memref_squeeze %dma_start3A_529 : memref<1x64x64xf32, #tpu.memory_space<vmem>> -> memref<64x64xf32, #tpu.memory_space<vmem>>
      %dma_start3A_531 = tpu.memref_slice %arg2[%select_n3A_490, %dma_start3A_519, %multiple_of3A_456, %multiple_of3A_459] : memref<16x3x512x512xf32, #tpu.memory_space<hbm>> -> memref<1x1x64x64xf32, #tpu.memory_space<hbm>>
      %dma_start3A_532 = tpu.memref_squeeze %dma_start3A_531 : memref<1x1x64x64xf32, #tpu.memory_space<hbm>> -> memref<64x64xf32, #tpu.memory_space<hbm>>
      tpu.enqueue_dma source(%dma_start3A_532 : memref<64x64xf32, #tpu.memory_space<hbm>>) target(%dma_start3A_530 : memref<64x64xf32, #tpu.memory_space<vmem>>) target_semaphore(%arg12 : memref<!tpu.dma_semaphore, #tpu.memory_space<semaphore_mem>>)
      %dma_start3A_533 = arith.constant 0 : i32
      %dma_start3A_534 = arith.constant 0 : i32
      %dma_start3A_535 = arith.constant 0 : i32
      %dma_start3A_536 = arith.constant 0 : i32
      %dma_start3A_537 = tpu.memref_slice %arg11[%dma_start3A_534, %dma_start3A_535, %dma_start3A_536] : memref<1x64x64xf32, #tpu.memory_space<vmem>> -> memref<1x64x64xf32, #tpu.memory_space<vmem>>
      %dma_start3A_538 = tpu.memref_squeeze %dma_start3A_537 : memref<1x64x64xf32, #tpu.memory_space<vmem>> -> memref<64x64xf32, #tpu.memory_space<vmem>>
      %dma_start3A_539 = tpu.memref_slice %arg3[%select_n3A_490, %dma_start3A_533, %multiple_of3A_456, %multiple_of3A_459] : memref<16x1x512x512xf32, #tpu.memory_space<hbm>> -> memref<1x1x64x64xf32, #tpu.memory_space<hbm>>
      %dma_start3A_540 = tpu.memref_squeeze %dma_start3A_539 : memref<1x1x64x64xf32, #tpu.memory_space<hbm>> -> memref<64x64xf32, #tpu.memory_space<hbm>>
      %dma_start3A_541 = arith.constant 0 : i32
      %dma_start3A_542 = arith.constant 0 : i32
      %dma_start3A_543 = tpu.memref_slice %arg11[%dma_start3A_534, %dma_start3A_541, %dma_start3A_542] : memref<1x64x64xf32, #tpu.memory_space<vmem>> -> memref<1x64x64xf32, #tpu.memory_space<vmem>>
      %dma_start3A_544 = tpu.memref_squeeze %dma_start3A_543 : memref<1x64x64xf32, #tpu.memory_space<vmem>> -> memref<64x64xf32, #tpu.memory_space<vmem>>
      %dma_start3A_545 = tpu.memref_slice %arg3[%select_n3A_490, %dma_start3A_533, %multiple_of3A_456, %multiple_of3A_459] : memref<16x1x512x512xf32, #tpu.memory_space<hbm>> -> memref<1x1x64x64xf32, #tpu.memory_space<hbm>>
      %dma_start3A_546 = tpu.memref_squeeze %dma_start3A_545 : memref<1x1x64x64xf32, #tpu.memory_space<hbm>> -> memref<64x64xf32, #tpu.memory_space<hbm>>
      tpu.enqueue_dma source(%dma_start3A_546 : memref<64x64xf32, #tpu.memory_space<hbm>>) target(%dma_start3A_544 : memref<64x64xf32, #tpu.memory_space<vmem>>) target_semaphore(%arg12 : memref<!tpu.dma_semaphore, #tpu.memory_space<semaphore_mem>>)
      %dma_wait3A_547 = arith.constant 0 : i32
      %dma_wait3A_548 = arith.constant 0 : i32
      %dma_wait3A_549 = arith.constant 0 : i32
      %dma_wait3A_550 = arith.constant 0 : i32
      %dma_wait3A_551 = tpu.memref_slice %arg10[%dma_wait3A_548, %dma_wait3A_549, %dma_wait3A_550] : memref<3x64x64xf32, #tpu.memory_space<vmem>> -> memref<1x64x64xf32, #tpu.memory_space<vmem>>
      %dma_wait3A_552 = tpu.memref_squeeze %dma_wait3A_551 : memref<1x64x64xf32, #tpu.memory_space<vmem>> -> memref<64x64xf32, #tpu.memory_space<vmem>>
      %dma_wait3A_553 = tpu.memref_slice %arg2[%select_n3A_490, %dma_wait3A_547, %multiple_of3A_456, %multiple_of3A_459] : memref<16x3x512x512xf32, #tpu.memory_space<hbm>> -> memref<1x1x64x64xf32, #tpu.memory_space<hbm>>
      %dma_wait3A_554 = tpu.memref_squeeze %dma_wait3A_553 : memref<1x1x64x64xf32, #tpu.memory_space<hbm>> -> memref<64x64xf32, #tpu.memory_space<hbm>>
      %dma_wait3A_555 = arith.constant 0 : i32
      %dma_wait3A_556 = arith.constant 0 : i32
      %dma_wait3A_557 = tpu.memref_slice %arg10[%dma_wait3A_548, %dma_wait3A_555, %dma_wait3A_556] : memref<3x64x64xf32, #tpu.memory_space<vmem>> -> memref<1x64x64xf32, #tpu.memory_space<vmem>>
      %dma_wait3A_558 = tpu.memref_squeeze %dma_wait3A_557 : memref<1x64x64xf32, #tpu.memory_space<vmem>> -> memref<64x64xf32, #tpu.memory_space<vmem>>
      %dma_wait3A_559 = tpu.memref_slice %arg2[%select_n3A_490, %dma_wait3A_547, %multiple_of3A_456, %multiple_of3A_459] : memref<16x3x512x512xf32, #tpu.memory_space<hbm>> -> memref<1x1x64x64xf32, #tpu.memory_space<hbm>>
      %dma_wait3A_560 = tpu.memref_squeeze %dma_wait3A_559 : memref<1x1x64x64xf32, #tpu.memory_space<hbm>> -> memref<64x64xf32, #tpu.memory_space<hbm>>
      tpu.wait_dma2 semaphore(%arg12 : memref<!tpu.dma_semaphore, #tpu.memory_space<semaphore_mem>>) src(%dma_wait3A_560 : memref<64x64xf32, #tpu.memory_space<hbm>>) dst(%dma_wait3A_558 : memref<64x64xf32, #tpu.memory_space<vmem>>)
      %dma_wait3A_561 = arith.constant 1 : i32
      %dma_wait3A_562 = arith.constant 1 : i32
      %dma_wait3A_563 = arith.constant 0 : i32
      %dma_wait3A_564 = arith.constant 0 : i32
      %dma_wait3A_565 = tpu.memref_slice %arg10[%dma_wait3A_562, %dma_wait3A_563, %dma_wait3A_564] : memref<3x64x64xf32, #tpu.memory_space<vmem>> -> memref<1x64x64xf32, #tpu.memory_space<vmem>>
      %dma_wait3A_566 = tpu.memref_squeeze %dma_wait3A_565 : memref<1x64x64xf32, #tpu.memory_space<vmem>> -> memref<64x64xf32, #tpu.memory_space<vmem>>
      %dma_wait3A_567 = tpu.memref_slice %arg2[%select_n3A_490, %dma_wait3A_561, %multiple_of3A_456, %multiple_of3A_459] : memref<16x3x512x512xf32, #tpu.memory_space<hbm>> -> memref<1x1x64x64xf32, #tpu.memory_space<hbm>>
      %dma_wait3A_568 = tpu.memref_squeeze %dma_wait3A_567 : memref<1x1x64x64xf32, #tpu.memory_space<hbm>> -> memref<64x64xf32, #tpu.memory_space<hbm>>
      %dma_wait3A_569 = arith.constant 0 : i32
      %dma_wait3A_570 = arith.constant 0 : i32
      %dma_wait3A_571 = tpu.memref_slice %arg10[%dma_wait3A_562, %dma_wait3A_569, %dma_wait3A_570] : memref<3x64x64xf32, #tpu.memory_space<vmem>> -> memref<1x64x64xf32, #tpu.memory_space<vmem>>
      %dma_wait3A_572 = tpu.memref_squeeze %dma_wait3A_571 : memref<1x64x64xf32, #tpu.memory_space<vmem>> -> memref<64x64xf32, #tpu.memory_space<vmem>>
      %dma_wait3A_573 = tpu.memref_slice %arg2[%select_n3A_490, %dma_wait3A_561, %multiple_of3A_456, %multiple_of3A_459] : memref<16x3x512x512xf32, #tpu.memory_space<hbm>> -> memref<1x1x64x64xf32, #tpu.memory_space<hbm>>
      %dma_wait3A_574 = tpu.memref_squeeze %dma_wait3A_573 : memref<1x1x64x64xf32, #tpu.memory_space<hbm>> -> memref<64x64xf32, #tpu.memory_space<hbm>>
      tpu.wait_dma2 semaphore(%arg12 : memref<!tpu.dma_semaphore, #tpu.memory_space<semaphore_mem>>) src(%dma_wait3A_574 : memref<64x64xf32, #tpu.memory_space<hbm>>) dst(%dma_wait3A_572 : memref<64x64xf32, #tpu.memory_space<vmem>>)
      %dma_wait3A_575 = arith.constant 2 : i32
      %dma_wait3A_576 = arith.constant 2 : i32
      %dma_wait3A_577 = arith.constant 0 : i32
      %dma_wait3A_578 = arith.constant 0 : i32
      %dma_wait3A_579 = tpu.memref_slice %arg10[%dma_wait3A_576, %dma_wait3A_577, %dma_wait3A_578] : memref<3x64x64xf32, #tpu.memory_space<vmem>> -> memref<1x64x64xf32, #tpu.memory_space<vmem>>
      %dma_wait3A_580 = tpu.memref_squeeze %dma_wait3A_579 : memref<1x64x64xf32, #tpu.memory_space<vmem>> -> memref<64x64xf32, #tpu.memory_space<vmem>>
      %dma_wait3A_581 = tpu.memref_slice %arg2[%select_n3A_490, %dma_wait3A_575, %multiple_of3A_456, %multiple_of3A_459] : memref<16x3x512x512xf32, #tpu.memory_space<hbm>> -> memref<1x1x64x64xf32, #tpu.memory_space<hbm>>
      %dma_wait3A_582 = tpu.memref_squeeze %dma_wait3A_581 : memref<1x1x64x64xf32, #tpu.memory_space<hbm>> -> memref<64x64xf32, #tpu.memory_space<hbm>>
      %dma_wait3A_583 = arith.constant 0 : i32
      %dma_wait3A_584 = arith.constant 0 : i32
      %dma_wait3A_585 = tpu.memref_slice %arg10[%dma_wait3A_576, %dma_wait3A_583, %dma_wait3A_584] : memref<3x64x64xf32, #tpu.memory_space<vmem>> -> memref<1x64x64xf32, #tpu.memory_space<vmem>>
      %dma_wait3A_586 = tpu.memref_squeeze %dma_wait3A_585 : memref<1x64x64xf32, #tpu.memory_space<vmem>> -> memref<64x64xf32, #tpu.memory_space<vmem>>
      %dma_wait3A_587 = tpu.memref_slice %arg2[%select_n3A_490, %dma_wait3A_575, %multiple_of3A_456, %multiple_of3A_459] : memref<16x3x512x512xf32, #tpu.memory_space<hbm>> -> memref<1x1x64x64xf32, #tpu.memory_space<hbm>>
      %dma_wait3A_588 = tpu.memref_squeeze %dma_wait3A_587 : memref<1x1x64x64xf32, #tpu.memory_space<hbm>> -> memref<64x64xf32, #tpu.memory_space<hbm>>
      tpu.wait_dma2 semaphore(%arg12 : memref<!tpu.dma_semaphore, #tpu.memory_space<semaphore_mem>>) src(%dma_wait3A_588 : memref<64x64xf32, #tpu.memory_space<hbm>>) dst(%dma_wait3A_586 : memref<64x64xf32, #tpu.memory_space<vmem>>)
      %dma_wait3A_589 = arith.constant 0 : i32
      %dma_wait3A_590 = arith.constant 0 : i32
      %dma_wait3A_591 = arith.constant 0 : i32
      %dma_wait3A_592 = arith.constant 0 : i32
      %dma_wait3A_593 = tpu.memref_slice %arg11[%dma_wait3A_590, %dma_wait3A_591, %dma_wait3A_592] : memref<1x64x64xf32, #tpu.memory_space<vmem>> -> memref<1x64x64xf32, #tpu.memory_space<vmem>>
      %dma_wait3A_594 = tpu.memref_squeeze %dma_wait3A_593 : memref<1x64x64xf32, #tpu.memory_space<vmem>> -> memref<64x64xf32, #tpu.memory_space<vmem>>
      %dma_wait3A_595 = tpu.memref_slice %arg3[%select_n3A_490, %dma_wait3A_589, %multiple_of3A_456, %multiple_of3A_459] : memref<16x1x512x512xf32, #tpu.memory_space<hbm>> -> memref<1x1x64x64xf32, #tpu.memory_space<hbm>>
      %dma_wait3A_596 = tpu.memref_squeeze %dma_wait3A_595 : memref<1x1x64x64xf32, #tpu.memory_space<hbm>> -> memref<64x64xf32, #tpu.memory_space<hbm>>
      %dma_wait3A_597 = arith.constant 0 : i32
      %dma_wait3A_598 = arith.constant 0 : i32
      %dma_wait3A_599 = tpu.memref_slice %arg11[%dma_wait3A_590, %dma_wait3A_597, %dma_wait3A_598] : memref<1x64x64xf32, #tpu.memory_space<vmem>> -> memref<1x64x64xf32, #tpu.memory_space<vmem>>
      %dma_wait3A_600 = tpu.memref_squeeze %dma_wait3A_599 : memref<1x64x64xf32, #tpu.memory_space<vmem>> -> memref<64x64xf32, #tpu.memory_space<vmem>>
      %dma_wait3A_601 = tpu.memref_slice %arg3[%select_n3A_490, %dma_wait3A_589, %multiple_of3A_456, %multiple_of3A_459] : memref<16x1x512x512xf32, #tpu.memory_space<hbm>> -> memref<1x1x64x64xf32, #tpu.memory_space<hbm>>
      %dma_wait3A_602 = tpu.memref_squeeze %dma_wait3A_601 : memref<1x1x64x64xf32, #tpu.memory_space<hbm>> -> memref<64x64xf32, #tpu.memory_space<hbm>>
      tpu.wait_dma2 semaphore(%arg12 : memref<!tpu.dma_semaphore, #tpu.memory_space<semaphore_mem>>) src(%dma_wait3A_602 : memref<64x64xf32, #tpu.memory_space<hbm>>) dst(%dma_wait3A_600 : memref<64x64xf32, #tpu.memory_space<vmem>>)
      "tpu.region"() ({
        %run_scoped3A = tpu.sem_alloc : memref<!tpu.dma_semaphore, #tpu.memory_space<semaphore_mem>>
        %dma_start3A_2391 = arith.constant 0 : i32
        %dma_start3A_2392 = arith.constant 0 : i32
        %dma_start3A_2393 = arith.constant 0 : i32
        %dma_start3A_2394 = tpu.memref_slice %arg6[%add3A_466, %dma_start3A_2391, %dma_start3A_2392, %dma_start3A_2393] : memref<1024x3x64x64xf32, #tpu.memory_space<hbm>> -> memref<1x3x64x64xf32, #tpu.memory_space<hbm>>
        %dma_start3A_2395 = tpu.memref_squeeze %dma_start3A_2394 : memref<1x3x64x64xf32, #tpu.memory_space<hbm>> -> memref<3x64x64xf32, #tpu.memory_space<hbm>>
        %dma_start3A_2396 = arith.constant 0 : i32
        %dma_start3A_2397 = arith.constant 0 : i32
        %dma_start3A_2398 = arith.constant 0 : i32
        %dma_start3A_2399 = tpu.memref_slice %arg6[%add3A_466, %dma_start3A_2396, %dma_start3A_2397, %dma_start3A_2398] : memref<1024x3x64x64xf32, #tpu.memory_space<hbm>> -> memref<1x3x64x64xf32, #tpu.memory_space<hbm>>
        %dma_start3A_2400 = tpu.memref_squeeze %dma_start3A_2399 : memref<1x3x64x64xf32, #tpu.memory_space<hbm>> -> memref<3x64x64xf32, #tpu.memory_space<hbm>>
        tpu.enqueue_dma source(%arg10 : memref<3x64x64xf32, #tpu.memory_space<vmem>>) target(%dma_start3A_2400 : memref<3x64x64xf32, #tpu.memory_space<hbm>>) target_semaphore(%run_scoped3A : memref<!tpu.dma_semaphore, #tpu.memory_space<semaphore_mem>>)
        %dma_wait3A_2401 = arith.constant 0 : i32
        %dma_wait3A_2402 = arith.constant 0 : i32
        %dma_wait3A_2403 = arith.constant 0 : i32
        %dma_wait3A_2404 = tpu.memref_slice %arg6[%add3A_466, %dma_wait3A_2401, %dma_wait3A_2402, %dma_wait3A_2403] : memref<1024x3x64x64xf32, #tpu.memory_space<hbm>> -> memref<1x3x64x64xf32, #tpu.memory_space<hbm>>
        %dma_wait3A_2405 = tpu.memref_squeeze %dma_wait3A_2404 : memref<1x3x64x64xf32, #tpu.memory_space<hbm>> -> memref<3x64x64xf32, #tpu.memory_space<hbm>>
        %dma_wait3A_2406 = arith.constant 0 : i32
        %dma_wait3A_2407 = arith.constant 0 : i32
        %dma_wait3A_2408 = arith.constant 0 : i32
        %dma_wait3A_2409 = tpu.memref_slice %arg6[%add3A_466, %dma_wait3A_2406, %dma_wait3A_2407, %dma_wait3A_2408] : memref<1024x3x64x64xf32, #tpu.memory_space<hbm>> -> memref<1x3x64x64xf32, #tpu.memory_space<hbm>>
        %dma_wait3A_2410 = tpu.memref_squeeze %dma_wait3A_2409 : memref<1x3x64x64xf32, #tpu.memory_space<hbm>> -> memref<3x64x64xf32, #tpu.memory_space<hbm>>
        tpu.wait_dma2 semaphore(%run_scoped3A : memref<!tpu.dma_semaphore, #tpu.memory_space<semaphore_mem>>) src(%arg10 : memref<3x64x64xf32, #tpu.memory_space<vmem>>) dst(%dma_wait3A_2410 : memref<3x64x64xf32, #tpu.memory_space<hbm>>)
        tpu.yield
      }) : () -> ()
      "tpu.region"() ({
        %run_scoped3A = tpu.sem_alloc : memref<!tpu.dma_semaphore, #tpu.memory_space<semaphore_mem>>
        %dma_start3A_2391 = arith.constant 0 : i32
        %dma_start3A_2392 = arith.constant 0 : i32
        %dma_start3A_2393 = arith.constant 0 : i32
        %dma_start3A_2394 = tpu.memref_slice %arg7[%add3A_466, %dma_start3A_2391, %dma_start3A_2392, %dma_start3A_2393] : memref<1024x1x64x64xf32, #tpu.memory_space<hbm>> -> memref<1x1x64x64xf32, #tpu.memory_space<hbm>>
        %dma_start3A_2395 = tpu.memref_squeeze %dma_start3A_2394 : memref<1x1x64x64xf32, #tpu.memory_space<hbm>> -> memref<1x64x64xf32, #tpu.memory_space<hbm>>
        %dma_start3A_2396 = arith.constant 0 : i32
        %dma_start3A_2397 = arith.constant 0 : i32
        %dma_start3A_2398 = arith.constant 0 : i32
        %dma_start3A_2399 = tpu.memref_slice %arg7[%add3A_466, %dma_start3A_2396, %dma_start3A_2397, %dma_start3A_2398] : memref<1024x1x64x64xf32, #tpu.memory_space<hbm>> -> memref<1x1x64x64xf32, #tpu.memory_space<hbm>>
        %dma_start3A_2400 = tpu.memref_squeeze %dma_start3A_2399 : memref<1x1x64x64xf32, #tpu.memory_space<hbm>> -> memref<1x64x64xf32, #tpu.memory_space<hbm>>
        tpu.enqueue_dma source(%arg11 : memref<1x64x64xf32, #tpu.memory_space<vmem>>) target(%dma_start3A_2400 : memref<1x64x64xf32, #tpu.memory_space<hbm>>) target_semaphore(%run_scoped3A : memref<!tpu.dma_semaphore, #tpu.memory_space<semaphore_mem>>)
        %dma_wait3A_2401 = arith.constant 0 : i32
        %dma_wait3A_2402 = arith.constant 0 : i32
        %dma_wait3A_2403 = arith.constant 0 : i32
        %dma_wait3A_2404 = tpu.memref_slice %arg7[%add3A_466, %dma_wait3A_2401, %dma_wait3A_2402, %dma_wait3A_2403] : memref<1024x1x64x64xf32, #tpu.memory_space<hbm>> -> memref<1x1x64x64xf32, #tpu.memory_space<hbm>>
        %dma_wait3A_2405 = tpu.memref_squeeze %dma_wait3A_2404 : memref<1x1x64x64xf32, #tpu.memory_space<hbm>> -> memref<1x64x64xf32, #tpu.memory_space<hbm>>
        %dma_wait3A_2406 = arith.constant 0 : i32
        %dma_wait3A_2407 = arith.constant 0 : i32
        %dma_wait3A_2408 = arith.constant 0 : i32
        %dma_wait3A_2409 = tpu.memref_slice %arg7[%add3A_466, %dma_wait3A_2406, %dma_wait3A_2407, %dma_wait3A_2408] : memref<1024x1x64x64xf32, #tpu.memory_space<hbm>> -> memref<1x1x64x64xf32, #tpu.memory_space<hbm>>
        %dma_wait3A_2410 = tpu.memref_squeeze %dma_wait3A_2409 : memref<1x1x64x64xf32, #tpu.memory_space<hbm>> -> memref<1x64x64xf32, #tpu.memory_space<hbm>>
        tpu.wait_dma2 semaphore(%run_scoped3A : memref<!tpu.dma_semaphore, #tpu.memory_space<semaphore_mem>>) src(%arg11 : memref<1x64x64xf32, #tpu.memory_space<vmem>>) dst(%dma_wait3A_2410 : memref<1x64x64xf32, #tpu.memory_space<hbm>>)
        tpu.yield
      }) : () -> ()
      %slice3A_603 = vector.extract_strided_slice %get3A_14 {offsets = [4], sizes = [1], strides = [1]} : vector<16xi32> to vector<1xi32>
      %squeeze3A_604 = vector.extract %slice3A_603[0] : i32 from vector<1xi32>
      %multiple_of3A_605 = tpu.assume_multiple %squeeze3A_604, 16 : i32
      %slice3A_606 = vector.extract_strided_slice %get3A_19 {offsets = [4], sizes = [1], strides = [1]} : vector<16xi32> to vector<1xi32>
      %squeeze3A_607 = vector.extract %slice3A_606[0] : i32 from vector<1xi32>
      %multiple_of3A_608 = tpu.assume_multiple %squeeze3A_607, 16 : i32
      %mul3A_609 = arith.constant 32 : i32
      %mul3A_610 = arith.muli %add3A, %mul3A_609 : i32
      %mul3A_611 = arith.constant 16 : i32
      %mul3A_612 = arith.muli %scan3A_10, %mul3A_611 : i32
      %add3A_613 = arith.addi %mul3A_610, %mul3A_612 : i32
      %add3A_614 = arith.constant 4 : i32
      %add3A_615 = arith.addi %add3A_613, %add3A_614 : i32
      %jit3A_616 = arith.constant 64 : i32
      %div3A_617 = arith.divsi %add3A_615, %jit3A_616 : i32
      %sign3A_618 = arith.constant 0 : i32
      %sign3A_619 = arith.cmpi sgt, %add3A_615, %sign3A_618 : i32
      %sign3A_620 = arith.extui %sign3A_619 : i1 to i32
      %sign3A_621 = arith.constant 0 : i32
      %sign3A_622 = arith.cmpi slt, %add3A_615, %sign3A_621 : i32
      %sign3A_623 = arith.extui %sign3A_622 : i1 to i32
      %sign3A_624 = arith.subi %sign3A_620, %sign3A_623 : i32
      %sign3A_625 = arith.constant 0 : i32
      %sign3A_626 = arith.cmpi sgt, %jit3A_616, %sign3A_625 : i32
      %sign3A_627 = arith.extui %sign3A_626 : i1 to i32
      %sign3A_628 = arith.constant 0 : i32
      %sign3A_629 = arith.cmpi slt, %jit3A_616, %sign3A_628 : i32
      %sign3A_630 = arith.extui %sign3A_629 : i1 to i32
      %sign3A_631 = arith.subi %sign3A_627, %sign3A_630 : i32
      %ne3A_632 = arith.cmpi ne, %sign3A_624, %sign3A_631 : i32
      %rem3A_633 = arith.remsi %add3A_615, %jit3A_616 : i32
      %ne3A_634 = arith.constant 0 : i32
      %ne3A_635 = arith.cmpi ne, %rem3A_633, %ne3A_634 : i32
      %and3A_636 = arith.andi %ne3A_632, %ne3A_635 : i1
      %sub3A_637 = arith.constant 1 : i32
      %sub3A_638 = arith.subi %div3A_617, %sub3A_637 : i32
      %select_n3A_639 = arith.select %and3A_636, %sub3A_638, %div3A_617 : i32
      %dma_start3A_640 = arith.constant 0 : i32
      %dma_start3A_641 = arith.constant 0 : i32
      %dma_start3A_642 = arith.constant 0 : i32
      %dma_start3A_643 = arith.constant 0 : i32
      %dma_start3A_644 = tpu.memref_slice %arg10[%dma_start3A_641, %dma_start3A_642, %dma_start3A_643] : memref<3x64x64xf32, #tpu.memory_space<vmem>> -> memref<1x64x64xf32, #tpu.memory_space<vmem>>
      %dma_start3A_645 = tpu.memref_squeeze %dma_start3A_644 : memref<1x64x64xf32, #tpu.memory_space<vmem>> -> memref<64x64xf32, #tpu.memory_space<vmem>>
      %dma_start3A_646 = tpu.memref_slice %arg2[%select_n3A_639, %dma_start3A_640, %multiple_of3A_605, %multiple_of3A_608] : memref<16x3x512x512xf32, #tpu.memory_space<hbm>> -> memref<1x1x64x64xf32, #tpu.memory_space<hbm>>
      %dma_start3A_647 = tpu.memref_squeeze %dma_start3A_646 : memref<1x1x64x64xf32, #tpu.memory_space<hbm>> -> memref<64x64xf32, #tpu.memory_space<hbm>>
      %dma_start3A_648 = arith.constant 0 : i32
      %dma_start3A_649 = arith.constant 0 : i32
      %dma_start3A_650 = tpu.memref_slice %arg10[%dma_start3A_641, %dma_start3A_648, %dma_start3A_649] : memref<3x64x64xf32, #tpu.memory_space<vmem>> -> memref<1x64x64xf32, #tpu.memory_space<vmem>>
      %dma_start3A_651 = tpu.memref_squeeze %dma_start3A_650 : memref<1x64x64xf32, #tpu.memory_space<vmem>> -> memref<64x64xf32, #tpu.memory_space<vmem>>
      %dma_start3A_652 = tpu.memref_slice %arg2[%select_n3A_639, %dma_start3A_640, %multiple_of3A_605, %multiple_of3A_608] : memref<16x3x512x512xf32, #tpu.memory_space<hbm>> -> memref<1x1x64x64xf32, #tpu.memory_space<hbm>>
      %dma_start3A_653 = tpu.memref_squeeze %dma_start3A_652 : memref<1x1x64x64xf32, #tpu.memory_space<hbm>> -> memref<64x64xf32, #tpu.memory_space<hbm>>
      tpu.enqueue_dma source(%dma_start3A_653 : memref<64x64xf32, #tpu.memory_space<hbm>>) target(%dma_start3A_651 : memref<64x64xf32, #tpu.memory_space<vmem>>) target_semaphore(%arg12 : memref<!tpu.dma_semaphore, #tpu.memory_space<semaphore_mem>>)
      %dma_start3A_654 = arith.constant 1 : i32
      %dma_start3A_655 = arith.constant 1 : i32
      %dma_start3A_656 = arith.constant 0 : i32
      %dma_start3A_657 = arith.constant 0 : i32
      %dma_start3A_658 = tpu.memref_slice %arg10[%dma_start3A_655, %dma_start3A_656, %dma_start3A_657] : memref<3x64x64xf32, #tpu.memory_space<vmem>> -> memref<1x64x64xf32, #tpu.memory_space<vmem>>
      %dma_start3A_659 = tpu.memref_squeeze %dma_start3A_658 : memref<1x64x64xf32, #tpu.memory_space<vmem>> -> memref<64x64xf32, #tpu.memory_space<vmem>>
      %dma_start3A_660 = tpu.memref_slice %arg2[%select_n3A_639, %dma_start3A_654, %multiple_of3A_605, %multiple_of3A_608] : memref<16x3x512x512xf32, #tpu.memory_space<hbm>> -> memref<1x1x64x64xf32, #tpu.memory_space<hbm>>
      %dma_start3A_661 = tpu.memref_squeeze %dma_start3A_660 : memref<1x1x64x64xf32, #tpu.memory_space<hbm>> -> memref<64x64xf32, #tpu.memory_space<hbm>>
      %dma_start3A_662 = arith.constant 0 : i32
      %dma_start3A_663 = arith.constant 0 : i32
      %dma_start3A_664 = tpu.memref_slice %arg10[%dma_start3A_655, %dma_start3A_662, %dma_start3A_663] : memref<3x64x64xf32, #tpu.memory_space<vmem>> -> memref<1x64x64xf32, #tpu.memory_space<vmem>>
      %dma_start3A_665 = tpu.memref_squeeze %dma_start3A_664 : memref<1x64x64xf32, #tpu.memory_space<vmem>> -> memref<64x64xf32, #tpu.memory_space<vmem>>
      %dma_start3A_666 = tpu.memref_slice %arg2[%select_n3A_639, %dma_start3A_654, %multiple_of3A_605, %multiple_of3A_608] : memref<16x3x512x512xf32, #tpu.memory_space<hbm>> -> memref<1x1x64x64xf32, #tpu.memory_space<hbm>>
      %dma_start3A_667 = tpu.memref_squeeze %dma_start3A_666 : memref<1x1x64x64xf32, #tpu.memory_space<hbm>> -> memref<64x64xf32, #tpu.memory_space<hbm>>
      tpu.enqueue_dma source(%dma_start3A_667 : memref<64x64xf32, #tpu.memory_space<hbm>>) target(%dma_start3A_665 : memref<64x64xf32, #tpu.memory_space<vmem>>) target_semaphore(%arg12 : memref<!tpu.dma_semaphore, #tpu.memory_space<semaphore_mem>>)
      %dma_start3A_668 = arith.constant 2 : i32
      %dma_start3A_669 = arith.constant 2 : i32
      %dma_start3A_670 = arith.constant 0 : i32
      %dma_start3A_671 = arith.constant 0 : i32
      %dma_start3A_672 = tpu.memref_slice %arg10[%dma_start3A_669, %dma_start3A_670, %dma_start3A_671] : memref<3x64x64xf32, #tpu.memory_space<vmem>> -> memref<1x64x64xf32, #tpu.memory_space<vmem>>
      %dma_start3A_673 = tpu.memref_squeeze %dma_start3A_672 : memref<1x64x64xf32, #tpu.memory_space<vmem>> -> memref<64x64xf32, #tpu.memory_space<vmem>>
      %dma_start3A_674 = tpu.memref_slice %arg2[%select_n3A_639, %dma_start3A_668, %multiple_of3A_605, %multiple_of3A_608] : memref<16x3x512x512xf32, #tpu.memory_space<hbm>> -> memref<1x1x64x64xf32, #tpu.memory_space<hbm>>
      %dma_start3A_675 = tpu.memref_squeeze %dma_start3A_674 : memref<1x1x64x64xf32, #tpu.memory_space<hbm>> -> memref<64x64xf32, #tpu.memory_space<hbm>>
      %dma_start3A_676 = arith.constant 0 : i32
      %dma_start3A_677 = arith.constant 0 : i32
      %dma_start3A_678 = tpu.memref_slice %arg10[%dma_start3A_669, %dma_start3A_676, %dma_start3A_677] : memref<3x64x64xf32, #tpu.memory_space<vmem>> -> memref<1x64x64xf32, #tpu.memory_space<vmem>>
      %dma_start3A_679 = tpu.memref_squeeze %dma_start3A_678 : memref<1x64x64xf32, #tpu.memory_space<vmem>> -> memref<64x64xf32, #tpu.memory_space<vmem>>
      %dma_start3A_680 = tpu.memref_slice %arg2[%select_n3A_639, %dma_start3A_668, %multiple_of3A_605, %multiple_of3A_608] : memref<16x3x512x512xf32, #tpu.memory_space<hbm>> -> memref<1x1x64x64xf32, #tpu.memory_space<hbm>>
      %dma_start3A_681 = tpu.memref_squeeze %dma_start3A_680 : memref<1x1x64x64xf32, #tpu.memory_space<hbm>> -> memref<64x64xf32, #tpu.memory_space<hbm>>
      tpu.enqueue_dma source(%dma_start3A_681 : memref<64x64xf32, #tpu.memory_space<hbm>>) target(%dma_start3A_679 : memref<64x64xf32, #tpu.memory_space<vmem>>) target_semaphore(%arg12 : memref<!tpu.dma_semaphore, #tpu.memory_space<semaphore_mem>>)
      %dma_start3A_682 = arith.constant 0 : i32
      %dma_start3A_683 = arith.constant 0 : i32
      %dma_start3A_684 = arith.constant 0 : i32
      %dma_start3A_685 = arith.constant 0 : i32
      %dma_start3A_686 = tpu.memref_slice %arg11[%dma_start3A_683, %dma_start3A_684, %dma_start3A_685] : memref<1x64x64xf32, #tpu.memory_space<vmem>> -> memref<1x64x64xf32, #tpu.memory_space<vmem>>
      %dma_start3A_687 = tpu.memref_squeeze %dma_start3A_686 : memref<1x64x64xf32, #tpu.memory_space<vmem>> -> memref<64x64xf32, #tpu.memory_space<vmem>>
      %dma_start3A_688 = tpu.memref_slice %arg3[%select_n3A_639, %dma_start3A_682, %multiple_of3A_605, %multiple_of3A_608] : memref<16x1x512x512xf32, #tpu.memory_space<hbm>> -> memref<1x1x64x64xf32, #tpu.memory_space<hbm>>
      %dma_start3A_689 = tpu.memref_squeeze %dma_start3A_688 : memref<1x1x64x64xf32, #tpu.memory_space<hbm>> -> memref<64x64xf32, #tpu.memory_space<hbm>>
      %dma_start3A_690 = arith.constant 0 : i32
      %dma_start3A_691 = arith.constant 0 : i32
      %dma_start3A_692 = tpu.memref_slice %arg11[%dma_start3A_683, %dma_start3A_690, %dma_start3A_691] : memref<1x64x64xf32, #tpu.memory_space<vmem>> -> memref<1x64x64xf32, #tpu.memory_space<vmem>>
      %dma_start3A_693 = tpu.memref_squeeze %dma_start3A_692 : memref<1x64x64xf32, #tpu.memory_space<vmem>> -> memref<64x64xf32, #tpu.memory_space<vmem>>
      %dma_start3A_694 = tpu.memref_slice %arg3[%select_n3A_639, %dma_start3A_682, %multiple_of3A_605, %multiple_of3A_608] : memref<16x1x512x512xf32, #tpu.memory_space<hbm>> -> memref<1x1x64x64xf32, #tpu.memory_space<hbm>>
      %dma_start3A_695 = tpu.memref_squeeze %dma_start3A_694 : memref<1x1x64x64xf32, #tpu.memory_space<hbm>> -> memref<64x64xf32, #tpu.memory_space<hbm>>
      tpu.enqueue_dma source(%dma_start3A_695 : memref<64x64xf32, #tpu.memory_space<hbm>>) target(%dma_start3A_693 : memref<64x64xf32, #tpu.memory_space<vmem>>) target_semaphore(%arg12 : memref<!tpu.dma_semaphore, #tpu.memory_space<semaphore_mem>>)
      %dma_wait3A_696 = arith.constant 0 : i32
      %dma_wait3A_697 = arith.constant 0 : i32
      %dma_wait3A_698 = arith.constant 0 : i32
      %dma_wait3A_699 = arith.constant 0 : i32
      %dma_wait3A_700 = tpu.memref_slice %arg10[%dma_wait3A_697, %dma_wait3A_698, %dma_wait3A_699] : memref<3x64x64xf32, #tpu.memory_space<vmem>> -> memref<1x64x64xf32, #tpu.memory_space<vmem>>
      %dma_wait3A_701 = tpu.memref_squeeze %dma_wait3A_700 : memref<1x64x64xf32, #tpu.memory_space<vmem>> -> memref<64x64xf32, #tpu.memory_space<vmem>>
      %dma_wait3A_702 = tpu.memref_slice %arg2[%select_n3A_639, %dma_wait3A_696, %multiple_of3A_605, %multiple_of3A_608] : memref<16x3x512x512xf32, #tpu.memory_space<hbm>> -> memref<1x1x64x64xf32, #tpu.memory_space<hbm>>
      %dma_wait3A_703 = tpu.memref_squeeze %dma_wait3A_702 : memref<1x1x64x64xf32, #tpu.memory_space<hbm>> -> memref<64x64xf32, #tpu.memory_space<hbm>>
      %dma_wait3A_704 = arith.constant 0 : i32
      %dma_wait3A_705 = arith.constant 0 : i32
      %dma_wait3A_706 = tpu.memref_slice %arg10[%dma_wait3A_697, %dma_wait3A_704, %dma_wait3A_705] : memref<3x64x64xf32, #tpu.memory_space<vmem>> -> memref<1x64x64xf32, #tpu.memory_space<vmem>>
      %dma_wait3A_707 = tpu.memref_squeeze %dma_wait3A_706 : memref<1x64x64xf32, #tpu.memory_space<vmem>> -> memref<64x64xf32, #tpu.memory_space<vmem>>
      %dma_wait3A_708 = tpu.memref_slice %arg2[%select_n3A_639, %dma_wait3A_696, %multiple_of3A_605, %multiple_of3A_608] : memref<16x3x512x512xf32, #tpu.memory_space<hbm>> -> memref<1x1x64x64xf32, #tpu.memory_space<hbm>>
      %dma_wait3A_709 = tpu.memref_squeeze %dma_wait3A_708 : memref<1x1x64x64xf32, #tpu.memory_space<hbm>> -> memref<64x64xf32, #tpu.memory_space<hbm>>
      tpu.wait_dma2 semaphore(%arg12 : memref<!tpu.dma_semaphore, #tpu.memory_space<semaphore_mem>>) src(%dma_wait3A_709 : memref<64x64xf32, #tpu.memory_space<hbm>>) dst(%dma_wait3A_707 : memref<64x64xf32, #tpu.memory_space<vmem>>)
      %dma_wait3A_710 = arith.constant 1 : i32
      %dma_wait3A_711 = arith.constant 1 : i32
      %dma_wait3A_712 = arith.constant 0 : i32
      %dma_wait3A_713 = arith.constant 0 : i32
      %dma_wait3A_714 = tpu.memref_slice %arg10[%dma_wait3A_711, %dma_wait3A_712, %dma_wait3A_713] : memref<3x64x64xf32, #tpu.memory_space<vmem>> -> memref<1x64x64xf32, #tpu.memory_space<vmem>>
      %dma_wait3A_715 = tpu.memref_squeeze %dma_wait3A_714 : memref<1x64x64xf32, #tpu.memory_space<vmem>> -> memref<64x64xf32, #tpu.memory_space<vmem>>
      %dma_wait3A_716 = tpu.memref_slice %arg2[%select_n3A_639, %dma_wait3A_710, %multiple_of3A_605, %multiple_of3A_608] : memref<16x3x512x512xf32, #tpu.memory_space<hbm>> -> memref<1x1x64x64xf32, #tpu.memory_space<hbm>>
      %dma_wait3A_717 = tpu.memref_squeeze %dma_wait3A_716 : memref<1x1x64x64xf32, #tpu.memory_space<hbm>> -> memref<64x64xf32, #tpu.memory_space<hbm>>
      %dma_wait3A_718 = arith.constant 0 : i32
      %dma_wait3A_719 = arith.constant 0 : i32
      %dma_wait3A_720 = tpu.memref_slice %arg10[%dma_wait3A_711, %dma_wait3A_718, %dma_wait3A_719] : memref<3x64x64xf32, #tpu.memory_space<vmem>> -> memref<1x64x64xf32, #tpu.memory_space<vmem>>
      %dma_wait3A_721 = tpu.memref_squeeze %dma_wait3A_720 : memref<1x64x64xf32, #tpu.memory_space<vmem>> -> memref<64x64xf32, #tpu.memory_space<vmem>>
      %dma_wait3A_722 = tpu.memref_slice %arg2[%select_n3A_639, %dma_wait3A_710, %multiple_of3A_605, %multiple_of3A_608] : memref<16x3x512x512xf32, #tpu.memory_space<hbm>> -> memref<1x1x64x64xf32, #tpu.memory_space<hbm>>
      %dma_wait3A_723 = tpu.memref_squeeze %dma_wait3A_722 : memref<1x1x64x64xf32, #tpu.memory_space<hbm>> -> memref<64x64xf32, #tpu.memory_space<hbm>>
      tpu.wait_dma2 semaphore(%arg12 : memref<!tpu.dma_semaphore, #tpu.memory_space<semaphore_mem>>) src(%dma_wait3A_723 : memref<64x64xf32, #tpu.memory_space<hbm>>) dst(%dma_wait3A_721 : memref<64x64xf32, #tpu.memory_space<vmem>>)
      %dma_wait3A_724 = arith.constant 2 : i32
      %dma_wait3A_725 = arith.constant 2 : i32
      %dma_wait3A_726 = arith.constant 0 : i32
      %dma_wait3A_727 = arith.constant 0 : i32
      %dma_wait3A_728 = tpu.memref_slice %arg10[%dma_wait3A_725, %dma_wait3A_726, %dma_wait3A_727] : memref<3x64x64xf32, #tpu.memory_space<vmem>> -> memref<1x64x64xf32, #tpu.memory_space<vmem>>
      %dma_wait3A_729 = tpu.memref_squeeze %dma_wait3A_728 : memref<1x64x64xf32, #tpu.memory_space<vmem>> -> memref<64x64xf32, #tpu.memory_space<vmem>>
      %dma_wait3A_730 = tpu.memref_slice %arg2[%select_n3A_639, %dma_wait3A_724, %multiple_of3A_605, %multiple_of3A_608] : memref<16x3x512x512xf32, #tpu.memory_space<hbm>> -> memref<1x1x64x64xf32, #tpu.memory_space<hbm>>
      %dma_wait3A_731 = tpu.memref_squeeze %dma_wait3A_730 : memref<1x1x64x64xf32, #tpu.memory_space<hbm>> -> memref<64x64xf32, #tpu.memory_space<hbm>>
      %dma_wait3A_732 = arith.constant 0 : i32
      %dma_wait3A_733 = arith.constant 0 : i32
      %dma_wait3A_734 = tpu.memref_slice %arg10[%dma_wait3A_725, %dma_wait3A_732, %dma_wait3A_733] : memref<3x64x64xf32, #tpu.memory_space<vmem>> -> memref<1x64x64xf32, #tpu.memory_space<vmem>>
      %dma_wait3A_735 = tpu.memref_squeeze %dma_wait3A_734 : memref<1x64x64xf32, #tpu.memory_space<vmem>> -> memref<64x64xf32, #tpu.memory_space<vmem>>
      %dma_wait3A_736 = tpu.memref_slice %arg2[%select_n3A_639, %dma_wait3A_724, %multiple_of3A_605, %multiple_of3A_608] : memref<16x3x512x512xf32, #tpu.memory_space<hbm>> -> memref<1x1x64x64xf32, #tpu.memory_space<hbm>>
      %dma_wait3A_737 = tpu.memref_squeeze %dma_wait3A_736 : memref<1x1x64x64xf32, #tpu.memory_space<hbm>> -> memref<64x64xf32, #tpu.memory_space<hbm>>
      tpu.wait_dma2 semaphore(%arg12 : memref<!tpu.dma_semaphore, #tpu.memory_space<semaphore_mem>>) src(%dma_wait3A_737 : memref<64x64xf32, #tpu.memory_space<hbm>>) dst(%dma_wait3A_735 : memref<64x64xf32, #tpu.memory_space<vmem>>)
      %dma_wait3A_738 = arith.constant 0 : i32
      %dma_wait3A_739 = arith.constant 0 : i32
      %dma_wait3A_740 = arith.constant 0 : i32
      %dma_wait3A_741 = arith.constant 0 : i32
      %dma_wait3A_742 = tpu.memref_slice %arg11[%dma_wait3A_739, %dma_wait3A_740, %dma_wait3A_741] : memref<1x64x64xf32, #tpu.memory_space<vmem>> -> memref<1x64x64xf32, #tpu.memory_space<vmem>>
      %dma_wait3A_743 = tpu.memref_squeeze %dma_wait3A_742 : memref<1x64x64xf32, #tpu.memory_space<vmem>> -> memref<64x64xf32, #tpu.memory_space<vmem>>
      %dma_wait3A_744 = tpu.memref_slice %arg3[%select_n3A_639, %dma_wait3A_738, %multiple_of3A_605, %multiple_of3A_608] : memref<16x1x512x512xf32, #tpu.memory_space<hbm>> -> memref<1x1x64x64xf32, #tpu.memory_space<hbm>>
      %dma_wait3A_745 = tpu.memref_squeeze %dma_wait3A_744 : memref<1x1x64x64xf32, #tpu.memory_space<hbm>> -> memref<64x64xf32, #tpu.memory_space<hbm>>
      %dma_wait3A_746 = arith.constant 0 : i32
      %dma_wait3A_747 = arith.constant 0 : i32
      %dma_wait3A_748 = tpu.memref_slice %arg11[%dma_wait3A_739, %dma_wait3A_746, %dma_wait3A_747] : memref<1x64x64xf32, #tpu.memory_space<vmem>> -> memref<1x64x64xf32, #tpu.memory_space<vmem>>
      %dma_wait3A_749 = tpu.memref_squeeze %dma_wait3A_748 : memref<1x64x64xf32, #tpu.memory_space<vmem>> -> memref<64x64xf32, #tpu.memory_space<vmem>>
      %dma_wait3A_750 = tpu.memref_slice %arg3[%select_n3A_639, %dma_wait3A_738, %multiple_of3A_605, %multiple_of3A_608] : memref<16x1x512x512xf32, #tpu.memory_space<hbm>> -> memref<1x1x64x64xf32, #tpu.memory_space<hbm>>
      %dma_wait3A_751 = tpu.memref_squeeze %dma_wait3A_750 : memref<1x1x64x64xf32, #tpu.memory_space<hbm>> -> memref<64x64xf32, #tpu.memory_space<hbm>>
      tpu.wait_dma2 semaphore(%arg12 : memref<!tpu.dma_semaphore, #tpu.memory_space<semaphore_mem>>) src(%dma_wait3A_751 : memref<64x64xf32, #tpu.memory_space<hbm>>) dst(%dma_wait3A_749 : memref<64x64xf32, #tpu.memory_space<vmem>>)
      "tpu.region"() ({
        %run_scoped3A = tpu.sem_alloc : memref<!tpu.dma_semaphore, #tpu.memory_space<semaphore_mem>>
        %dma_start3A_2391 = arith.constant 0 : i32
        %dma_start3A_2392 = arith.constant 0 : i32
        %dma_start3A_2393 = arith.constant 0 : i32
        %dma_start3A_2394 = tpu.memref_slice %arg6[%add3A_615, %dma_start3A_2391, %dma_start3A_2392, %dma_start3A_2393] : memref<1024x3x64x64xf32, #tpu.memory_space<hbm>> -> memref<1x3x64x64xf32, #tpu.memory_space<hbm>>
        %dma_start3A_2395 = tpu.memref_squeeze %dma_start3A_2394 : memref<1x3x64x64xf32, #tpu.memory_space<hbm>> -> memref<3x64x64xf32, #tpu.memory_space<hbm>>
        %dma_start3A_2396 = arith.constant 0 : i32
        %dma_start3A_2397 = arith.constant 0 : i32
        %dma_start3A_2398 = arith.constant 0 : i32
        %dma_start3A_2399 = tpu.memref_slice %arg6[%add3A_615, %dma_start3A_2396, %dma_start3A_2397, %dma_start3A_2398] : memref<1024x3x64x64xf32, #tpu.memory_space<hbm>> -> memref<1x3x64x64xf32, #tpu.memory_space<hbm>>
        %dma_start3A_2400 = tpu.memref_squeeze %dma_start3A_2399 : memref<1x3x64x64xf32, #tpu.memory_space<hbm>> -> memref<3x64x64xf32, #tpu.memory_space<hbm>>
        tpu.enqueue_dma source(%arg10 : memref<3x64x64xf32, #tpu.memory_space<vmem>>) target(%dma_start3A_2400 : memref<3x64x64xf32, #tpu.memory_space<hbm>>) target_semaphore(%run_scoped3A : memref<!tpu.dma_semaphore, #tpu.memory_space<semaphore_mem>>)
        %dma_wait3A_2401 = arith.constant 0 : i32
        %dma_wait3A_2402 = arith.constant 0 : i32
        %dma_wait3A_2403 = arith.constant 0 : i32
        %dma_wait3A_2404 = tpu.memref_slice %arg6[%add3A_615, %dma_wait3A_2401, %dma_wait3A_2402, %dma_wait3A_2403] : memref<1024x3x64x64xf32, #tpu.memory_space<hbm>> -> memref<1x3x64x64xf32, #tpu.memory_space<hbm>>
        %dma_wait3A_2405 = tpu.memref_squeeze %dma_wait3A_2404 : memref<1x3x64x64xf32, #tpu.memory_space<hbm>> -> memref<3x64x64xf32, #tpu.memory_space<hbm>>
        %dma_wait3A_2406 = arith.constant 0 : i32
        %dma_wait3A_2407 = arith.constant 0 : i32
        %dma_wait3A_2408 = arith.constant 0 : i32
        %dma_wait3A_2409 = tpu.memref_slice %arg6[%add3A_615, %dma_wait3A_2406, %dma_wait3A_2407, %dma_wait3A_2408] : memref<1024x3x64x64xf32, #tpu.memory_space<hbm>> -> memref<1x3x64x64xf32, #tpu.memory_space<hbm>>
        %dma_wait3A_2410 = tpu.memref_squeeze %dma_wait3A_2409 : memref<1x3x64x64xf32, #tpu.memory_space<hbm>> -> memref<3x64x64xf32, #tpu.memory_space<hbm>>
        tpu.wait_dma2 semaphore(%run_scoped3A : memref<!tpu.dma_semaphore, #tpu.memory_space<semaphore_mem>>) src(%arg10 : memref<3x64x64xf32, #tpu.memory_space<vmem>>) dst(%dma_wait3A_2410 : memref<3x64x64xf32, #tpu.memory_space<hbm>>)
        tpu.yield
      }) : () -> ()
      "tpu.region"() ({
        %run_scoped3A = tpu.sem_alloc : memref<!tpu.dma_semaphore, #tpu.memory_space<semaphore_mem>>
        %dma_start3A_2391 = arith.constant 0 : i32
        %dma_start3A_2392 = arith.constant 0 : i32
        %dma_start3A_2393 = arith.constant 0 : i32
        %dma_start3A_2394 = tpu.memref_slice %arg7[%add3A_615, %dma_start3A_2391, %dma_start3A_2392, %dma_start3A_2393] : memref<1024x1x64x64xf32, #tpu.memory_space<hbm>> -> memref<1x1x64x64xf32, #tpu.memory_space<hbm>>
        %dma_start3A_2395 = tpu.memref_squeeze %dma_start3A_2394 : memref<1x1x64x64xf32, #tpu.memory_space<hbm>> -> memref<1x64x64xf32, #tpu.memory_space<hbm>>
        %dma_start3A_2396 = arith.constant 0 : i32
        %dma_start3A_2397 = arith.constant 0 : i32
        %dma_start3A_2398 = arith.constant 0 : i32
        %dma_start3A_2399 = tpu.memref_slice %arg7[%add3A_615, %dma_start3A_2396, %dma_start3A_2397, %dma_start3A_2398] : memref<1024x1x64x64xf32, #tpu.memory_space<hbm>> -> memref<1x1x64x64xf32, #tpu.memory_space<hbm>>
        %dma_start3A_2400 = tpu.memref_squeeze %dma_start3A_2399 : memref<1x1x64x64xf32, #tpu.memory_space<hbm>> -> memref<1x64x64xf32, #tpu.memory_space<hbm>>
        tpu.enqueue_dma source(%arg11 : memref<1x64x64xf32, #tpu.memory_space<vmem>>) target(%dma_start3A_2400 : memref<1x64x64xf32, #tpu.memory_space<hbm>>) target_semaphore(%run_scoped3A : memref<!tpu.dma_semaphore, #tpu.memory_space<semaphore_mem>>)
        %dma_wait3A_2401 = arith.constant 0 : i32
        %dma_wait3A_2402 = arith.constant 0 : i32
        %dma_wait3A_2403 = arith.constant 0 : i32
        %dma_wait3A_2404 = tpu.memref_slice %arg7[%add3A_615, %dma_wait3A_2401, %dma_wait3A_2402, %dma_wait3A_2403] : memref<1024x1x64x64xf32, #tpu.memory_space<hbm>> -> memref<1x1x64x64xf32, #tpu.memory_space<hbm>>
        %dma_wait3A_2405 = tpu.memref_squeeze %dma_wait3A_2404 : memref<1x1x64x64xf32, #tpu.memory_space<hbm>> -> memref<1x64x64xf32, #tpu.memory_space<hbm>>
        %dma_wait3A_2406 = arith.constant 0 : i32
        %dma_wait3A_2407 = arith.constant 0 : i32
        %dma_wait3A_2408 = arith.constant 0 : i32
        %dma_wait3A_2409 = tpu.memref_slice %arg7[%add3A_615, %dma_wait3A_2406, %dma_wait3A_2407, %dma_wait3A_2408] : memref<1024x1x64x64xf32, #tpu.memory_space<hbm>> -> memref<1x1x64x64xf32, #tpu.memory_space<hbm>>
        %dma_wait3A_2410 = tpu.memref_squeeze %dma_wait3A_2409 : memref<1x1x64x64xf32, #tpu.memory_space<hbm>> -> memref<1x64x64xf32, #tpu.memory_space<hbm>>
        tpu.wait_dma2 semaphore(%run_scoped3A : memref<!tpu.dma_semaphore, #tpu.memory_space<semaphore_mem>>) src(%arg11 : memref<1x64x64xf32, #tpu.memory_space<vmem>>) dst(%dma_wait3A_2410 : memref<1x64x64xf32, #tpu.memory_space<hbm>>)
        tpu.yield
      }) : () -> ()
      %slice3A_752 = vector.extract_strided_slice %get3A_14 {offsets = [5], sizes = [1], strides = [1]} : vector<16xi32> to vector<1xi32>
      %squeeze3A_753 = vector.extract %slice3A_752[0] : i32 from vector<1xi32>
      %multiple_of3A_754 = tpu.assume_multiple %squeeze3A_753, 16 : i32
      %slice3A_755 = vector.extract_strided_slice %get3A_19 {offsets = [5], sizes = [1], strides = [1]} : vector<16xi32> to vector<1xi32>
      %squeeze3A_756 = vector.extract %slice3A_755[0] : i32 from vector<1xi32>
      %multiple_of3A_757 = tpu.assume_multiple %squeeze3A_756, 16 : i32
      %mul3A_758 = arith.constant 32 : i32
      %mul3A_759 = arith.muli %add3A, %mul3A_758 : i32
      %mul3A_760 = arith.constant 16 : i32
      %mul3A_761 = arith.muli %scan3A_10, %mul3A_760 : i32
      %add3A_762 = arith.addi %mul3A_759, %mul3A_761 : i32
      %add3A_763 = arith.constant 5 : i32
      %add3A_764 = arith.addi %add3A_762, %add3A_763 : i32
      %jit3A_765 = arith.constant 64 : i32
      %div3A_766 = arith.divsi %add3A_764, %jit3A_765 : i32
      %sign3A_767 = arith.constant 0 : i32
      %sign3A_768 = arith.cmpi sgt, %add3A_764, %sign3A_767 : i32
      %sign3A_769 = arith.extui %sign3A_768 : i1 to i32
      %sign3A_770 = arith.constant 0 : i32
      %sign3A_771 = arith.cmpi slt, %add3A_764, %sign3A_770 : i32
      %sign3A_772 = arith.extui %sign3A_771 : i1 to i32
      %sign3A_773 = arith.subi %sign3A_769, %sign3A_772 : i32
      %sign3A_774 = arith.constant 0 : i32
      %sign3A_775 = arith.cmpi sgt, %jit3A_765, %sign3A_774 : i32
      %sign3A_776 = arith.extui %sign3A_775 : i1 to i32
      %sign3A_777 = arith.constant 0 : i32
      %sign3A_778 = arith.cmpi slt, %jit3A_765, %sign3A_777 : i32
      %sign3A_779 = arith.extui %sign3A_778 : i1 to i32
      %sign3A_780 = arith.subi %sign3A_776, %sign3A_779 : i32
      %ne3A_781 = arith.cmpi ne, %sign3A_773, %sign3A_780 : i32
      %rem3A_782 = arith.remsi %add3A_764, %jit3A_765 : i32
      %ne3A_783 = arith.constant 0 : i32
      %ne3A_784 = arith.cmpi ne, %rem3A_782, %ne3A_783 : i32
      %and3A_785 = arith.andi %ne3A_781, %ne3A_784 : i1
      %sub3A_786 = arith.constant 1 : i32
      %sub3A_787 = arith.subi %div3A_766, %sub3A_786 : i32
      %select_n3A_788 = arith.select %and3A_785, %sub3A_787, %div3A_766 : i32
      %dma_start3A_789 = arith.constant 0 : i32
      %dma_start3A_790 = arith.constant 0 : i32
      %dma_start3A_791 = arith.constant 0 : i32
      %dma_start3A_792 = arith.constant 0 : i32
      %dma_start3A_793 = tpu.memref_slice %arg10[%dma_start3A_790, %dma_start3A_791, %dma_start3A_792] : memref<3x64x64xf32, #tpu.memory_space<vmem>> -> memref<1x64x64xf32, #tpu.memory_space<vmem>>
      %dma_start3A_794 = tpu.memref_squeeze %dma_start3A_793 : memref<1x64x64xf32, #tpu.memory_space<vmem>> -> memref<64x64xf32, #tpu.memory_space<vmem>>
      %dma_start3A_795 = tpu.memref_slice %arg2[%select_n3A_788, %dma_start3A_789, %multiple_of3A_754, %multiple_of3A_757] : memref<16x3x512x512xf32, #tpu.memory_space<hbm>> -> memref<1x1x64x64xf32, #tpu.memory_space<hbm>>
      %dma_start3A_796 = tpu.memref_squeeze %dma_start3A_795 : memref<1x1x64x64xf32, #tpu.memory_space<hbm>> -> memref<64x64xf32, #tpu.memory_space<hbm>>
      %dma_start3A_797 = arith.constant 0 : i32
      %dma_start3A_798 = arith.constant 0 : i32
      %dma_start3A_799 = tpu.memref_slice %arg10[%dma_start3A_790, %dma_start3A_797, %dma_start3A_798] : memref<3x64x64xf32, #tpu.memory_space<vmem>> -> memref<1x64x64xf32, #tpu.memory_space<vmem>>
      %dma_start3A_800 = tpu.memref_squeeze %dma_start3A_799 : memref<1x64x64xf32, #tpu.memory_space<vmem>> -> memref<64x64xf32, #tpu.memory_space<vmem>>
      %dma_start3A_801 = tpu.memref_slice %arg2[%select_n3A_788, %dma_start3A_789, %multiple_of3A_754, %multiple_of3A_757] : memref<16x3x512x512xf32, #tpu.memory_space<hbm>> -> memref<1x1x64x64xf32, #tpu.memory_space<hbm>>
      %dma_start3A_802 = tpu.memref_squeeze %dma_start3A_801 : memref<1x1x64x64xf32, #tpu.memory_space<hbm>> -> memref<64x64xf32, #tpu.memory_space<hbm>>
      tpu.enqueue_dma source(%dma_start3A_802 : memref<64x64xf32, #tpu.memory_space<hbm>>) target(%dma_start3A_800 : memref<64x64xf32, #tpu.memory_space<vmem>>) target_semaphore(%arg12 : memref<!tpu.dma_semaphore, #tpu.memory_space<semaphore_mem>>)
      %dma_start3A_803 = arith.constant 1 : i32
      %dma_start3A_804 = arith.constant 1 : i32
      %dma_start3A_805 = arith.constant 0 : i32
      %dma_start3A_806 = arith.constant 0 : i32
      %dma_start3A_807 = tpu.memref_slice %arg10[%dma_start3A_804, %dma_start3A_805, %dma_start3A_806] : memref<3x64x64xf32, #tpu.memory_space<vmem>> -> memref<1x64x64xf32, #tpu.memory_space<vmem>>
      %dma_start3A_808 = tpu.memref_squeeze %dma_start3A_807 : memref<1x64x64xf32, #tpu.memory_space<vmem>> -> memref<64x64xf32, #tpu.memory_space<vmem>>
      %dma_start3A_809 = tpu.memref_slice %arg2[%select_n3A_788, %dma_start3A_803, %multiple_of3A_754, %multiple_of3A_757] : memref<16x3x512x512xf32, #tpu.memory_space<hbm>> -> memref<1x1x64x64xf32, #tpu.memory_space<hbm>>
      %dma_start3A_810 = tpu.memref_squeeze %dma_start3A_809 : memref<1x1x64x64xf32, #tpu.memory_space<hbm>> -> memref<64x64xf32, #tpu.memory_space<hbm>>
      %dma_start3A_811 = arith.constant 0 : i32
      %dma_start3A_812 = arith.constant 0 : i32
      %dma_start3A_813 = tpu.memref_slice %arg10[%dma_start3A_804, %dma_start3A_811, %dma_start3A_812] : memref<3x64x64xf32, #tpu.memory_space<vmem>> -> memref<1x64x64xf32, #tpu.memory_space<vmem>>
      %dma_start3A_814 = tpu.memref_squeeze %dma_start3A_813 : memref<1x64x64xf32, #tpu.memory_space<vmem>> -> memref<64x64xf32, #tpu.memory_space<vmem>>
      %dma_start3A_815 = tpu.memref_slice %arg2[%select_n3A_788, %dma_start3A_803, %multiple_of3A_754, %multiple_of3A_757] : memref<16x3x512x512xf32, #tpu.memory_space<hbm>> -> memref<1x1x64x64xf32, #tpu.memory_space<hbm>>
      %dma_start3A_816 = tpu.memref_squeeze %dma_start3A_815 : memref<1x1x64x64xf32, #tpu.memory_space<hbm>> -> memref<64x64xf32, #tpu.memory_space<hbm>>
      tpu.enqueue_dma source(%dma_start3A_816 : memref<64x64xf32, #tpu.memory_space<hbm>>) target(%dma_start3A_814 : memref<64x64xf32, #tpu.memory_space<vmem>>) target_semaphore(%arg12 : memref<!tpu.dma_semaphore, #tpu.memory_space<semaphore_mem>>)
      %dma_start3A_817 = arith.constant 2 : i32
      %dma_start3A_818 = arith.constant 2 : i32
      %dma_start3A_819 = arith.constant 0 : i32
      %dma_start3A_820 = arith.constant 0 : i32
      %dma_start3A_821 = tpu.memref_slice %arg10[%dma_start3A_818, %dma_start3A_819, %dma_start3A_820] : memref<3x64x64xf32, #tpu.memory_space<vmem>> -> memref<1x64x64xf32, #tpu.memory_space<vmem>>
      %dma_start3A_822 = tpu.memref_squeeze %dma_start3A_821 : memref<1x64x64xf32, #tpu.memory_space<vmem>> -> memref<64x64xf32, #tpu.memory_space<vmem>>
      %dma_start3A_823 = tpu.memref_slice %arg2[%select_n3A_788, %dma_start3A_817, %multiple_of3A_754, %multiple_of3A_757] : memref<16x3x512x512xf32, #tpu.memory_space<hbm>> -> memref<1x1x64x64xf32, #tpu.memory_space<hbm>>
      %dma_start3A_824 = tpu.memref_squeeze %dma_start3A_823 : memref<1x1x64x64xf32, #tpu.memory_space<hbm>> -> memref<64x64xf32, #tpu.memory_space<hbm>>
      %dma_start3A_825 = arith.constant 0 : i32
      %dma_start3A_826 = arith.constant 0 : i32
      %dma_start3A_827 = tpu.memref_slice %arg10[%dma_start3A_818, %dma_start3A_825, %dma_start3A_826] : memref<3x64x64xf32, #tpu.memory_space<vmem>> -> memref<1x64x64xf32, #tpu.memory_space<vmem>>
      %dma_start3A_828 = tpu.memref_squeeze %dma_start3A_827 : memref<1x64x64xf32, #tpu.memory_space<vmem>> -> memref<64x64xf32, #tpu.memory_space<vmem>>
      %dma_start3A_829 = tpu.memref_slice %arg2[%select_n3A_788, %dma_start3A_817, %multiple_of3A_754, %multiple_of3A_757] : memref<16x3x512x512xf32, #tpu.memory_space<hbm>> -> memref<1x1x64x64xf32, #tpu.memory_space<hbm>>
      %dma_start3A_830 = tpu.memref_squeeze %dma_start3A_829 : memref<1x1x64x64xf32, #tpu.memory_space<hbm>> -> memref<64x64xf32, #tpu.memory_space<hbm>>
      tpu.enqueue_dma source(%dma_start3A_830 : memref<64x64xf32, #tpu.memory_space<hbm>>) target(%dma_start3A_828 : memref<64x64xf32, #tpu.memory_space<vmem>>) target_semaphore(%arg12 : memref<!tpu.dma_semaphore, #tpu.memory_space<semaphore_mem>>)
      %dma_start3A_831 = arith.constant 0 : i32
      %dma_start3A_832 = arith.constant 0 : i32
      %dma_start3A_833 = arith.constant 0 : i32
      %dma_start3A_834 = arith.constant 0 : i32
      %dma_start3A_835 = tpu.memref_slice %arg11[%dma_start3A_832, %dma_start3A_833, %dma_start3A_834] : memref<1x64x64xf32, #tpu.memory_space<vmem>> -> memref<1x64x64xf32, #tpu.memory_space<vmem>>
      %dma_start3A_836 = tpu.memref_squeeze %dma_start3A_835 : memref<1x64x64xf32, #tpu.memory_space<vmem>> -> memref<64x64xf32, #tpu.memory_space<vmem>>
      %dma_start3A_837 = tpu.memref_slice %arg3[%select_n3A_788, %dma_start3A_831, %multiple_of3A_754, %multiple_of3A_757] : memref<16x1x512x512xf32, #tpu.memory_space<hbm>> -> memref<1x1x64x64xf32, #tpu.memory_space<hbm>>
      %dma_start3A_838 = tpu.memref_squeeze %dma_start3A_837 : memref<1x1x64x64xf32, #tpu.memory_space<hbm>> -> memref<64x64xf32, #tpu.memory_space<hbm>>
      %dma_start3A_839 = arith.constant 0 : i32
      %dma_start3A_840 = arith.constant 0 : i32
      %dma_start3A_841 = tpu.memref_slice %arg11[%dma_start3A_832, %dma_start3A_839, %dma_start3A_840] : memref<1x64x64xf32, #tpu.memory_space<vmem>> -> memref<1x64x64xf32, #tpu.memory_space<vmem>>
      %dma_start3A_842 = tpu.memref_squeeze %dma_start3A_841 : memref<1x64x64xf32, #tpu.memory_space<vmem>> -> memref<64x64xf32, #tpu.memory_space<vmem>>
      %dma_start3A_843 = tpu.memref_slice %arg3[%select_n3A_788, %dma_start3A_831, %multiple_of3A_754, %multiple_of3A_757] : memref<16x1x512x512xf32, #tpu.memory_space<hbm>> -> memref<1x1x64x64xf32, #tpu.memory_space<hbm>>
      %dma_start3A_844 = tpu.memref_squeeze %dma_start3A_843 : memref<1x1x64x64xf32, #tpu.memory_space<hbm>> -> memref<64x64xf32, #tpu.memory_space<hbm>>
      tpu.enqueue_dma source(%dma_start3A_844 : memref<64x64xf32, #tpu.memory_space<hbm>>) target(%dma_start3A_842 : memref<64x64xf32, #tpu.memory_space<vmem>>) target_semaphore(%arg12 : memref<!tpu.dma_semaphore, #tpu.memory_space<semaphore_mem>>)
      %dma_wait3A_845 = arith.constant 0 : i32
      %dma_wait3A_846 = arith.constant 0 : i32
      %dma_wait3A_847 = arith.constant 0 : i32
      %dma_wait3A_848 = arith.constant 0 : i32
      %dma_wait3A_849 = tpu.memref_slice %arg10[%dma_wait3A_846, %dma_wait3A_847, %dma_wait3A_848] : memref<3x64x64xf32, #tpu.memory_space<vmem>> -> memref<1x64x64xf32, #tpu.memory_space<vmem>>
      %dma_wait3A_850 = tpu.memref_squeeze %dma_wait3A_849 : memref<1x64x64xf32, #tpu.memory_space<vmem>> -> memref<64x64xf32, #tpu.memory_space<vmem>>
      %dma_wait3A_851 = tpu.memref_slice %arg2[%select_n3A_788, %dma_wait3A_845, %multiple_of3A_754, %multiple_of3A_757] : memref<16x3x512x512xf32, #tpu.memory_space<hbm>> -> memref<1x1x64x64xf32, #tpu.memory_space<hbm>>
      %dma_wait3A_852 = tpu.memref_squeeze %dma_wait3A_851 : memref<1x1x64x64xf32, #tpu.memory_space<hbm>> -> memref<64x64xf32, #tpu.memory_space<hbm>>
      %dma_wait3A_853 = arith.constant 0 : i32
      %dma_wait3A_854 = arith.constant 0 : i32
      %dma_wait3A_855 = tpu.memref_slice %arg10[%dma_wait3A_846, %dma_wait3A_853, %dma_wait3A_854] : memref<3x64x64xf32, #tpu.memory_space<vmem>> -> memref<1x64x64xf32, #tpu.memory_space<vmem>>
      %dma_wait3A_856 = tpu.memref_squeeze %dma_wait3A_855 : memref<1x64x64xf32, #tpu.memory_space<vmem>> -> memref<64x64xf32, #tpu.memory_space<vmem>>
      %dma_wait3A_857 = tpu.memref_slice %arg2[%select_n3A_788, %dma_wait3A_845, %multiple_of3A_754, %multiple_of3A_757] : memref<16x3x512x512xf32, #tpu.memory_space<hbm>> -> memref<1x1x64x64xf32, #tpu.memory_space<hbm>>
      %dma_wait3A_858 = tpu.memref_squeeze %dma_wait3A_857 : memref<1x1x64x64xf32, #tpu.memory_space<hbm>> -> memref<64x64xf32, #tpu.memory_space<hbm>>
      tpu.wait_dma2 semaphore(%arg12 : memref<!tpu.dma_semaphore, #tpu.memory_space<semaphore_mem>>) src(%dma_wait3A_858 : memref<64x64xf32, #tpu.memory_space<hbm>>) dst(%dma_wait3A_856 : memref<64x64xf32, #tpu.memory_space<vmem>>)
      %dma_wait3A_859 = arith.constant 1 : i32
      %dma_wait3A_860 = arith.constant 1 : i32
      %dma_wait3A_861 = arith.constant 0 : i32
      %dma_wait3A_862 = arith.constant 0 : i32
      %dma_wait3A_863 = tpu.memref_slice %arg10[%dma_wait3A_860, %dma_wait3A_861, %dma_wait3A_862] : memref<3x64x64xf32, #tpu.memory_space<vmem>> -> memref<1x64x64xf32, #tpu.memory_space<vmem>>
      %dma_wait3A_864 = tpu.memref_squeeze %dma_wait3A_863 : memref<1x64x64xf32, #tpu.memory_space<vmem>> -> memref<64x64xf32, #tpu.memory_space<vmem>>
      %dma_wait3A_865 = tpu.memref_slice %arg2[%select_n3A_788, %dma_wait3A_859, %multiple_of3A_754, %multiple_of3A_757] : memref<16x3x512x512xf32, #tpu.memory_space<hbm>> -> memref<1x1x64x64xf32, #tpu.memory_space<hbm>>
      %dma_wait3A_866 = tpu.memref_squeeze %dma_wait3A_865 : memref<1x1x64x64xf32, #tpu.memory_space<hbm>> -> memref<64x64xf32, #tpu.memory_space<hbm>>
      %dma_wait3A_867 = arith.constant 0 : i32
      %dma_wait3A_868 = arith.constant 0 : i32
      %dma_wait3A_869 = tpu.memref_slice %arg10[%dma_wait3A_860, %dma_wait3A_867, %dma_wait3A_868] : memref<3x64x64xf32, #tpu.memory_space<vmem>> -> memref<1x64x64xf32, #tpu.memory_space<vmem>>
      %dma_wait3A_870 = tpu.memref_squeeze %dma_wait3A_869 : memref<1x64x64xf32, #tpu.memory_space<vmem>> -> memref<64x64xf32, #tpu.memory_space<vmem>>
      %dma_wait3A_871 = tpu.memref_slice %arg2[%select_n3A_788, %dma_wait3A_859, %multiple_of3A_754, %multiple_of3A_757] : memref<16x3x512x512xf32, #tpu.memory_space<hbm>> -> memref<1x1x64x64xf32, #tpu.memory_space<hbm>>
      %dma_wait3A_872 = tpu.memref_squeeze %dma_wait3A_871 : memref<1x1x64x64xf32, #tpu.memory_space<hbm>> -> memref<64x64xf32, #tpu.memory_space<hbm>>
      tpu.wait_dma2 semaphore(%arg12 : memref<!tpu.dma_semaphore, #tpu.memory_space<semaphore_mem>>) src(%dma_wait3A_872 : memref<64x64xf32, #tpu.memory_space<hbm>>) dst(%dma_wait3A_870 : memref<64x64xf32, #tpu.memory_space<vmem>>)
      %dma_wait3A_873 = arith.constant 2 : i32
      %dma_wait3A_874 = arith.constant 2 : i32
      %dma_wait3A_875 = arith.constant 0 : i32
      %dma_wait3A_876 = arith.constant 0 : i32
      %dma_wait3A_877 = tpu.memref_slice %arg10[%dma_wait3A_874, %dma_wait3A_875, %dma_wait3A_876] : memref<3x64x64xf32, #tpu.memory_space<vmem>> -> memref<1x64x64xf32, #tpu.memory_space<vmem>>
      %dma_wait3A_878 = tpu.memref_squeeze %dma_wait3A_877 : memref<1x64x64xf32, #tpu.memory_space<vmem>> -> memref<64x64xf32, #tpu.memory_space<vmem>>
      %dma_wait3A_879 = tpu.memref_slice %arg2[%select_n3A_788, %dma_wait3A_873, %multiple_of3A_754, %multiple_of3A_757] : memref<16x3x512x512xf32, #tpu.memory_space<hbm>> -> memref<1x1x64x64xf32, #tpu.memory_space<hbm>>
      %dma_wait3A_880 = tpu.memref_squeeze %dma_wait3A_879 : memref<1x1x64x64xf32, #tpu.memory_space<hbm>> -> memref<64x64xf32, #tpu.memory_space<hbm>>
      %dma_wait3A_881 = arith.constant 0 : i32
      %dma_wait3A_882 = arith.constant 0 : i32
      %dma_wait3A_883 = tpu.memref_slice %arg10[%dma_wait3A_874, %dma_wait3A_881, %dma_wait3A_882] : memref<3x64x64xf32, #tpu.memory_space<vmem>> -> memref<1x64x64xf32, #tpu.memory_space<vmem>>
      %dma_wait3A_884 = tpu.memref_squeeze %dma_wait3A_883 : memref<1x64x64xf32, #tpu.memory_space<vmem>> -> memref<64x64xf32, #tpu.memory_space<vmem>>
      %dma_wait3A_885 = tpu.memref_slice %arg2[%select_n3A_788, %dma_wait3A_873, %multiple_of3A_754, %multiple_of3A_757] : memref<16x3x512x512xf32, #tpu.memory_space<hbm>> -> memref<1x1x64x64xf32, #tpu.memory_space<hbm>>
      %dma_wait3A_886 = tpu.memref_squeeze %dma_wait3A_885 : memref<1x1x64x64xf32, #tpu.memory_space<hbm>> -> memref<64x64xf32, #tpu.memory_space<hbm>>
      tpu.wait_dma2 semaphore(%arg12 : memref<!tpu.dma_semaphore, #tpu.memory_space<semaphore_mem>>) src(%dma_wait3A_886 : memref<64x64xf32, #tpu.memory_space<hbm>>) dst(%dma_wait3A_884 : memref<64x64xf32, #tpu.memory_space<vmem>>)
      %dma_wait3A_887 = arith.constant 0 : i32
      %dma_wait3A_888 = arith.constant 0 : i32
      %dma_wait3A_889 = arith.constant 0 : i32
      %dma_wait3A_890 = arith.constant 0 : i32
      %dma_wait3A_891 = tpu.memref_slice %arg11[%dma_wait3A_888, %dma_wait3A_889, %dma_wait3A_890] : memref<1x64x64xf32, #tpu.memory_space<vmem>> -> memref<1x64x64xf32, #tpu.memory_space<vmem>>
      %dma_wait3A_892 = tpu.memref_squeeze %dma_wait3A_891 : memref<1x64x64xf32, #tpu.memory_space<vmem>> -> memref<64x64xf32, #tpu.memory_space<vmem>>
      %dma_wait3A_893 = tpu.memref_slice %arg3[%select_n3A_788, %dma_wait3A_887, %multiple_of3A_754, %multiple_of3A_757] : memref<16x1x512x512xf32, #tpu.memory_space<hbm>> -> memref<1x1x64x64xf32, #tpu.memory_space<hbm>>
      %dma_wait3A_894 = tpu.memref_squeeze %dma_wait3A_893 : memref<1x1x64x64xf32, #tpu.memory_space<hbm>> -> memref<64x64xf32, #tpu.memory_space<hbm>>
      %dma_wait3A_895 = arith.constant 0 : i32
      %dma_wait3A_896 = arith.constant 0 : i32
      %dma_wait3A_897 = tpu.memref_slice %arg11[%dma_wait3A_888, %dma_wait3A_895, %dma_wait3A_896] : memref<1x64x64xf32, #tpu.memory_space<vmem>> -> memref<1x64x64xf32, #tpu.memory_space<vmem>>
      %dma_wait3A_898 = tpu.memref_squeeze %dma_wait3A_897 : memref<1x64x64xf32, #tpu.memory_space<vmem>> -> memref<64x64xf32, #tpu.memory_space<vmem>>
      %dma_wait3A_899 = tpu.memref_slice %arg3[%select_n3A_788, %dma_wait3A_887, %multiple_of3A_754, %multiple_of3A_757] : memref<16x1x512x512xf32, #tpu.memory_space<hbm>> -> memref<1x1x64x64xf32, #tpu.memory_space<hbm>>
      %dma_wait3A_900 = tpu.memref_squeeze %dma_wait3A_899 : memref<1x1x64x64xf32, #tpu.memory_space<hbm>> -> memref<64x64xf32, #tpu.memory_space<hbm>>
      tpu.wait_dma2 semaphore(%arg12 : memref<!tpu.dma_semaphore, #tpu.memory_space<semaphore_mem>>) src(%dma_wait3A_900 : memref<64x64xf32, #tpu.memory_space<hbm>>) dst(%dma_wait3A_898 : memref<64x64xf32, #tpu.memory_space<vmem>>)
      "tpu.region"() ({
        %run_scoped3A = tpu.sem_alloc : memref<!tpu.dma_semaphore, #tpu.memory_space<semaphore_mem>>
        %dma_start3A_2391 = arith.constant 0 : i32
        %dma_start3A_2392 = arith.constant 0 : i32
        %dma_start3A_2393 = arith.constant 0 : i32
        %dma_start3A_2394 = tpu.memref_slice %arg6[%add3A_764, %dma_start3A_2391, %dma_start3A_2392, %dma_start3A_2393] : memref<1024x3x64x64xf32, #tpu.memory_space<hbm>> -> memref<1x3x64x64xf32, #tpu.memory_space<hbm>>
        %dma_start3A_2395 = tpu.memref_squeeze %dma_start3A_2394 : memref<1x3x64x64xf32, #tpu.memory_space<hbm>> -> memref<3x64x64xf32, #tpu.memory_space<hbm>>
        %dma_start3A_2396 = arith.constant 0 : i32
        %dma_start3A_2397 = arith.constant 0 : i32
        %dma_start3A_2398 = arith.constant 0 : i32
        %dma_start3A_2399 = tpu.memref_slice %arg6[%add3A_764, %dma_start3A_2396, %dma_start3A_2397, %dma_start3A_2398] : memref<1024x3x64x64xf32, #tpu.memory_space<hbm>> -> memref<1x3x64x64xf32, #tpu.memory_space<hbm>>
        %dma_start3A_2400 = tpu.memref_squeeze %dma_start3A_2399 : memref<1x3x64x64xf32, #tpu.memory_space<hbm>> -> memref<3x64x64xf32, #tpu.memory_space<hbm>>
        tpu.enqueue_dma source(%arg10 : memref<3x64x64xf32, #tpu.memory_space<vmem>>) target(%dma_start3A_2400 : memref<3x64x64xf32, #tpu.memory_space<hbm>>) target_semaphore(%run_scoped3A : memref<!tpu.dma_semaphore, #tpu.memory_space<semaphore_mem>>)
        %dma_wait3A_2401 = arith.constant 0 : i32
        %dma_wait3A_2402 = arith.constant 0 : i32
        %dma_wait3A_2403 = arith.constant 0 : i32
        %dma_wait3A_2404 = tpu.memref_slice %arg6[%add3A_764, %dma_wait3A_2401, %dma_wait3A_2402, %dma_wait3A_2403] : memref<1024x3x64x64xf32, #tpu.memory_space<hbm>> -> memref<1x3x64x64xf32, #tpu.memory_space<hbm>>
        %dma_wait3A_2405 = tpu.memref_squeeze %dma_wait3A_2404 : memref<1x3x64x64xf32, #tpu.memory_space<hbm>> -> memref<3x64x64xf32, #tpu.memory_space<hbm>>
        %dma_wait3A_2406 = arith.constant 0 : i32
        %dma_wait3A_2407 = arith.constant 0 : i32
        %dma_wait3A_2408 = arith.constant 0 : i32
        %dma_wait3A_2409 = tpu.memref_slice %arg6[%add3A_764, %dma_wait3A_2406, %dma_wait3A_2407, %dma_wait3A_2408] : memref<1024x3x64x64xf32, #tpu.memory_space<hbm>> -> memref<1x3x64x64xf32, #tpu.memory_space<hbm>>
        %dma_wait3A_2410 = tpu.memref_squeeze %dma_wait3A_2409 : memref<1x3x64x64xf32, #tpu.memory_space<hbm>> -> memref<3x64x64xf32, #tpu.memory_space<hbm>>
        tpu.wait_dma2 semaphore(%run_scoped3A : memref<!tpu.dma_semaphore, #tpu.memory_space<semaphore_mem>>) src(%arg10 : memref<3x64x64xf32, #tpu.memory_space<vmem>>) dst(%dma_wait3A_2410 : memref<3x64x64xf32, #tpu.memory_space<hbm>>)
        tpu.yield
      }) : () -> ()
      "tpu.region"() ({
        %run_scoped3A = tpu.sem_alloc : memref<!tpu.dma_semaphore, #tpu.memory_space<semaphore_mem>>
        %dma_start3A_2391 = arith.constant 0 : i32
        %dma_start3A_2392 = arith.constant 0 : i32
        %dma_start3A_2393 = arith.constant 0 : i32
        %dma_start3A_2394 = tpu.memref_slice %arg7[%add3A_764, %dma_start3A_2391, %dma_start3A_2392, %dma_start3A_2393] : memref<1024x1x64x64xf32, #tpu.memory_space<hbm>> -> memref<1x1x64x64xf32, #tpu.memory_space<hbm>>
        %dma_start3A_2395 = tpu.memref_squeeze %dma_start3A_2394 : memref<1x1x64x64xf32, #tpu.memory_space<hbm>> -> memref<1x64x64xf32, #tpu.memory_space<hbm>>
        %dma_start3A_2396 = arith.constant 0 : i32
        %dma_start3A_2397 = arith.constant 0 : i32
        %dma_start3A_2398 = arith.constant 0 : i32
        %dma_start3A_2399 = tpu.memref_slice %arg7[%add3A_764, %dma_start3A_2396, %dma_start3A_2397, %dma_start3A_2398] : memref<1024x1x64x64xf32, #tpu.memory_space<hbm>> -> memref<1x1x64x64xf32, #tpu.memory_space<hbm>>
        %dma_start3A_2400 = tpu.memref_squeeze %dma_start3A_2399 : memref<1x1x64x64xf32, #tpu.memory_space<hbm>> -> memref<1x64x64xf32, #tpu.memory_space<hbm>>
        tpu.enqueue_dma source(%arg11 : memref<1x64x64xf32, #tpu.memory_space<vmem>>) target(%dma_start3A_2400 : memref<1x64x64xf32, #tpu.memory_space<hbm>>) target_semaphore(%run_scoped3A : memref<!tpu.dma_semaphore, #tpu.memory_space<semaphore_mem>>)
        %dma_wait3A_2401 = arith.constant 0 : i32
        %dma_wait3A_2402 = arith.constant 0 : i32
        %dma_wait3A_2403 = arith.constant 0 : i32
        %dma_wait3A_2404 = tpu.memref_slice %arg7[%add3A_764, %dma_wait3A_2401, %dma_wait3A_2402, %dma_wait3A_2403] : memref<1024x1x64x64xf32, #tpu.memory_space<hbm>> -> memref<1x1x64x64xf32, #tpu.memory_space<hbm>>
        %dma_wait3A_2405 = tpu.memref_squeeze %dma_wait3A_2404 : memref<1x1x64x64xf32, #tpu.memory_space<hbm>> -> memref<1x64x64xf32, #tpu.memory_space<hbm>>
        %dma_wait3A_2406 = arith.constant 0 : i32
        %dma_wait3A_2407 = arith.constant 0 : i32
        %dma_wait3A_2408 = arith.constant 0 : i32
        %dma_wait3A_2409 = tpu.memref_slice %arg7[%add3A_764, %dma_wait3A_2406, %dma_wait3A_2407, %dma_wait3A_2408] : memref<1024x1x64x64xf32, #tpu.memory_space<hbm>> -> memref<1x1x64x64xf32, #tpu.memory_space<hbm>>
        %dma_wait3A_2410 = tpu.memref_squeeze %dma_wait3A_2409 : memref<1x1x64x64xf32, #tpu.memory_space<hbm>> -> memref<1x64x64xf32, #tpu.memory_space<hbm>>
        tpu.wait_dma2 semaphore(%run_scoped3A : memref<!tpu.dma_semaphore, #tpu.memory_space<semaphore_mem>>) src(%arg11 : memref<1x64x64xf32, #tpu.memory_space<vmem>>) dst(%dma_wait3A_2410 : memref<1x64x64xf32, #tpu.memory_space<hbm>>)
        tpu.yield
      }) : () -> ()
      %slice3A_901 = vector.extract_strided_slice %get3A_14 {offsets = [6], sizes = [1], strides = [1]} : vector<16xi32> to vector<1xi32>
      %squeeze3A_902 = vector.extract %slice3A_901[0] : i32 from vector<1xi32>
      %multiple_of3A_903 = tpu.assume_multiple %squeeze3A_902, 16 : i32
      %slice3A_904 = vector.extract_strided_slice %get3A_19 {offsets = [6], sizes = [1], strides = [1]} : vector<16xi32> to vector<1xi32>
      %squeeze3A_905 = vector.extract %slice3A_904[0] : i32 from vector<1xi32>
      %multiple_of3A_906 = tpu.assume_multiple %squeeze3A_905, 16 : i32
      %mul3A_907 = arith.constant 32 : i32
      %mul3A_908 = arith.muli %add3A, %mul3A_907 : i32
      %mul3A_909 = arith.constant 16 : i32
      %mul3A_910 = arith.muli %scan3A_10, %mul3A_909 : i32
      %add3A_911 = arith.addi %mul3A_908, %mul3A_910 : i32
      %add3A_912 = arith.constant 6 : i32
      %add3A_913 = arith.addi %add3A_911, %add3A_912 : i32
      %jit3A_914 = arith.constant 64 : i32
      %div3A_915 = arith.divsi %add3A_913, %jit3A_914 : i32
      %sign3A_916 = arith.constant 0 : i32
      %sign3A_917 = arith.cmpi sgt, %add3A_913, %sign3A_916 : i32
      %sign3A_918 = arith.extui %sign3A_917 : i1 to i32
      %sign3A_919 = arith.constant 0 : i32
      %sign3A_920 = arith.cmpi slt, %add3A_913, %sign3A_919 : i32
      %sign3A_921 = arith.extui %sign3A_920 : i1 to i32
      %sign3A_922 = arith.subi %sign3A_918, %sign3A_921 : i32
      %sign3A_923 = arith.constant 0 : i32
      %sign3A_924 = arith.cmpi sgt, %jit3A_914, %sign3A_923 : i32
      %sign3A_925 = arith.extui %sign3A_924 : i1 to i32
      %sign3A_926 = arith.constant 0 : i32
      %sign3A_927 = arith.cmpi slt, %jit3A_914, %sign3A_926 : i32
      %sign3A_928 = arith.extui %sign3A_927 : i1 to i32
      %sign3A_929 = arith.subi %sign3A_925, %sign3A_928 : i32
      %ne3A_930 = arith.cmpi ne, %sign3A_922, %sign3A_929 : i32
      %rem3A_931 = arith.remsi %add3A_913, %jit3A_914 : i32
      %ne3A_932 = arith.constant 0 : i32
      %ne3A_933 = arith.cmpi ne, %rem3A_931, %ne3A_932 : i32
      %and3A_934 = arith.andi %ne3A_930, %ne3A_933 : i1
      %sub3A_935 = arith.constant 1 : i32
      %sub3A_936 = arith.subi %div3A_915, %sub3A_935 : i32
      %select_n3A_937 = arith.select %and3A_934, %sub3A_936, %div3A_915 : i32
      %dma_start3A_938 = arith.constant 0 : i32
      %dma_start3A_939 = arith.constant 0 : i32
      %dma_start3A_940 = arith.constant 0 : i32
      %dma_start3A_941 = arith.constant 0 : i32
      %dma_start3A_942 = tpu.memref_slice %arg10[%dma_start3A_939, %dma_start3A_940, %dma_start3A_941] : memref<3x64x64xf32, #tpu.memory_space<vmem>> -> memref<1x64x64xf32, #tpu.memory_space<vmem>>
      %dma_start3A_943 = tpu.memref_squeeze %dma_start3A_942 : memref<1x64x64xf32, #tpu.memory_space<vmem>> -> memref<64x64xf32, #tpu.memory_space<vmem>>
      %dma_start3A_944 = tpu.memref_slice %arg2[%select_n3A_937, %dma_start3A_938, %multiple_of3A_903, %multiple_of3A_906] : memref<16x3x512x512xf32, #tpu.memory_space<hbm>> -> memref<1x1x64x64xf32, #tpu.memory_space<hbm>>
      %dma_start3A_945 = tpu.memref_squeeze %dma_start3A_944 : memref<1x1x64x64xf32, #tpu.memory_space<hbm>> -> memref<64x64xf32, #tpu.memory_space<hbm>>
      %dma_start3A_946 = arith.constant 0 : i32
      %dma_start3A_947 = arith.constant 0 : i32
      %dma_start3A_948 = tpu.memref_slice %arg10[%dma_start3A_939, %dma_start3A_946, %dma_start3A_947] : memref<3x64x64xf32, #tpu.memory_space<vmem>> -> memref<1x64x64xf32, #tpu.memory_space<vmem>>
      %dma_start3A_949 = tpu.memref_squeeze %dma_start3A_948 : memref<1x64x64xf32, #tpu.memory_space<vmem>> -> memref<64x64xf32, #tpu.memory_space<vmem>>
      %dma_start3A_950 = tpu.memref_slice %arg2[%select_n3A_937, %dma_start3A_938, %multiple_of3A_903, %multiple_of3A_906] : memref<16x3x512x512xf32, #tpu.memory_space<hbm>> -> memref<1x1x64x64xf32, #tpu.memory_space<hbm>>
      %dma_start3A_951 = tpu.memref_squeeze %dma_start3A_950 : memref<1x1x64x64xf32, #tpu.memory_space<hbm>> -> memref<64x64xf32, #tpu.memory_space<hbm>>
      tpu.enqueue_dma source(%dma_start3A_951 : memref<64x64xf32, #tpu.memory_space<hbm>>) target(%dma_start3A_949 : memref<64x64xf32, #tpu.memory_space<vmem>>) target_semaphore(%arg12 : memref<!tpu.dma_semaphore, #tpu.memory_space<semaphore_mem>>)
      %dma_start3A_952 = arith.constant 1 : i32
      %dma_start3A_953 = arith.constant 1 : i32
      %dma_start3A_954 = arith.constant 0 : i32
      %dma_start3A_955 = arith.constant 0 : i32
      %dma_start3A_956 = tpu.memref_slice %arg10[%dma_start3A_953, %dma_start3A_954, %dma_start3A_955] : memref<3x64x64xf32, #tpu.memory_space<vmem>> -> memref<1x64x64xf32, #tpu.memory_space<vmem>>
      %dma_start3A_957 = tpu.memref_squeeze %dma_start3A_956 : memref<1x64x64xf32, #tpu.memory_space<vmem>> -> memref<64x64xf32, #tpu.memory_space<vmem>>
      %dma_start3A_958 = tpu.memref_slice %arg2[%select_n3A_937, %dma_start3A_952, %multiple_of3A_903, %multiple_of3A_906] : memref<16x3x512x512xf32, #tpu.memory_space<hbm>> -> memref<1x1x64x64xf32, #tpu.memory_space<hbm>>
      %dma_start3A_959 = tpu.memref_squeeze %dma_start3A_958 : memref<1x1x64x64xf32, #tpu.memory_space<hbm>> -> memref<64x64xf32, #tpu.memory_space<hbm>>
      %dma_start3A_960 = arith.constant 0 : i32
      %dma_start3A_961 = arith.constant 0 : i32
      %dma_start3A_962 = tpu.memref_slice %arg10[%dma_start3A_953, %dma_start3A_960, %dma_start3A_961] : memref<3x64x64xf32, #tpu.memory_space<vmem>> -> memref<1x64x64xf32, #tpu.memory_space<vmem>>
      %dma_start3A_963 = tpu.memref_squeeze %dma_start3A_962 : memref<1x64x64xf32, #tpu.memory_space<vmem>> -> memref<64x64xf32, #tpu.memory_space<vmem>>
      %dma_start3A_964 = tpu.memref_slice %arg2[%select_n3A_937, %dma_start3A_952, %multiple_of3A_903, %multiple_of3A_906] : memref<16x3x512x512xf32, #tpu.memory_space<hbm>> -> memref<1x1x64x64xf32, #tpu.memory_space<hbm>>
      %dma_start3A_965 = tpu.memref_squeeze %dma_start3A_964 : memref<1x1x64x64xf32, #tpu.memory_space<hbm>> -> memref<64x64xf32, #tpu.memory_space<hbm>>
      tpu.enqueue_dma source(%dma_start3A_965 : memref<64x64xf32, #tpu.memory_space<hbm>>) target(%dma_start3A_963 : memref<64x64xf32, #tpu.memory_space<vmem>>) target_semaphore(%arg12 : memref<!tpu.dma_semaphore, #tpu.memory_space<semaphore_mem>>)
      %dma_start3A_966 = arith.constant 2 : i32
      %dma_start3A_967 = arith.constant 2 : i32
      %dma_start3A_968 = arith.constant 0 : i32
      %dma_start3A_969 = arith.constant 0 : i32
      %dma_start3A_970 = tpu.memref_slice %arg10[%dma_start3A_967, %dma_start3A_968, %dma_start3A_969] : memref<3x64x64xf32, #tpu.memory_space<vmem>> -> memref<1x64x64xf32, #tpu.memory_space<vmem>>
      %dma_start3A_971 = tpu.memref_squeeze %dma_start3A_970 : memref<1x64x64xf32, #tpu.memory_space<vmem>> -> memref<64x64xf32, #tpu.memory_space<vmem>>
      %dma_start3A_972 = tpu.memref_slice %arg2[%select_n3A_937, %dma_start3A_966, %multiple_of3A_903, %multiple_of3A_906] : memref<16x3x512x512xf32, #tpu.memory_space<hbm>> -> memref<1x1x64x64xf32, #tpu.memory_space<hbm>>
      %dma_start3A_973 = tpu.memref_squeeze %dma_start3A_972 : memref<1x1x64x64xf32, #tpu.memory_space<hbm>> -> memref<64x64xf32, #tpu.memory_space<hbm>>
      %dma_start3A_974 = arith.constant 0 : i32
      %dma_start3A_975 = arith.constant 0 : i32
      %dma_start3A_976 = tpu.memref_slice %arg10[%dma_start3A_967, %dma_start3A_974, %dma_start3A_975] : memref<3x64x64xf32, #tpu.memory_space<vmem>> -> memref<1x64x64xf32, #tpu.memory_space<vmem>>
      %dma_start3A_977 = tpu.memref_squeeze %dma_start3A_976 : memref<1x64x64xf32, #tpu.memory_space<vmem>> -> memref<64x64xf32, #tpu.memory_space<vmem>>
      %dma_start3A_978 = tpu.memref_slice %arg2[%select_n3A_937, %dma_start3A_966, %multiple_of3A_903, %multiple_of3A_906] : memref<16x3x512x512xf32, #tpu.memory_space<hbm>> -> memref<1x1x64x64xf32, #tpu.memory_space<hbm>>
      %dma_start3A_979 = tpu.memref_squeeze %dma_start3A_978 : memref<1x1x64x64xf32, #tpu.memory_space<hbm>> -> memref<64x64xf32, #tpu.memory_space<hbm>>
      tpu.enqueue_dma source(%dma_start3A_979 : memref<64x64xf32, #tpu.memory_space<hbm>>) target(%dma_start3A_977 : memref<64x64xf32, #tpu.memory_space<vmem>>) target_semaphore(%arg12 : memref<!tpu.dma_semaphore, #tpu.memory_space<semaphore_mem>>)
      %dma_start3A_980 = arith.constant 0 : i32
      %dma_start3A_981 = arith.constant 0 : i32
      %dma_start3A_982 = arith.constant 0 : i32
      %dma_start3A_983 = arith.constant 0 : i32
      %dma_start3A_984 = tpu.memref_slice %arg11[%dma_start3A_981, %dma_start3A_982, %dma_start3A_983] : memref<1x64x64xf32, #tpu.memory_space<vmem>> -> memref<1x64x64xf32, #tpu.memory_space<vmem>>
      %dma_start3A_985 = tpu.memref_squeeze %dma_start3A_984 : memref<1x64x64xf32, #tpu.memory_space<vmem>> -> memref<64x64xf32, #tpu.memory_space<vmem>>
      %dma_start3A_986 = tpu.memref_slice %arg3[%select_n3A_937, %dma_start3A_980, %multiple_of3A_903, %multiple_of3A_906] : memref<16x1x512x512xf32, #tpu.memory_space<hbm>> -> memref<1x1x64x64xf32, #tpu.memory_space<hbm>>
      %dma_start3A_987 = tpu.memref_squeeze %dma_start3A_986 : memref<1x1x64x64xf32, #tpu.memory_space<hbm>> -> memref<64x64xf32, #tpu.memory_space<hbm>>
      %dma_start3A_988 = arith.constant 0 : i32
      %dma_start3A_989 = arith.constant 0 : i32
      %dma_start3A_990 = tpu.memref_slice %arg11[%dma_start3A_981, %dma_start3A_988, %dma_start3A_989] : memref<1x64x64xf32, #tpu.memory_space<vmem>> -> memref<1x64x64xf32, #tpu.memory_space<vmem>>
      %dma_start3A_991 = tpu.memref_squeeze %dma_start3A_990 : memref<1x64x64xf32, #tpu.memory_space<vmem>> -> memref<64x64xf32, #tpu.memory_space<vmem>>
      %dma_start3A_992 = tpu.memref_slice %arg3[%select_n3A_937, %dma_start3A_980, %multiple_of3A_903, %multiple_of3A_906] : memref<16x1x512x512xf32, #tpu.memory_space<hbm>> -> memref<1x1x64x64xf32, #tpu.memory_space<hbm>>
      %dma_start3A_993 = tpu.memref_squeeze %dma_start3A_992 : memref<1x1x64x64xf32, #tpu.memory_space<hbm>> -> memref<64x64xf32, #tpu.memory_space<hbm>>
      tpu.enqueue_dma source(%dma_start3A_993 : memref<64x64xf32, #tpu.memory_space<hbm>>) target(%dma_start3A_991 : memref<64x64xf32, #tpu.memory_space<vmem>>) target_semaphore(%arg12 : memref<!tpu.dma_semaphore, #tpu.memory_space<semaphore_mem>>)
      %dma_wait3A_994 = arith.constant 0 : i32
      %dma_wait3A_995 = arith.constant 0 : i32
      %dma_wait3A_996 = arith.constant 0 : i32
      %dma_wait3A_997 = arith.constant 0 : i32
      %dma_wait3A_998 = tpu.memref_slice %arg10[%dma_wait3A_995, %dma_wait3A_996, %dma_wait3A_997] : memref<3x64x64xf32, #tpu.memory_space<vmem>> -> memref<1x64x64xf32, #tpu.memory_space<vmem>>
      %dma_wait3A_999 = tpu.memref_squeeze %dma_wait3A_998 : memref<1x64x64xf32, #tpu.memory_space<vmem>> -> memref<64x64xf32, #tpu.memory_space<vmem>>
      %dma_wait3A_1000 = tpu.memref_slice %arg2[%select_n3A_937, %dma_wait3A_994, %multiple_of3A_903, %multiple_of3A_906] : memref<16x3x512x512xf32, #tpu.memory_space<hbm>> -> memref<1x1x64x64xf32, #tpu.memory_space<hbm>>
      %dma_wait3A_1001 = tpu.memref_squeeze %dma_wait3A_1000 : memref<1x1x64x64xf32, #tpu.memory_space<hbm>> -> memref<64x64xf32, #tpu.memory_space<hbm>>
      %dma_wait3A_1002 = arith.constant 0 : i32
      %dma_wait3A_1003 = arith.constant 0 : i32
      %dma_wait3A_1004 = tpu.memref_slice %arg10[%dma_wait3A_995, %dma_wait3A_1002, %dma_wait3A_1003] : memref<3x64x64xf32, #tpu.memory_space<vmem>> -> memref<1x64x64xf32, #tpu.memory_space<vmem>>
      %dma_wait3A_1005 = tpu.memref_squeeze %dma_wait3A_1004 : memref<1x64x64xf32, #tpu.memory_space<vmem>> -> memref<64x64xf32, #tpu.memory_space<vmem>>
      %dma_wait3A_1006 = tpu.memref_slice %arg2[%select_n3A_937, %dma_wait3A_994, %multiple_of3A_903, %multiple_of3A_906] : memref<16x3x512x512xf32, #tpu.memory_space<hbm>> -> memref<1x1x64x64xf32, #tpu.memory_space<hbm>>
      %dma_wait3A_1007 = tpu.memref_squeeze %dma_wait3A_1006 : memref<1x1x64x64xf32, #tpu.memory_space<hbm>> -> memref<64x64xf32, #tpu.memory_space<hbm>>
      tpu.wait_dma2 semaphore(%arg12 : memref<!tpu.dma_semaphore, #tpu.memory_space<semaphore_mem>>) src(%dma_wait3A_1007 : memref<64x64xf32, #tpu.memory_space<hbm>>) dst(%dma_wait3A_1005 : memref<64x64xf32, #tpu.memory_space<vmem>>)
      %dma_wait3A_1008 = arith.constant 1 : i32
      %dma_wait3A_1009 = arith.constant 1 : i32
      %dma_wait3A_1010 = arith.constant 0 : i32
      %dma_wait3A_1011 = arith.constant 0 : i32
      %dma_wait3A_1012 = tpu.memref_slice %arg10[%dma_wait3A_1009, %dma_wait3A_1010, %dma_wait3A_1011] : memref<3x64x64xf32, #tpu.memory_space<vmem>> -> memref<1x64x64xf32, #tpu.memory_space<vmem>>
      %dma_wait3A_1013 = tpu.memref_squeeze %dma_wait3A_1012 : memref<1x64x64xf32, #tpu.memory_space<vmem>> -> memref<64x64xf32, #tpu.memory_space<vmem>>
      %dma_wait3A_1014 = tpu.memref_slice %arg2[%select_n3A_937, %dma_wait3A_1008, %multiple_of3A_903, %multiple_of3A_906] : memref<16x3x512x512xf32, #tpu.memory_space<hbm>> -> memref<1x1x64x64xf32, #tpu.memory_space<hbm>>
      %dma_wait3A_1015 = tpu.memref_squeeze %dma_wait3A_1014 : memref<1x1x64x64xf32, #tpu.memory_space<hbm>> -> memref<64x64xf32, #tpu.memory_space<hbm>>
      %dma_wait3A_1016 = arith.constant 0 : i32
      %dma_wait3A_1017 = arith.constant 0 : i32
      %dma_wait3A_1018 = tpu.memref_slice %arg10[%dma_wait3A_1009, %dma_wait3A_1016, %dma_wait3A_1017] : memref<3x64x64xf32, #tpu.memory_space<vmem>> -> memref<1x64x64xf32, #tpu.memory_space<vmem>>
      %dma_wait3A_1019 = tpu.memref_squeeze %dma_wait3A_1018 : memref<1x64x64xf32, #tpu.memory_space<vmem>> -> memref<64x64xf32, #tpu.memory_space<vmem>>
      %dma_wait3A_1020 = tpu.memref_slice %arg2[%select_n3A_937, %dma_wait3A_1008, %multiple_of3A_903, %multiple_of3A_906] : memref<16x3x512x512xf32, #tpu.memory_space<hbm>> -> memref<1x1x64x64xf32, #tpu.memory_space<hbm>>
      %dma_wait3A_1021 = tpu.memref_squeeze %dma_wait3A_1020 : memref<1x1x64x64xf32, #tpu.memory_space<hbm>> -> memref<64x64xf32, #tpu.memory_space<hbm>>
      tpu.wait_dma2 semaphore(%arg12 : memref<!tpu.dma_semaphore, #tpu.memory_space<semaphore_mem>>) src(%dma_wait3A_1021 : memref<64x64xf32, #tpu.memory_space<hbm>>) dst(%dma_wait3A_1019 : memref<64x64xf32, #tpu.memory_space<vmem>>)
      %dma_wait3A_1022 = arith.constant 2 : i32
      %dma_wait3A_1023 = arith.constant 2 : i32
      %dma_wait3A_1024 = arith.constant 0 : i32
      %dma_wait3A_1025 = arith.constant 0 : i32
      %dma_wait3A_1026 = tpu.memref_slice %arg10[%dma_wait3A_1023, %dma_wait3A_1024, %dma_wait3A_1025] : memref<3x64x64xf32, #tpu.memory_space<vmem>> -> memref<1x64x64xf32, #tpu.memory_space<vmem>>
      %dma_wait3A_1027 = tpu.memref_squeeze %dma_wait3A_1026 : memref<1x64x64xf32, #tpu.memory_space<vmem>> -> memref<64x64xf32, #tpu.memory_space<vmem>>
      %dma_wait3A_1028 = tpu.memref_slice %arg2[%select_n3A_937, %dma_wait3A_1022, %multiple_of3A_903, %multiple_of3A_906] : memref<16x3x512x512xf32, #tpu.memory_space<hbm>> -> memref<1x1x64x64xf32, #tpu.memory_space<hbm>>
      %dma_wait3A_1029 = tpu.memref_squeeze %dma_wait3A_1028 : memref<1x1x64x64xf32, #tpu.memory_space<hbm>> -> memref<64x64xf32, #tpu.memory_space<hbm>>
      %dma_wait3A_1030 = arith.constant 0 : i32
      %dma_wait3A_1031 = arith.constant 0 : i32
      %dma_wait3A_1032 = tpu.memref_slice %arg10[%dma_wait3A_1023, %dma_wait3A_1030, %dma_wait3A_1031] : memref<3x64x64xf32, #tpu.memory_space<vmem>> -> memref<1x64x64xf32, #tpu.memory_space<vmem>>
      %dma_wait3A_1033 = tpu.memref_squeeze %dma_wait3A_1032 : memref<1x64x64xf32, #tpu.memory_space<vmem>> -> memref<64x64xf32, #tpu.memory_space<vmem>>
      %dma_wait3A_1034 = tpu.memref_slice %arg2[%select_n3A_937, %dma_wait3A_1022, %multiple_of3A_903, %multiple_of3A_906] : memref<16x3x512x512xf32, #tpu.memory_space<hbm>> -> memref<1x1x64x64xf32, #tpu.memory_space<hbm>>
      %dma_wait3A_1035 = tpu.memref_squeeze %dma_wait3A_1034 : memref<1x1x64x64xf32, #tpu.memory_space<hbm>> -> memref<64x64xf32, #tpu.memory_space<hbm>>
      tpu.wait_dma2 semaphore(%arg12 : memref<!tpu.dma_semaphore, #tpu.memory_space<semaphore_mem>>) src(%dma_wait3A_1035 : memref<64x64xf32, #tpu.memory_space<hbm>>) dst(%dma_wait3A_1033 : memref<64x64xf32, #tpu.memory_space<vmem>>)
      %dma_wait3A_1036 = arith.constant 0 : i32
      %dma_wait3A_1037 = arith.constant 0 : i32
      %dma_wait3A_1038 = arith.constant 0 : i32
      %dma_wait3A_1039 = arith.constant 0 : i32
      %dma_wait3A_1040 = tpu.memref_slice %arg11[%dma_wait3A_1037, %dma_wait3A_1038, %dma_wait3A_1039] : memref<1x64x64xf32, #tpu.memory_space<vmem>> -> memref<1x64x64xf32, #tpu.memory_space<vmem>>
      %dma_wait3A_1041 = tpu.memref_squeeze %dma_wait3A_1040 : memref<1x64x64xf32, #tpu.memory_space<vmem>> -> memref<64x64xf32, #tpu.memory_space<vmem>>
      %dma_wait3A_1042 = tpu.memref_slice %arg3[%select_n3A_937, %dma_wait3A_1036, %multiple_of3A_903, %multiple_of3A_906] : memref<16x1x512x512xf32, #tpu.memory_space<hbm>> -> memref<1x1x64x64xf32, #tpu.memory_space<hbm>>
      %dma_wait3A_1043 = tpu.memref_squeeze %dma_wait3A_1042 : memref<1x1x64x64xf32, #tpu.memory_space<hbm>> -> memref<64x64xf32, #tpu.memory_space<hbm>>
      %dma_wait3A_1044 = arith.constant 0 : i32
      %dma_wait3A_1045 = arith.constant 0 : i32
      %dma_wait3A_1046 = tpu.memref_slice %arg11[%dma_wait3A_1037, %dma_wait3A_1044, %dma_wait3A_1045] : memref<1x64x64xf32, #tpu.memory_space<vmem>> -> memref<1x64x64xf32, #tpu.memory_space<vmem>>
      %dma_wait3A_1047 = tpu.memref_squeeze %dma_wait3A_1046 : memref<1x64x64xf32, #tpu.memory_space<vmem>> -> memref<64x64xf32, #tpu.memory_space<vmem>>
      %dma_wait3A_1048 = tpu.memref_slice %arg3[%select_n3A_937, %dma_wait3A_1036, %multiple_of3A_903, %multiple_of3A_906] : memref<16x1x512x512xf32, #tpu.memory_space<hbm>> -> memref<1x1x64x64xf32, #tpu.memory_space<hbm>>
      %dma_wait3A_1049 = tpu.memref_squeeze %dma_wait3A_1048 : memref<1x1x64x64xf32, #tpu.memory_space<hbm>> -> memref<64x64xf32, #tpu.memory_space<hbm>>
      tpu.wait_dma2 semaphore(%arg12 : memref<!tpu.dma_semaphore, #tpu.memory_space<semaphore_mem>>) src(%dma_wait3A_1049 : memref<64x64xf32, #tpu.memory_space<hbm>>) dst(%dma_wait3A_1047 : memref<64x64xf32, #tpu.memory_space<vmem>>)
      "tpu.region"() ({
        %run_scoped3A = tpu.sem_alloc : memref<!tpu.dma_semaphore, #tpu.memory_space<semaphore_mem>>
        %dma_start3A_2391 = arith.constant 0 : i32
        %dma_start3A_2392 = arith.constant 0 : i32
        %dma_start3A_2393 = arith.constant 0 : i32
        %dma_start3A_2394 = tpu.memref_slice %arg6[%add3A_913, %dma_start3A_2391, %dma_start3A_2392, %dma_start3A_2393] : memref<1024x3x64x64xf32, #tpu.memory_space<hbm>> -> memref<1x3x64x64xf32, #tpu.memory_space<hbm>>
        %dma_start3A_2395 = tpu.memref_squeeze %dma_start3A_2394 : memref<1x3x64x64xf32, #tpu.memory_space<hbm>> -> memref<3x64x64xf32, #tpu.memory_space<hbm>>
        %dma_start3A_2396 = arith.constant 0 : i32
        %dma_start3A_2397 = arith.constant 0 : i32
        %dma_start3A_2398 = arith.constant 0 : i32
        %dma_start3A_2399 = tpu.memref_slice %arg6[%add3A_913, %dma_start3A_2396, %dma_start3A_2397, %dma_start3A_2398] : memref<1024x3x64x64xf32, #tpu.memory_space<hbm>> -> memref<1x3x64x64xf32, #tpu.memory_space<hbm>>
        %dma_start3A_2400 = tpu.memref_squeeze %dma_start3A_2399 : memref<1x3x64x64xf32, #tpu.memory_space<hbm>> -> memref<3x64x64xf32, #tpu.memory_space<hbm>>
        tpu.enqueue_dma source(%arg10 : memref<3x64x64xf32, #tpu.memory_space<vmem>>) target(%dma_start3A_2400 : memref<3x64x64xf32, #tpu.memory_space<hbm>>) target_semaphore(%run_scoped3A : memref<!tpu.dma_semaphore, #tpu.memory_space<semaphore_mem>>)
        %dma_wait3A_2401 = arith.constant 0 : i32
        %dma_wait3A_2402 = arith.constant 0 : i32
        %dma_wait3A_2403 = arith.constant 0 : i32
        %dma_wait3A_2404 = tpu.memref_slice %arg6[%add3A_913, %dma_wait3A_2401, %dma_wait3A_2402, %dma_wait3A_2403] : memref<1024x3x64x64xf32, #tpu.memory_space<hbm>> -> memref<1x3x64x64xf32, #tpu.memory_space<hbm>>
        %dma_wait3A_2405 = tpu.memref_squeeze %dma_wait3A_2404 : memref<1x3x64x64xf32, #tpu.memory_space<hbm>> -> memref<3x64x64xf32, #tpu.memory_space<hbm>>
        %dma_wait3A_2406 = arith.constant 0 : i32
        %dma_wait3A_2407 = arith.constant 0 : i32
        %dma_wait3A_2408 = arith.constant 0 : i32
        %dma_wait3A_2409 = tpu.memref_slice %arg6[%add3A_913, %dma_wait3A_2406, %dma_wait3A_2407, %dma_wait3A_2408] : memref<1024x3x64x64xf32, #tpu.memory_space<hbm>> -> memref<1x3x64x64xf32, #tpu.memory_space<hbm>>
        %dma_wait3A_2410 = tpu.memref_squeeze %dma_wait3A_2409 : memref<1x3x64x64xf32, #tpu.memory_space<hbm>> -> memref<3x64x64xf32, #tpu.memory_space<hbm>>
        tpu.wait_dma2 semaphore(%run_scoped3A : memref<!tpu.dma_semaphore, #tpu.memory_space<semaphore_mem>>) src(%arg10 : memref<3x64x64xf32, #tpu.memory_space<vmem>>) dst(%dma_wait3A_2410 : memref<3x64x64xf32, #tpu.memory_space<hbm>>)
        tpu.yield
      }) : () -> ()
      "tpu.region"() ({
        %run_scoped3A = tpu.sem_alloc : memref<!tpu.dma_semaphore, #tpu.memory_space<semaphore_mem>>
        %dma_start3A_2391 = arith.constant 0 : i32
        %dma_start3A_2392 = arith.constant 0 : i32
        %dma_start3A_2393 = arith.constant 0 : i32
        %dma_start3A_2394 = tpu.memref_slice %arg7[%add3A_913, %dma_start3A_2391, %dma_start3A_2392, %dma_start3A_2393] : memref<1024x1x64x64xf32, #tpu.memory_space<hbm>> -> memref<1x1x64x64xf32, #tpu.memory_space<hbm>>
        %dma_start3A_2395 = tpu.memref_squeeze %dma_start3A_2394 : memref<1x1x64x64xf32, #tpu.memory_space<hbm>> -> memref<1x64x64xf32, #tpu.memory_space<hbm>>
        %dma_start3A_2396 = arith.constant 0 : i32
        %dma_start3A_2397 = arith.constant 0 : i32
        %dma_start3A_2398 = arith.constant 0 : i32
        %dma_start3A_2399 = tpu.memref_slice %arg7[%add3A_913, %dma_start3A_2396, %dma_start3A_2397, %dma_start3A_2398] : memref<1024x1x64x64xf32, #tpu.memory_space<hbm>> -> memref<1x1x64x64xf32, #tpu.memory_space<hbm>>
        %dma_start3A_2400 = tpu.memref_squeeze %dma_start3A_2399 : memref<1x1x64x64xf32, #tpu.memory_space<hbm>> -> memref<1x64x64xf32, #tpu.memory_space<hbm>>
        tpu.enqueue_dma source(%arg11 : memref<1x64x64xf32, #tpu.memory_space<vmem>>) target(%dma_start3A_2400 : memref<1x64x64xf32, #tpu.memory_space<hbm>>) target_semaphore(%run_scoped3A : memref<!tpu.dma_semaphore, #tpu.memory_space<semaphore_mem>>)
        %dma_wait3A_2401 = arith.constant 0 : i32
        %dma_wait3A_2402 = arith.constant 0 : i32
        %dma_wait3A_2403 = arith.constant 0 : i32
        %dma_wait3A_2404 = tpu.memref_slice %arg7[%add3A_913, %dma_wait3A_2401, %dma_wait3A_2402, %dma_wait3A_2403] : memref<1024x1x64x64xf32, #tpu.memory_space<hbm>> -> memref<1x1x64x64xf32, #tpu.memory_space<hbm>>
        %dma_wait3A_2405 = tpu.memref_squeeze %dma_wait3A_2404 : memref<1x1x64x64xf32, #tpu.memory_space<hbm>> -> memref<1x64x64xf32, #tpu.memory_space<hbm>>
        %dma_wait3A_2406 = arith.constant 0 : i32
        %dma_wait3A_2407 = arith.constant 0 : i32
        %dma_wait3A_2408 = arith.constant 0 : i32
        %dma_wait3A_2409 = tpu.memref_slice %arg7[%add3A_913, %dma_wait3A_2406, %dma_wait3A_2407, %dma_wait3A_2408] : memref<1024x1x64x64xf32, #tpu.memory_space<hbm>> -> memref<1x1x64x64xf32, #tpu.memory_space<hbm>>
        %dma_wait3A_2410 = tpu.memref_squeeze %dma_wait3A_2409 : memref<1x1x64x64xf32, #tpu.memory_space<hbm>> -> memref<1x64x64xf32, #tpu.memory_space<hbm>>
        tpu.wait_dma2 semaphore(%run_scoped3A : memref<!tpu.dma_semaphore, #tpu.memory_space<semaphore_mem>>) src(%arg11 : memref<1x64x64xf32, #tpu.memory_space<vmem>>) dst(%dma_wait3A_2410 : memref<1x64x64xf32, #tpu.memory_space<hbm>>)
        tpu.yield
      }) : () -> ()
      %slice3A_1050 = vector.extract_strided_slice %get3A_14 {offsets = [7], sizes = [1], strides = [1]} : vector<16xi32> to vector<1xi32>
      %squeeze3A_1051 = vector.extract %slice3A_1050[0] : i32 from vector<1xi32>
      %multiple_of3A_1052 = tpu.assume_multiple %squeeze3A_1051, 16 : i32
      %slice3A_1053 = vector.extract_strided_slice %get3A_19 {offsets = [7], sizes = [1], strides = [1]} : vector<16xi32> to vector<1xi32>
      %squeeze3A_1054 = vector.extract %slice3A_1053[0] : i32 from vector<1xi32>
      %multiple_of3A_1055 = tpu.assume_multiple %squeeze3A_1054, 16 : i32
      %mul3A_1056 = arith.constant 32 : i32
      %mul3A_1057 = arith.muli %add3A, %mul3A_1056 : i32
      %mul3A_1058 = arith.constant 16 : i32
      %mul3A_1059 = arith.muli %scan3A_10, %mul3A_1058 : i32
      %add3A_1060 = arith.addi %mul3A_1057, %mul3A_1059 : i32
      %add3A_1061 = arith.constant 7 : i32
      %add3A_1062 = arith.addi %add3A_1060, %add3A_1061 : i32
      %jit3A_1063 = arith.constant 64 : i32
      %div3A_1064 = arith.divsi %add3A_1062, %jit3A_1063 : i32
      %sign3A_1065 = arith.constant 0 : i32
      %sign3A_1066 = arith.cmpi sgt, %add3A_1062, %sign3A_1065 : i32
      %sign3A_1067 = arith.extui %sign3A_1066 : i1 to i32
      %sign3A_1068 = arith.constant 0 : i32
      %sign3A_1069 = arith.cmpi slt, %add3A_1062, %sign3A_1068 : i32
      %sign3A_1070 = arith.extui %sign3A_1069 : i1 to i32
      %sign3A_1071 = arith.subi %sign3A_1067, %sign3A_1070 : i32
      %sign3A_1072 = arith.constant 0 : i32
      %sign3A_1073 = arith.cmpi sgt, %jit3A_1063, %sign3A_1072 : i32
      %sign3A_1074 = arith.extui %sign3A_1073 : i1 to i32
      %sign3A_1075 = arith.constant 0 : i32
      %sign3A_1076 = arith.cmpi slt, %jit3A_1063, %sign3A_1075 : i32
      %sign3A_1077 = arith.extui %sign3A_1076 : i1 to i32
      %sign3A_1078 = arith.subi %sign3A_1074, %sign3A_1077 : i32
      %ne3A_1079 = arith.cmpi ne, %sign3A_1071, %sign3A_1078 : i32
      %rem3A_1080 = arith.remsi %add3A_1062, %jit3A_1063 : i32
      %ne3A_1081 = arith.constant 0 : i32
      %ne3A_1082 = arith.cmpi ne, %rem3A_1080, %ne3A_1081 : i32
      %and3A_1083 = arith.andi %ne3A_1079, %ne3A_1082 : i1
      %sub3A_1084 = arith.constant 1 : i32
      %sub3A_1085 = arith.subi %div3A_1064, %sub3A_1084 : i32
      %select_n3A_1086 = arith.select %and3A_1083, %sub3A_1085, %div3A_1064 : i32
      %dma_start3A_1087 = arith.constant 0 : i32
      %dma_start3A_1088 = arith.constant 0 : i32
      %dma_start3A_1089 = arith.constant 0 : i32
      %dma_start3A_1090 = arith.constant 0 : i32
      %dma_start3A_1091 = tpu.memref_slice %arg10[%dma_start3A_1088, %dma_start3A_1089, %dma_start3A_1090] : memref<3x64x64xf32, #tpu.memory_space<vmem>> -> memref<1x64x64xf32, #tpu.memory_space<vmem>>
      %dma_start3A_1092 = tpu.memref_squeeze %dma_start3A_1091 : memref<1x64x64xf32, #tpu.memory_space<vmem>> -> memref<64x64xf32, #tpu.memory_space<vmem>>
      %dma_start3A_1093 = tpu.memref_slice %arg2[%select_n3A_1086, %dma_start3A_1087, %multiple_of3A_1052, %multiple_of3A_1055] : memref<16x3x512x512xf32, #tpu.memory_space<hbm>> -> memref<1x1x64x64xf32, #tpu.memory_space<hbm>>
      %dma_start3A_1094 = tpu.memref_squeeze %dma_start3A_1093 : memref<1x1x64x64xf32, #tpu.memory_space<hbm>> -> memref<64x64xf32, #tpu.memory_space<hbm>>
      %dma_start3A_1095 = arith.constant 0 : i32
      %dma_start3A_1096 = arith.constant 0 : i32
      %dma_start3A_1097 = tpu.memref_slice %arg10[%dma_start3A_1088, %dma_start3A_1095, %dma_start3A_1096] : memref<3x64x64xf32, #tpu.memory_space<vmem>> -> memref<1x64x64xf32, #tpu.memory_space<vmem>>
      %dma_start3A_1098 = tpu.memref_squeeze %dma_start3A_1097 : memref<1x64x64xf32, #tpu.memory_space<vmem>> -> memref<64x64xf32, #tpu.memory_space<vmem>>
      %dma_start3A_1099 = tpu.memref_slice %arg2[%select_n3A_1086, %dma_start3A_1087, %multiple_of3A_1052, %multiple_of3A_1055] : memref<16x3x512x512xf32, #tpu.memory_space<hbm>> -> memref<1x1x64x64xf32, #tpu.memory_space<hbm>>
      %dma_start3A_1100 = tpu.memref_squeeze %dma_start3A_1099 : memref<1x1x64x64xf32, #tpu.memory_space<hbm>> -> memref<64x64xf32, #tpu.memory_space<hbm>>
      tpu.enqueue_dma source(%dma_start3A_1100 : memref<64x64xf32, #tpu.memory_space<hbm>>) target(%dma_start3A_1098 : memref<64x64xf32, #tpu.memory_space<vmem>>) target_semaphore(%arg12 : memref<!tpu.dma_semaphore, #tpu.memory_space<semaphore_mem>>)
      %dma_start3A_1101 = arith.constant 1 : i32
      %dma_start3A_1102 = arith.constant 1 : i32
      %dma_start3A_1103 = arith.constant 0 : i32
      %dma_start3A_1104 = arith.constant 0 : i32
      %dma_start3A_1105 = tpu.memref_slice %arg10[%dma_start3A_1102, %dma_start3A_1103, %dma_start3A_1104] : memref<3x64x64xf32, #tpu.memory_space<vmem>> -> memref<1x64x64xf32, #tpu.memory_space<vmem>>
      %dma_start3A_1106 = tpu.memref_squeeze %dma_start3A_1105 : memref<1x64x64xf32, #tpu.memory_space<vmem>> -> memref<64x64xf32, #tpu.memory_space<vmem>>
      %dma_start3A_1107 = tpu.memref_slice %arg2[%select_n3A_1086, %dma_start3A_1101, %multiple_of3A_1052, %multiple_of3A_1055] : memref<16x3x512x512xf32, #tpu.memory_space<hbm>> -> memref<1x1x64x64xf32, #tpu.memory_space<hbm>>
      %dma_start3A_1108 = tpu.memref_squeeze %dma_start3A_1107 : memref<1x1x64x64xf32, #tpu.memory_space<hbm>> -> memref<64x64xf32, #tpu.memory_space<hbm>>
      %dma_start3A_1109 = arith.constant 0 : i32
      %dma_start3A_1110 = arith.constant 0 : i32
      %dma_start3A_1111 = tpu.memref_slice %arg10[%dma_start3A_1102, %dma_start3A_1109, %dma_start3A_1110] : memref<3x64x64xf32, #tpu.memory_space<vmem>> -> memref<1x64x64xf32, #tpu.memory_space<vmem>>
      %dma_start3A_1112 = tpu.memref_squeeze %dma_start3A_1111 : memref<1x64x64xf32, #tpu.memory_space<vmem>> -> memref<64x64xf32, #tpu.memory_space<vmem>>
      %dma_start3A_1113 = tpu.memref_slice %arg2[%select_n3A_1086, %dma_start3A_1101, %multiple_of3A_1052, %multiple_of3A_1055] : memref<16x3x512x512xf32, #tpu.memory_space<hbm>> -> memref<1x1x64x64xf32, #tpu.memory_space<hbm>>
      %dma_start3A_1114 = tpu.memref_squeeze %dma_start3A_1113 : memref<1x1x64x64xf32, #tpu.memory_space<hbm>> -> memref<64x64xf32, #tpu.memory_space<hbm>>
      tpu.enqueue_dma source(%dma_start3A_1114 : memref<64x64xf32, #tpu.memory_space<hbm>>) target(%dma_start3A_1112 : memref<64x64xf32, #tpu.memory_space<vmem>>) target_semaphore(%arg12 : memref<!tpu.dma_semaphore, #tpu.memory_space<semaphore_mem>>)
      %dma_start3A_1115 = arith.constant 2 : i32
      %dma_start3A_1116 = arith.constant 2 : i32
      %dma_start3A_1117 = arith.constant 0 : i32
      %dma_start3A_1118 = arith.constant 0 : i32
      %dma_start3A_1119 = tpu.memref_slice %arg10[%dma_start3A_1116, %dma_start3A_1117, %dma_start3A_1118] : memref<3x64x64xf32, #tpu.memory_space<vmem>> -> memref<1x64x64xf32, #tpu.memory_space<vmem>>
      %dma_start3A_1120 = tpu.memref_squeeze %dma_start3A_1119 : memref<1x64x64xf32, #tpu.memory_space<vmem>> -> memref<64x64xf32, #tpu.memory_space<vmem>>
      %dma_start3A_1121 = tpu.memref_slice %arg2[%select_n3A_1086, %dma_start3A_1115, %multiple_of3A_1052, %multiple_of3A_1055] : memref<16x3x512x512xf32, #tpu.memory_space<hbm>> -> memref<1x1x64x64xf32, #tpu.memory_space<hbm>>
      %dma_start3A_1122 = tpu.memref_squeeze %dma_start3A_1121 : memref<1x1x64x64xf32, #tpu.memory_space<hbm>> -> memref<64x64xf32, #tpu.memory_space<hbm>>
      %dma_start3A_1123 = arith.constant 0 : i32
      %dma_start3A_1124 = arith.constant 0 : i32
      %dma_start3A_1125 = tpu.memref_slice %arg10[%dma_start3A_1116, %dma_start3A_1123, %dma_start3A_1124] : memref<3x64x64xf32, #tpu.memory_space<vmem>> -> memref<1x64x64xf32, #tpu.memory_space<vmem>>
      %dma_start3A_1126 = tpu.memref_squeeze %dma_start3A_1125 : memref<1x64x64xf32, #tpu.memory_space<vmem>> -> memref<64x64xf32, #tpu.memory_space<vmem>>
      %dma_start3A_1127 = tpu.memref_slice %arg2[%select_n3A_1086, %dma_start3A_1115, %multiple_of3A_1052, %multiple_of3A_1055] : memref<16x3x512x512xf32, #tpu.memory_space<hbm>> -> memref<1x1x64x64xf32, #tpu.memory_space<hbm>>
      %dma_start3A_1128 = tpu.memref_squeeze %dma_start3A_1127 : memref<1x1x64x64xf32, #tpu.memory_space<hbm>> -> memref<64x64xf32, #tpu.memory_space<hbm>>
      tpu.enqueue_dma source(%dma_start3A_1128 : memref<64x64xf32, #tpu.memory_space<hbm>>) target(%dma_start3A_1126 : memref<64x64xf32, #tpu.memory_space<vmem>>) target_semaphore(%arg12 : memref<!tpu.dma_semaphore, #tpu.memory_space<semaphore_mem>>)
      %dma_start3A_1129 = arith.constant 0 : i32
      %dma_start3A_1130 = arith.constant 0 : i32
      %dma_start3A_1131 = arith.constant 0 : i32
      %dma_start3A_1132 = arith.constant 0 : i32
      %dma_start3A_1133 = tpu.memref_slice %arg11[%dma_start3A_1130, %dma_start3A_1131, %dma_start3A_1132] : memref<1x64x64xf32, #tpu.memory_space<vmem>> -> memref<1x64x64xf32, #tpu.memory_space<vmem>>
      %dma_start3A_1134 = tpu.memref_squeeze %dma_start3A_1133 : memref<1x64x64xf32, #tpu.memory_space<vmem>> -> memref<64x64xf32, #tpu.memory_space<vmem>>
      %dma_start3A_1135 = tpu.memref_slice %arg3[%select_n3A_1086, %dma_start3A_1129, %multiple_of3A_1052, %multiple_of3A_1055] : memref<16x1x512x512xf32, #tpu.memory_space<hbm>> -> memref<1x1x64x64xf32, #tpu.memory_space<hbm>>
      %dma_start3A_1136 = tpu.memref_squeeze %dma_start3A_1135 : memref<1x1x64x64xf32, #tpu.memory_space<hbm>> -> memref<64x64xf32, #tpu.memory_space<hbm>>
      %dma_start3A_1137 = arith.constant 0 : i32
      %dma_start3A_1138 = arith.constant 0 : i32
      %dma_start3A_1139 = tpu.memref_slice %arg11[%dma_start3A_1130, %dma_start3A_1137, %dma_start3A_1138] : memref<1x64x64xf32, #tpu.memory_space<vmem>> -> memref<1x64x64xf32, #tpu.memory_space<vmem>>
      %dma_start3A_1140 = tpu.memref_squeeze %dma_start3A_1139 : memref<1x64x64xf32, #tpu.memory_space<vmem>> -> memref<64x64xf32, #tpu.memory_space<vmem>>
      %dma_start3A_1141 = tpu.memref_slice %arg3[%select_n3A_1086, %dma_start3A_1129, %multiple_of3A_1052, %multiple_of3A_1055] : memref<16x1x512x512xf32, #tpu.memory_space<hbm>> -> memref<1x1x64x64xf32, #tpu.memory_space<hbm>>
      %dma_start3A_1142 = tpu.memref_squeeze %dma_start3A_1141 : memref<1x1x64x64xf32, #tpu.memory_space<hbm>> -> memref<64x64xf32, #tpu.memory_space<hbm>>
      tpu.enqueue_dma source(%dma_start3A_1142 : memref<64x64xf32, #tpu.memory_space<hbm>>) target(%dma_start3A_1140 : memref<64x64xf32, #tpu.memory_space<vmem>>) target_semaphore(%arg12 : memref<!tpu.dma_semaphore, #tpu.memory_space<semaphore_mem>>)
      %dma_wait3A_1143 = arith.constant 0 : i32
      %dma_wait3A_1144 = arith.constant 0 : i32
      %dma_wait3A_1145 = arith.constant 0 : i32
      %dma_wait3A_1146 = arith.constant 0 : i32
      %dma_wait3A_1147 = tpu.memref_slice %arg10[%dma_wait3A_1144, %dma_wait3A_1145, %dma_wait3A_1146] : memref<3x64x64xf32, #tpu.memory_space<vmem>> -> memref<1x64x64xf32, #tpu.memory_space<vmem>>
      %dma_wait3A_1148 = tpu.memref_squeeze %dma_wait3A_1147 : memref<1x64x64xf32, #tpu.memory_space<vmem>> -> memref<64x64xf32, #tpu.memory_space<vmem>>
      %dma_wait3A_1149 = tpu.memref_slice %arg2[%select_n3A_1086, %dma_wait3A_1143, %multiple_of3A_1052, %multiple_of3A_1055] : memref<16x3x512x512xf32, #tpu.memory_space<hbm>> -> memref<1x1x64x64xf32, #tpu.memory_space<hbm>>
      %dma_wait3A_1150 = tpu.memref_squeeze %dma_wait3A_1149 : memref<1x1x64x64xf32, #tpu.memory_space<hbm>> -> memref<64x64xf32, #tpu.memory_space<hbm>>
      %dma_wait3A_1151 = arith.constant 0 : i32
      %dma_wait3A_1152 = arith.constant 0 : i32
      %dma_wait3A_1153 = tpu.memref_slice %arg10[%dma_wait3A_1144, %dma_wait3A_1151, %dma_wait3A_1152] : memref<3x64x64xf32, #tpu.memory_space<vmem>> -> memref<1x64x64xf32, #tpu.memory_space<vmem>>
      %dma_wait3A_1154 = tpu.memref_squeeze %dma_wait3A_1153 : memref<1x64x64xf32, #tpu.memory_space<vmem>> -> memref<64x64xf32, #tpu.memory_space<vmem>>
      %dma_wait3A_1155 = tpu.memref_slice %arg2[%select_n3A_1086, %dma_wait3A_1143, %multiple_of3A_1052, %multiple_of3A_1055] : memref<16x3x512x512xf32, #tpu.memory_space<hbm>> -> memref<1x1x64x64xf32, #tpu.memory_space<hbm>>
      %dma_wait3A_1156 = tpu.memref_squeeze %dma_wait3A_1155 : memref<1x1x64x64xf32, #tpu.memory_space<hbm>> -> memref<64x64xf32, #tpu.memory_space<hbm>>
      tpu.wait_dma2 semaphore(%arg12 : memref<!tpu.dma_semaphore, #tpu.memory_space<semaphore_mem>>) src(%dma_wait3A_1156 : memref<64x64xf32, #tpu.memory_space<hbm>>) dst(%dma_wait3A_1154 : memref<64x64xf32, #tpu.memory_space<vmem>>)
      %dma_wait3A_1157 = arith.constant 1 : i32
      %dma_wait3A_1158 = arith.constant 1 : i32
      %dma_wait3A_1159 = arith.constant 0 : i32
      %dma_wait3A_1160 = arith.constant 0 : i32
      %dma_wait3A_1161 = tpu.memref_slice %arg10[%dma_wait3A_1158, %dma_wait3A_1159, %dma_wait3A_1160] : memref<3x64x64xf32, #tpu.memory_space<vmem>> -> memref<1x64x64xf32, #tpu.memory_space<vmem>>
      %dma_wait3A_1162 = tpu.memref_squeeze %dma_wait3A_1161 : memref<1x64x64xf32, #tpu.memory_space<vmem>> -> memref<64x64xf32, #tpu.memory_space<vmem>>
      %dma_wait3A_1163 = tpu.memref_slice %arg2[%select_n3A_1086, %dma_wait3A_1157, %multiple_of3A_1052, %multiple_of3A_1055] : memref<16x3x512x512xf32, #tpu.memory_space<hbm>> -> memref<1x1x64x64xf32, #tpu.memory_space<hbm>>
      %dma_wait3A_1164 = tpu.memref_squeeze %dma_wait3A_1163 : memref<1x1x64x64xf32, #tpu.memory_space<hbm>> -> memref<64x64xf32, #tpu.memory_space<hbm>>
      %dma_wait3A_1165 = arith.constant 0 : i32
      %dma_wait3A_1166 = arith.constant 0 : i32
      %dma_wait3A_1167 = tpu.memref_slice %arg10[%dma_wait3A_1158, %dma_wait3A_1165, %dma_wait3A_1166] : memref<3x64x64xf32, #tpu.memory_space<vmem>> -> memref<1x64x64xf32, #tpu.memory_space<vmem>>
      %dma_wait3A_1168 = tpu.memref_squeeze %dma_wait3A_1167 : memref<1x64x64xf32, #tpu.memory_space<vmem>> -> memref<64x64xf32, #tpu.memory_space<vmem>>
      %dma_wait3A_1169 = tpu.memref_slice %arg2[%select_n3A_1086, %dma_wait3A_1157, %multiple_of3A_1052, %multiple_of3A_1055] : memref<16x3x512x512xf32, #tpu.memory_space<hbm>> -> memref<1x1x64x64xf32, #tpu.memory_space<hbm>>
      %dma_wait3A_1170 = tpu.memref_squeeze %dma_wait3A_1169 : memref<1x1x64x64xf32, #tpu.memory_space<hbm>> -> memref<64x64xf32, #tpu.memory_space<hbm>>
      tpu.wait_dma2 semaphore(%arg12 : memref<!tpu.dma_semaphore, #tpu.memory_space<semaphore_mem>>) src(%dma_wait3A_1170 : memref<64x64xf32, #tpu.memory_space<hbm>>) dst(%dma_wait3A_1168 : memref<64x64xf32, #tpu.memory_space<vmem>>)
      %dma_wait3A_1171 = arith.constant 2 : i32
      %dma_wait3A_1172 = arith.constant 2 : i32
      %dma_wait3A_1173 = arith.constant 0 : i32
      %dma_wait3A_1174 = arith.constant 0 : i32
      %dma_wait3A_1175 = tpu.memref_slice %arg10[%dma_wait3A_1172, %dma_wait3A_1173, %dma_wait3A_1174] : memref<3x64x64xf32, #tpu.memory_space<vmem>> -> memref<1x64x64xf32, #tpu.memory_space<vmem>>
      %dma_wait3A_1176 = tpu.memref_squeeze %dma_wait3A_1175 : memref<1x64x64xf32, #tpu.memory_space<vmem>> -> memref<64x64xf32, #tpu.memory_space<vmem>>
      %dma_wait3A_1177 = tpu.memref_slice %arg2[%select_n3A_1086, %dma_wait3A_1171, %multiple_of3A_1052, %multiple_of3A_1055] : memref<16x3x512x512xf32, #tpu.memory_space<hbm>> -> memref<1x1x64x64xf32, #tpu.memory_space<hbm>>
      %dma_wait3A_1178 = tpu.memref_squeeze %dma_wait3A_1177 : memref<1x1x64x64xf32, #tpu.memory_space<hbm>> -> memref<64x64xf32, #tpu.memory_space<hbm>>
      %dma_wait3A_1179 = arith.constant 0 : i32
      %dma_wait3A_1180 = arith.constant 0 : i32
      %dma_wait3A_1181 = tpu.memref_slice %arg10[%dma_wait3A_1172, %dma_wait3A_1179, %dma_wait3A_1180] : memref<3x64x64xf32, #tpu.memory_space<vmem>> -> memref<1x64x64xf32, #tpu.memory_space<vmem>>
      %dma_wait3A_1182 = tpu.memref_squeeze %dma_wait3A_1181 : memref<1x64x64xf32, #tpu.memory_space<vmem>> -> memref<64x64xf32, #tpu.memory_space<vmem>>
      %dma_wait3A_1183 = tpu.memref_slice %arg2[%select_n3A_1086, %dma_wait3A_1171, %multiple_of3A_1052, %multiple_of3A_1055] : memref<16x3x512x512xf32, #tpu.memory_space<hbm>> -> memref<1x1x64x64xf32, #tpu.memory_space<hbm>>
      %dma_wait3A_1184 = tpu.memref_squeeze %dma_wait3A_1183 : memref<1x1x64x64xf32, #tpu.memory_space<hbm>> -> memref<64x64xf32, #tpu.memory_space<hbm>>
      tpu.wait_dma2 semaphore(%arg12 : memref<!tpu.dma_semaphore, #tpu.memory_space<semaphore_mem>>) src(%dma_wait3A_1184 : memref<64x64xf32, #tpu.memory_space<hbm>>) dst(%dma_wait3A_1182 : memref<64x64xf32, #tpu.memory_space<vmem>>)
      %dma_wait3A_1185 = arith.constant 0 : i32
      %dma_wait3A_1186 = arith.constant 0 : i32
      %dma_wait3A_1187 = arith.constant 0 : i32
      %dma_wait3A_1188 = arith.constant 0 : i32
      %dma_wait3A_1189 = tpu.memref_slice %arg11[%dma_wait3A_1186, %dma_wait3A_1187, %dma_wait3A_1188] : memref<1x64x64xf32, #tpu.memory_space<vmem>> -> memref<1x64x64xf32, #tpu.memory_space<vmem>>
      %dma_wait3A_1190 = tpu.memref_squeeze %dma_wait3A_1189 : memref<1x64x64xf32, #tpu.memory_space<vmem>> -> memref<64x64xf32, #tpu.memory_space<vmem>>
      %dma_wait3A_1191 = tpu.memref_slice %arg3[%select_n3A_1086, %dma_wait3A_1185, %multiple_of3A_1052, %multiple_of3A_1055] : memref<16x1x512x512xf32, #tpu.memory_space<hbm>> -> memref<1x1x64x64xf32, #tpu.memory_space<hbm>>
      %dma_wait3A_1192 = tpu.memref_squeeze %dma_wait3A_1191 : memref<1x1x64x64xf32, #tpu.memory_space<hbm>> -> memref<64x64xf32, #tpu.memory_space<hbm>>
      %dma_wait3A_1193 = arith.constant 0 : i32
      %dma_wait3A_1194 = arith.constant 0 : i32
      %dma_wait3A_1195 = tpu.memref_slice %arg11[%dma_wait3A_1186, %dma_wait3A_1193, %dma_wait3A_1194] : memref<1x64x64xf32, #tpu.memory_space<vmem>> -> memref<1x64x64xf32, #tpu.memory_space<vmem>>
      %dma_wait3A_1196 = tpu.memref_squeeze %dma_wait3A_1195 : memref<1x64x64xf32, #tpu.memory_space<vmem>> -> memref<64x64xf32, #tpu.memory_space<vmem>>
      %dma_wait3A_1197 = tpu.memref_slice %arg3[%select_n3A_1086, %dma_wait3A_1185, %multiple_of3A_1052, %multiple_of3A_1055] : memref<16x1x512x512xf32, #tpu.memory_space<hbm>> -> memref<1x1x64x64xf32, #tpu.memory_space<hbm>>
      %dma_wait3A_1198 = tpu.memref_squeeze %dma_wait3A_1197 : memref<1x1x64x64xf32, #tpu.memory_space<hbm>> -> memref<64x64xf32, #tpu.memory_space<hbm>>
      tpu.wait_dma2 semaphore(%arg12 : memref<!tpu.dma_semaphore, #tpu.memory_space<semaphore_mem>>) src(%dma_wait3A_1198 : memref<64x64xf32, #tpu.memory_space<hbm>>) dst(%dma_wait3A_1196 : memref<64x64xf32, #tpu.memory_space<vmem>>)
      "tpu.region"() ({
        %run_scoped3A = tpu.sem_alloc : memref<!tpu.dma_semaphore, #tpu.memory_space<semaphore_mem>>
        %dma_start3A_2391 = arith.constant 0 : i32
        %dma_start3A_2392 = arith.constant 0 : i32
        %dma_start3A_2393 = arith.constant 0 : i32
        %dma_start3A_2394 = tpu.memref_slice %arg6[%add3A_1062, %dma_start3A_2391, %dma_start3A_2392, %dma_start3A_2393] : memref<1024x3x64x64xf32, #tpu.memory_space<hbm>> -> memref<1x3x64x64xf32, #tpu.memory_space<hbm>>
        %dma_start3A_2395 = tpu.memref_squeeze %dma_start3A_2394 : memref<1x3x64x64xf32, #tpu.memory_space<hbm>> -> memref<3x64x64xf32, #tpu.memory_space<hbm>>
        %dma_start3A_2396 = arith.constant 0 : i32
        %dma_start3A_2397 = arith.constant 0 : i32
        %dma_start3A_2398 = arith.constant 0 : i32
        %dma_start3A_2399 = tpu.memref_slice %arg6[%add3A_1062, %dma_start3A_2396, %dma_start3A_2397, %dma_start3A_2398] : memref<1024x3x64x64xf32, #tpu.memory_space<hbm>> -> memref<1x3x64x64xf32, #tpu.memory_space<hbm>>
        %dma_start3A_2400 = tpu.memref_squeeze %dma_start3A_2399 : memref<1x3x64x64xf32, #tpu.memory_space<hbm>> -> memref<3x64x64xf32, #tpu.memory_space<hbm>>
        tpu.enqueue_dma source(%arg10 : memref<3x64x64xf32, #tpu.memory_space<vmem>>) target(%dma_start3A_2400 : memref<3x64x64xf32, #tpu.memory_space<hbm>>) target_semaphore(%run_scoped3A : memref<!tpu.dma_semaphore, #tpu.memory_space<semaphore_mem>>)
        %dma_wait3A_2401 = arith.constant 0 : i32
        %dma_wait3A_2402 = arith.constant 0 : i32
        %dma_wait3A_2403 = arith.constant 0 : i32
        %dma_wait3A_2404 = tpu.memref_slice %arg6[%add3A_1062, %dma_wait3A_2401, %dma_wait3A_2402, %dma_wait3A_2403] : memref<1024x3x64x64xf32, #tpu.memory_space<hbm>> -> memref<1x3x64x64xf32, #tpu.memory_space<hbm>>
        %dma_wait3A_2405 = tpu.memref_squeeze %dma_wait3A_2404 : memref<1x3x64x64xf32, #tpu.memory_space<hbm>> -> memref<3x64x64xf32, #tpu.memory_space<hbm>>
        %dma_wait3A_2406 = arith.constant 0 : i32
        %dma_wait3A_2407 = arith.constant 0 : i32
        %dma_wait3A_2408 = arith.constant 0 : i32
        %dma_wait3A_2409 = tpu.memref_slice %arg6[%add3A_1062, %dma_wait3A_2406, %dma_wait3A_2407, %dma_wait3A_2408] : memref<1024x3x64x64xf32, #tpu.memory_space<hbm>> -> memref<1x3x64x64xf32, #tpu.memory_space<hbm>>
        %dma_wait3A_2410 = tpu.memref_squeeze %dma_wait3A_2409 : memref<1x3x64x64xf32, #tpu.memory_space<hbm>> -> memref<3x64x64xf32, #tpu.memory_space<hbm>>
        tpu.wait_dma2 semaphore(%run_scoped3A : memref<!tpu.dma_semaphore, #tpu.memory_space<semaphore_mem>>) src(%arg10 : memref<3x64x64xf32, #tpu.memory_space<vmem>>) dst(%dma_wait3A_2410 : memref<3x64x64xf32, #tpu.memory_space<hbm>>)
        tpu.yield
      }) : () -> ()
      "tpu.region"() ({
        %run_scoped3A = tpu.sem_alloc : memref<!tpu.dma_semaphore, #tpu.memory_space<semaphore_mem>>
        %dma_start3A_2391 = arith.constant 0 : i32
        %dma_start3A_2392 = arith.constant 0 : i32
        %dma_start3A_2393 = arith.constant 0 : i32
        %dma_start3A_2394 = tpu.memref_slice %arg7[%add3A_1062, %dma_start3A_2391, %dma_start3A_2392, %dma_start3A_2393] : memref<1024x1x64x64xf32, #tpu.memory_space<hbm>> -> memref<1x1x64x64xf32, #tpu.memory_space<hbm>>
        %dma_start3A_2395 = tpu.memref_squeeze %dma_start3A_2394 : memref<1x1x64x64xf32, #tpu.memory_space<hbm>> -> memref<1x64x64xf32, #tpu.memory_space<hbm>>
        %dma_start3A_2396 = arith.constant 0 : i32
        %dma_start3A_2397 = arith.constant 0 : i32
        %dma_start3A_2398 = arith.constant 0 : i32
        %dma_start3A_2399 = tpu.memref_slice %arg7[%add3A_1062, %dma_start3A_2396, %dma_start3A_2397, %dma_start3A_2398] : memref<1024x1x64x64xf32, #tpu.memory_space<hbm>> -> memref<1x1x64x64xf32, #tpu.memory_space<hbm>>
        %dma_start3A_2400 = tpu.memref_squeeze %dma_start3A_2399 : memref<1x1x64x64xf32, #tpu.memory_space<hbm>> -> memref<1x64x64xf32, #tpu.memory_space<hbm>>
        tpu.enqueue_dma source(%arg11 : memref<1x64x64xf32, #tpu.memory_space<vmem>>) target(%dma_start3A_2400 : memref<1x64x64xf32, #tpu.memory_space<hbm>>) target_semaphore(%run_scoped3A : memref<!tpu.dma_semaphore, #tpu.memory_space<semaphore_mem>>)
        %dma_wait3A_2401 = arith.constant 0 : i32
        %dma_wait3A_2402 = arith.constant 0 : i32
        %dma_wait3A_2403 = arith.constant 0 : i32
        %dma_wait3A_2404 = tpu.memref_slice %arg7[%add3A_1062, %dma_wait3A_2401, %dma_wait3A_2402, %dma_wait3A_2403] : memref<1024x1x64x64xf32, #tpu.memory_space<hbm>> -> memref<1x1x64x64xf32, #tpu.memory_space<hbm>>
        %dma_wait3A_2405 = tpu.memref_squeeze %dma_wait3A_2404 : memref<1x1x64x64xf32, #tpu.memory_space<hbm>> -> memref<1x64x64xf32, #tpu.memory_space<hbm>>
        %dma_wait3A_2406 = arith.constant 0 : i32
        %dma_wait3A_2407 = arith.constant 0 : i32
        %dma_wait3A_2408 = arith.constant 0 : i32
        %dma_wait3A_2409 = tpu.memref_slice %arg7[%add3A_1062, %dma_wait3A_2406, %dma_wait3A_2407, %dma_wait3A_2408] : memref<1024x1x64x64xf32, #tpu.memory_space<hbm>> -> memref<1x1x64x64xf32, #tpu.memory_space<hbm>>
        %dma_wait3A_2410 = tpu.memref_squeeze %dma_wait3A_2409 : memref<1x1x64x64xf32, #tpu.memory_space<hbm>> -> memref<1x64x64xf32, #tpu.memory_space<hbm>>
        tpu.wait_dma2 semaphore(%run_scoped3A : memref<!tpu.dma_semaphore, #tpu.memory_space<semaphore_mem>>) src(%arg11 : memref<1x64x64xf32, #tpu.memory_space<vmem>>) dst(%dma_wait3A_2410 : memref<1x64x64xf32, #tpu.memory_space<hbm>>)
        tpu.yield
      }) : () -> ()
      %slice3A_1199 = vector.extract_strided_slice %get3A_14 {offsets = [8], sizes = [1], strides = [1]} : vector<16xi32> to vector<1xi32>
      %squeeze3A_1200 = vector.extract %slice3A_1199[0] : i32 from vector<1xi32>
      %multiple_of3A_1201 = tpu.assume_multiple %squeeze3A_1200, 16 : i32
      %slice3A_1202 = vector.extract_strided_slice %get3A_19 {offsets = [8], sizes = [1], strides = [1]} : vector<16xi32> to vector<1xi32>
      %squeeze3A_1203 = vector.extract %slice3A_1202[0] : i32 from vector<1xi32>
      %multiple_of3A_1204 = tpu.assume_multiple %squeeze3A_1203, 16 : i32
      %mul3A_1205 = arith.constant 32 : i32
      %mul3A_1206 = arith.muli %add3A, %mul3A_1205 : i32
      %mul3A_1207 = arith.constant 16 : i32
      %mul3A_1208 = arith.muli %scan3A_10, %mul3A_1207 : i32
      %add3A_1209 = arith.addi %mul3A_1206, %mul3A_1208 : i32
      %add3A_1210 = arith.constant 8 : i32
      %add3A_1211 = arith.addi %add3A_1209, %add3A_1210 : i32
      %jit3A_1212 = arith.constant 64 : i32
      %div3A_1213 = arith.divsi %add3A_1211, %jit3A_1212 : i32
      %sign3A_1214 = arith.constant 0 : i32
      %sign3A_1215 = arith.cmpi sgt, %add3A_1211, %sign3A_1214 : i32
      %sign3A_1216 = arith.extui %sign3A_1215 : i1 to i32
      %sign3A_1217 = arith.constant 0 : i32
      %sign3A_1218 = arith.cmpi slt, %add3A_1211, %sign3A_1217 : i32
      %sign3A_1219 = arith.extui %sign3A_1218 : i1 to i32
      %sign3A_1220 = arith.subi %sign3A_1216, %sign3A_1219 : i32
      %sign3A_1221 = arith.constant 0 : i32
      %sign3A_1222 = arith.cmpi sgt, %jit3A_1212, %sign3A_1221 : i32
      %sign3A_1223 = arith.extui %sign3A_1222 : i1 to i32
      %sign3A_1224 = arith.constant 0 : i32
      %sign3A_1225 = arith.cmpi slt, %jit3A_1212, %sign3A_1224 : i32
      %sign3A_1226 = arith.extui %sign3A_1225 : i1 to i32
      %sign3A_1227 = arith.subi %sign3A_1223, %sign3A_1226 : i32
      %ne3A_1228 = arith.cmpi ne, %sign3A_1220, %sign3A_1227 : i32
      %rem3A_1229 = arith.remsi %add3A_1211, %jit3A_1212 : i32
      %ne3A_1230 = arith.constant 0 : i32
      %ne3A_1231 = arith.cmpi ne, %rem3A_1229, %ne3A_1230 : i32
      %and3A_1232 = arith.andi %ne3A_1228, %ne3A_1231 : i1
      %sub3A_1233 = arith.constant 1 : i32
      %sub3A_1234 = arith.subi %div3A_1213, %sub3A_1233 : i32
      %select_n3A_1235 = arith.select %and3A_1232, %sub3A_1234, %div3A_1213 : i32
      %dma_start3A_1236 = arith.constant 0 : i32
      %dma_start3A_1237 = arith.constant 0 : i32
      %dma_start3A_1238 = arith.constant 0 : i32
      %dma_start3A_1239 = arith.constant 0 : i32
      %dma_start3A_1240 = tpu.memref_slice %arg10[%dma_start3A_1237, %dma_start3A_1238, %dma_start3A_1239] : memref<3x64x64xf32, #tpu.memory_space<vmem>> -> memref<1x64x64xf32, #tpu.memory_space<vmem>>
      %dma_start3A_1241 = tpu.memref_squeeze %dma_start3A_1240 : memref<1x64x64xf32, #tpu.memory_space<vmem>> -> memref<64x64xf32, #tpu.memory_space<vmem>>
      %dma_start3A_1242 = tpu.memref_slice %arg2[%select_n3A_1235, %dma_start3A_1236, %multiple_of3A_1201, %multiple_of3A_1204] : memref<16x3x512x512xf32, #tpu.memory_space<hbm>> -> memref<1x1x64x64xf32, #tpu.memory_space<hbm>>
      %dma_start3A_1243 = tpu.memref_squeeze %dma_start3A_1242 : memref<1x1x64x64xf32, #tpu.memory_space<hbm>> -> memref<64x64xf32, #tpu.memory_space<hbm>>
      %dma_start3A_1244 = arith.constant 0 : i32
      %dma_start3A_1245 = arith.constant 0 : i32
      %dma_start3A_1246 = tpu.memref_slice %arg10[%dma_start3A_1237, %dma_start3A_1244, %dma_start3A_1245] : memref<3x64x64xf32, #tpu.memory_space<vmem>> -> memref<1x64x64xf32, #tpu.memory_space<vmem>>
      %dma_start3A_1247 = tpu.memref_squeeze %dma_start3A_1246 : memref<1x64x64xf32, #tpu.memory_space<vmem>> -> memref<64x64xf32, #tpu.memory_space<vmem>>
      %dma_start3A_1248 = tpu.memref_slice %arg2[%select_n3A_1235, %dma_start3A_1236, %multiple_of3A_1201, %multiple_of3A_1204] : memref<16x3x512x512xf32, #tpu.memory_space<hbm>> -> memref<1x1x64x64xf32, #tpu.memory_space<hbm>>
      %dma_start3A_1249 = tpu.memref_squeeze %dma_start3A_1248 : memref<1x1x64x64xf32, #tpu.memory_space<hbm>> -> memref<64x64xf32, #tpu.memory_space<hbm>>
      tpu.enqueue_dma source(%dma_start3A_1249 : memref<64x64xf32, #tpu.memory_space<hbm>>) target(%dma_start3A_1247 : memref<64x64xf32, #tpu.memory_space<vmem>>) target_semaphore(%arg12 : memref<!tpu.dma_semaphore, #tpu.memory_space<semaphore_mem>>)
      %dma_start3A_1250 = arith.constant 1 : i32
      %dma_start3A_1251 = arith.constant 1 : i32
      %dma_start3A_1252 = arith.constant 0 : i32
      %dma_start3A_1253 = arith.constant 0 : i32
      %dma_start3A_1254 = tpu.memref_slice %arg10[%dma_start3A_1251, %dma_start3A_1252, %dma_start3A_1253] : memref<3x64x64xf32, #tpu.memory_space<vmem>> -> memref<1x64x64xf32, #tpu.memory_space<vmem>>
      %dma_start3A_1255 = tpu.memref_squeeze %dma_start3A_1254 : memref<1x64x64xf32, #tpu.memory_space<vmem>> -> memref<64x64xf32, #tpu.memory_space<vmem>>
      %dma_start3A_1256 = tpu.memref_slice %arg2[%select_n3A_1235, %dma_start3A_1250, %multiple_of3A_1201, %multiple_of3A_1204] : memref<16x3x512x512xf32, #tpu.memory_space<hbm>> -> memref<1x1x64x64xf32, #tpu.memory_space<hbm>>
      %dma_start3A_1257 = tpu.memref_squeeze %dma_start3A_1256 : memref<1x1x64x64xf32, #tpu.memory_space<hbm>> -> memref<64x64xf32, #tpu.memory_space<hbm>>
      %dma_start3A_1258 = arith.constant 0 : i32
      %dma_start3A_1259 = arith.constant 0 : i32
      %dma_start3A_1260 = tpu.memref_slice %arg10[%dma_start3A_1251, %dma_start3A_1258, %dma_start3A_1259] : memref<3x64x64xf32, #tpu.memory_space<vmem>> -> memref<1x64x64xf32, #tpu.memory_space<vmem>>
      %dma_start3A_1261 = tpu.memref_squeeze %dma_start3A_1260 : memref<1x64x64xf32, #tpu.memory_space<vmem>> -> memref<64x64xf32, #tpu.memory_space<vmem>>
      %dma_start3A_1262 = tpu.memref_slice %arg2[%select_n3A_1235, %dma_start3A_1250, %multiple_of3A_1201, %multiple_of3A_1204] : memref<16x3x512x512xf32, #tpu.memory_space<hbm>> -> memref<1x1x64x64xf32, #tpu.memory_space<hbm>>
      %dma_start3A_1263 = tpu.memref_squeeze %dma_start3A_1262 : memref<1x1x64x64xf32, #tpu.memory_space<hbm>> -> memref<64x64xf32, #tpu.memory_space<hbm>>
      tpu.enqueue_dma source(%dma_start3A_1263 : memref<64x64xf32, #tpu.memory_space<hbm>>) target(%dma_start3A_1261 : memref<64x64xf32, #tpu.memory_space<vmem>>) target_semaphore(%arg12 : memref<!tpu.dma_semaphore, #tpu.memory_space<semaphore_mem>>)
      %dma_start3A_1264 = arith.constant 2 : i32
      %dma_start3A_1265 = arith.constant 2 : i32
      %dma_start3A_1266 = arith.constant 0 : i32
      %dma_start3A_1267 = arith.constant 0 : i32
      %dma_start3A_1268 = tpu.memref_slice %arg10[%dma_start3A_1265, %dma_start3A_1266, %dma_start3A_1267] : memref<3x64x64xf32, #tpu.memory_space<vmem>> -> memref<1x64x64xf32, #tpu.memory_space<vmem>>
      %dma_start3A_1269 = tpu.memref_squeeze %dma_start3A_1268 : memref<1x64x64xf32, #tpu.memory_space<vmem>> -> memref<64x64xf32, #tpu.memory_space<vmem>>
      %dma_start3A_1270 = tpu.memref_slice %arg2[%select_n3A_1235, %dma_start3A_1264, %multiple_of3A_1201, %multiple_of3A_1204] : memref<16x3x512x512xf32, #tpu.memory_space<hbm>> -> memref<1x1x64x64xf32, #tpu.memory_space<hbm>>
      %dma_start3A_1271 = tpu.memref_squeeze %dma_start3A_1270 : memref<1x1x64x64xf32, #tpu.memory_space<hbm>> -> memref<64x64xf32, #tpu.memory_space<hbm>>
      %dma_start3A_1272 = arith.constant 0 : i32
      %dma_start3A_1273 = arith.constant 0 : i32
      %dma_start3A_1274 = tpu.memref_slice %arg10[%dma_start3A_1265, %dma_start3A_1272, %dma_start3A_1273] : memref<3x64x64xf32, #tpu.memory_space<vmem>> -> memref<1x64x64xf32, #tpu.memory_space<vmem>>
      %dma_start3A_1275 = tpu.memref_squeeze %dma_start3A_1274 : memref<1x64x64xf32, #tpu.memory_space<vmem>> -> memref<64x64xf32, #tpu.memory_space<vmem>>
      %dma_start3A_1276 = tpu.memref_slice %arg2[%select_n3A_1235, %dma_start3A_1264, %multiple_of3A_1201, %multiple_of3A_1204] : memref<16x3x512x512xf32, #tpu.memory_space<hbm>> -> memref<1x1x64x64xf32, #tpu.memory_space<hbm>>
      %dma_start3A_1277 = tpu.memref_squeeze %dma_start3A_1276 : memref<1x1x64x64xf32, #tpu.memory_space<hbm>> -> memref<64x64xf32, #tpu.memory_space<hbm>>
      tpu.enqueue_dma source(%dma_start3A_1277 : memref<64x64xf32, #tpu.memory_space<hbm>>) target(%dma_start3A_1275 : memref<64x64xf32, #tpu.memory_space<vmem>>) target_semaphore(%arg12 : memref<!tpu.dma_semaphore, #tpu.memory_space<semaphore_mem>>)
      %dma_start3A_1278 = arith.constant 0 : i32
      %dma_start3A_1279 = arith.constant 0 : i32
      %dma_start3A_1280 = arith.constant 0 : i32
      %dma_start3A_1281 = arith.constant 0 : i32
      %dma_start3A_1282 = tpu.memref_slice %arg11[%dma_start3A_1279, %dma_start3A_1280, %dma_start3A_1281] : memref<1x64x64xf32, #tpu.memory_space<vmem>> -> memref<1x64x64xf32, #tpu.memory_space<vmem>>
      %dma_start3A_1283 = tpu.memref_squeeze %dma_start3A_1282 : memref<1x64x64xf32, #tpu.memory_space<vmem>> -> memref<64x64xf32, #tpu.memory_space<vmem>>
      %dma_start3A_1284 = tpu.memref_slice %arg3[%select_n3A_1235, %dma_start3A_1278, %multiple_of3A_1201, %multiple_of3A_1204] : memref<16x1x512x512xf32, #tpu.memory_space<hbm>> -> memref<1x1x64x64xf32, #tpu.memory_space<hbm>>
      %dma_start3A_1285 = tpu.memref_squeeze %dma_start3A_1284 : memref<1x1x64x64xf32, #tpu.memory_space<hbm>> -> memref<64x64xf32, #tpu.memory_space<hbm>>
      %dma_start3A_1286 = arith.constant 0 : i32
      %dma_start3A_1287 = arith.constant 0 : i32
      %dma_start3A_1288 = tpu.memref_slice %arg11[%dma_start3A_1279, %dma_start3A_1286, %dma_start3A_1287] : memref<1x64x64xf32, #tpu.memory_space<vmem>> -> memref<1x64x64xf32, #tpu.memory_space<vmem>>
      %dma_start3A_1289 = tpu.memref_squeeze %dma_start3A_1288 : memref<1x64x64xf32, #tpu.memory_space<vmem>> -> memref<64x64xf32, #tpu.memory_space<vmem>>
      %dma_start3A_1290 = tpu.memref_slice %arg3[%select_n3A_1235, %dma_start3A_1278, %multiple_of3A_1201, %multiple_of3A_1204] : memref<16x1x512x512xf32, #tpu.memory_space<hbm>> -> memref<1x1x64x64xf32, #tpu.memory_space<hbm>>
      %dma_start3A_1291 = tpu.memref_squeeze %dma_start3A_1290 : memref<1x1x64x64xf32, #tpu.memory_space<hbm>> -> memref<64x64xf32, #tpu.memory_space<hbm>>
      tpu.enqueue_dma source(%dma_start3A_1291 : memref<64x64xf32, #tpu.memory_space<hbm>>) target(%dma_start3A_1289 : memref<64x64xf32, #tpu.memory_space<vmem>>) target_semaphore(%arg12 : memref<!tpu.dma_semaphore, #tpu.memory_space<semaphore_mem>>)
      %dma_wait3A_1292 = arith.constant 0 : i32
      %dma_wait3A_1293 = arith.constant 0 : i32
      %dma_wait3A_1294 = arith.constant 0 : i32
      %dma_wait3A_1295 = arith.constant 0 : i32
      %dma_wait3A_1296 = tpu.memref_slice %arg10[%dma_wait3A_1293, %dma_wait3A_1294, %dma_wait3A_1295] : memref<3x64x64xf32, #tpu.memory_space<vmem>> -> memref<1x64x64xf32, #tpu.memory_space<vmem>>
      %dma_wait3A_1297 = tpu.memref_squeeze %dma_wait3A_1296 : memref<1x64x64xf32, #tpu.memory_space<vmem>> -> memref<64x64xf32, #tpu.memory_space<vmem>>
      %dma_wait3A_1298 = tpu.memref_slice %arg2[%select_n3A_1235, %dma_wait3A_1292, %multiple_of3A_1201, %multiple_of3A_1204] : memref<16x3x512x512xf32, #tpu.memory_space<hbm>> -> memref<1x1x64x64xf32, #tpu.memory_space<hbm>>
      %dma_wait3A_1299 = tpu.memref_squeeze %dma_wait3A_1298 : memref<1x1x64x64xf32, #tpu.memory_space<hbm>> -> memref<64x64xf32, #tpu.memory_space<hbm>>
      %dma_wait3A_1300 = arith.constant 0 : i32
      %dma_wait3A_1301 = arith.constant 0 : i32
      %dma_wait3A_1302 = tpu.memref_slice %arg10[%dma_wait3A_1293, %dma_wait3A_1300, %dma_wait3A_1301] : memref<3x64x64xf32, #tpu.memory_space<vmem>> -> memref<1x64x64xf32, #tpu.memory_space<vmem>>
      %dma_wait3A_1303 = tpu.memref_squeeze %dma_wait3A_1302 : memref<1x64x64xf32, #tpu.memory_space<vmem>> -> memref<64x64xf32, #tpu.memory_space<vmem>>
      %dma_wait3A_1304 = tpu.memref_slice %arg2[%select_n3A_1235, %dma_wait3A_1292, %multiple_of3A_1201, %multiple_of3A_1204] : memref<16x3x512x512xf32, #tpu.memory_space<hbm>> -> memref<1x1x64x64xf32, #tpu.memory_space<hbm>>
      %dma_wait3A_1305 = tpu.memref_squeeze %dma_wait3A_1304 : memref<1x1x64x64xf32, #tpu.memory_space<hbm>> -> memref<64x64xf32, #tpu.memory_space<hbm>>
      tpu.wait_dma2 semaphore(%arg12 : memref<!tpu.dma_semaphore, #tpu.memory_space<semaphore_mem>>) src(%dma_wait3A_1305 : memref<64x64xf32, #tpu.memory_space<hbm>>) dst(%dma_wait3A_1303 : memref<64x64xf32, #tpu.memory_space<vmem>>)
      %dma_wait3A_1306 = arith.constant 1 : i32
      %dma_wait3A_1307 = arith.constant 1 : i32
      %dma_wait3A_1308 = arith.constant 0 : i32
      %dma_wait3A_1309 = arith.constant 0 : i32
      %dma_wait3A_1310 = tpu.memref_slice %arg10[%dma_wait3A_1307, %dma_wait3A_1308, %dma_wait3A_1309] : memref<3x64x64xf32, #tpu.memory_space<vmem>> -> memref<1x64x64xf32, #tpu.memory_space<vmem>>
      %dma_wait3A_1311 = tpu.memref_squeeze %dma_wait3A_1310 : memref<1x64x64xf32, #tpu.memory_space<vmem>> -> memref<64x64xf32, #tpu.memory_space<vmem>>
      %dma_wait3A_1312 = tpu.memref_slice %arg2[%select_n3A_1235, %dma_wait3A_1306, %multiple_of3A_1201, %multiple_of3A_1204] : memref<16x3x512x512xf32, #tpu.memory_space<hbm>> -> memref<1x1x64x64xf32, #tpu.memory_space<hbm>>
      %dma_wait3A_1313 = tpu.memref_squeeze %dma_wait3A_1312 : memref<1x1x64x64xf32, #tpu.memory_space<hbm>> -> memref<64x64xf32, #tpu.memory_space<hbm>>
      %dma_wait3A_1314 = arith.constant 0 : i32
      %dma_wait3A_1315 = arith.constant 0 : i32
      %dma_wait3A_1316 = tpu.memref_slice %arg10[%dma_wait3A_1307, %dma_wait3A_1314, %dma_wait3A_1315] : memref<3x64x64xf32, #tpu.memory_space<vmem>> -> memref<1x64x64xf32, #tpu.memory_space<vmem>>
      %dma_wait3A_1317 = tpu.memref_squeeze %dma_wait3A_1316 : memref<1x64x64xf32, #tpu.memory_space<vmem>> -> memref<64x64xf32, #tpu.memory_space<vmem>>
      %dma_wait3A_1318 = tpu.memref_slice %arg2[%select_n3A_1235, %dma_wait3A_1306, %multiple_of3A_1201, %multiple_of3A_1204] : memref<16x3x512x512xf32, #tpu.memory_space<hbm>> -> memref<1x1x64x64xf32, #tpu.memory_space<hbm>>
      %dma_wait3A_1319 = tpu.memref_squeeze %dma_wait3A_1318 : memref<1x1x64x64xf32, #tpu.memory_space<hbm>> -> memref<64x64xf32, #tpu.memory_space<hbm>>
      tpu.wait_dma2 semaphore(%arg12 : memref<!tpu.dma_semaphore, #tpu.memory_space<semaphore_mem>>) src(%dma_wait3A_1319 : memref<64x64xf32, #tpu.memory_space<hbm>>) dst(%dma_wait3A_1317 : memref<64x64xf32, #tpu.memory_space<vmem>>)
      %dma_wait3A_1320 = arith.constant 2 : i32
      %dma_wait3A_1321 = arith.constant 2 : i32
      %dma_wait3A_1322 = arith.constant 0 : i32
      %dma_wait3A_1323 = arith.constant 0 : i32
      %dma_wait3A_1324 = tpu.memref_slice %arg10[%dma_wait3A_1321, %dma_wait3A_1322, %dma_wait3A_1323] : memref<3x64x64xf32, #tpu.memory_space<vmem>> -> memref<1x64x64xf32, #tpu.memory_space<vmem>>
      %dma_wait3A_1325 = tpu.memref_squeeze %dma_wait3A_1324 : memref<1x64x64xf32, #tpu.memory_space<vmem>> -> memref<64x64xf32, #tpu.memory_space<vmem>>
      %dma_wait3A_1326 = tpu.memref_slice %arg2[%select_n3A_1235, %dma_wait3A_1320, %multiple_of3A_1201, %multiple_of3A_1204] : memref<16x3x512x512xf32, #tpu.memory_space<hbm>> -> memref<1x1x64x64xf32, #tpu.memory_space<hbm>>
      %dma_wait3A_1327 = tpu.memref_squeeze %dma_wait3A_1326 : memref<1x1x64x64xf32, #tpu.memory_space<hbm>> -> memref<64x64xf32, #tpu.memory_space<hbm>>
      %dma_wait3A_1328 = arith.constant 0 : i32
      %dma_wait3A_1329 = arith.constant 0 : i32
      %dma_wait3A_1330 = tpu.memref_slice %arg10[%dma_wait3A_1321, %dma_wait3A_1328, %dma_wait3A_1329] : memref<3x64x64xf32, #tpu.memory_space<vmem>> -> memref<1x64x64xf32, #tpu.memory_space<vmem>>
      %dma_wait3A_1331 = tpu.memref_squeeze %dma_wait3A_1330 : memref<1x64x64xf32, #tpu.memory_space<vmem>> -> memref<64x64xf32, #tpu.memory_space<vmem>>
      %dma_wait3A_1332 = tpu.memref_slice %arg2[%select_n3A_1235, %dma_wait3A_1320, %multiple_of3A_1201, %multiple_of3A_1204] : memref<16x3x512x512xf32, #tpu.memory_space<hbm>> -> memref<1x1x64x64xf32, #tpu.memory_space<hbm>>
      %dma_wait3A_1333 = tpu.memref_squeeze %dma_wait3A_1332 : memref<1x1x64x64xf32, #tpu.memory_space<hbm>> -> memref<64x64xf32, #tpu.memory_space<hbm>>
      tpu.wait_dma2 semaphore(%arg12 : memref<!tpu.dma_semaphore, #tpu.memory_space<semaphore_mem>>) src(%dma_wait3A_1333 : memref<64x64xf32, #tpu.memory_space<hbm>>) dst(%dma_wait3A_1331 : memref<64x64xf32, #tpu.memory_space<vmem>>)
      %dma_wait3A_1334 = arith.constant 0 : i32
      %dma_wait3A_1335 = arith.constant 0 : i32
      %dma_wait3A_1336 = arith.constant 0 : i32
      %dma_wait3A_1337 = arith.constant 0 : i32
      %dma_wait3A_1338 = tpu.memref_slice %arg11[%dma_wait3A_1335, %dma_wait3A_1336, %dma_wait3A_1337] : memref<1x64x64xf32, #tpu.memory_space<vmem>> -> memref<1x64x64xf32, #tpu.memory_space<vmem>>
      %dma_wait3A_1339 = tpu.memref_squeeze %dma_wait3A_1338 : memref<1x64x64xf32, #tpu.memory_space<vmem>> -> memref<64x64xf32, #tpu.memory_space<vmem>>
      %dma_wait3A_1340 = tpu.memref_slice %arg3[%select_n3A_1235, %dma_wait3A_1334, %multiple_of3A_1201, %multiple_of3A_1204] : memref<16x1x512x512xf32, #tpu.memory_space<hbm>> -> memref<1x1x64x64xf32, #tpu.memory_space<hbm>>
      %dma_wait3A_1341 = tpu.memref_squeeze %dma_wait3A_1340 : memref<1x1x64x64xf32, #tpu.memory_space<hbm>> -> memref<64x64xf32, #tpu.memory_space<hbm>>
      %dma_wait3A_1342 = arith.constant 0 : i32
      %dma_wait3A_1343 = arith.constant 0 : i32
      %dma_wait3A_1344 = tpu.memref_slice %arg11[%dma_wait3A_1335, %dma_wait3A_1342, %dma_wait3A_1343] : memref<1x64x64xf32, #tpu.memory_space<vmem>> -> memref<1x64x64xf32, #tpu.memory_space<vmem>>
      %dma_wait3A_1345 = tpu.memref_squeeze %dma_wait3A_1344 : memref<1x64x64xf32, #tpu.memory_space<vmem>> -> memref<64x64xf32, #tpu.memory_space<vmem>>
      %dma_wait3A_1346 = tpu.memref_slice %arg3[%select_n3A_1235, %dma_wait3A_1334, %multiple_of3A_1201, %multiple_of3A_1204] : memref<16x1x512x512xf32, #tpu.memory_space<hbm>> -> memref<1x1x64x64xf32, #tpu.memory_space<hbm>>
      %dma_wait3A_1347 = tpu.memref_squeeze %dma_wait3A_1346 : memref<1x1x64x64xf32, #tpu.memory_space<hbm>> -> memref<64x64xf32, #tpu.memory_space<hbm>>
      tpu.wait_dma2 semaphore(%arg12 : memref<!tpu.dma_semaphore, #tpu.memory_space<semaphore_mem>>) src(%dma_wait3A_1347 : memref<64x64xf32, #tpu.memory_space<hbm>>) dst(%dma_wait3A_1345 : memref<64x64xf32, #tpu.memory_space<vmem>>)
      "tpu.region"() ({
        %run_scoped3A = tpu.sem_alloc : memref<!tpu.dma_semaphore, #tpu.memory_space<semaphore_mem>>
        %dma_start3A_2391 = arith.constant 0 : i32
        %dma_start3A_2392 = arith.constant 0 : i32
        %dma_start3A_2393 = arith.constant 0 : i32
        %dma_start3A_2394 = tpu.memref_slice %arg6[%add3A_1211, %dma_start3A_2391, %dma_start3A_2392, %dma_start3A_2393] : memref<1024x3x64x64xf32, #tpu.memory_space<hbm>> -> memref<1x3x64x64xf32, #tpu.memory_space<hbm>>
        %dma_start3A_2395 = tpu.memref_squeeze %dma_start3A_2394 : memref<1x3x64x64xf32, #tpu.memory_space<hbm>> -> memref<3x64x64xf32, #tpu.memory_space<hbm>>
        %dma_start3A_2396 = arith.constant 0 : i32
        %dma_start3A_2397 = arith.constant 0 : i32
        %dma_start3A_2398 = arith.constant 0 : i32
        %dma_start3A_2399 = tpu.memref_slice %arg6[%add3A_1211, %dma_start3A_2396, %dma_start3A_2397, %dma_start3A_2398] : memref<1024x3x64x64xf32, #tpu.memory_space<hbm>> -> memref<1x3x64x64xf32, #tpu.memory_space<hbm>>
        %dma_start3A_2400 = tpu.memref_squeeze %dma_start3A_2399 : memref<1x3x64x64xf32, #tpu.memory_space<hbm>> -> memref<3x64x64xf32, #tpu.memory_space<hbm>>
        tpu.enqueue_dma source(%arg10 : memref<3x64x64xf32, #tpu.memory_space<vmem>>) target(%dma_start3A_2400 : memref<3x64x64xf32, #tpu.memory_space<hbm>>) target_semaphore(%run_scoped3A : memref<!tpu.dma_semaphore, #tpu.memory_space<semaphore_mem>>)
        %dma_wait3A_2401 = arith.constant 0 : i32
        %dma_wait3A_2402 = arith.constant 0 : i32
        %dma_wait3A_2403 = arith.constant 0 : i32
        %dma_wait3A_2404 = tpu.memref_slice %arg6[%add3A_1211, %dma_wait3A_2401, %dma_wait3A_2402, %dma_wait3A_2403] : memref<1024x3x64x64xf32, #tpu.memory_space<hbm>> -> memref<1x3x64x64xf32, #tpu.memory_space<hbm>>
        %dma_wait3A_2405 = tpu.memref_squeeze %dma_wait3A_2404 : memref<1x3x64x64xf32, #tpu.memory_space<hbm>> -> memref<3x64x64xf32, #tpu.memory_space<hbm>>
        %dma_wait3A_2406 = arith.constant 0 : i32
        %dma_wait3A_2407 = arith.constant 0 : i32
        %dma_wait3A_2408 = arith.constant 0 : i32
        %dma_wait3A_2409 = tpu.memref_slice %arg6[%add3A_1211, %dma_wait3A_2406, %dma_wait3A_2407, %dma_wait3A_2408] : memref<1024x3x64x64xf32, #tpu.memory_space<hbm>> -> memref<1x3x64x64xf32, #tpu.memory_space<hbm>>
        %dma_wait3A_2410 = tpu.memref_squeeze %dma_wait3A_2409 : memref<1x3x64x64xf32, #tpu.memory_space<hbm>> -> memref<3x64x64xf32, #tpu.memory_space<hbm>>
        tpu.wait_dma2 semaphore(%run_scoped3A : memref<!tpu.dma_semaphore, #tpu.memory_space<semaphore_mem>>) src(%arg10 : memref<3x64x64xf32, #tpu.memory_space<vmem>>) dst(%dma_wait3A_2410 : memref<3x64x64xf32, #tpu.memory_space<hbm>>)
        tpu.yield
      }) : () -> ()
      "tpu.region"() ({
        %run_scoped3A = tpu.sem_alloc : memref<!tpu.dma_semaphore, #tpu.memory_space<semaphore_mem>>
        %dma_start3A_2391 = arith.constant 0 : i32
        %dma_start3A_2392 = arith.constant 0 : i32
        %dma_start3A_2393 = arith.constant 0 : i32
        %dma_start3A_2394 = tpu.memref_slice %arg7[%add3A_1211, %dma_start3A_2391, %dma_start3A_2392, %dma_start3A_2393] : memref<1024x1x64x64xf32, #tpu.memory_space<hbm>> -> memref<1x1x64x64xf32, #tpu.memory_space<hbm>>
        %dma_start3A_2395 = tpu.memref_squeeze %dma_start3A_2394 : memref<1x1x64x64xf32, #tpu.memory_space<hbm>> -> memref<1x64x64xf32, #tpu.memory_space<hbm>>
        %dma_start3A_2396 = arith.constant 0 : i32
        %dma_start3A_2397 = arith.constant 0 : i32
        %dma_start3A_2398 = arith.constant 0 : i32
        %dma_start3A_2399 = tpu.memref_slice %arg7[%add3A_1211, %dma_start3A_2396, %dma_start3A_2397, %dma_start3A_2398] : memref<1024x1x64x64xf32, #tpu.memory_space<hbm>> -> memref<1x1x64x64xf32, #tpu.memory_space<hbm>>
        %dma_start3A_2400 = tpu.memref_squeeze %dma_start3A_2399 : memref<1x1x64x64xf32, #tpu.memory_space<hbm>> -> memref<1x64x64xf32, #tpu.memory_space<hbm>>
        tpu.enqueue_dma source(%arg11 : memref<1x64x64xf32, #tpu.memory_space<vmem>>) target(%dma_start3A_2400 : memref<1x64x64xf32, #tpu.memory_space<hbm>>) target_semaphore(%run_scoped3A : memref<!tpu.dma_semaphore, #tpu.memory_space<semaphore_mem>>)
        %dma_wait3A_2401 = arith.constant 0 : i32
        %dma_wait3A_2402 = arith.constant 0 : i32
        %dma_wait3A_2403 = arith.constant 0 : i32
        %dma_wait3A_2404 = tpu.memref_slice %arg7[%add3A_1211, %dma_wait3A_2401, %dma_wait3A_2402, %dma_wait3A_2403] : memref<1024x1x64x64xf32, #tpu.memory_space<hbm>> -> memref<1x1x64x64xf32, #tpu.memory_space<hbm>>
        %dma_wait3A_2405 = tpu.memref_squeeze %dma_wait3A_2404 : memref<1x1x64x64xf32, #tpu.memory_space<hbm>> -> memref<1x64x64xf32, #tpu.memory_space<hbm>>
        %dma_wait3A_2406 = arith.constant 0 : i32
        %dma_wait3A_2407 = arith.constant 0 : i32
        %dma_wait3A_2408 = arith.constant 0 : i32
        %dma_wait3A_2409 = tpu.memref_slice %arg7[%add3A_1211, %dma_wait3A_2406, %dma_wait3A_2407, %dma_wait3A_2408] : memref<1024x1x64x64xf32, #tpu.memory_space<hbm>> -> memref<1x1x64x64xf32, #tpu.memory_space<hbm>>
        %dma_wait3A_2410 = tpu.memref_squeeze %dma_wait3A_2409 : memref<1x1x64x64xf32, #tpu.memory_space<hbm>> -> memref<1x64x64xf32, #tpu.memory_space<hbm>>
        tpu.wait_dma2 semaphore(%run_scoped3A : memref<!tpu.dma_semaphore, #tpu.memory_space<semaphore_mem>>) src(%arg11 : memref<1x64x64xf32, #tpu.memory_space<vmem>>) dst(%dma_wait3A_2410 : memref<1x64x64xf32, #tpu.memory_space<hbm>>)
        tpu.yield
      }) : () -> ()
      %slice3A_1348 = vector.extract_strided_slice %get3A_14 {offsets = [9], sizes = [1], strides = [1]} : vector<16xi32> to vector<1xi32>
      %squeeze3A_1349 = vector.extract %slice3A_1348[0] : i32 from vector<1xi32>
      %multiple_of3A_1350 = tpu.assume_multiple %squeeze3A_1349, 16 : i32
      %slice3A_1351 = vector.extract_strided_slice %get3A_19 {offsets = [9], sizes = [1], strides = [1]} : vector<16xi32> to vector<1xi32>
      %squeeze3A_1352 = vector.extract %slice3A_1351[0] : i32 from vector<1xi32>
      %multiple_of3A_1353 = tpu.assume_multiple %squeeze3A_1352, 16 : i32
      %mul3A_1354 = arith.constant 32 : i32
      %mul3A_1355 = arith.muli %add3A, %mul3A_1354 : i32
      %mul3A_1356 = arith.constant 16 : i32
      %mul3A_1357 = arith.muli %scan3A_10, %mul3A_1356 : i32
      %add3A_1358 = arith.addi %mul3A_1355, %mul3A_1357 : i32
      %add3A_1359 = arith.constant 9 : i32
      %add3A_1360 = arith.addi %add3A_1358, %add3A_1359 : i32
      %jit3A_1361 = arith.constant 64 : i32
      %div3A_1362 = arith.divsi %add3A_1360, %jit3A_1361 : i32
      %sign3A_1363 = arith.constant 0 : i32
      %sign3A_1364 = arith.cmpi sgt, %add3A_1360, %sign3A_1363 : i32
      %sign3A_1365 = arith.extui %sign3A_1364 : i1 to i32
      %sign3A_1366 = arith.constant 0 : i32
      %sign3A_1367 = arith.cmpi slt, %add3A_1360, %sign3A_1366 : i32
      %sign3A_1368 = arith.extui %sign3A_1367 : i1 to i32
      %sign3A_1369 = arith.subi %sign3A_1365, %sign3A_1368 : i32
      %sign3A_1370 = arith.constant 0 : i32
      %sign3A_1371 = arith.cmpi sgt, %jit3A_1361, %sign3A_1370 : i32
      %sign3A_1372 = arith.extui %sign3A_1371 : i1 to i32
      %sign3A_1373 = arith.constant 0 : i32
      %sign3A_1374 = arith.cmpi slt, %jit3A_1361, %sign3A_1373 : i32
      %sign3A_1375 = arith.extui %sign3A_1374 : i1 to i32
      %sign3A_1376 = arith.subi %sign3A_1372, %sign3A_1375 : i32
      %ne3A_1377 = arith.cmpi ne, %sign3A_1369, %sign3A_1376 : i32
      %rem3A_1378 = arith.remsi %add3A_1360, %jit3A_1361 : i32
      %ne3A_1379 = arith.constant 0 : i32
      %ne3A_1380 = arith.cmpi ne, %rem3A_1378, %ne3A_1379 : i32
      %and3A_1381 = arith.andi %ne3A_1377, %ne3A_1380 : i1
      %sub3A_1382 = arith.constant 1 : i32
      %sub3A_1383 = arith.subi %div3A_1362, %sub3A_1382 : i32
      %select_n3A_1384 = arith.select %and3A_1381, %sub3A_1383, %div3A_1362 : i32
      %dma_start3A_1385 = arith.constant 0 : i32
      %dma_start3A_1386 = arith.constant 0 : i32
      %dma_start3A_1387 = arith.constant 0 : i32
      %dma_start3A_1388 = arith.constant 0 : i32
      %dma_start3A_1389 = tpu.memref_slice %arg10[%dma_start3A_1386, %dma_start3A_1387, %dma_start3A_1388] : memref<3x64x64xf32, #tpu.memory_space<vmem>> -> memref<1x64x64xf32, #tpu.memory_space<vmem>>
      %dma_start3A_1390 = tpu.memref_squeeze %dma_start3A_1389 : memref<1x64x64xf32, #tpu.memory_space<vmem>> -> memref<64x64xf32, #tpu.memory_space<vmem>>
      %dma_start3A_1391 = tpu.memref_slice %arg2[%select_n3A_1384, %dma_start3A_1385, %multiple_of3A_1350, %multiple_of3A_1353] : memref<16x3x512x512xf32, #tpu.memory_space<hbm>> -> memref<1x1x64x64xf32, #tpu.memory_space<hbm>>
      %dma_start3A_1392 = tpu.memref_squeeze %dma_start3A_1391 : memref<1x1x64x64xf32, #tpu.memory_space<hbm>> -> memref<64x64xf32, #tpu.memory_space<hbm>>
      %dma_start3A_1393 = arith.constant 0 : i32
      %dma_start3A_1394 = arith.constant 0 : i32
      %dma_start3A_1395 = tpu.memref_slice %arg10[%dma_start3A_1386, %dma_start3A_1393, %dma_start3A_1394] : memref<3x64x64xf32, #tpu.memory_space<vmem>> -> memref<1x64x64xf32, #tpu.memory_space<vmem>>
      %dma_start3A_1396 = tpu.memref_squeeze %dma_start3A_1395 : memref<1x64x64xf32, #tpu.memory_space<vmem>> -> memref<64x64xf32, #tpu.memory_space<vmem>>
      %dma_start3A_1397 = tpu.memref_slice %arg2[%select_n3A_1384, %dma_start3A_1385, %multiple_of3A_1350, %multiple_of3A_1353] : memref<16x3x512x512xf32, #tpu.memory_space<hbm>> -> memref<1x1x64x64xf32, #tpu.memory_space<hbm>>
      %dma_start3A_1398 = tpu.memref_squeeze %dma_start3A_1397 : memref<1x1x64x64xf32, #tpu.memory_space<hbm>> -> memref<64x64xf32, #tpu.memory_space<hbm>>
      tpu.enqueue_dma source(%dma_start3A_1398 : memref<64x64xf32, #tpu.memory_space<hbm>>) target(%dma_start3A_1396 : memref<64x64xf32, #tpu.memory_space<vmem>>) target_semaphore(%arg12 : memref<!tpu.dma_semaphore, #tpu.memory_space<semaphore_mem>>)
      %dma_start3A_1399 = arith.constant 1 : i32
      %dma_start3A_1400 = arith.constant 1 : i32
      %dma_start3A_1401 = arith.constant 0 : i32
      %dma_start3A_1402 = arith.constant 0 : i32
      %dma_start3A_1403 = tpu.memref_slice %arg10[%dma_start3A_1400, %dma_start3A_1401, %dma_start3A_1402] : memref<3x64x64xf32, #tpu.memory_space<vmem>> -> memref<1x64x64xf32, #tpu.memory_space<vmem>>
      %dma_start3A_1404 = tpu.memref_squeeze %dma_start3A_1403 : memref<1x64x64xf32, #tpu.memory_space<vmem>> -> memref<64x64xf32, #tpu.memory_space<vmem>>
      %dma_start3A_1405 = tpu.memref_slice %arg2[%select_n3A_1384, %dma_start3A_1399, %multiple_of3A_1350, %multiple_of3A_1353] : memref<16x3x512x512xf32, #tpu.memory_space<hbm>> -> memref<1x1x64x64xf32, #tpu.memory_space<hbm>>
      %dma_start3A_1406 = tpu.memref_squeeze %dma_start3A_1405 : memref<1x1x64x64xf32, #tpu.memory_space<hbm>> -> memref<64x64xf32, #tpu.memory_space<hbm>>
      %dma_start3A_1407 = arith.constant 0 : i32
      %dma_start3A_1408 = arith.constant 0 : i32
      %dma_start3A_1409 = tpu.memref_slice %arg10[%dma_start3A_1400, %dma_start3A_1407, %dma_start3A_1408] : memref<3x64x64xf32, #tpu.memory_space<vmem>> -> memref<1x64x64xf32, #tpu.memory_space<vmem>>
      %dma_start3A_1410 = tpu.memref_squeeze %dma_start3A_1409 : memref<1x64x64xf32, #tpu.memory_space<vmem>> -> memref<64x64xf32, #tpu.memory_space<vmem>>
      %dma_start3A_1411 = tpu.memref_slice %arg2[%select_n3A_1384, %dma_start3A_1399, %multiple_of3A_1350, %multiple_of3A_1353] : memref<16x3x512x512xf32, #tpu.memory_space<hbm>> -> memref<1x1x64x64xf32, #tpu.memory_space<hbm>>
      %dma_start3A_1412 = tpu.memref_squeeze %dma_start3A_1411 : memref<1x1x64x64xf32, #tpu.memory_space<hbm>> -> memref<64x64xf32, #tpu.memory_space<hbm>>
      tpu.enqueue_dma source(%dma_start3A_1412 : memref<64x64xf32, #tpu.memory_space<hbm>>) target(%dma_start3A_1410 : memref<64x64xf32, #tpu.memory_space<vmem>>) target_semaphore(%arg12 : memref<!tpu.dma_semaphore, #tpu.memory_space<semaphore_mem>>)
      %dma_start3A_1413 = arith.constant 2 : i32
      %dma_start3A_1414 = arith.constant 2 : i32
      %dma_start3A_1415 = arith.constant 0 : i32
      %dma_start3A_1416 = arith.constant 0 : i32
      %dma_start3A_1417 = tpu.memref_slice %arg10[%dma_start3A_1414, %dma_start3A_1415, %dma_start3A_1416] : memref<3x64x64xf32, #tpu.memory_space<vmem>> -> memref<1x64x64xf32, #tpu.memory_space<vmem>>
      %dma_start3A_1418 = tpu.memref_squeeze %dma_start3A_1417 : memref<1x64x64xf32, #tpu.memory_space<vmem>> -> memref<64x64xf32, #tpu.memory_space<vmem>>
      %dma_start3A_1419 = tpu.memref_slice %arg2[%select_n3A_1384, %dma_start3A_1413, %multiple_of3A_1350, %multiple_of3A_1353] : memref<16x3x512x512xf32, #tpu.memory_space<hbm>> -> memref<1x1x64x64xf32, #tpu.memory_space<hbm>>
      %dma_start3A_1420 = tpu.memref_squeeze %dma_start3A_1419 : memref<1x1x64x64xf32, #tpu.memory_space<hbm>> -> memref<64x64xf32, #tpu.memory_space<hbm>>
      %dma_start3A_1421 = arith.constant 0 : i32
      %dma_start3A_1422 = arith.constant 0 : i32
      %dma_start3A_1423 = tpu.memref_slice %arg10[%dma_start3A_1414, %dma_start3A_1421, %dma_start3A_1422] : memref<3x64x64xf32, #tpu.memory_space<vmem>> -> memref<1x64x64xf32, #tpu.memory_space<vmem>>
      %dma_start3A_1424 = tpu.memref_squeeze %dma_start3A_1423 : memref<1x64x64xf32, #tpu.memory_space<vmem>> -> memref<64x64xf32, #tpu.memory_space<vmem>>
      %dma_start3A_1425 = tpu.memref_slice %arg2[%select_n3A_1384, %dma_start3A_1413, %multiple_of3A_1350, %multiple_of3A_1353] : memref<16x3x512x512xf32, #tpu.memory_space<hbm>> -> memref<1x1x64x64xf32, #tpu.memory_space<hbm>>
      %dma_start3A_1426 = tpu.memref_squeeze %dma_start3A_1425 : memref<1x1x64x64xf32, #tpu.memory_space<hbm>> -> memref<64x64xf32, #tpu.memory_space<hbm>>
      tpu.enqueue_dma source(%dma_start3A_1426 : memref<64x64xf32, #tpu.memory_space<hbm>>) target(%dma_start3A_1424 : memref<64x64xf32, #tpu.memory_space<vmem>>) target_semaphore(%arg12 : memref<!tpu.dma_semaphore, #tpu.memory_space<semaphore_mem>>)
      %dma_start3A_1427 = arith.constant 0 : i32
      %dma_start3A_1428 = arith.constant 0 : i32
      %dma_start3A_1429 = arith.constant 0 : i32
      %dma_start3A_1430 = arith.constant 0 : i32
      %dma_start3A_1431 = tpu.memref_slice %arg11[%dma_start3A_1428, %dma_start3A_1429, %dma_start3A_1430] : memref<1x64x64xf32, #tpu.memory_space<vmem>> -> memref<1x64x64xf32, #tpu.memory_space<vmem>>
      %dma_start3A_1432 = tpu.memref_squeeze %dma_start3A_1431 : memref<1x64x64xf32, #tpu.memory_space<vmem>> -> memref<64x64xf32, #tpu.memory_space<vmem>>
      %dma_start3A_1433 = tpu.memref_slice %arg3[%select_n3A_1384, %dma_start3A_1427, %multiple_of3A_1350, %multiple_of3A_1353] : memref<16x1x512x512xf32, #tpu.memory_space<hbm>> -> memref<1x1x64x64xf32, #tpu.memory_space<hbm>>
      %dma_start3A_1434 = tpu.memref_squeeze %dma_start3A_1433 : memref<1x1x64x64xf32, #tpu.memory_space<hbm>> -> memref<64x64xf32, #tpu.memory_space<hbm>>
      %dma_start3A_1435 = arith.constant 0 : i32
      %dma_start3A_1436 = arith.constant 0 : i32
      %dma_start3A_1437 = tpu.memref_slice %arg11[%dma_start3A_1428, %dma_start3A_1435, %dma_start3A_1436] : memref<1x64x64xf32, #tpu.memory_space<vmem>> -> memref<1x64x64xf32, #tpu.memory_space<vmem>>
      %dma_start3A_1438 = tpu.memref_squeeze %dma_start3A_1437 : memref<1x64x64xf32, #tpu.memory_space<vmem>> -> memref<64x64xf32, #tpu.memory_space<vmem>>
      %dma_start3A_1439 = tpu.memref_slice %arg3[%select_n3A_1384, %dma_start3A_1427, %multiple_of3A_1350, %multiple_of3A_1353] : memref<16x1x512x512xf32, #tpu.memory_space<hbm>> -> memref<1x1x64x64xf32, #tpu.memory_space<hbm>>
      %dma_start3A_1440 = tpu.memref_squeeze %dma_start3A_1439 : memref<1x1x64x64xf32, #tpu.memory_space<hbm>> -> memref<64x64xf32, #tpu.memory_space<hbm>>
      tpu.enqueue_dma source(%dma_start3A_1440 : memref<64x64xf32, #tpu.memory_space<hbm>>) target(%dma_start3A_1438 : memref<64x64xf32, #tpu.memory_space<vmem>>) target_semaphore(%arg12 : memref<!tpu.dma_semaphore, #tpu.memory_space<semaphore_mem>>)
      %dma_wait3A_1441 = arith.constant 0 : i32
      %dma_wait3A_1442 = arith.constant 0 : i32
      %dma_wait3A_1443 = arith.constant 0 : i32
      %dma_wait3A_1444 = arith.constant 0 : i32
      %dma_wait3A_1445 = tpu.memref_slice %arg10[%dma_wait3A_1442, %dma_wait3A_1443, %dma_wait3A_1444] : memref<3x64x64xf32, #tpu.memory_space<vmem>> -> memref<1x64x64xf32, #tpu.memory_space<vmem>>
      %dma_wait3A_1446 = tpu.memref_squeeze %dma_wait3A_1445 : memref<1x64x64xf32, #tpu.memory_space<vmem>> -> memref<64x64xf32, #tpu.memory_space<vmem>>
      %dma_wait3A_1447 = tpu.memref_slice %arg2[%select_n3A_1384, %dma_wait3A_1441, %multiple_of3A_1350, %multiple_of3A_1353] : memref<16x3x512x512xf32, #tpu.memory_space<hbm>> -> memref<1x1x64x64xf32, #tpu.memory_space<hbm>>
      %dma_wait3A_1448 = tpu.memref_squeeze %dma_wait3A_1447 : memref<1x1x64x64xf32, #tpu.memory_space<hbm>> -> memref<64x64xf32, #tpu.memory_space<hbm>>
      %dma_wait3A_1449 = arith.constant 0 : i32
      %dma_wait3A_1450 = arith.constant 0 : i32
      %dma_wait3A_1451 = tpu.memref_slice %arg10[%dma_wait3A_1442, %dma_wait3A_1449, %dma_wait3A_1450] : memref<3x64x64xf32, #tpu.memory_space<vmem>> -> memref<1x64x64xf32, #tpu.memory_space<vmem>>
      %dma_wait3A_1452 = tpu.memref_squeeze %dma_wait3A_1451 : memref<1x64x64xf32, #tpu.memory_space<vmem>> -> memref<64x64xf32, #tpu.memory_space<vmem>>
      %dma_wait3A_1453 = tpu.memref_slice %arg2[%select_n3A_1384, %dma_wait3A_1441, %multiple_of3A_1350, %multiple_of3A_1353] : memref<16x3x512x512xf32, #tpu.memory_space<hbm>> -> memref<1x1x64x64xf32, #tpu.memory_space<hbm>>
      %dma_wait3A_1454 = tpu.memref_squeeze %dma_wait3A_1453 : memref<1x1x64x64xf32, #tpu.memory_space<hbm>> -> memref<64x64xf32, #tpu.memory_space<hbm>>
      tpu.wait_dma2 semaphore(%arg12 : memref<!tpu.dma_semaphore, #tpu.memory_space<semaphore_mem>>) src(%dma_wait3A_1454 : memref<64x64xf32, #tpu.memory_space<hbm>>) dst(%dma_wait3A_1452 : memref<64x64xf32, #tpu.memory_space<vmem>>)
      %dma_wait3A_1455 = arith.constant 1 : i32
      %dma_wait3A_1456 = arith.constant 1 : i32
      %dma_wait3A_1457 = arith.constant 0 : i32
      %dma_wait3A_1458 = arith.constant 0 : i32
      %dma_wait3A_1459 = tpu.memref_slice %arg10[%dma_wait3A_1456, %dma_wait3A_1457, %dma_wait3A_1458] : memref<3x64x64xf32, #tpu.memory_space<vmem>> -> memref<1x64x64xf32, #tpu.memory_space<vmem>>
      %dma_wait3A_1460 = tpu.memref_squeeze %dma_wait3A_1459 : memref<1x64x64xf32, #tpu.memory_space<vmem>> -> memref<64x64xf32, #tpu.memory_space<vmem>>
      %dma_wait3A_1461 = tpu.memref_slice %arg2[%select_n3A_1384, %dma_wait3A_1455, %multiple_of3A_1350, %multiple_of3A_1353] : memref<16x3x512x512xf32, #tpu.memory_space<hbm>> -> memref<1x1x64x64xf32, #tpu.memory_space<hbm>>
      %dma_wait3A_1462 = tpu.memref_squeeze %dma_wait3A_1461 : memref<1x1x64x64xf32, #tpu.memory_space<hbm>> -> memref<64x64xf32, #tpu.memory_space<hbm>>
      %dma_wait3A_1463 = arith.constant 0 : i32
      %dma_wait3A_1464 = arith.constant 0 : i32
      %dma_wait3A_1465 = tpu.memref_slice %arg10[%dma_wait3A_1456, %dma_wait3A_1463, %dma_wait3A_1464] : memref<3x64x64xf32, #tpu.memory_space<vmem>> -> memref<1x64x64xf32, #tpu.memory_space<vmem>>
      %dma_wait3A_1466 = tpu.memref_squeeze %dma_wait3A_1465 : memref<1x64x64xf32, #tpu.memory_space<vmem>> -> memref<64x64xf32, #tpu.memory_space<vmem>>
      %dma_wait3A_1467 = tpu.memref_slice %arg2[%select_n3A_1384, %dma_wait3A_1455, %multiple_of3A_1350, %multiple_of3A_1353] : memref<16x3x512x512xf32, #tpu.memory_space<hbm>> -> memref<1x1x64x64xf32, #tpu.memory_space<hbm>>
      %dma_wait3A_1468 = tpu.memref_squeeze %dma_wait3A_1467 : memref<1x1x64x64xf32, #tpu.memory_space<hbm>> -> memref<64x64xf32, #tpu.memory_space<hbm>>
      tpu.wait_dma2 semaphore(%arg12 : memref<!tpu.dma_semaphore, #tpu.memory_space<semaphore_mem>>) src(%dma_wait3A_1468 : memref<64x64xf32, #tpu.memory_space<hbm>>) dst(%dma_wait3A_1466 : memref<64x64xf32, #tpu.memory_space<vmem>>)
      %dma_wait3A_1469 = arith.constant 2 : i32
      %dma_wait3A_1470 = arith.constant 2 : i32
      %dma_wait3A_1471 = arith.constant 0 : i32
      %dma_wait3A_1472 = arith.constant 0 : i32
      %dma_wait3A_1473 = tpu.memref_slice %arg10[%dma_wait3A_1470, %dma_wait3A_1471, %dma_wait3A_1472] : memref<3x64x64xf32, #tpu.memory_space<vmem>> -> memref<1x64x64xf32, #tpu.memory_space<vmem>>
      %dma_wait3A_1474 = tpu.memref_squeeze %dma_wait3A_1473 : memref<1x64x64xf32, #tpu.memory_space<vmem>> -> memref<64x64xf32, #tpu.memory_space<vmem>>
      %dma_wait3A_1475 = tpu.memref_slice %arg2[%select_n3A_1384, %dma_wait3A_1469, %multiple_of3A_1350, %multiple_of3A_1353] : memref<16x3x512x512xf32, #tpu.memory_space<hbm>> -> memref<1x1x64x64xf32, #tpu.memory_space<hbm>>
      %dma_wait3A_1476 = tpu.memref_squeeze %dma_wait3A_1475 : memref<1x1x64x64xf32, #tpu.memory_space<hbm>> -> memref<64x64xf32, #tpu.memory_space<hbm>>
      %dma_wait3A_1477 = arith.constant 0 : i32
      %dma_wait3A_1478 = arith.constant 0 : i32
      %dma_wait3A_1479 = tpu.memref_slice %arg10[%dma_wait3A_1470, %dma_wait3A_1477, %dma_wait3A_1478] : memref<3x64x64xf32, #tpu.memory_space<vmem>> -> memref<1x64x64xf32, #tpu.memory_space<vmem>>
      %dma_wait3A_1480 = tpu.memref_squeeze %dma_wait3A_1479 : memref<1x64x64xf32, #tpu.memory_space<vmem>> -> memref<64x64xf32, #tpu.memory_space<vmem>>
      %dma_wait3A_1481 = tpu.memref_slice %arg2[%select_n3A_1384, %dma_wait3A_1469, %multiple_of3A_1350, %multiple_of3A_1353] : memref<16x3x512x512xf32, #tpu.memory_space<hbm>> -> memref<1x1x64x64xf32, #tpu.memory_space<hbm>>
      %dma_wait3A_1482 = tpu.memref_squeeze %dma_wait3A_1481 : memref<1x1x64x64xf32, #tpu.memory_space<hbm>> -> memref<64x64xf32, #tpu.memory_space<hbm>>
      tpu.wait_dma2 semaphore(%arg12 : memref<!tpu.dma_semaphore, #tpu.memory_space<semaphore_mem>>) src(%dma_wait3A_1482 : memref<64x64xf32, #tpu.memory_space<hbm>>) dst(%dma_wait3A_1480 : memref<64x64xf32, #tpu.memory_space<vmem>>)
      %dma_wait3A_1483 = arith.constant 0 : i32
      %dma_wait3A_1484 = arith.constant 0 : i32
      %dma_wait3A_1485 = arith.constant 0 : i32
      %dma_wait3A_1486 = arith.constant 0 : i32
      %dma_wait3A_1487 = tpu.memref_slice %arg11[%dma_wait3A_1484, %dma_wait3A_1485, %dma_wait3A_1486] : memref<1x64x64xf32, #tpu.memory_space<vmem>> -> memref<1x64x64xf32, #tpu.memory_space<vmem>>
      %dma_wait3A_1488 = tpu.memref_squeeze %dma_wait3A_1487 : memref<1x64x64xf32, #tpu.memory_space<vmem>> -> memref<64x64xf32, #tpu.memory_space<vmem>>
      %dma_wait3A_1489 = tpu.memref_slice %arg3[%select_n3A_1384, %dma_wait3A_1483, %multiple_of3A_1350, %multiple_of3A_1353] : memref<16x1x512x512xf32, #tpu.memory_space<hbm>> -> memref<1x1x64x64xf32, #tpu.memory_space<hbm>>
      %dma_wait3A_1490 = tpu.memref_squeeze %dma_wait3A_1489 : memref<1x1x64x64xf32, #tpu.memory_space<hbm>> -> memref<64x64xf32, #tpu.memory_space<hbm>>
      %dma_wait3A_1491 = arith.constant 0 : i32
      %dma_wait3A_1492 = arith.constant 0 : i32
      %dma_wait3A_1493 = tpu.memref_slice %arg11[%dma_wait3A_1484, %dma_wait3A_1491, %dma_wait3A_1492] : memref<1x64x64xf32, #tpu.memory_space<vmem>> -> memref<1x64x64xf32, #tpu.memory_space<vmem>>
      %dma_wait3A_1494 = tpu.memref_squeeze %dma_wait3A_1493 : memref<1x64x64xf32, #tpu.memory_space<vmem>> -> memref<64x64xf32, #tpu.memory_space<vmem>>
      %dma_wait3A_1495 = tpu.memref_slice %arg3[%select_n3A_1384, %dma_wait3A_1483, %multiple_of3A_1350, %multiple_of3A_1353] : memref<16x1x512x512xf32, #tpu.memory_space<hbm>> -> memref<1x1x64x64xf32, #tpu.memory_space<hbm>>
      %dma_wait3A_1496 = tpu.memref_squeeze %dma_wait3A_1495 : memref<1x1x64x64xf32, #tpu.memory_space<hbm>> -> memref<64x64xf32, #tpu.memory_space<hbm>>
      tpu.wait_dma2 semaphore(%arg12 : memref<!tpu.dma_semaphore, #tpu.memory_space<semaphore_mem>>) src(%dma_wait3A_1496 : memref<64x64xf32, #tpu.memory_space<hbm>>) dst(%dma_wait3A_1494 : memref<64x64xf32, #tpu.memory_space<vmem>>)
      "tpu.region"() ({
        %run_scoped3A = tpu.sem_alloc : memref<!tpu.dma_semaphore, #tpu.memory_space<semaphore_mem>>
        %dma_start3A_2391 = arith.constant 0 : i32
        %dma_start3A_2392 = arith.constant 0 : i32
        %dma_start3A_2393 = arith.constant 0 : i32
        %dma_start3A_2394 = tpu.memref_slice %arg6[%add3A_1360, %dma_start3A_2391, %dma_start3A_2392, %dma_start3A_2393] : memref<1024x3x64x64xf32, #tpu.memory_space<hbm>> -> memref<1x3x64x64xf32, #tpu.memory_space<hbm>>
        %dma_start3A_2395 = tpu.memref_squeeze %dma_start3A_2394 : memref<1x3x64x64xf32, #tpu.memory_space<hbm>> -> memref<3x64x64xf32, #tpu.memory_space<hbm>>
        %dma_start3A_2396 = arith.constant 0 : i32
        %dma_start3A_2397 = arith.constant 0 : i32
        %dma_start3A_2398 = arith.constant 0 : i32
        %dma_start3A_2399 = tpu.memref_slice %arg6[%add3A_1360, %dma_start3A_2396, %dma_start3A_2397, %dma_start3A_2398] : memref<1024x3x64x64xf32, #tpu.memory_space<hbm>> -> memref<1x3x64x64xf32, #tpu.memory_space<hbm>>
        %dma_start3A_2400 = tpu.memref_squeeze %dma_start3A_2399 : memref<1x3x64x64xf32, #tpu.memory_space<hbm>> -> memref<3x64x64xf32, #tpu.memory_space<hbm>>
        tpu.enqueue_dma source(%arg10 : memref<3x64x64xf32, #tpu.memory_space<vmem>>) target(%dma_start3A_2400 : memref<3x64x64xf32, #tpu.memory_space<hbm>>) target_semaphore(%run_scoped3A : memref<!tpu.dma_semaphore, #tpu.memory_space<semaphore_mem>>)
        %dma_wait3A_2401 = arith.constant 0 : i32
        %dma_wait3A_2402 = arith.constant 0 : i32
        %dma_wait3A_2403 = arith.constant 0 : i32
        %dma_wait3A_2404 = tpu.memref_slice %arg6[%add3A_1360, %dma_wait3A_2401, %dma_wait3A_2402, %dma_wait3A_2403] : memref<1024x3x64x64xf32, #tpu.memory_space<hbm>> -> memref<1x3x64x64xf32, #tpu.memory_space<hbm>>
        %dma_wait3A_2405 = tpu.memref_squeeze %dma_wait3A_2404 : memref<1x3x64x64xf32, #tpu.memory_space<hbm>> -> memref<3x64x64xf32, #tpu.memory_space<hbm>>
        %dma_wait3A_2406 = arith.constant 0 : i32
        %dma_wait3A_2407 = arith.constant 0 : i32
        %dma_wait3A_2408 = arith.constant 0 : i32
        %dma_wait3A_2409 = tpu.memref_slice %arg6[%add3A_1360, %dma_wait3A_2406, %dma_wait3A_2407, %dma_wait3A_2408] : memref<1024x3x64x64xf32, #tpu.memory_space<hbm>> -> memref<1x3x64x64xf32, #tpu.memory_space<hbm>>
        %dma_wait3A_2410 = tpu.memref_squeeze %dma_wait3A_2409 : memref<1x3x64x64xf32, #tpu.memory_space<hbm>> -> memref<3x64x64xf32, #tpu.memory_space<hbm>>
        tpu.wait_dma2 semaphore(%run_scoped3A : memref<!tpu.dma_semaphore, #tpu.memory_space<semaphore_mem>>) src(%arg10 : memref<3x64x64xf32, #tpu.memory_space<vmem>>) dst(%dma_wait3A_2410 : memref<3x64x64xf32, #tpu.memory_space<hbm>>)
        tpu.yield
      }) : () -> ()
      "tpu.region"() ({
        %run_scoped3A = tpu.sem_alloc : memref<!tpu.dma_semaphore, #tpu.memory_space<semaphore_mem>>
        %dma_start3A_2391 = arith.constant 0 : i32
        %dma_start3A_2392 = arith.constant 0 : i32
        %dma_start3A_2393 = arith.constant 0 : i32
        %dma_start3A_2394 = tpu.memref_slice %arg7[%add3A_1360, %dma_start3A_2391, %dma_start3A_2392, %dma_start3A_2393] : memref<1024x1x64x64xf32, #tpu.memory_space<hbm>> -> memref<1x1x64x64xf32, #tpu.memory_space<hbm>>
        %dma_start3A_2395 = tpu.memref_squeeze %dma_start3A_2394 : memref<1x1x64x64xf32, #tpu.memory_space<hbm>> -> memref<1x64x64xf32, #tpu.memory_space<hbm>>
        %dma_start3A_2396 = arith.constant 0 : i32
        %dma_start3A_2397 = arith.constant 0 : i32
        %dma_start3A_2398 = arith.constant 0 : i32
        %dma_start3A_2399 = tpu.memref_slice %arg7[%add3A_1360, %dma_start3A_2396, %dma_start3A_2397, %dma_start3A_2398] : memref<1024x1x64x64xf32, #tpu.memory_space<hbm>> -> memref<1x1x64x64xf32, #tpu.memory_space<hbm>>
        %dma_start3A_2400 = tpu.memref_squeeze %dma_start3A_2399 : memref<1x1x64x64xf32, #tpu.memory_space<hbm>> -> memref<1x64x64xf32, #tpu.memory_space<hbm>>
        tpu.enqueue_dma source(%arg11 : memref<1x64x64xf32, #tpu.memory_space<vmem>>) target(%dma_start3A_2400 : memref<1x64x64xf32, #tpu.memory_space<hbm>>) target_semaphore(%run_scoped3A : memref<!tpu.dma_semaphore, #tpu.memory_space<semaphore_mem>>)
        %dma_wait3A_2401 = arith.constant 0 : i32
        %dma_wait3A_2402 = arith.constant 0 : i32
        %dma_wait3A_2403 = arith.constant 0 : i32
        %dma_wait3A_2404 = tpu.memref_slice %arg7[%add3A_1360, %dma_wait3A_2401, %dma_wait3A_2402, %dma_wait3A_2403] : memref<1024x1x64x64xf32, #tpu.memory_space<hbm>> -> memref<1x1x64x64xf32, #tpu.memory_space<hbm>>
        %dma_wait3A_2405 = tpu.memref_squeeze %dma_wait3A_2404 : memref<1x1x64x64xf32, #tpu.memory_space<hbm>> -> memref<1x64x64xf32, #tpu.memory_space<hbm>>
        %dma_wait3A_2406 = arith.constant 0 : i32
        %dma_wait3A_2407 = arith.constant 0 : i32
        %dma_wait3A_2408 = arith.constant 0 : i32
        %dma_wait3A_2409 = tpu.memref_slice %arg7[%add3A_1360, %dma_wait3A_2406, %dma_wait3A_2407, %dma_wait3A_2408] : memref<1024x1x64x64xf32, #tpu.memory_space<hbm>> -> memref<1x1x64x64xf32, #tpu.memory_space<hbm>>
        %dma_wait3A_2410 = tpu.memref_squeeze %dma_wait3A_2409 : memref<1x1x64x64xf32, #tpu.memory_space<hbm>> -> memref<1x64x64xf32, #tpu.memory_space<hbm>>
        tpu.wait_dma2 semaphore(%run_scoped3A : memref<!tpu.dma_semaphore, #tpu.memory_space<semaphore_mem>>) src(%arg11 : memref<1x64x64xf32, #tpu.memory_space<vmem>>) dst(%dma_wait3A_2410 : memref<1x64x64xf32, #tpu.memory_space<hbm>>)
        tpu.yield
      }) : () -> ()
      %slice3A_1497 = vector.extract_strided_slice %get3A_14 {offsets = [10], sizes = [1], strides = [1]} : vector<16xi32> to vector<1xi32>
      %squeeze3A_1498 = vector.extract %slice3A_1497[0] : i32 from vector<1xi32>
      %multiple_of3A_1499 = tpu.assume_multiple %squeeze3A_1498, 16 : i32
      %slice3A_1500 = vector.extract_strided_slice %get3A_19 {offsets = [10], sizes = [1], strides = [1]} : vector<16xi32> to vector<1xi32>
      %squeeze3A_1501 = vector.extract %slice3A_1500[0] : i32 from vector<1xi32>
      %multiple_of3A_1502 = tpu.assume_multiple %squeeze3A_1501, 16 : i32
      %mul3A_1503 = arith.constant 32 : i32
      %mul3A_1504 = arith.muli %add3A, %mul3A_1503 : i32
      %mul3A_1505 = arith.constant 16 : i32
      %mul3A_1506 = arith.muli %scan3A_10, %mul3A_1505 : i32
      %add3A_1507 = arith.addi %mul3A_1504, %mul3A_1506 : i32
      %add3A_1508 = arith.constant 10 : i32
      %add3A_1509 = arith.addi %add3A_1507, %add3A_1508 : i32
      %jit3A_1510 = arith.constant 64 : i32
      %div3A_1511 = arith.divsi %add3A_1509, %jit3A_1510 : i32
      %sign3A_1512 = arith.constant 0 : i32
      %sign3A_1513 = arith.cmpi sgt, %add3A_1509, %sign3A_1512 : i32
      %sign3A_1514 = arith.extui %sign3A_1513 : i1 to i32
      %sign3A_1515 = arith.constant 0 : i32
      %sign3A_1516 = arith.cmpi slt, %add3A_1509, %sign3A_1515 : i32
      %sign3A_1517 = arith.extui %sign3A_1516 : i1 to i32
      %sign3A_1518 = arith.subi %sign3A_1514, %sign3A_1517 : i32
      %sign3A_1519 = arith.constant 0 : i32
      %sign3A_1520 = arith.cmpi sgt, %jit3A_1510, %sign3A_1519 : i32
      %sign3A_1521 = arith.extui %sign3A_1520 : i1 to i32
      %sign3A_1522 = arith.constant 0 : i32
      %sign3A_1523 = arith.cmpi slt, %jit3A_1510, %sign3A_1522 : i32
      %sign3A_1524 = arith.extui %sign3A_1523 : i1 to i32
      %sign3A_1525 = arith.subi %sign3A_1521, %sign3A_1524 : i32
      %ne3A_1526 = arith.cmpi ne, %sign3A_1518, %sign3A_1525 : i32
      %rem3A_1527 = arith.remsi %add3A_1509, %jit3A_1510 : i32
      %ne3A_1528 = arith.constant 0 : i32
      %ne3A_1529 = arith.cmpi ne, %rem3A_1527, %ne3A_1528 : i32
      %and3A_1530 = arith.andi %ne3A_1526, %ne3A_1529 : i1
      %sub3A_1531 = arith.constant 1 : i32
      %sub3A_1532 = arith.subi %div3A_1511, %sub3A_1531 : i32
      %select_n3A_1533 = arith.select %and3A_1530, %sub3A_1532, %div3A_1511 : i32
      %dma_start3A_1534 = arith.constant 0 : i32
      %dma_start3A_1535 = arith.constant 0 : i32
      %dma_start3A_1536 = arith.constant 0 : i32
      %dma_start3A_1537 = arith.constant 0 : i32
      %dma_start3A_1538 = tpu.memref_slice %arg10[%dma_start3A_1535, %dma_start3A_1536, %dma_start3A_1537] : memref<3x64x64xf32, #tpu.memory_space<vmem>> -> memref<1x64x64xf32, #tpu.memory_space<vmem>>
      %dma_start3A_1539 = tpu.memref_squeeze %dma_start3A_1538 : memref<1x64x64xf32, #tpu.memory_space<vmem>> -> memref<64x64xf32, #tpu.memory_space<vmem>>
      %dma_start3A_1540 = tpu.memref_slice %arg2[%select_n3A_1533, %dma_start3A_1534, %multiple_of3A_1499, %multiple_of3A_1502] : memref<16x3x512x512xf32, #tpu.memory_space<hbm>> -> memref<1x1x64x64xf32, #tpu.memory_space<hbm>>
      %dma_start3A_1541 = tpu.memref_squeeze %dma_start3A_1540 : memref<1x1x64x64xf32, #tpu.memory_space<hbm>> -> memref<64x64xf32, #tpu.memory_space<hbm>>
      %dma_start3A_1542 = arith.constant 0 : i32
      %dma_start3A_1543 = arith.constant 0 : i32
      %dma_start3A_1544 = tpu.memref_slice %arg10[%dma_start3A_1535, %dma_start3A_1542, %dma_start3A_1543] : memref<3x64x64xf32, #tpu.memory_space<vmem>> -> memref<1x64x64xf32, #tpu.memory_space<vmem>>
      %dma_start3A_1545 = tpu.memref_squeeze %dma_start3A_1544 : memref<1x64x64xf32, #tpu.memory_space<vmem>> -> memref<64x64xf32, #tpu.memory_space<vmem>>
      %dma_start3A_1546 = tpu.memref_slice %arg2[%select_n3A_1533, %dma_start3A_1534, %multiple_of3A_1499, %multiple_of3A_1502] : memref<16x3x512x512xf32, #tpu.memory_space<hbm>> -> memref<1x1x64x64xf32, #tpu.memory_space<hbm>>
      %dma_start3A_1547 = tpu.memref_squeeze %dma_start3A_1546 : memref<1x1x64x64xf32, #tpu.memory_space<hbm>> -> memref<64x64xf32, #tpu.memory_space<hbm>>
      tpu.enqueue_dma source(%dma_start3A_1547 : memref<64x64xf32, #tpu.memory_space<hbm>>) target(%dma_start3A_1545 : memref<64x64xf32, #tpu.memory_space<vmem>>) target_semaphore(%arg12 : memref<!tpu.dma_semaphore, #tpu.memory_space<semaphore_mem>>)
      %dma_start3A_1548 = arith.constant 1 : i32
      %dma_start3A_1549 = arith.constant 1 : i32
      %dma_start3A_1550 = arith.constant 0 : i32
      %dma_start3A_1551 = arith.constant 0 : i32
      %dma_start3A_1552 = tpu.memref_slice %arg10[%dma_start3A_1549, %dma_start3A_1550, %dma_start3A_1551] : memref<3x64x64xf32, #tpu.memory_space<vmem>> -> memref<1x64x64xf32, #tpu.memory_space<vmem>>
      %dma_start3A_1553 = tpu.memref_squeeze %dma_start3A_1552 : memref<1x64x64xf32, #tpu.memory_space<vmem>> -> memref<64x64xf32, #tpu.memory_space<vmem>>
      %dma_start3A_1554 = tpu.memref_slice %arg2[%select_n3A_1533, %dma_start3A_1548, %multiple_of3A_1499, %multiple_of3A_1502] : memref<16x3x512x512xf32, #tpu.memory_space<hbm>> -> memref<1x1x64x64xf32, #tpu.memory_space<hbm>>
      %dma_start3A_1555 = tpu.memref_squeeze %dma_start3A_1554 : memref<1x1x64x64xf32, #tpu.memory_space<hbm>> -> memref<64x64xf32, #tpu.memory_space<hbm>>
      %dma_start3A_1556 = arith.constant 0 : i32
      %dma_start3A_1557 = arith.constant 0 : i32
      %dma_start3A_1558 = tpu.memref_slice %arg10[%dma_start3A_1549, %dma_start3A_1556, %dma_start3A_1557] : memref<3x64x64xf32, #tpu.memory_space<vmem>> -> memref<1x64x64xf32, #tpu.memory_space<vmem>>
      %dma_start3A_1559 = tpu.memref_squeeze %dma_start3A_1558 : memref<1x64x64xf32, #tpu.memory_space<vmem>> -> memref<64x64xf32, #tpu.memory_space<vmem>>
      %dma_start3A_1560 = tpu.memref_slice %arg2[%select_n3A_1533, %dma_start3A_1548, %multiple_of3A_1499, %multiple_of3A_1502] : memref<16x3x512x512xf32, #tpu.memory_space<hbm>> -> memref<1x1x64x64xf32, #tpu.memory_space<hbm>>
      %dma_start3A_1561 = tpu.memref_squeeze %dma_start3A_1560 : memref<1x1x64x64xf32, #tpu.memory_space<hbm>> -> memref<64x64xf32, #tpu.memory_space<hbm>>
      tpu.enqueue_dma source(%dma_start3A_1561 : memref<64x64xf32, #tpu.memory_space<hbm>>) target(%dma_start3A_1559 : memref<64x64xf32, #tpu.memory_space<vmem>>) target_semaphore(%arg12 : memref<!tpu.dma_semaphore, #tpu.memory_space<semaphore_mem>>)
      %dma_start3A_1562 = arith.constant 2 : i32
      %dma_start3A_1563 = arith.constant 2 : i32
      %dma_start3A_1564 = arith.constant 0 : i32
      %dma_start3A_1565 = arith.constant 0 : i32
      %dma_start3A_1566 = tpu.memref_slice %arg10[%dma_start3A_1563, %dma_start3A_1564, %dma_start3A_1565] : memref<3x64x64xf32, #tpu.memory_space<vmem>> -> memref<1x64x64xf32, #tpu.memory_space<vmem>>
      %dma_start3A_1567 = tpu.memref_squeeze %dma_start3A_1566 : memref<1x64x64xf32, #tpu.memory_space<vmem>> -> memref<64x64xf32, #tpu.memory_space<vmem>>
      %dma_start3A_1568 = tpu.memref_slice %arg2[%select_n3A_1533, %dma_start3A_1562, %multiple_of3A_1499, %multiple_of3A_1502] : memref<16x3x512x512xf32, #tpu.memory_space<hbm>> -> memref<1x1x64x64xf32, #tpu.memory_space<hbm>>
      %dma_start3A_1569 = tpu.memref_squeeze %dma_start3A_1568 : memref<1x1x64x64xf32, #tpu.memory_space<hbm>> -> memref<64x64xf32, #tpu.memory_space<hbm>>
      %dma_start3A_1570 = arith.constant 0 : i32
      %dma_start3A_1571 = arith.constant 0 : i32
      %dma_start3A_1572 = tpu.memref_slice %arg10[%dma_start3A_1563, %dma_start3A_1570, %dma_start3A_1571] : memref<3x64x64xf32, #tpu.memory_space<vmem>> -> memref<1x64x64xf32, #tpu.memory_space<vmem>>
      %dma_start3A_1573 = tpu.memref_squeeze %dma_start3A_1572 : memref<1x64x64xf32, #tpu.memory_space<vmem>> -> memref<64x64xf32, #tpu.memory_space<vmem>>
      %dma_start3A_1574 = tpu.memref_slice %arg2[%select_n3A_1533, %dma_start3A_1562, %multiple_of3A_1499, %multiple_of3A_1502] : memref<16x3x512x512xf32, #tpu.memory_space<hbm>> -> memref<1x1x64x64xf32, #tpu.memory_space<hbm>>
      %dma_start3A_1575 = tpu.memref_squeeze %dma_start3A_1574 : memref<1x1x64x64xf32, #tpu.memory_space<hbm>> -> memref<64x64xf32, #tpu.memory_space<hbm>>
      tpu.enqueue_dma source(%dma_start3A_1575 : memref<64x64xf32, #tpu.memory_space<hbm>>) target(%dma_start3A_1573 : memref<64x64xf32, #tpu.memory_space<vmem>>) target_semaphore(%arg12 : memref<!tpu.dma_semaphore, #tpu.memory_space<semaphore_mem>>)
      %dma_start3A_1576 = arith.constant 0 : i32
      %dma_start3A_1577 = arith.constant 0 : i32
      %dma_start3A_1578 = arith.constant 0 : i32
      %dma_start3A_1579 = arith.constant 0 : i32
      %dma_start3A_1580 = tpu.memref_slice %arg11[%dma_start3A_1577, %dma_start3A_1578, %dma_start3A_1579] : memref<1x64x64xf32, #tpu.memory_space<vmem>> -> memref<1x64x64xf32, #tpu.memory_space<vmem>>
      %dma_start3A_1581 = tpu.memref_squeeze %dma_start3A_1580 : memref<1x64x64xf32, #tpu.memory_space<vmem>> -> memref<64x64xf32, #tpu.memory_space<vmem>>
      %dma_start3A_1582 = tpu.memref_slice %arg3[%select_n3A_1533, %dma_start3A_1576, %multiple_of3A_1499, %multiple_of3A_1502] : memref<16x1x512x512xf32, #tpu.memory_space<hbm>> -> memref<1x1x64x64xf32, #tpu.memory_space<hbm>>
      %dma_start3A_1583 = tpu.memref_squeeze %dma_start3A_1582 : memref<1x1x64x64xf32, #tpu.memory_space<hbm>> -> memref<64x64xf32, #tpu.memory_space<hbm>>
      %dma_start3A_1584 = arith.constant 0 : i32
      %dma_start3A_1585 = arith.constant 0 : i32
      %dma_start3A_1586 = tpu.memref_slice %arg11[%dma_start3A_1577, %dma_start3A_1584, %dma_start3A_1585] : memref<1x64x64xf32, #tpu.memory_space<vmem>> -> memref<1x64x64xf32, #tpu.memory_space<vmem>>
      %dma_start3A_1587 = tpu.memref_squeeze %dma_start3A_1586 : memref<1x64x64xf32, #tpu.memory_space<vmem>> -> memref<64x64xf32, #tpu.memory_space<vmem>>
      %dma_start3A_1588 = tpu.memref_slice %arg3[%select_n3A_1533, %dma_start3A_1576, %multiple_of3A_1499, %multiple_of3A_1502] : memref<16x1x512x512xf32, #tpu.memory_space<hbm>> -> memref<1x1x64x64xf32, #tpu.memory_space<hbm>>
      %dma_start3A_1589 = tpu.memref_squeeze %dma_start3A_1588 : memref<1x1x64x64xf32, #tpu.memory_space<hbm>> -> memref<64x64xf32, #tpu.memory_space<hbm>>
      tpu.enqueue_dma source(%dma_start3A_1589 : memref<64x64xf32, #tpu.memory_space<hbm>>) target(%dma_start3A_1587 : memref<64x64xf32, #tpu.memory_space<vmem>>) target_semaphore(%arg12 : memref<!tpu.dma_semaphore, #tpu.memory_space<semaphore_mem>>)
      %dma_wait3A_1590 = arith.constant 0 : i32
      %dma_wait3A_1591 = arith.constant 0 : i32
      %dma_wait3A_1592 = arith.constant 0 : i32
      %dma_wait3A_1593 = arith.constant 0 : i32
      %dma_wait3A_1594 = tpu.memref_slice %arg10[%dma_wait3A_1591, %dma_wait3A_1592, %dma_wait3A_1593] : memref<3x64x64xf32, #tpu.memory_space<vmem>> -> memref<1x64x64xf32, #tpu.memory_space<vmem>>
      %dma_wait3A_1595 = tpu.memref_squeeze %dma_wait3A_1594 : memref<1x64x64xf32, #tpu.memory_space<vmem>> -> memref<64x64xf32, #tpu.memory_space<vmem>>
      %dma_wait3A_1596 = tpu.memref_slice %arg2[%select_n3A_1533, %dma_wait3A_1590, %multiple_of3A_1499, %multiple_of3A_1502] : memref<16x3x512x512xf32, #tpu.memory_space<hbm>> -> memref<1x1x64x64xf32, #tpu.memory_space<hbm>>
      %dma_wait3A_1597 = tpu.memref_squeeze %dma_wait3A_1596 : memref<1x1x64x64xf32, #tpu.memory_space<hbm>> -> memref<64x64xf32, #tpu.memory_space<hbm>>
      %dma_wait3A_1598 = arith.constant 0 : i32
      %dma_wait3A_1599 = arith.constant 0 : i32
      %dma_wait3A_1600 = tpu.memref_slice %arg10[%dma_wait3A_1591, %dma_wait3A_1598, %dma_wait3A_1599] : memref<3x64x64xf32, #tpu.memory_space<vmem>> -> memref<1x64x64xf32, #tpu.memory_space<vmem>>
      %dma_wait3A_1601 = tpu.memref_squeeze %dma_wait3A_1600 : memref<1x64x64xf32, #tpu.memory_space<vmem>> -> memref<64x64xf32, #tpu.memory_space<vmem>>
      %dma_wait3A_1602 = tpu.memref_slice %arg2[%select_n3A_1533, %dma_wait3A_1590, %multiple_of3A_1499, %multiple_of3A_1502] : memref<16x3x512x512xf32, #tpu.memory_space<hbm>> -> memref<1x1x64x64xf32, #tpu.memory_space<hbm>>
      %dma_wait3A_1603 = tpu.memref_squeeze %dma_wait3A_1602 : memref<1x1x64x64xf32, #tpu.memory_space<hbm>> -> memref<64x64xf32, #tpu.memory_space<hbm>>
      tpu.wait_dma2 semaphore(%arg12 : memref<!tpu.dma_semaphore, #tpu.memory_space<semaphore_mem>>) src(%dma_wait3A_1603 : memref<64x64xf32, #tpu.memory_space<hbm>>) dst(%dma_wait3A_1601 : memref<64x64xf32, #tpu.memory_space<vmem>>)
      %dma_wait3A_1604 = arith.constant 1 : i32
      %dma_wait3A_1605 = arith.constant 1 : i32
      %dma_wait3A_1606 = arith.constant 0 : i32
      %dma_wait3A_1607 = arith.constant 0 : i32
      %dma_wait3A_1608 = tpu.memref_slice %arg10[%dma_wait3A_1605, %dma_wait3A_1606, %dma_wait3A_1607] : memref<3x64x64xf32, #tpu.memory_space<vmem>> -> memref<1x64x64xf32, #tpu.memory_space<vmem>>
      %dma_wait3A_1609 = tpu.memref_squeeze %dma_wait3A_1608 : memref<1x64x64xf32, #tpu.memory_space<vmem>> -> memref<64x64xf32, #tpu.memory_space<vmem>>
      %dma_wait3A_1610 = tpu.memref_slice %arg2[%select_n3A_1533, %dma_wait3A_1604, %multiple_of3A_1499, %multiple_of3A_1502] : memref<16x3x512x512xf32, #tpu.memory_space<hbm>> -> memref<1x1x64x64xf32, #tpu.memory_space<hbm>>
      %dma_wait3A_1611 = tpu.memref_squeeze %dma_wait3A_1610 : memref<1x1x64x64xf32, #tpu.memory_space<hbm>> -> memref<64x64xf32, #tpu.memory_space<hbm>>
      %dma_wait3A_1612 = arith.constant 0 : i32
      %dma_wait3A_1613 = arith.constant 0 : i32
      %dma_wait3A_1614 = tpu.memref_slice %arg10[%dma_wait3A_1605, %dma_wait3A_1612, %dma_wait3A_1613] : memref<3x64x64xf32, #tpu.memory_space<vmem>> -> memref<1x64x64xf32, #tpu.memory_space<vmem>>
      %dma_wait3A_1615 = tpu.memref_squeeze %dma_wait3A_1614 : memref<1x64x64xf32, #tpu.memory_space<vmem>> -> memref<64x64xf32, #tpu.memory_space<vmem>>
      %dma_wait3A_1616 = tpu.memref_slice %arg2[%select_n3A_1533, %dma_wait3A_1604, %multiple_of3A_1499, %multiple_of3A_1502] : memref<16x3x512x512xf32, #tpu.memory_space<hbm>> -> memref<1x1x64x64xf32, #tpu.memory_space<hbm>>
      %dma_wait3A_1617 = tpu.memref_squeeze %dma_wait3A_1616 : memref<1x1x64x64xf32, #tpu.memory_space<hbm>> -> memref<64x64xf32, #tpu.memory_space<hbm>>
      tpu.wait_dma2 semaphore(%arg12 : memref<!tpu.dma_semaphore, #tpu.memory_space<semaphore_mem>>) src(%dma_wait3A_1617 : memref<64x64xf32, #tpu.memory_space<hbm>>) dst(%dma_wait3A_1615 : memref<64x64xf32, #tpu.memory_space<vmem>>)
      %dma_wait3A_1618 = arith.constant 2 : i32
      %dma_wait3A_1619 = arith.constant 2 : i32
      %dma_wait3A_1620 = arith.constant 0 : i32
      %dma_wait3A_1621 = arith.constant 0 : i32
      %dma_wait3A_1622 = tpu.memref_slice %arg10[%dma_wait3A_1619, %dma_wait3A_1620, %dma_wait3A_1621] : memref<3x64x64xf32, #tpu.memory_space<vmem>> -> memref<1x64x64xf32, #tpu.memory_space<vmem>>
      %dma_wait3A_1623 = tpu.memref_squeeze %dma_wait3A_1622 : memref<1x64x64xf32, #tpu.memory_space<vmem>> -> memref<64x64xf32, #tpu.memory_space<vmem>>
      %dma_wait3A_1624 = tpu.memref_slice %arg2[%select_n3A_1533, %dma_wait3A_1618, %multiple_of3A_1499, %multiple_of3A_1502] : memref<16x3x512x512xf32, #tpu.memory_space<hbm>> -> memref<1x1x64x64xf32, #tpu.memory_space<hbm>>
      %dma_wait3A_1625 = tpu.memref_squeeze %dma_wait3A_1624 : memref<1x1x64x64xf32, #tpu.memory_space<hbm>> -> memref<64x64xf32, #tpu.memory_space<hbm>>
      %dma_wait3A_1626 = arith.constant 0 : i32
      %dma_wait3A_1627 = arith.constant 0 : i32
      %dma_wait3A_1628 = tpu.memref_slice %arg10[%dma_wait3A_1619, %dma_wait3A_1626, %dma_wait3A_1627] : memref<3x64x64xf32, #tpu.memory_space<vmem>> -> memref<1x64x64xf32, #tpu.memory_space<vmem>>
      %dma_wait3A_1629 = tpu.memref_squeeze %dma_wait3A_1628 : memref<1x64x64xf32, #tpu.memory_space<vmem>> -> memref<64x64xf32, #tpu.memory_space<vmem>>
      %dma_wait3A_1630 = tpu.memref_slice %arg2[%select_n3A_1533, %dma_wait3A_1618, %multiple_of3A_1499, %multiple_of3A_1502] : memref<16x3x512x512xf32, #tpu.memory_space<hbm>> -> memref<1x1x64x64xf32, #tpu.memory_space<hbm>>
      %dma_wait3A_1631 = tpu.memref_squeeze %dma_wait3A_1630 : memref<1x1x64x64xf32, #tpu.memory_space<hbm>> -> memref<64x64xf32, #tpu.memory_space<hbm>>
      tpu.wait_dma2 semaphore(%arg12 : memref<!tpu.dma_semaphore, #tpu.memory_space<semaphore_mem>>) src(%dma_wait3A_1631 : memref<64x64xf32, #tpu.memory_space<hbm>>) dst(%dma_wait3A_1629 : memref<64x64xf32, #tpu.memory_space<vmem>>)
      %dma_wait3A_1632 = arith.constant 0 : i32
      %dma_wait3A_1633 = arith.constant 0 : i32
      %dma_wait3A_1634 = arith.constant 0 : i32
      %dma_wait3A_1635 = arith.constant 0 : i32
      %dma_wait3A_1636 = tpu.memref_slice %arg11[%dma_wait3A_1633, %dma_wait3A_1634, %dma_wait3A_1635] : memref<1x64x64xf32, #tpu.memory_space<vmem>> -> memref<1x64x64xf32, #tpu.memory_space<vmem>>
      %dma_wait3A_1637 = tpu.memref_squeeze %dma_wait3A_1636 : memref<1x64x64xf32, #tpu.memory_space<vmem>> -> memref<64x64xf32, #tpu.memory_space<vmem>>
      %dma_wait3A_1638 = tpu.memref_slice %arg3[%select_n3A_1533, %dma_wait3A_1632, %multiple_of3A_1499, %multiple_of3A_1502] : memref<16x1x512x512xf32, #tpu.memory_space<hbm>> -> memref<1x1x64x64xf32, #tpu.memory_space<hbm>>
      %dma_wait3A_1639 = tpu.memref_squeeze %dma_wait3A_1638 : memref<1x1x64x64xf32, #tpu.memory_space<hbm>> -> memref<64x64xf32, #tpu.memory_space<hbm>>
      %dma_wait3A_1640 = arith.constant 0 : i32
      %dma_wait3A_1641 = arith.constant 0 : i32
      %dma_wait3A_1642 = tpu.memref_slice %arg11[%dma_wait3A_1633, %dma_wait3A_1640, %dma_wait3A_1641] : memref<1x64x64xf32, #tpu.memory_space<vmem>> -> memref<1x64x64xf32, #tpu.memory_space<vmem>>
      %dma_wait3A_1643 = tpu.memref_squeeze %dma_wait3A_1642 : memref<1x64x64xf32, #tpu.memory_space<vmem>> -> memref<64x64xf32, #tpu.memory_space<vmem>>
      %dma_wait3A_1644 = tpu.memref_slice %arg3[%select_n3A_1533, %dma_wait3A_1632, %multiple_of3A_1499, %multiple_of3A_1502] : memref<16x1x512x512xf32, #tpu.memory_space<hbm>> -> memref<1x1x64x64xf32, #tpu.memory_space<hbm>>
      %dma_wait3A_1645 = tpu.memref_squeeze %dma_wait3A_1644 : memref<1x1x64x64xf32, #tpu.memory_space<hbm>> -> memref<64x64xf32, #tpu.memory_space<hbm>>
      tpu.wait_dma2 semaphore(%arg12 : memref<!tpu.dma_semaphore, #tpu.memory_space<semaphore_mem>>) src(%dma_wait3A_1645 : memref<64x64xf32, #tpu.memory_space<hbm>>) dst(%dma_wait3A_1643 : memref<64x64xf32, #tpu.memory_space<vmem>>)
      "tpu.region"() ({
        %run_scoped3A = tpu.sem_alloc : memref<!tpu.dma_semaphore, #tpu.memory_space<semaphore_mem>>
        %dma_start3A_2391 = arith.constant 0 : i32
        %dma_start3A_2392 = arith.constant 0 : i32
        %dma_start3A_2393 = arith.constant 0 : i32
        %dma_start3A_2394 = tpu.memref_slice %arg6[%add3A_1509, %dma_start3A_2391, %dma_start3A_2392, %dma_start3A_2393] : memref<1024x3x64x64xf32, #tpu.memory_space<hbm>> -> memref<1x3x64x64xf32, #tpu.memory_space<hbm>>
        %dma_start3A_2395 = tpu.memref_squeeze %dma_start3A_2394 : memref<1x3x64x64xf32, #tpu.memory_space<hbm>> -> memref<3x64x64xf32, #tpu.memory_space<hbm>>
        %dma_start3A_2396 = arith.constant 0 : i32
        %dma_start3A_2397 = arith.constant 0 : i32
        %dma_start3A_2398 = arith.constant 0 : i32
        %dma_start3A_2399 = tpu.memref_slice %arg6[%add3A_1509, %dma_start3A_2396, %dma_start3A_2397, %dma_start3A_2398] : memref<1024x3x64x64xf32, #tpu.memory_space<hbm>> -> memref<1x3x64x64xf32, #tpu.memory_space<hbm>>
        %dma_start3A_2400 = tpu.memref_squeeze %dma_start3A_2399 : memref<1x3x64x64xf32, #tpu.memory_space<hbm>> -> memref<3x64x64xf32, #tpu.memory_space<hbm>>
        tpu.enqueue_dma source(%arg10 : memref<3x64x64xf32, #tpu.memory_space<vmem>>) target(%dma_start3A_2400 : memref<3x64x64xf32, #tpu.memory_space<hbm>>) target_semaphore(%run_scoped3A : memref<!tpu.dma_semaphore, #tpu.memory_space<semaphore_mem>>)
        %dma_wait3A_2401 = arith.constant 0 : i32
        %dma_wait3A_2402 = arith.constant 0 : i32
        %dma_wait3A_2403 = arith.constant 0 : i32
        %dma_wait3A_2404 = tpu.memref_slice %arg6[%add3A_1509, %dma_wait3A_2401, %dma_wait3A_2402, %dma_wait3A_2403] : memref<1024x3x64x64xf32, #tpu.memory_space<hbm>> -> memref<1x3x64x64xf32, #tpu.memory_space<hbm>>
        %dma_wait3A_2405 = tpu.memref_squeeze %dma_wait3A_2404 : memref<1x3x64x64xf32, #tpu.memory_space<hbm>> -> memref<3x64x64xf32, #tpu.memory_space<hbm>>
        %dma_wait3A_2406 = arith.constant 0 : i32
        %dma_wait3A_2407 = arith.constant 0 : i32
        %dma_wait3A_2408 = arith.constant 0 : i32
        %dma_wait3A_2409 = tpu.memref_slice %arg6[%add3A_1509, %dma_wait3A_2406, %dma_wait3A_2407, %dma_wait3A_2408] : memref<1024x3x64x64xf32, #tpu.memory_space<hbm>> -> memref<1x3x64x64xf32, #tpu.memory_space<hbm>>
        %dma_wait3A_2410 = tpu.memref_squeeze %dma_wait3A_2409 : memref<1x3x64x64xf32, #tpu.memory_space<hbm>> -> memref<3x64x64xf32, #tpu.memory_space<hbm>>
        tpu.wait_dma2 semaphore(%run_scoped3A : memref<!tpu.dma_semaphore, #tpu.memory_space<semaphore_mem>>) src(%arg10 : memref<3x64x64xf32, #tpu.memory_space<vmem>>) dst(%dma_wait3A_2410 : memref<3x64x64xf32, #tpu.memory_space<hbm>>)
        tpu.yield
      }) : () -> ()
      "tpu.region"() ({
        %run_scoped3A = tpu.sem_alloc : memref<!tpu.dma_semaphore, #tpu.memory_space<semaphore_mem>>
        %dma_start3A_2391 = arith.constant 0 : i32
        %dma_start3A_2392 = arith.constant 0 : i32
        %dma_start3A_2393 = arith.constant 0 : i32
        %dma_start3A_2394 = tpu.memref_slice %arg7[%add3A_1509, %dma_start3A_2391, %dma_start3A_2392, %dma_start3A_2393] : memref<1024x1x64x64xf32, #tpu.memory_space<hbm>> -> memref<1x1x64x64xf32, #tpu.memory_space<hbm>>
        %dma_start3A_2395 = tpu.memref_squeeze %dma_start3A_2394 : memref<1x1x64x64xf32, #tpu.memory_space<hbm>> -> memref<1x64x64xf32, #tpu.memory_space<hbm>>
        %dma_start3A_2396 = arith.constant 0 : i32
        %dma_start3A_2397 = arith.constant 0 : i32
        %dma_start3A_2398 = arith.constant 0 : i32
        %dma_start3A_2399 = tpu.memref_slice %arg7[%add3A_1509, %dma_start3A_2396, %dma_start3A_2397, %dma_start3A_2398] : memref<1024x1x64x64xf32, #tpu.memory_space<hbm>> -> memref<1x1x64x64xf32, #tpu.memory_space<hbm>>
        %dma_start3A_2400 = tpu.memref_squeeze %dma_start3A_2399 : memref<1x1x64x64xf32, #tpu.memory_space<hbm>> -> memref<1x64x64xf32, #tpu.memory_space<hbm>>
        tpu.enqueue_dma source(%arg11 : memref<1x64x64xf32, #tpu.memory_space<vmem>>) target(%dma_start3A_2400 : memref<1x64x64xf32, #tpu.memory_space<hbm>>) target_semaphore(%run_scoped3A : memref<!tpu.dma_semaphore, #tpu.memory_space<semaphore_mem>>)
        %dma_wait3A_2401 = arith.constant 0 : i32
        %dma_wait3A_2402 = arith.constant 0 : i32
        %dma_wait3A_2403 = arith.constant 0 : i32
        %dma_wait3A_2404 = tpu.memref_slice %arg7[%add3A_1509, %dma_wait3A_2401, %dma_wait3A_2402, %dma_wait3A_2403] : memref<1024x1x64x64xf32, #tpu.memory_space<hbm>> -> memref<1x1x64x64xf32, #tpu.memory_space<hbm>>
        %dma_wait3A_2405 = tpu.memref_squeeze %dma_wait3A_2404 : memref<1x1x64x64xf32, #tpu.memory_space<hbm>> -> memref<1x64x64xf32, #tpu.memory_space<hbm>>
        %dma_wait3A_2406 = arith.constant 0 : i32
        %dma_wait3A_2407 = arith.constant 0 : i32
        %dma_wait3A_2408 = arith.constant 0 : i32
        %dma_wait3A_2409 = tpu.memref_slice %arg7[%add3A_1509, %dma_wait3A_2406, %dma_wait3A_2407, %dma_wait3A_2408] : memref<1024x1x64x64xf32, #tpu.memory_space<hbm>> -> memref<1x1x64x64xf32, #tpu.memory_space<hbm>>
        %dma_wait3A_2410 = tpu.memref_squeeze %dma_wait3A_2409 : memref<1x1x64x64xf32, #tpu.memory_space<hbm>> -> memref<1x64x64xf32, #tpu.memory_space<hbm>>
        tpu.wait_dma2 semaphore(%run_scoped3A : memref<!tpu.dma_semaphore, #tpu.memory_space<semaphore_mem>>) src(%arg11 : memref<1x64x64xf32, #tpu.memory_space<vmem>>) dst(%dma_wait3A_2410 : memref<1x64x64xf32, #tpu.memory_space<hbm>>)
        tpu.yield
      }) : () -> ()
      %slice3A_1646 = vector.extract_strided_slice %get3A_14 {offsets = [11], sizes = [1], strides = [1]} : vector<16xi32> to vector<1xi32>
      %squeeze3A_1647 = vector.extract %slice3A_1646[0] : i32 from vector<1xi32>
      %multiple_of3A_1648 = tpu.assume_multiple %squeeze3A_1647, 16 : i32
      %slice3A_1649 = vector.extract_strided_slice %get3A_19 {offsets = [11], sizes = [1], strides = [1]} : vector<16xi32> to vector<1xi32>
      %squeeze3A_1650 = vector.extract %slice3A_1649[0] : i32 from vector<1xi32>
      %multiple_of3A_1651 = tpu.assume_multiple %squeeze3A_1650, 16 : i32
      %mul3A_1652 = arith.constant 32 : i32
      %mul3A_1653 = arith.muli %add3A, %mul3A_1652 : i32
      %mul3A_1654 = arith.constant 16 : i32
      %mul3A_1655 = arith.muli %scan3A_10, %mul3A_1654 : i32
      %add3A_1656 = arith.addi %mul3A_1653, %mul3A_1655 : i32
      %add3A_1657 = arith.constant 11 : i32
      %add3A_1658 = arith.addi %add3A_1656, %add3A_1657 : i32
      %jit3A_1659 = arith.constant 64 : i32
      %div3A_1660 = arith.divsi %add3A_1658, %jit3A_1659 : i32
      %sign3A_1661 = arith.constant 0 : i32
      %sign3A_1662 = arith.cmpi sgt, %add3A_1658, %sign3A_1661 : i32
      %sign3A_1663 = arith.extui %sign3A_1662 : i1 to i32
      %sign3A_1664 = arith.constant 0 : i32
      %sign3A_1665 = arith.cmpi slt, %add3A_1658, %sign3A_1664 : i32
      %sign3A_1666 = arith.extui %sign3A_1665 : i1 to i32
      %sign3A_1667 = arith.subi %sign3A_1663, %sign3A_1666 : i32
      %sign3A_1668 = arith.constant 0 : i32
      %sign3A_1669 = arith.cmpi sgt, %jit3A_1659, %sign3A_1668 : i32
      %sign3A_1670 = arith.extui %sign3A_1669 : i1 to i32
      %sign3A_1671 = arith.constant 0 : i32
      %sign3A_1672 = arith.cmpi slt, %jit3A_1659, %sign3A_1671 : i32
      %sign3A_1673 = arith.extui %sign3A_1672 : i1 to i32
      %sign3A_1674 = arith.subi %sign3A_1670, %sign3A_1673 : i32
      %ne3A_1675 = arith.cmpi ne, %sign3A_1667, %sign3A_1674 : i32
      %rem3A_1676 = arith.remsi %add3A_1658, %jit3A_1659 : i32
      %ne3A_1677 = arith.constant 0 : i32
      %ne3A_1678 = arith.cmpi ne, %rem3A_1676, %ne3A_1677 : i32
      %and3A_1679 = arith.andi %ne3A_1675, %ne3A_1678 : i1
      %sub3A_1680 = arith.constant 1 : i32
      %sub3A_1681 = arith.subi %div3A_1660, %sub3A_1680 : i32
      %select_n3A_1682 = arith.select %and3A_1679, %sub3A_1681, %div3A_1660 : i32
      %dma_start3A_1683 = arith.constant 0 : i32
      %dma_start3A_1684 = arith.constant 0 : i32
      %dma_start3A_1685 = arith.constant 0 : i32
      %dma_start3A_1686 = arith.constant 0 : i32
      %dma_start3A_1687 = tpu.memref_slice %arg10[%dma_start3A_1684, %dma_start3A_1685, %dma_start3A_1686] : memref<3x64x64xf32, #tpu.memory_space<vmem>> -> memref<1x64x64xf32, #tpu.memory_space<vmem>>
      %dma_start3A_1688 = tpu.memref_squeeze %dma_start3A_1687 : memref<1x64x64xf32, #tpu.memory_space<vmem>> -> memref<64x64xf32, #tpu.memory_space<vmem>>
      %dma_start3A_1689 = tpu.memref_slice %arg2[%select_n3A_1682, %dma_start3A_1683, %multiple_of3A_1648, %multiple_of3A_1651] : memref<16x3x512x512xf32, #tpu.memory_space<hbm>> -> memref<1x1x64x64xf32, #tpu.memory_space<hbm>>
      %dma_start3A_1690 = tpu.memref_squeeze %dma_start3A_1689 : memref<1x1x64x64xf32, #tpu.memory_space<hbm>> -> memref<64x64xf32, #tpu.memory_space<hbm>>
      %dma_start3A_1691 = arith.constant 0 : i32
      %dma_start3A_1692 = arith.constant 0 : i32
      %dma_start3A_1693 = tpu.memref_slice %arg10[%dma_start3A_1684, %dma_start3A_1691, %dma_start3A_1692] : memref<3x64x64xf32, #tpu.memory_space<vmem>> -> memref<1x64x64xf32, #tpu.memory_space<vmem>>
      %dma_start3A_1694 = tpu.memref_squeeze %dma_start3A_1693 : memref<1x64x64xf32, #tpu.memory_space<vmem>> -> memref<64x64xf32, #tpu.memory_space<vmem>>
      %dma_start3A_1695 = tpu.memref_slice %arg2[%select_n3A_1682, %dma_start3A_1683, %multiple_of3A_1648, %multiple_of3A_1651] : memref<16x3x512x512xf32, #tpu.memory_space<hbm>> -> memref<1x1x64x64xf32, #tpu.memory_space<hbm>>
      %dma_start3A_1696 = tpu.memref_squeeze %dma_start3A_1695 : memref<1x1x64x64xf32, #tpu.memory_space<hbm>> -> memref<64x64xf32, #tpu.memory_space<hbm>>
      tpu.enqueue_dma source(%dma_start3A_1696 : memref<64x64xf32, #tpu.memory_space<hbm>>) target(%dma_start3A_1694 : memref<64x64xf32, #tpu.memory_space<vmem>>) target_semaphore(%arg12 : memref<!tpu.dma_semaphore, #tpu.memory_space<semaphore_mem>>)
      %dma_start3A_1697 = arith.constant 1 : i32
      %dma_start3A_1698 = arith.constant 1 : i32
      %dma_start3A_1699 = arith.constant 0 : i32
      %dma_start3A_1700 = arith.constant 0 : i32
      %dma_start3A_1701 = tpu.memref_slice %arg10[%dma_start3A_1698, %dma_start3A_1699, %dma_start3A_1700] : memref<3x64x64xf32, #tpu.memory_space<vmem>> -> memref<1x64x64xf32, #tpu.memory_space<vmem>>
      %dma_start3A_1702 = tpu.memref_squeeze %dma_start3A_1701 : memref<1x64x64xf32, #tpu.memory_space<vmem>> -> memref<64x64xf32, #tpu.memory_space<vmem>>
      %dma_start3A_1703 = tpu.memref_slice %arg2[%select_n3A_1682, %dma_start3A_1697, %multiple_of3A_1648, %multiple_of3A_1651] : memref<16x3x512x512xf32, #tpu.memory_space<hbm>> -> memref<1x1x64x64xf32, #tpu.memory_space<hbm>>
      %dma_start3A_1704 = tpu.memref_squeeze %dma_start3A_1703 : memref<1x1x64x64xf32, #tpu.memory_space<hbm>> -> memref<64x64xf32, #tpu.memory_space<hbm>>
      %dma_start3A_1705 = arith.constant 0 : i32
      %dma_start3A_1706 = arith.constant 0 : i32
      %dma_start3A_1707 = tpu.memref_slice %arg10[%dma_start3A_1698, %dma_start3A_1705, %dma_start3A_1706] : memref<3x64x64xf32, #tpu.memory_space<vmem>> -> memref<1x64x64xf32, #tpu.memory_space<vmem>>
      %dma_start3A_1708 = tpu.memref_squeeze %dma_start3A_1707 : memref<1x64x64xf32, #tpu.memory_space<vmem>> -> memref<64x64xf32, #tpu.memory_space<vmem>>
      %dma_start3A_1709 = tpu.memref_slice %arg2[%select_n3A_1682, %dma_start3A_1697, %multiple_of3A_1648, %multiple_of3A_1651] : memref<16x3x512x512xf32, #tpu.memory_space<hbm>> -> memref<1x1x64x64xf32, #tpu.memory_space<hbm>>
      %dma_start3A_1710 = tpu.memref_squeeze %dma_start3A_1709 : memref<1x1x64x64xf32, #tpu.memory_space<hbm>> -> memref<64x64xf32, #tpu.memory_space<hbm>>
      tpu.enqueue_dma source(%dma_start3A_1710 : memref<64x64xf32, #tpu.memory_space<hbm>>) target(%dma_start3A_1708 : memref<64x64xf32, #tpu.memory_space<vmem>>) target_semaphore(%arg12 : memref<!tpu.dma_semaphore, #tpu.memory_space<semaphore_mem>>)
      %dma_start3A_1711 = arith.constant 2 : i32
      %dma_start3A_1712 = arith.constant 2 : i32
      %dma_start3A_1713 = arith.constant 0 : i32
      %dma_start3A_1714 = arith.constant 0 : i32
      %dma_start3A_1715 = tpu.memref_slice %arg10[%dma_start3A_1712, %dma_start3A_1713, %dma_start3A_1714] : memref<3x64x64xf32, #tpu.memory_space<vmem>> -> memref<1x64x64xf32, #tpu.memory_space<vmem>>
      %dma_start3A_1716 = tpu.memref_squeeze %dma_start3A_1715 : memref<1x64x64xf32, #tpu.memory_space<vmem>> -> memref<64x64xf32, #tpu.memory_space<vmem>>
      %dma_start3A_1717 = tpu.memref_slice %arg2[%select_n3A_1682, %dma_start3A_1711, %multiple_of3A_1648, %multiple_of3A_1651] : memref<16x3x512x512xf32, #tpu.memory_space<hbm>> -> memref<1x1x64x64xf32, #tpu.memory_space<hbm>>
      %dma_start3A_1718 = tpu.memref_squeeze %dma_start3A_1717 : memref<1x1x64x64xf32, #tpu.memory_space<hbm>> -> memref<64x64xf32, #tpu.memory_space<hbm>>
      %dma_start3A_1719 = arith.constant 0 : i32
      %dma_start3A_1720 = arith.constant 0 : i32
      %dma_start3A_1721 = tpu.memref_slice %arg10[%dma_start3A_1712, %dma_start3A_1719, %dma_start3A_1720] : memref<3x64x64xf32, #tpu.memory_space<vmem>> -> memref<1x64x64xf32, #tpu.memory_space<vmem>>
      %dma_start3A_1722 = tpu.memref_squeeze %dma_start3A_1721 : memref<1x64x64xf32, #tpu.memory_space<vmem>> -> memref<64x64xf32, #tpu.memory_space<vmem>>
      %dma_start3A_1723 = tpu.memref_slice %arg2[%select_n3A_1682, %dma_start3A_1711, %multiple_of3A_1648, %multiple_of3A_1651] : memref<16x3x512x512xf32, #tpu.memory_space<hbm>> -> memref<1x1x64x64xf32, #tpu.memory_space<hbm>>
      %dma_start3A_1724 = tpu.memref_squeeze %dma_start3A_1723 : memref<1x1x64x64xf32, #tpu.memory_space<hbm>> -> memref<64x64xf32, #tpu.memory_space<hbm>>
      tpu.enqueue_dma source(%dma_start3A_1724 : memref<64x64xf32, #tpu.memory_space<hbm>>) target(%dma_start3A_1722 : memref<64x64xf32, #tpu.memory_space<vmem>>) target_semaphore(%arg12 : memref<!tpu.dma_semaphore, #tpu.memory_space<semaphore_mem>>)
      %dma_start3A_1725 = arith.constant 0 : i32
      %dma_start3A_1726 = arith.constant 0 : i32
      %dma_start3A_1727 = arith.constant 0 : i32
      %dma_start3A_1728 = arith.constant 0 : i32
      %dma_start3A_1729 = tpu.memref_slice %arg11[%dma_start3A_1726, %dma_start3A_1727, %dma_start3A_1728] : memref<1x64x64xf32, #tpu.memory_space<vmem>> -> memref<1x64x64xf32, #tpu.memory_space<vmem>>
      %dma_start3A_1730 = tpu.memref_squeeze %dma_start3A_1729 : memref<1x64x64xf32, #tpu.memory_space<vmem>> -> memref<64x64xf32, #tpu.memory_space<vmem>>
      %dma_start3A_1731 = tpu.memref_slice %arg3[%select_n3A_1682, %dma_start3A_1725, %multiple_of3A_1648, %multiple_of3A_1651] : memref<16x1x512x512xf32, #tpu.memory_space<hbm>> -> memref<1x1x64x64xf32, #tpu.memory_space<hbm>>
      %dma_start3A_1732 = tpu.memref_squeeze %dma_start3A_1731 : memref<1x1x64x64xf32, #tpu.memory_space<hbm>> -> memref<64x64xf32, #tpu.memory_space<hbm>>
      %dma_start3A_1733 = arith.constant 0 : i32
      %dma_start3A_1734 = arith.constant 0 : i32
      %dma_start3A_1735 = tpu.memref_slice %arg11[%dma_start3A_1726, %dma_start3A_1733, %dma_start3A_1734] : memref<1x64x64xf32, #tpu.memory_space<vmem>> -> memref<1x64x64xf32, #tpu.memory_space<vmem>>
      %dma_start3A_1736 = tpu.memref_squeeze %dma_start3A_1735 : memref<1x64x64xf32, #tpu.memory_space<vmem>> -> memref<64x64xf32, #tpu.memory_space<vmem>>
      %dma_start3A_1737 = tpu.memref_slice %arg3[%select_n3A_1682, %dma_start3A_1725, %multiple_of3A_1648, %multiple_of3A_1651] : memref<16x1x512x512xf32, #tpu.memory_space<hbm>> -> memref<1x1x64x64xf32, #tpu.memory_space<hbm>>
      %dma_start3A_1738 = tpu.memref_squeeze %dma_start3A_1737 : memref<1x1x64x64xf32, #tpu.memory_space<hbm>> -> memref<64x64xf32, #tpu.memory_space<hbm>>
      tpu.enqueue_dma source(%dma_start3A_1738 : memref<64x64xf32, #tpu.memory_space<hbm>>) target(%dma_start3A_1736 : memref<64x64xf32, #tpu.memory_space<vmem>>) target_semaphore(%arg12 : memref<!tpu.dma_semaphore, #tpu.memory_space<semaphore_mem>>)
      %dma_wait3A_1739 = arith.constant 0 : i32
      %dma_wait3A_1740 = arith.constant 0 : i32
      %dma_wait3A_1741 = arith.constant 0 : i32
      %dma_wait3A_1742 = arith.constant 0 : i32
      %dma_wait3A_1743 = tpu.memref_slice %arg10[%dma_wait3A_1740, %dma_wait3A_1741, %dma_wait3A_1742] : memref<3x64x64xf32, #tpu.memory_space<vmem>> -> memref<1x64x64xf32, #tpu.memory_space<vmem>>
      %dma_wait3A_1744 = tpu.memref_squeeze %dma_wait3A_1743 : memref<1x64x64xf32, #tpu.memory_space<vmem>> -> memref<64x64xf32, #tpu.memory_space<vmem>>
      %dma_wait3A_1745 = tpu.memref_slice %arg2[%select_n3A_1682, %dma_wait3A_1739, %multiple_of3A_1648, %multiple_of3A_1651] : memref<16x3x512x512xf32, #tpu.memory_space<hbm>> -> memref<1x1x64x64xf32, #tpu.memory_space<hbm>>
      %dma_wait3A_1746 = tpu.memref_squeeze %dma_wait3A_1745 : memref<1x1x64x64xf32, #tpu.memory_space<hbm>> -> memref<64x64xf32, #tpu.memory_space<hbm>>
      %dma_wait3A_1747 = arith.constant 0 : i32
      %dma_wait3A_1748 = arith.constant 0 : i32
      %dma_wait3A_1749 = tpu.memref_slice %arg10[%dma_wait3A_1740, %dma_wait3A_1747, %dma_wait3A_1748] : memref<3x64x64xf32, #tpu.memory_space<vmem>> -> memref<1x64x64xf32, #tpu.memory_space<vmem>>
      %dma_wait3A_1750 = tpu.memref_squeeze %dma_wait3A_1749 : memref<1x64x64xf32, #tpu.memory_space<vmem>> -> memref<64x64xf32, #tpu.memory_space<vmem>>
      %dma_wait3A_1751 = tpu.memref_slice %arg2[%select_n3A_1682, %dma_wait3A_1739, %multiple_of3A_1648, %multiple_of3A_1651] : memref<16x3x512x512xf32, #tpu.memory_space<hbm>> -> memref<1x1x64x64xf32, #tpu.memory_space<hbm>>
      %dma_wait3A_1752 = tpu.memref_squeeze %dma_wait3A_1751 : memref<1x1x64x64xf32, #tpu.memory_space<hbm>> -> memref<64x64xf32, #tpu.memory_space<hbm>>
      tpu.wait_dma2 semaphore(%arg12 : memref<!tpu.dma_semaphore, #tpu.memory_space<semaphore_mem>>) src(%dma_wait3A_1752 : memref<64x64xf32, #tpu.memory_space<hbm>>) dst(%dma_wait3A_1750 : memref<64x64xf32, #tpu.memory_space<vmem>>)
      %dma_wait3A_1753 = arith.constant 1 : i32
      %dma_wait3A_1754 = arith.constant 1 : i32
      %dma_wait3A_1755 = arith.constant 0 : i32
      %dma_wait3A_1756 = arith.constant 0 : i32
      %dma_wait3A_1757 = tpu.memref_slice %arg10[%dma_wait3A_1754, %dma_wait3A_1755, %dma_wait3A_1756] : memref<3x64x64xf32, #tpu.memory_space<vmem>> -> memref<1x64x64xf32, #tpu.memory_space<vmem>>
      %dma_wait3A_1758 = tpu.memref_squeeze %dma_wait3A_1757 : memref<1x64x64xf32, #tpu.memory_space<vmem>> -> memref<64x64xf32, #tpu.memory_space<vmem>>
      %dma_wait3A_1759 = tpu.memref_slice %arg2[%select_n3A_1682, %dma_wait3A_1753, %multiple_of3A_1648, %multiple_of3A_1651] : memref<16x3x512x512xf32, #tpu.memory_space<hbm>> -> memref<1x1x64x64xf32, #tpu.memory_space<hbm>>
      %dma_wait3A_1760 = tpu.memref_squeeze %dma_wait3A_1759 : memref<1x1x64x64xf32, #tpu.memory_space<hbm>> -> memref<64x64xf32, #tpu.memory_space<hbm>>
      %dma_wait3A_1761 = arith.constant 0 : i32
      %dma_wait3A_1762 = arith.constant 0 : i32
      %dma_wait3A_1763 = tpu.memref_slice %arg10[%dma_wait3A_1754, %dma_wait3A_1761, %dma_wait3A_1762] : memref<3x64x64xf32, #tpu.memory_space<vmem>> -> memref<1x64x64xf32, #tpu.memory_space<vmem>>
      %dma_wait3A_1764 = tpu.memref_squeeze %dma_wait3A_1763 : memref<1x64x64xf32, #tpu.memory_space<vmem>> -> memref<64x64xf32, #tpu.memory_space<vmem>>
      %dma_wait3A_1765 = tpu.memref_slice %arg2[%select_n3A_1682, %dma_wait3A_1753, %multiple_of3A_1648, %multiple_of3A_1651] : memref<16x3x512x512xf32, #tpu.memory_space<hbm>> -> memref<1x1x64x64xf32, #tpu.memory_space<hbm>>
      %dma_wait3A_1766 = tpu.memref_squeeze %dma_wait3A_1765 : memref<1x1x64x64xf32, #tpu.memory_space<hbm>> -> memref<64x64xf32, #tpu.memory_space<hbm>>
      tpu.wait_dma2 semaphore(%arg12 : memref<!tpu.dma_semaphore, #tpu.memory_space<semaphore_mem>>) src(%dma_wait3A_1766 : memref<64x64xf32, #tpu.memory_space<hbm>>) dst(%dma_wait3A_1764 : memref<64x64xf32, #tpu.memory_space<vmem>>)
      %dma_wait3A_1767 = arith.constant 2 : i32
      %dma_wait3A_1768 = arith.constant 2 : i32
      %dma_wait3A_1769 = arith.constant 0 : i32
      %dma_wait3A_1770 = arith.constant 0 : i32
      %dma_wait3A_1771 = tpu.memref_slice %arg10[%dma_wait3A_1768, %dma_wait3A_1769, %dma_wait3A_1770] : memref<3x64x64xf32, #tpu.memory_space<vmem>> -> memref<1x64x64xf32, #tpu.memory_space<vmem>>
      %dma_wait3A_1772 = tpu.memref_squeeze %dma_wait3A_1771 : memref<1x64x64xf32, #tpu.memory_space<vmem>> -> memref<64x64xf32, #tpu.memory_space<vmem>>
      %dma_wait3A_1773 = tpu.memref_slice %arg2[%select_n3A_1682, %dma_wait3A_1767, %multiple_of3A_1648, %multiple_of3A_1651] : memref<16x3x512x512xf32, #tpu.memory_space<hbm>> -> memref<1x1x64x64xf32, #tpu.memory_space<hbm>>
      %dma_wait3A_1774 = tpu.memref_squeeze %dma_wait3A_1773 : memref<1x1x64x64xf32, #tpu.memory_space<hbm>> -> memref<64x64xf32, #tpu.memory_space<hbm>>
      %dma_wait3A_1775 = arith.constant 0 : i32
      %dma_wait3A_1776 = arith.constant 0 : i32
      %dma_wait3A_1777 = tpu.memref_slice %arg10[%dma_wait3A_1768, %dma_wait3A_1775, %dma_wait3A_1776] : memref<3x64x64xf32, #tpu.memory_space<vmem>> -> memref<1x64x64xf32, #tpu.memory_space<vmem>>
      %dma_wait3A_1778 = tpu.memref_squeeze %dma_wait3A_1777 : memref<1x64x64xf32, #tpu.memory_space<vmem>> -> memref<64x64xf32, #tpu.memory_space<vmem>>
      %dma_wait3A_1779 = tpu.memref_slice %arg2[%select_n3A_1682, %dma_wait3A_1767, %multiple_of3A_1648, %multiple_of3A_1651] : memref<16x3x512x512xf32, #tpu.memory_space<hbm>> -> memref<1x1x64x64xf32, #tpu.memory_space<hbm>>
      %dma_wait3A_1780 = tpu.memref_squeeze %dma_wait3A_1779 : memref<1x1x64x64xf32, #tpu.memory_space<hbm>> -> memref<64x64xf32, #tpu.memory_space<hbm>>
      tpu.wait_dma2 semaphore(%arg12 : memref<!tpu.dma_semaphore, #tpu.memory_space<semaphore_mem>>) src(%dma_wait3A_1780 : memref<64x64xf32, #tpu.memory_space<hbm>>) dst(%dma_wait3A_1778 : memref<64x64xf32, #tpu.memory_space<vmem>>)
      %dma_wait3A_1781 = arith.constant 0 : i32
      %dma_wait3A_1782 = arith.constant 0 : i32
      %dma_wait3A_1783 = arith.constant 0 : i32
      %dma_wait3A_1784 = arith.constant 0 : i32
      %dma_wait3A_1785 = tpu.memref_slice %arg11[%dma_wait3A_1782, %dma_wait3A_1783, %dma_wait3A_1784] : memref<1x64x64xf32, #tpu.memory_space<vmem>> -> memref<1x64x64xf32, #tpu.memory_space<vmem>>
      %dma_wait3A_1786 = tpu.memref_squeeze %dma_wait3A_1785 : memref<1x64x64xf32, #tpu.memory_space<vmem>> -> memref<64x64xf32, #tpu.memory_space<vmem>>
      %dma_wait3A_1787 = tpu.memref_slice %arg3[%select_n3A_1682, %dma_wait3A_1781, %multiple_of3A_1648, %multiple_of3A_1651] : memref<16x1x512x512xf32, #tpu.memory_space<hbm>> -> memref<1x1x64x64xf32, #tpu.memory_space<hbm>>
      %dma_wait3A_1788 = tpu.memref_squeeze %dma_wait3A_1787 : memref<1x1x64x64xf32, #tpu.memory_space<hbm>> -> memref<64x64xf32, #tpu.memory_space<hbm>>
      %dma_wait3A_1789 = arith.constant 0 : i32
      %dma_wait3A_1790 = arith.constant 0 : i32
      %dma_wait3A_1791 = tpu.memref_slice %arg11[%dma_wait3A_1782, %dma_wait3A_1789, %dma_wait3A_1790] : memref<1x64x64xf32, #tpu.memory_space<vmem>> -> memref<1x64x64xf32, #tpu.memory_space<vmem>>
      %dma_wait3A_1792 = tpu.memref_squeeze %dma_wait3A_1791 : memref<1x64x64xf32, #tpu.memory_space<vmem>> -> memref<64x64xf32, #tpu.memory_space<vmem>>
      %dma_wait3A_1793 = tpu.memref_slice %arg3[%select_n3A_1682, %dma_wait3A_1781, %multiple_of3A_1648, %multiple_of3A_1651] : memref<16x1x512x512xf32, #tpu.memory_space<hbm>> -> memref<1x1x64x64xf32, #tpu.memory_space<hbm>>
      %dma_wait3A_1794 = tpu.memref_squeeze %dma_wait3A_1793 : memref<1x1x64x64xf32, #tpu.memory_space<hbm>> -> memref<64x64xf32, #tpu.memory_space<hbm>>
      tpu.wait_dma2 semaphore(%arg12 : memref<!tpu.dma_semaphore, #tpu.memory_space<semaphore_mem>>) src(%dma_wait3A_1794 : memref<64x64xf32, #tpu.memory_space<hbm>>) dst(%dma_wait3A_1792 : memref<64x64xf32, #tpu.memory_space<vmem>>)
      "tpu.region"() ({
        %run_scoped3A = tpu.sem_alloc : memref<!tpu.dma_semaphore, #tpu.memory_space<semaphore_mem>>
        %dma_start3A_2391 = arith.constant 0 : i32
        %dma_start3A_2392 = arith.constant 0 : i32
        %dma_start3A_2393 = arith.constant 0 : i32
        %dma_start3A_2394 = tpu.memref_slice %arg6[%add3A_1658, %dma_start3A_2391, %dma_start3A_2392, %dma_start3A_2393] : memref<1024x3x64x64xf32, #tpu.memory_space<hbm>> -> memref<1x3x64x64xf32, #tpu.memory_space<hbm>>
        %dma_start3A_2395 = tpu.memref_squeeze %dma_start3A_2394 : memref<1x3x64x64xf32, #tpu.memory_space<hbm>> -> memref<3x64x64xf32, #tpu.memory_space<hbm>>
        %dma_start3A_2396 = arith.constant 0 : i32
        %dma_start3A_2397 = arith.constant 0 : i32
        %dma_start3A_2398 = arith.constant 0 : i32
        %dma_start3A_2399 = tpu.memref_slice %arg6[%add3A_1658, %dma_start3A_2396, %dma_start3A_2397, %dma_start3A_2398] : memref<1024x3x64x64xf32, #tpu.memory_space<hbm>> -> memref<1x3x64x64xf32, #tpu.memory_space<hbm>>
        %dma_start3A_2400 = tpu.memref_squeeze %dma_start3A_2399 : memref<1x3x64x64xf32, #tpu.memory_space<hbm>> -> memref<3x64x64xf32, #tpu.memory_space<hbm>>
        tpu.enqueue_dma source(%arg10 : memref<3x64x64xf32, #tpu.memory_space<vmem>>) target(%dma_start3A_2400 : memref<3x64x64xf32, #tpu.memory_space<hbm>>) target_semaphore(%run_scoped3A : memref<!tpu.dma_semaphore, #tpu.memory_space<semaphore_mem>>)
        %dma_wait3A_2401 = arith.constant 0 : i32
        %dma_wait3A_2402 = arith.constant 0 : i32
        %dma_wait3A_2403 = arith.constant 0 : i32
        %dma_wait3A_2404 = tpu.memref_slice %arg6[%add3A_1658, %dma_wait3A_2401, %dma_wait3A_2402, %dma_wait3A_2403] : memref<1024x3x64x64xf32, #tpu.memory_space<hbm>> -> memref<1x3x64x64xf32, #tpu.memory_space<hbm>>
        %dma_wait3A_2405 = tpu.memref_squeeze %dma_wait3A_2404 : memref<1x3x64x64xf32, #tpu.memory_space<hbm>> -> memref<3x64x64xf32, #tpu.memory_space<hbm>>
        %dma_wait3A_2406 = arith.constant 0 : i32
        %dma_wait3A_2407 = arith.constant 0 : i32
        %dma_wait3A_2408 = arith.constant 0 : i32
        %dma_wait3A_2409 = tpu.memref_slice %arg6[%add3A_1658, %dma_wait3A_2406, %dma_wait3A_2407, %dma_wait3A_2408] : memref<1024x3x64x64xf32, #tpu.memory_space<hbm>> -> memref<1x3x64x64xf32, #tpu.memory_space<hbm>>
        %dma_wait3A_2410 = tpu.memref_squeeze %dma_wait3A_2409 : memref<1x3x64x64xf32, #tpu.memory_space<hbm>> -> memref<3x64x64xf32, #tpu.memory_space<hbm>>
        tpu.wait_dma2 semaphore(%run_scoped3A : memref<!tpu.dma_semaphore, #tpu.memory_space<semaphore_mem>>) src(%arg10 : memref<3x64x64xf32, #tpu.memory_space<vmem>>) dst(%dma_wait3A_2410 : memref<3x64x64xf32, #tpu.memory_space<hbm>>)
        tpu.yield
      }) : () -> ()
      "tpu.region"() ({
        %run_scoped3A = tpu.sem_alloc : memref<!tpu.dma_semaphore, #tpu.memory_space<semaphore_mem>>
        %dma_start3A_2391 = arith.constant 0 : i32
        %dma_start3A_2392 = arith.constant 0 : i32
        %dma_start3A_2393 = arith.constant 0 : i32
        %dma_start3A_2394 = tpu.memref_slice %arg7[%add3A_1658, %dma_start3A_2391, %dma_start3A_2392, %dma_start3A_2393] : memref<1024x1x64x64xf32, #tpu.memory_space<hbm>> -> memref<1x1x64x64xf32, #tpu.memory_space<hbm>>
        %dma_start3A_2395 = tpu.memref_squeeze %dma_start3A_2394 : memref<1x1x64x64xf32, #tpu.memory_space<hbm>> -> memref<1x64x64xf32, #tpu.memory_space<hbm>>
        %dma_start3A_2396 = arith.constant 0 : i32
        %dma_start3A_2397 = arith.constant 0 : i32
        %dma_start3A_2398 = arith.constant 0 : i32
        %dma_start3A_2399 = tpu.memref_slice %arg7[%add3A_1658, %dma_start3A_2396, %dma_start3A_2397, %dma_start3A_2398] : memref<1024x1x64x64xf32, #tpu.memory_space<hbm>> -> memref<1x1x64x64xf32, #tpu.memory_space<hbm>>
        %dma_start3A_2400 = tpu.memref_squeeze %dma_start3A_2399 : memref<1x1x64x64xf32, #tpu.memory_space<hbm>> -> memref<1x64x64xf32, #tpu.memory_space<hbm>>
        tpu.enqueue_dma source(%arg11 : memref<1x64x64xf32, #tpu.memory_space<vmem>>) target(%dma_start3A_2400 : memref<1x64x64xf32, #tpu.memory_space<hbm>>) target_semaphore(%run_scoped3A : memref<!tpu.dma_semaphore, #tpu.memory_space<semaphore_mem>>)
        %dma_wait3A_2401 = arith.constant 0 : i32
        %dma_wait3A_2402 = arith.constant 0 : i32
        %dma_wait3A_2403 = arith.constant 0 : i32
        %dma_wait3A_2404 = tpu.memref_slice %arg7[%add3A_1658, %dma_wait3A_2401, %dma_wait3A_2402, %dma_wait3A_2403] : memref<1024x1x64x64xf32, #tpu.memory_space<hbm>> -> memref<1x1x64x64xf32, #tpu.memory_space<hbm>>
        %dma_wait3A_2405 = tpu.memref_squeeze %dma_wait3A_2404 : memref<1x1x64x64xf32, #tpu.memory_space<hbm>> -> memref<1x64x64xf32, #tpu.memory_space<hbm>>
        %dma_wait3A_2406 = arith.constant 0 : i32
        %dma_wait3A_2407 = arith.constant 0 : i32
        %dma_wait3A_2408 = arith.constant 0 : i32
        %dma_wait3A_2409 = tpu.memref_slice %arg7[%add3A_1658, %dma_wait3A_2406, %dma_wait3A_2407, %dma_wait3A_2408] : memref<1024x1x64x64xf32, #tpu.memory_space<hbm>> -> memref<1x1x64x64xf32, #tpu.memory_space<hbm>>
        %dma_wait3A_2410 = tpu.memref_squeeze %dma_wait3A_2409 : memref<1x1x64x64xf32, #tpu.memory_space<hbm>> -> memref<1x64x64xf32, #tpu.memory_space<hbm>>
        tpu.wait_dma2 semaphore(%run_scoped3A : memref<!tpu.dma_semaphore, #tpu.memory_space<semaphore_mem>>) src(%arg11 : memref<1x64x64xf32, #tpu.memory_space<vmem>>) dst(%dma_wait3A_2410 : memref<1x64x64xf32, #tpu.memory_space<hbm>>)
        tpu.yield
      }) : () -> ()
      %slice3A_1795 = vector.extract_strided_slice %get3A_14 {offsets = [12], sizes = [1], strides = [1]} : vector<16xi32> to vector<1xi32>
      %squeeze3A_1796 = vector.extract %slice3A_1795[0] : i32 from vector<1xi32>
      %multiple_of3A_1797 = tpu.assume_multiple %squeeze3A_1796, 16 : i32
      %slice3A_1798 = vector.extract_strided_slice %get3A_19 {offsets = [12], sizes = [1], strides = [1]} : vector<16xi32> to vector<1xi32>
      %squeeze3A_1799 = vector.extract %slice3A_1798[0] : i32 from vector<1xi32>
      %multiple_of3A_1800 = tpu.assume_multiple %squeeze3A_1799, 16 : i32
      %mul3A_1801 = arith.constant 32 : i32
      %mul3A_1802 = arith.muli %add3A, %mul3A_1801 : i32
      %mul3A_1803 = arith.constant 16 : i32
      %mul3A_1804 = arith.muli %scan3A_10, %mul3A_1803 : i32
      %add3A_1805 = arith.addi %mul3A_1802, %mul3A_1804 : i32
      %add3A_1806 = arith.constant 12 : i32
      %add3A_1807 = arith.addi %add3A_1805, %add3A_1806 : i32
      %jit3A_1808 = arith.constant 64 : i32
      %div3A_1809 = arith.divsi %add3A_1807, %jit3A_1808 : i32
      %sign3A_1810 = arith.constant 0 : i32
      %sign3A_1811 = arith.cmpi sgt, %add3A_1807, %sign3A_1810 : i32
      %sign3A_1812 = arith.extui %sign3A_1811 : i1 to i32
      %sign3A_1813 = arith.constant 0 : i32
      %sign3A_1814 = arith.cmpi slt, %add3A_1807, %sign3A_1813 : i32
      %sign3A_1815 = arith.extui %sign3A_1814 : i1 to i32
      %sign3A_1816 = arith.subi %sign3A_1812, %sign3A_1815 : i32
      %sign3A_1817 = arith.constant 0 : i32
      %sign3A_1818 = arith.cmpi sgt, %jit3A_1808, %sign3A_1817 : i32
      %sign3A_1819 = arith.extui %sign3A_1818 : i1 to i32
      %sign3A_1820 = arith.constant 0 : i32
      %sign3A_1821 = arith.cmpi slt, %jit3A_1808, %sign3A_1820 : i32
      %sign3A_1822 = arith.extui %sign3A_1821 : i1 to i32
      %sign3A_1823 = arith.subi %sign3A_1819, %sign3A_1822 : i32
      %ne3A_1824 = arith.cmpi ne, %sign3A_1816, %sign3A_1823 : i32
      %rem3A_1825 = arith.remsi %add3A_1807, %jit3A_1808 : i32
      %ne3A_1826 = arith.constant 0 : i32
      %ne3A_1827 = arith.cmpi ne, %rem3A_1825, %ne3A_1826 : i32
      %and3A_1828 = arith.andi %ne3A_1824, %ne3A_1827 : i1
      %sub3A_1829 = arith.constant 1 : i32
      %sub3A_1830 = arith.subi %div3A_1809, %sub3A_1829 : i32
      %select_n3A_1831 = arith.select %and3A_1828, %sub3A_1830, %div3A_1809 : i32
      %dma_start3A_1832 = arith.constant 0 : i32
      %dma_start3A_1833 = arith.constant 0 : i32
      %dma_start3A_1834 = arith.constant 0 : i32
      %dma_start3A_1835 = arith.constant 0 : i32
      %dma_start3A_1836 = tpu.memref_slice %arg10[%dma_start3A_1833, %dma_start3A_1834, %dma_start3A_1835] : memref<3x64x64xf32, #tpu.memory_space<vmem>> -> memref<1x64x64xf32, #tpu.memory_space<vmem>>
      %dma_start3A_1837 = tpu.memref_squeeze %dma_start3A_1836 : memref<1x64x64xf32, #tpu.memory_space<vmem>> -> memref<64x64xf32, #tpu.memory_space<vmem>>
      %dma_start3A_1838 = tpu.memref_slice %arg2[%select_n3A_1831, %dma_start3A_1832, %multiple_of3A_1797, %multiple_of3A_1800] : memref<16x3x512x512xf32, #tpu.memory_space<hbm>> -> memref<1x1x64x64xf32, #tpu.memory_space<hbm>>
      %dma_start3A_1839 = tpu.memref_squeeze %dma_start3A_1838 : memref<1x1x64x64xf32, #tpu.memory_space<hbm>> -> memref<64x64xf32, #tpu.memory_space<hbm>>
      %dma_start3A_1840 = arith.constant 0 : i32
      %dma_start3A_1841 = arith.constant 0 : i32
      %dma_start3A_1842 = tpu.memref_slice %arg10[%dma_start3A_1833, %dma_start3A_1840, %dma_start3A_1841] : memref<3x64x64xf32, #tpu.memory_space<vmem>> -> memref<1x64x64xf32, #tpu.memory_space<vmem>>
      %dma_start3A_1843 = tpu.memref_squeeze %dma_start3A_1842 : memref<1x64x64xf32, #tpu.memory_space<vmem>> -> memref<64x64xf32, #tpu.memory_space<vmem>>
      %dma_start3A_1844 = tpu.memref_slice %arg2[%select_n3A_1831, %dma_start3A_1832, %multiple_of3A_1797, %multiple_of3A_1800] : memref<16x3x512x512xf32, #tpu.memory_space<hbm>> -> memref<1x1x64x64xf32, #tpu.memory_space<hbm>>
      %dma_start3A_1845 = tpu.memref_squeeze %dma_start3A_1844 : memref<1x1x64x64xf32, #tpu.memory_space<hbm>> -> memref<64x64xf32, #tpu.memory_space<hbm>>
      tpu.enqueue_dma source(%dma_start3A_1845 : memref<64x64xf32, #tpu.memory_space<hbm>>) target(%dma_start3A_1843 : memref<64x64xf32, #tpu.memory_space<vmem>>) target_semaphore(%arg12 : memref<!tpu.dma_semaphore, #tpu.memory_space<semaphore_mem>>)
      %dma_start3A_1846 = arith.constant 1 : i32
      %dma_start3A_1847 = arith.constant 1 : i32
      %dma_start3A_1848 = arith.constant 0 : i32
      %dma_start3A_1849 = arith.constant 0 : i32
      %dma_start3A_1850 = tpu.memref_slice %arg10[%dma_start3A_1847, %dma_start3A_1848, %dma_start3A_1849] : memref<3x64x64xf32, #tpu.memory_space<vmem>> -> memref<1x64x64xf32, #tpu.memory_space<vmem>>
      %dma_start3A_1851 = tpu.memref_squeeze %dma_start3A_1850 : memref<1x64x64xf32, #tpu.memory_space<vmem>> -> memref<64x64xf32, #tpu.memory_space<vmem>>
      %dma_start3A_1852 = tpu.memref_slice %arg2[%select_n3A_1831, %dma_start3A_1846, %multiple_of3A_1797, %multiple_of3A_1800] : memref<16x3x512x512xf32, #tpu.memory_space<hbm>> -> memref<1x1x64x64xf32, #tpu.memory_space<hbm>>
      %dma_start3A_1853 = tpu.memref_squeeze %dma_start3A_1852 : memref<1x1x64x64xf32, #tpu.memory_space<hbm>> -> memref<64x64xf32, #tpu.memory_space<hbm>>
      %dma_start3A_1854 = arith.constant 0 : i32
      %dma_start3A_1855 = arith.constant 0 : i32
      %dma_start3A_1856 = tpu.memref_slice %arg10[%dma_start3A_1847, %dma_start3A_1854, %dma_start3A_1855] : memref<3x64x64xf32, #tpu.memory_space<vmem>> -> memref<1x64x64xf32, #tpu.memory_space<vmem>>
      %dma_start3A_1857 = tpu.memref_squeeze %dma_start3A_1856 : memref<1x64x64xf32, #tpu.memory_space<vmem>> -> memref<64x64xf32, #tpu.memory_space<vmem>>
      %dma_start3A_1858 = tpu.memref_slice %arg2[%select_n3A_1831, %dma_start3A_1846, %multiple_of3A_1797, %multiple_of3A_1800] : memref<16x3x512x512xf32, #tpu.memory_space<hbm>> -> memref<1x1x64x64xf32, #tpu.memory_space<hbm>>
      %dma_start3A_1859 = tpu.memref_squeeze %dma_start3A_1858 : memref<1x1x64x64xf32, #tpu.memory_space<hbm>> -> memref<64x64xf32, #tpu.memory_space<hbm>>
      tpu.enqueue_dma source(%dma_start3A_1859 : memref<64x64xf32, #tpu.memory_space<hbm>>) target(%dma_start3A_1857 : memref<64x64xf32, #tpu.memory_space<vmem>>) target_semaphore(%arg12 : memref<!tpu.dma_semaphore, #tpu.memory_space<semaphore_mem>>)
      %dma_start3A_1860 = arith.constant 2 : i32
      %dma_start3A_1861 = arith.constant 2 : i32
      %dma_start3A_1862 = arith.constant 0 : i32
      %dma_start3A_1863 = arith.constant 0 : i32
      %dma_start3A_1864 = tpu.memref_slice %arg10[%dma_start3A_1861, %dma_start3A_1862, %dma_start3A_1863] : memref<3x64x64xf32, #tpu.memory_space<vmem>> -> memref<1x64x64xf32, #tpu.memory_space<vmem>>
      %dma_start3A_1865 = tpu.memref_squeeze %dma_start3A_1864 : memref<1x64x64xf32, #tpu.memory_space<vmem>> -> memref<64x64xf32, #tpu.memory_space<vmem>>
      %dma_start3A_1866 = tpu.memref_slice %arg2[%select_n3A_1831, %dma_start3A_1860, %multiple_of3A_1797, %multiple_of3A_1800] : memref<16x3x512x512xf32, #tpu.memory_space<hbm>> -> memref<1x1x64x64xf32, #tpu.memory_space<hbm>>
      %dma_start3A_1867 = tpu.memref_squeeze %dma_start3A_1866 : memref<1x1x64x64xf32, #tpu.memory_space<hbm>> -> memref<64x64xf32, #tpu.memory_space<hbm>>
      %dma_start3A_1868 = arith.constant 0 : i32
      %dma_start3A_1869 = arith.constant 0 : i32
      %dma_start3A_1870 = tpu.memref_slice %arg10[%dma_start3A_1861, %dma_start3A_1868, %dma_start3A_1869] : memref<3x64x64xf32, #tpu.memory_space<vmem>> -> memref<1x64x64xf32, #tpu.memory_space<vmem>>
      %dma_start3A_1871 = tpu.memref_squeeze %dma_start3A_1870 : memref<1x64x64xf32, #tpu.memory_space<vmem>> -> memref<64x64xf32, #tpu.memory_space<vmem>>
      %dma_start3A_1872 = tpu.memref_slice %arg2[%select_n3A_1831, %dma_start3A_1860, %multiple_of3A_1797, %multiple_of3A_1800] : memref<16x3x512x512xf32, #tpu.memory_space<hbm>> -> memref<1x1x64x64xf32, #tpu.memory_space<hbm>>
      %dma_start3A_1873 = tpu.memref_squeeze %dma_start3A_1872 : memref<1x1x64x64xf32, #tpu.memory_space<hbm>> -> memref<64x64xf32, #tpu.memory_space<hbm>>
      tpu.enqueue_dma source(%dma_start3A_1873 : memref<64x64xf32, #tpu.memory_space<hbm>>) target(%dma_start3A_1871 : memref<64x64xf32, #tpu.memory_space<vmem>>) target_semaphore(%arg12 : memref<!tpu.dma_semaphore, #tpu.memory_space<semaphore_mem>>)
      %dma_start3A_1874 = arith.constant 0 : i32
      %dma_start3A_1875 = arith.constant 0 : i32
      %dma_start3A_1876 = arith.constant 0 : i32
      %dma_start3A_1877 = arith.constant 0 : i32
      %dma_start3A_1878 = tpu.memref_slice %arg11[%dma_start3A_1875, %dma_start3A_1876, %dma_start3A_1877] : memref<1x64x64xf32, #tpu.memory_space<vmem>> -> memref<1x64x64xf32, #tpu.memory_space<vmem>>
      %dma_start3A_1879 = tpu.memref_squeeze %dma_start3A_1878 : memref<1x64x64xf32, #tpu.memory_space<vmem>> -> memref<64x64xf32, #tpu.memory_space<vmem>>
      %dma_start3A_1880 = tpu.memref_slice %arg3[%select_n3A_1831, %dma_start3A_1874, %multiple_of3A_1797, %multiple_of3A_1800] : memref<16x1x512x512xf32, #tpu.memory_space<hbm>> -> memref<1x1x64x64xf32, #tpu.memory_space<hbm>>
      %dma_start3A_1881 = tpu.memref_squeeze %dma_start3A_1880 : memref<1x1x64x64xf32, #tpu.memory_space<hbm>> -> memref<64x64xf32, #tpu.memory_space<hbm>>
      %dma_start3A_1882 = arith.constant 0 : i32
      %dma_start3A_1883 = arith.constant 0 : i32
      %dma_start3A_1884 = tpu.memref_slice %arg11[%dma_start3A_1875, %dma_start3A_1882, %dma_start3A_1883] : memref<1x64x64xf32, #tpu.memory_space<vmem>> -> memref<1x64x64xf32, #tpu.memory_space<vmem>>
      %dma_start3A_1885 = tpu.memref_squeeze %dma_start3A_1884 : memref<1x64x64xf32, #tpu.memory_space<vmem>> -> memref<64x64xf32, #tpu.memory_space<vmem>>
      %dma_start3A_1886 = tpu.memref_slice %arg3[%select_n3A_1831, %dma_start3A_1874, %multiple_of3A_1797, %multiple_of3A_1800] : memref<16x1x512x512xf32, #tpu.memory_space<hbm>> -> memref<1x1x64x64xf32, #tpu.memory_space<hbm>>
      %dma_start3A_1887 = tpu.memref_squeeze %dma_start3A_1886 : memref<1x1x64x64xf32, #tpu.memory_space<hbm>> -> memref<64x64xf32, #tpu.memory_space<hbm>>
      tpu.enqueue_dma source(%dma_start3A_1887 : memref<64x64xf32, #tpu.memory_space<hbm>>) target(%dma_start3A_1885 : memref<64x64xf32, #tpu.memory_space<vmem>>) target_semaphore(%arg12 : memref<!tpu.dma_semaphore, #tpu.memory_space<semaphore_mem>>)
      %dma_wait3A_1888 = arith.constant 0 : i32
      %dma_wait3A_1889 = arith.constant 0 : i32
      %dma_wait3A_1890 = arith.constant 0 : i32
      %dma_wait3A_1891 = arith.constant 0 : i32
      %dma_wait3A_1892 = tpu.memref_slice %arg10[%dma_wait3A_1889, %dma_wait3A_1890, %dma_wait3A_1891] : memref<3x64x64xf32, #tpu.memory_space<vmem>> -> memref<1x64x64xf32, #tpu.memory_space<vmem>>
      %dma_wait3A_1893 = tpu.memref_squeeze %dma_wait3A_1892 : memref<1x64x64xf32, #tpu.memory_space<vmem>> -> memref<64x64xf32, #tpu.memory_space<vmem>>
      %dma_wait3A_1894 = tpu.memref_slice %arg2[%select_n3A_1831, %dma_wait3A_1888, %multiple_of3A_1797, %multiple_of3A_1800] : memref<16x3x512x512xf32, #tpu.memory_space<hbm>> -> memref<1x1x64x64xf32, #tpu.memory_space<hbm>>
      %dma_wait3A_1895 = tpu.memref_squeeze %dma_wait3A_1894 : memref<1x1x64x64xf32, #tpu.memory_space<hbm>> -> memref<64x64xf32, #tpu.memory_space<hbm>>
      %dma_wait3A_1896 = arith.constant 0 : i32
      %dma_wait3A_1897 = arith.constant 0 : i32
      %dma_wait3A_1898 = tpu.memref_slice %arg10[%dma_wait3A_1889, %dma_wait3A_1896, %dma_wait3A_1897] : memref<3x64x64xf32, #tpu.memory_space<vmem>> -> memref<1x64x64xf32, #tpu.memory_space<vmem>>
      %dma_wait3A_1899 = tpu.memref_squeeze %dma_wait3A_1898 : memref<1x64x64xf32, #tpu.memory_space<vmem>> -> memref<64x64xf32, #tpu.memory_space<vmem>>
      %dma_wait3A_1900 = tpu.memref_slice %arg2[%select_n3A_1831, %dma_wait3A_1888, %multiple_of3A_1797, %multiple_of3A_1800] : memref<16x3x512x512xf32, #tpu.memory_space<hbm>> -> memref<1x1x64x64xf32, #tpu.memory_space<hbm>>
      %dma_wait3A_1901 = tpu.memref_squeeze %dma_wait3A_1900 : memref<1x1x64x64xf32, #tpu.memory_space<hbm>> -> memref<64x64xf32, #tpu.memory_space<hbm>>
      tpu.wait_dma2 semaphore(%arg12 : memref<!tpu.dma_semaphore, #tpu.memory_space<semaphore_mem>>) src(%dma_wait3A_1901 : memref<64x64xf32, #tpu.memory_space<hbm>>) dst(%dma_wait3A_1899 : memref<64x64xf32, #tpu.memory_space<vmem>>)
      %dma_wait3A_1902 = arith.constant 1 : i32
      %dma_wait3A_1903 = arith.constant 1 : i32
      %dma_wait3A_1904 = arith.constant 0 : i32
      %dma_wait3A_1905 = arith.constant 0 : i32
      %dma_wait3A_1906 = tpu.memref_slice %arg10[%dma_wait3A_1903, %dma_wait3A_1904, %dma_wait3A_1905] : memref<3x64x64xf32, #tpu.memory_space<vmem>> -> memref<1x64x64xf32, #tpu.memory_space<vmem>>
      %dma_wait3A_1907 = tpu.memref_squeeze %dma_wait3A_1906 : memref<1x64x64xf32, #tpu.memory_space<vmem>> -> memref<64x64xf32, #tpu.memory_space<vmem>>
      %dma_wait3A_1908 = tpu.memref_slice %arg2[%select_n3A_1831, %dma_wait3A_1902, %multiple_of3A_1797, %multiple_of3A_1800] : memref<16x3x512x512xf32, #tpu.memory_space<hbm>> -> memref<1x1x64x64xf32, #tpu.memory_space<hbm>>
      %dma_wait3A_1909 = tpu.memref_squeeze %dma_wait3A_1908 : memref<1x1x64x64xf32, #tpu.memory_space<hbm>> -> memref<64x64xf32, #tpu.memory_space<hbm>>
      %dma_wait3A_1910 = arith.constant 0 : i32
      %dma_wait3A_1911 = arith.constant 0 : i32
      %dma_wait3A_1912 = tpu.memref_slice %arg10[%dma_wait3A_1903, %dma_wait3A_1910, %dma_wait3A_1911] : memref<3x64x64xf32, #tpu.memory_space<vmem>> -> memref<1x64x64xf32, #tpu.memory_space<vmem>>
      %dma_wait3A_1913 = tpu.memref_squeeze %dma_wait3A_1912 : memref<1x64x64xf32, #tpu.memory_space<vmem>> -> memref<64x64xf32, #tpu.memory_space<vmem>>
      %dma_wait3A_1914 = tpu.memref_slice %arg2[%select_n3A_1831, %dma_wait3A_1902, %multiple_of3A_1797, %multiple_of3A_1800] : memref<16x3x512x512xf32, #tpu.memory_space<hbm>> -> memref<1x1x64x64xf32, #tpu.memory_space<hbm>>
      %dma_wait3A_1915 = tpu.memref_squeeze %dma_wait3A_1914 : memref<1x1x64x64xf32, #tpu.memory_space<hbm>> -> memref<64x64xf32, #tpu.memory_space<hbm>>
      tpu.wait_dma2 semaphore(%arg12 : memref<!tpu.dma_semaphore, #tpu.memory_space<semaphore_mem>>) src(%dma_wait3A_1915 : memref<64x64xf32, #tpu.memory_space<hbm>>) dst(%dma_wait3A_1913 : memref<64x64xf32, #tpu.memory_space<vmem>>)
      %dma_wait3A_1916 = arith.constant 2 : i32
      %dma_wait3A_1917 = arith.constant 2 : i32
      %dma_wait3A_1918 = arith.constant 0 : i32
      %dma_wait3A_1919 = arith.constant 0 : i32
      %dma_wait3A_1920 = tpu.memref_slice %arg10[%dma_wait3A_1917, %dma_wait3A_1918, %dma_wait3A_1919] : memref<3x64x64xf32, #tpu.memory_space<vmem>> -> memref<1x64x64xf32, #tpu.memory_space<vmem>>
      %dma_wait3A_1921 = tpu.memref_squeeze %dma_wait3A_1920 : memref<1x64x64xf32, #tpu.memory_space<vmem>> -> memref<64x64xf32, #tpu.memory_space<vmem>>
      %dma_wait3A_1922 = tpu.memref_slice %arg2[%select_n3A_1831, %dma_wait3A_1916, %multiple_of3A_1797, %multiple_of3A_1800] : memref<16x3x512x512xf32, #tpu.memory_space<hbm>> -> memref<1x1x64x64xf32, #tpu.memory_space<hbm>>
      %dma_wait3A_1923 = tpu.memref_squeeze %dma_wait3A_1922 : memref<1x1x64x64xf32, #tpu.memory_space<hbm>> -> memref<64x64xf32, #tpu.memory_space<hbm>>
      %dma_wait3A_1924 = arith.constant 0 : i32
      %dma_wait3A_1925 = arith.constant 0 : i32
      %dma_wait3A_1926 = tpu.memref_slice %arg10[%dma_wait3A_1917, %dma_wait3A_1924, %dma_wait3A_1925] : memref<3x64x64xf32, #tpu.memory_space<vmem>> -> memref<1x64x64xf32, #tpu.memory_space<vmem>>
      %dma_wait3A_1927 = tpu.memref_squeeze %dma_wait3A_1926 : memref<1x64x64xf32, #tpu.memory_space<vmem>> -> memref<64x64xf32, #tpu.memory_space<vmem>>
      %dma_wait3A_1928 = tpu.memref_slice %arg2[%select_n3A_1831, %dma_wait3A_1916, %multiple_of3A_1797, %multiple_of3A_1800] : memref<16x3x512x512xf32, #tpu.memory_space<hbm>> -> memref<1x1x64x64xf32, #tpu.memory_space<hbm>>
      %dma_wait3A_1929 = tpu.memref_squeeze %dma_wait3A_1928 : memref<1x1x64x64xf32, #tpu.memory_space<hbm>> -> memref<64x64xf32, #tpu.memory_space<hbm>>
      tpu.wait_dma2 semaphore(%arg12 : memref<!tpu.dma_semaphore, #tpu.memory_space<semaphore_mem>>) src(%dma_wait3A_1929 : memref<64x64xf32, #tpu.memory_space<hbm>>) dst(%dma_wait3A_1927 : memref<64x64xf32, #tpu.memory_space<vmem>>)
      %dma_wait3A_1930 = arith.constant 0 : i32
      %dma_wait3A_1931 = arith.constant 0 : i32
      %dma_wait3A_1932 = arith.constant 0 : i32
      %dma_wait3A_1933 = arith.constant 0 : i32
      %dma_wait3A_1934 = tpu.memref_slice %arg11[%dma_wait3A_1931, %dma_wait3A_1932, %dma_wait3A_1933] : memref<1x64x64xf32, #tpu.memory_space<vmem>> -> memref<1x64x64xf32, #tpu.memory_space<vmem>>
      %dma_wait3A_1935 = tpu.memref_squeeze %dma_wait3A_1934 : memref<1x64x64xf32, #tpu.memory_space<vmem>> -> memref<64x64xf32, #tpu.memory_space<vmem>>
      %dma_wait3A_1936 = tpu.memref_slice %arg3[%select_n3A_1831, %dma_wait3A_1930, %multiple_of3A_1797, %multiple_of3A_1800] : memref<16x1x512x512xf32, #tpu.memory_space<hbm>> -> memref<1x1x64x64xf32, #tpu.memory_space<hbm>>
      %dma_wait3A_1937 = tpu.memref_squeeze %dma_wait3A_1936 : memref<1x1x64x64xf32, #tpu.memory_space<hbm>> -> memref<64x64xf32, #tpu.memory_space<hbm>>
      %dma_wait3A_1938 = arith.constant 0 : i32
      %dma_wait3A_1939 = arith.constant 0 : i32
      %dma_wait3A_1940 = tpu.memref_slice %arg11[%dma_wait3A_1931, %dma_wait3A_1938, %dma_wait3A_1939] : memref<1x64x64xf32, #tpu.memory_space<vmem>> -> memref<1x64x64xf32, #tpu.memory_space<vmem>>
      %dma_wait3A_1941 = tpu.memref_squeeze %dma_wait3A_1940 : memref<1x64x64xf32, #tpu.memory_space<vmem>> -> memref<64x64xf32, #tpu.memory_space<vmem>>
      %dma_wait3A_1942 = tpu.memref_slice %arg3[%select_n3A_1831, %dma_wait3A_1930, %multiple_of3A_1797, %multiple_of3A_1800] : memref<16x1x512x512xf32, #tpu.memory_space<hbm>> -> memref<1x1x64x64xf32, #tpu.memory_space<hbm>>
      %dma_wait3A_1943 = tpu.memref_squeeze %dma_wait3A_1942 : memref<1x1x64x64xf32, #tpu.memory_space<hbm>> -> memref<64x64xf32, #tpu.memory_space<hbm>>
      tpu.wait_dma2 semaphore(%arg12 : memref<!tpu.dma_semaphore, #tpu.memory_space<semaphore_mem>>) src(%dma_wait3A_1943 : memref<64x64xf32, #tpu.memory_space<hbm>>) dst(%dma_wait3A_1941 : memref<64x64xf32, #tpu.memory_space<vmem>>)
      "tpu.region"() ({
        %run_scoped3A = tpu.sem_alloc : memref<!tpu.dma_semaphore, #tpu.memory_space<semaphore_mem>>
        %dma_start3A_2391 = arith.constant 0 : i32
        %dma_start3A_2392 = arith.constant 0 : i32
        %dma_start3A_2393 = arith.constant 0 : i32
        %dma_start3A_2394 = tpu.memref_slice %arg6[%add3A_1807, %dma_start3A_2391, %dma_start3A_2392, %dma_start3A_2393] : memref<1024x3x64x64xf32, #tpu.memory_space<hbm>> -> memref<1x3x64x64xf32, #tpu.memory_space<hbm>>
        %dma_start3A_2395 = tpu.memref_squeeze %dma_start3A_2394 : memref<1x3x64x64xf32, #tpu.memory_space<hbm>> -> memref<3x64x64xf32, #tpu.memory_space<hbm>>
        %dma_start3A_2396 = arith.constant 0 : i32
        %dma_start3A_2397 = arith.constant 0 : i32
        %dma_start3A_2398 = arith.constant 0 : i32
        %dma_start3A_2399 = tpu.memref_slice %arg6[%add3A_1807, %dma_start3A_2396, %dma_start3A_2397, %dma_start3A_2398] : memref<1024x3x64x64xf32, #tpu.memory_space<hbm>> -> memref<1x3x64x64xf32, #tpu.memory_space<hbm>>
        %dma_start3A_2400 = tpu.memref_squeeze %dma_start3A_2399 : memref<1x3x64x64xf32, #tpu.memory_space<hbm>> -> memref<3x64x64xf32, #tpu.memory_space<hbm>>
        tpu.enqueue_dma source(%arg10 : memref<3x64x64xf32, #tpu.memory_space<vmem>>) target(%dma_start3A_2400 : memref<3x64x64xf32, #tpu.memory_space<hbm>>) target_semaphore(%run_scoped3A : memref<!tpu.dma_semaphore, #tpu.memory_space<semaphore_mem>>)
        %dma_wait3A_2401 = arith.constant 0 : i32
        %dma_wait3A_2402 = arith.constant 0 : i32
        %dma_wait3A_2403 = arith.constant 0 : i32
        %dma_wait3A_2404 = tpu.memref_slice %arg6[%add3A_1807, %dma_wait3A_2401, %dma_wait3A_2402, %dma_wait3A_2403] : memref<1024x3x64x64xf32, #tpu.memory_space<hbm>> -> memref<1x3x64x64xf32, #tpu.memory_space<hbm>>
        %dma_wait3A_2405 = tpu.memref_squeeze %dma_wait3A_2404 : memref<1x3x64x64xf32, #tpu.memory_space<hbm>> -> memref<3x64x64xf32, #tpu.memory_space<hbm>>
        %dma_wait3A_2406 = arith.constant 0 : i32
        %dma_wait3A_2407 = arith.constant 0 : i32
        %dma_wait3A_2408 = arith.constant 0 : i32
        %dma_wait3A_2409 = tpu.memref_slice %arg6[%add3A_1807, %dma_wait3A_2406, %dma_wait3A_2407, %dma_wait3A_2408] : memref<1024x3x64x64xf32, #tpu.memory_space<hbm>> -> memref<1x3x64x64xf32, #tpu.memory_space<hbm>>
        %dma_wait3A_2410 = tpu.memref_squeeze %dma_wait3A_2409 : memref<1x3x64x64xf32, #tpu.memory_space<hbm>> -> memref<3x64x64xf32, #tpu.memory_space<hbm>>
        tpu.wait_dma2 semaphore(%run_scoped3A : memref<!tpu.dma_semaphore, #tpu.memory_space<semaphore_mem>>) src(%arg10 : memref<3x64x64xf32, #tpu.memory_space<vmem>>) dst(%dma_wait3A_2410 : memref<3x64x64xf32, #tpu.memory_space<hbm>>)
        tpu.yield
      }) : () -> ()
      "tpu.region"() ({
        %run_scoped3A = tpu.sem_alloc : memref<!tpu.dma_semaphore, #tpu.memory_space<semaphore_mem>>
        %dma_start3A_2391 = arith.constant 0 : i32
        %dma_start3A_2392 = arith.constant 0 : i32
        %dma_start3A_2393 = arith.constant 0 : i32
        %dma_start3A_2394 = tpu.memref_slice %arg7[%add3A_1807, %dma_start3A_2391, %dma_start3A_2392, %dma_start3A_2393] : memref<1024x1x64x64xf32, #tpu.memory_space<hbm>> -> memref<1x1x64x64xf32, #tpu.memory_space<hbm>>
        %dma_start3A_2395 = tpu.memref_squeeze %dma_start3A_2394 : memref<1x1x64x64xf32, #tpu.memory_space<hbm>> -> memref<1x64x64xf32, #tpu.memory_space<hbm>>
        %dma_start3A_2396 = arith.constant 0 : i32
        %dma_start3A_2397 = arith.constant 0 : i32
        %dma_start3A_2398 = arith.constant 0 : i32
        %dma_start3A_2399 = tpu.memref_slice %arg7[%add3A_1807, %dma_start3A_2396, %dma_start3A_2397, %dma_start3A_2398] : memref<1024x1x64x64xf32, #tpu.memory_space<hbm>> -> memref<1x1x64x64xf32, #tpu.memory_space<hbm>>
        %dma_start3A_2400 = tpu.memref_squeeze %dma_start3A_2399 : memref<1x1x64x64xf32, #tpu.memory_space<hbm>> -> memref<1x64x64xf32, #tpu.memory_space<hbm>>
        tpu.enqueue_dma source(%arg11 : memref<1x64x64xf32, #tpu.memory_space<vmem>>) target(%dma_start3A_2400 : memref<1x64x64xf32, #tpu.memory_space<hbm>>) target_semaphore(%run_scoped3A : memref<!tpu.dma_semaphore, #tpu.memory_space<semaphore_mem>>)
        %dma_wait3A_2401 = arith.constant 0 : i32
        %dma_wait3A_2402 = arith.constant 0 : i32
        %dma_wait3A_2403 = arith.constant 0 : i32
        %dma_wait3A_2404 = tpu.memref_slice %arg7[%add3A_1807, %dma_wait3A_2401, %dma_wait3A_2402, %dma_wait3A_2403] : memref<1024x1x64x64xf32, #tpu.memory_space<hbm>> -> memref<1x1x64x64xf32, #tpu.memory_space<hbm>>
        %dma_wait3A_2405 = tpu.memref_squeeze %dma_wait3A_2404 : memref<1x1x64x64xf32, #tpu.memory_space<hbm>> -> memref<1x64x64xf32, #tpu.memory_space<hbm>>
        %dma_wait3A_2406 = arith.constant 0 : i32
        %dma_wait3A_2407 = arith.constant 0 : i32
        %dma_wait3A_2408 = arith.constant 0 : i32
        %dma_wait3A_2409 = tpu.memref_slice %arg7[%add3A_1807, %dma_wait3A_2406, %dma_wait3A_2407, %dma_wait3A_2408] : memref<1024x1x64x64xf32, #tpu.memory_space<hbm>> -> memref<1x1x64x64xf32, #tpu.memory_space<hbm>>
        %dma_wait3A_2410 = tpu.memref_squeeze %dma_wait3A_2409 : memref<1x1x64x64xf32, #tpu.memory_space<hbm>> -> memref<1x64x64xf32, #tpu.memory_space<hbm>>
        tpu.wait_dma2 semaphore(%run_scoped3A : memref<!tpu.dma_semaphore, #tpu.memory_space<semaphore_mem>>) src(%arg11 : memref<1x64x64xf32, #tpu.memory_space<vmem>>) dst(%dma_wait3A_2410 : memref<1x64x64xf32, #tpu.memory_space<hbm>>)
        tpu.yield
      }) : () -> ()
      %slice3A_1944 = vector.extract_strided_slice %get3A_14 {offsets = [13], sizes = [1], strides = [1]} : vector<16xi32> to vector<1xi32>
      %squeeze3A_1945 = vector.extract %slice3A_1944[0] : i32 from vector<1xi32>
      %multiple_of3A_1946 = tpu.assume_multiple %squeeze3A_1945, 16 : i32
      %slice3A_1947 = vector.extract_strided_slice %get3A_19 {offsets = [13], sizes = [1], strides = [1]} : vector<16xi32> to vector<1xi32>
      %squeeze3A_1948 = vector.extract %slice3A_1947[0] : i32 from vector<1xi32>
      %multiple_of3A_1949 = tpu.assume_multiple %squeeze3A_1948, 16 : i32
      %mul3A_1950 = arith.constant 32 : i32
      %mul3A_1951 = arith.muli %add3A, %mul3A_1950 : i32
      %mul3A_1952 = arith.constant 16 : i32
      %mul3A_1953 = arith.muli %scan3A_10, %mul3A_1952 : i32
      %add3A_1954 = arith.addi %mul3A_1951, %mul3A_1953 : i32
      %add3A_1955 = arith.constant 13 : i32
      %add3A_1956 = arith.addi %add3A_1954, %add3A_1955 : i32
      %jit3A_1957 = arith.constant 64 : i32
      %div3A_1958 = arith.divsi %add3A_1956, %jit3A_1957 : i32
      %sign3A_1959 = arith.constant 0 : i32
      %sign3A_1960 = arith.cmpi sgt, %add3A_1956, %sign3A_1959 : i32
      %sign3A_1961 = arith.extui %sign3A_1960 : i1 to i32
      %sign3A_1962 = arith.constant 0 : i32
      %sign3A_1963 = arith.cmpi slt, %add3A_1956, %sign3A_1962 : i32
      %sign3A_1964 = arith.extui %sign3A_1963 : i1 to i32
      %sign3A_1965 = arith.subi %sign3A_1961, %sign3A_1964 : i32
      %sign3A_1966 = arith.constant 0 : i32
      %sign3A_1967 = arith.cmpi sgt, %jit3A_1957, %sign3A_1966 : i32
      %sign3A_1968 = arith.extui %sign3A_1967 : i1 to i32
      %sign3A_1969 = arith.constant 0 : i32
      %sign3A_1970 = arith.cmpi slt, %jit3A_1957, %sign3A_1969 : i32
      %sign3A_1971 = arith.extui %sign3A_1970 : i1 to i32
      %sign3A_1972 = arith.subi %sign3A_1968, %sign3A_1971 : i32
      %ne3A_1973 = arith.cmpi ne, %sign3A_1965, %sign3A_1972 : i32
      %rem3A_1974 = arith.remsi %add3A_1956, %jit3A_1957 : i32
      %ne3A_1975 = arith.constant 0 : i32
      %ne3A_1976 = arith.cmpi ne, %rem3A_1974, %ne3A_1975 : i32
      %and3A_1977 = arith.andi %ne3A_1973, %ne3A_1976 : i1
      %sub3A_1978 = arith.constant 1 : i32
      %sub3A_1979 = arith.subi %div3A_1958, %sub3A_1978 : i32
      %select_n3A_1980 = arith.select %and3A_1977, %sub3A_1979, %div3A_1958 : i32
      %dma_start3A_1981 = arith.constant 0 : i32
      %dma_start3A_1982 = arith.constant 0 : i32
      %dma_start3A_1983 = arith.constant 0 : i32
      %dma_start3A_1984 = arith.constant 0 : i32
      %dma_start3A_1985 = tpu.memref_slice %arg10[%dma_start3A_1982, %dma_start3A_1983, %dma_start3A_1984] : memref<3x64x64xf32, #tpu.memory_space<vmem>> -> memref<1x64x64xf32, #tpu.memory_space<vmem>>
      %dma_start3A_1986 = tpu.memref_squeeze %dma_start3A_1985 : memref<1x64x64xf32, #tpu.memory_space<vmem>> -> memref<64x64xf32, #tpu.memory_space<vmem>>
      %dma_start3A_1987 = tpu.memref_slice %arg2[%select_n3A_1980, %dma_start3A_1981, %multiple_of3A_1946, %multiple_of3A_1949] : memref<16x3x512x512xf32, #tpu.memory_space<hbm>> -> memref<1x1x64x64xf32, #tpu.memory_space<hbm>>
      %dma_start3A_1988 = tpu.memref_squeeze %dma_start3A_1987 : memref<1x1x64x64xf32, #tpu.memory_space<hbm>> -> memref<64x64xf32, #tpu.memory_space<hbm>>
      %dma_start3A_1989 = arith.constant 0 : i32
      %dma_start3A_1990 = arith.constant 0 : i32
      %dma_start3A_1991 = tpu.memref_slice %arg10[%dma_start3A_1982, %dma_start3A_1989, %dma_start3A_1990] : memref<3x64x64xf32, #tpu.memory_space<vmem>> -> memref<1x64x64xf32, #tpu.memory_space<vmem>>
      %dma_start3A_1992 = tpu.memref_squeeze %dma_start3A_1991 : memref<1x64x64xf32, #tpu.memory_space<vmem>> -> memref<64x64xf32, #tpu.memory_space<vmem>>
      %dma_start3A_1993 = tpu.memref_slice %arg2[%select_n3A_1980, %dma_start3A_1981, %multiple_of3A_1946, %multiple_of3A_1949] : memref<16x3x512x512xf32, #tpu.memory_space<hbm>> -> memref<1x1x64x64xf32, #tpu.memory_space<hbm>>
      %dma_start3A_1994 = tpu.memref_squeeze %dma_start3A_1993 : memref<1x1x64x64xf32, #tpu.memory_space<hbm>> -> memref<64x64xf32, #tpu.memory_space<hbm>>
      tpu.enqueue_dma source(%dma_start3A_1994 : memref<64x64xf32, #tpu.memory_space<hbm>>) target(%dma_start3A_1992 : memref<64x64xf32, #tpu.memory_space<vmem>>) target_semaphore(%arg12 : memref<!tpu.dma_semaphore, #tpu.memory_space<semaphore_mem>>)
      %dma_start3A_1995 = arith.constant 1 : i32
      %dma_start3A_1996 = arith.constant 1 : i32
      %dma_start3A_1997 = arith.constant 0 : i32
      %dma_start3A_1998 = arith.constant 0 : i32
      %dma_start3A_1999 = tpu.memref_slice %arg10[%dma_start3A_1996, %dma_start3A_1997, %dma_start3A_1998] : memref<3x64x64xf32, #tpu.memory_space<vmem>> -> memref<1x64x64xf32, #tpu.memory_space<vmem>>
      %dma_start3A_2000 = tpu.memref_squeeze %dma_start3A_1999 : memref<1x64x64xf32, #tpu.memory_space<vmem>> -> memref<64x64xf32, #tpu.memory_space<vmem>>
      %dma_start3A_2001 = tpu.memref_slice %arg2[%select_n3A_1980, %dma_start3A_1995, %multiple_of3A_1946, %multiple_of3A_1949] : memref<16x3x512x512xf32, #tpu.memory_space<hbm>> -> memref<1x1x64x64xf32, #tpu.memory_space<hbm>>
      %dma_start3A_2002 = tpu.memref_squeeze %dma_start3A_2001 : memref<1x1x64x64xf32, #tpu.memory_space<hbm>> -> memref<64x64xf32, #tpu.memory_space<hbm>>
      %dma_start3A_2003 = arith.constant 0 : i32
      %dma_start3A_2004 = arith.constant 0 : i32
      %dma_start3A_2005 = tpu.memref_slice %arg10[%dma_start3A_1996, %dma_start3A_2003, %dma_start3A_2004] : memref<3x64x64xf32, #tpu.memory_space<vmem>> -> memref<1x64x64xf32, #tpu.memory_space<vmem>>
      %dma_start3A_2006 = tpu.memref_squeeze %dma_start3A_2005 : memref<1x64x64xf32, #tpu.memory_space<vmem>> -> memref<64x64xf32, #tpu.memory_space<vmem>>
      %dma_start3A_2007 = tpu.memref_slice %arg2[%select_n3A_1980, %dma_start3A_1995, %multiple_of3A_1946, %multiple_of3A_1949] : memref<16x3x512x512xf32, #tpu.memory_space<hbm>> -> memref<1x1x64x64xf32, #tpu.memory_space<hbm>>
      %dma_start3A_2008 = tpu.memref_squeeze %dma_start3A_2007 : memref<1x1x64x64xf32, #tpu.memory_space<hbm>> -> memref<64x64xf32, #tpu.memory_space<hbm>>
      tpu.enqueue_dma source(%dma_start3A_2008 : memref<64x64xf32, #tpu.memory_space<hbm>>) target(%dma_start3A_2006 : memref<64x64xf32, #tpu.memory_space<vmem>>) target_semaphore(%arg12 : memref<!tpu.dma_semaphore, #tpu.memory_space<semaphore_mem>>)
      %dma_start3A_2009 = arith.constant 2 : i32
      %dma_start3A_2010 = arith.constant 2 : i32
      %dma_start3A_2011 = arith.constant 0 : i32
      %dma_start3A_2012 = arith.constant 0 : i32
      %dma_start3A_2013 = tpu.memref_slice %arg10[%dma_start3A_2010, %dma_start3A_2011, %dma_start3A_2012] : memref<3x64x64xf32, #tpu.memory_space<vmem>> -> memref<1x64x64xf32, #tpu.memory_space<vmem>>
      %dma_start3A_2014 = tpu.memref_squeeze %dma_start3A_2013 : memref<1x64x64xf32, #tpu.memory_space<vmem>> -> memref<64x64xf32, #tpu.memory_space<vmem>>
      %dma_start3A_2015 = tpu.memref_slice %arg2[%select_n3A_1980, %dma_start3A_2009, %multiple_of3A_1946, %multiple_of3A_1949] : memref<16x3x512x512xf32, #tpu.memory_space<hbm>> -> memref<1x1x64x64xf32, #tpu.memory_space<hbm>>
      %dma_start3A_2016 = tpu.memref_squeeze %dma_start3A_2015 : memref<1x1x64x64xf32, #tpu.memory_space<hbm>> -> memref<64x64xf32, #tpu.memory_space<hbm>>
      %dma_start3A_2017 = arith.constant 0 : i32
      %dma_start3A_2018 = arith.constant 0 : i32
      %dma_start3A_2019 = tpu.memref_slice %arg10[%dma_start3A_2010, %dma_start3A_2017, %dma_start3A_2018] : memref<3x64x64xf32, #tpu.memory_space<vmem>> -> memref<1x64x64xf32, #tpu.memory_space<vmem>>
      %dma_start3A_2020 = tpu.memref_squeeze %dma_start3A_2019 : memref<1x64x64xf32, #tpu.memory_space<vmem>> -> memref<64x64xf32, #tpu.memory_space<vmem>>
      %dma_start3A_2021 = tpu.memref_slice %arg2[%select_n3A_1980, %dma_start3A_2009, %multiple_of3A_1946, %multiple_of3A_1949] : memref<16x3x512x512xf32, #tpu.memory_space<hbm>> -> memref<1x1x64x64xf32, #tpu.memory_space<hbm>>
      %dma_start3A_2022 = tpu.memref_squeeze %dma_start3A_2021 : memref<1x1x64x64xf32, #tpu.memory_space<hbm>> -> memref<64x64xf32, #tpu.memory_space<hbm>>
      tpu.enqueue_dma source(%dma_start3A_2022 : memref<64x64xf32, #tpu.memory_space<hbm>>) target(%dma_start3A_2020 : memref<64x64xf32, #tpu.memory_space<vmem>>) target_semaphore(%arg12 : memref<!tpu.dma_semaphore, #tpu.memory_space<semaphore_mem>>)
      %dma_start3A_2023 = arith.constant 0 : i32
      %dma_start3A_2024 = arith.constant 0 : i32
      %dma_start3A_2025 = arith.constant 0 : i32
      %dma_start3A_2026 = arith.constant 0 : i32
      %dma_start3A_2027 = tpu.memref_slice %arg11[%dma_start3A_2024, %dma_start3A_2025, %dma_start3A_2026] : memref<1x64x64xf32, #tpu.memory_space<vmem>> -> memref<1x64x64xf32, #tpu.memory_space<vmem>>
      %dma_start3A_2028 = tpu.memref_squeeze %dma_start3A_2027 : memref<1x64x64xf32, #tpu.memory_space<vmem>> -> memref<64x64xf32, #tpu.memory_space<vmem>>
      %dma_start3A_2029 = tpu.memref_slice %arg3[%select_n3A_1980, %dma_start3A_2023, %multiple_of3A_1946, %multiple_of3A_1949] : memref<16x1x512x512xf32, #tpu.memory_space<hbm>> -> memref<1x1x64x64xf32, #tpu.memory_space<hbm>>
      %dma_start3A_2030 = tpu.memref_squeeze %dma_start3A_2029 : memref<1x1x64x64xf32, #tpu.memory_space<hbm>> -> memref<64x64xf32, #tpu.memory_space<hbm>>
      %dma_start3A_2031 = arith.constant 0 : i32
      %dma_start3A_2032 = arith.constant 0 : i32
      %dma_start3A_2033 = tpu.memref_slice %arg11[%dma_start3A_2024, %dma_start3A_2031, %dma_start3A_2032] : memref<1x64x64xf32, #tpu.memory_space<vmem>> -> memref<1x64x64xf32, #tpu.memory_space<vmem>>
      %dma_start3A_2034 = tpu.memref_squeeze %dma_start3A_2033 : memref<1x64x64xf32, #tpu.memory_space<vmem>> -> memref<64x64xf32, #tpu.memory_space<vmem>>
      %dma_start3A_2035 = tpu.memref_slice %arg3[%select_n3A_1980, %dma_start3A_2023, %multiple_of3A_1946, %multiple_of3A_1949] : memref<16x1x512x512xf32, #tpu.memory_space<hbm>> -> memref<1x1x64x64xf32, #tpu.memory_space<hbm>>
      %dma_start3A_2036 = tpu.memref_squeeze %dma_start3A_2035 : memref<1x1x64x64xf32, #tpu.memory_space<hbm>> -> memref<64x64xf32, #tpu.memory_space<hbm>>
      tpu.enqueue_dma source(%dma_start3A_2036 : memref<64x64xf32, #tpu.memory_space<hbm>>) target(%dma_start3A_2034 : memref<64x64xf32, #tpu.memory_space<vmem>>) target_semaphore(%arg12 : memref<!tpu.dma_semaphore, #tpu.memory_space<semaphore_mem>>)
      %dma_wait3A_2037 = arith.constant 0 : i32
      %dma_wait3A_2038 = arith.constant 0 : i32
      %dma_wait3A_2039 = arith.constant 0 : i32
      %dma_wait3A_2040 = arith.constant 0 : i32
      %dma_wait3A_2041 = tpu.memref_slice %arg10[%dma_wait3A_2038, %dma_wait3A_2039, %dma_wait3A_2040] : memref<3x64x64xf32, #tpu.memory_space<vmem>> -> memref<1x64x64xf32, #tpu.memory_space<vmem>>
      %dma_wait3A_2042 = tpu.memref_squeeze %dma_wait3A_2041 : memref<1x64x64xf32, #tpu.memory_space<vmem>> -> memref<64x64xf32, #tpu.memory_space<vmem>>
      %dma_wait3A_2043 = tpu.memref_slice %arg2[%select_n3A_1980, %dma_wait3A_2037, %multiple_of3A_1946, %multiple_of3A_1949] : memref<16x3x512x512xf32, #tpu.memory_space<hbm>> -> memref<1x1x64x64xf32, #tpu.memory_space<hbm>>
      %dma_wait3A_2044 = tpu.memref_squeeze %dma_wait3A_2043 : memref<1x1x64x64xf32, #tpu.memory_space<hbm>> -> memref<64x64xf32, #tpu.memory_space<hbm>>
      %dma_wait3A_2045 = arith.constant 0 : i32
      %dma_wait3A_2046 = arith.constant 0 : i32
      %dma_wait3A_2047 = tpu.memref_slice %arg10[%dma_wait3A_2038, %dma_wait3A_2045, %dma_wait3A_2046] : memref<3x64x64xf32, #tpu.memory_space<vmem>> -> memref<1x64x64xf32, #tpu.memory_space<vmem>>
      %dma_wait3A_2048 = tpu.memref_squeeze %dma_wait3A_2047 : memref<1x64x64xf32, #tpu.memory_space<vmem>> -> memref<64x64xf32, #tpu.memory_space<vmem>>
      %dma_wait3A_2049 = tpu.memref_slice %arg2[%select_n3A_1980, %dma_wait3A_2037, %multiple_of3A_1946, %multiple_of3A_1949] : memref<16x3x512x512xf32, #tpu.memory_space<hbm>> -> memref<1x1x64x64xf32, #tpu.memory_space<hbm>>
      %dma_wait3A_2050 = tpu.memref_squeeze %dma_wait3A_2049 : memref<1x1x64x64xf32, #tpu.memory_space<hbm>> -> memref<64x64xf32, #tpu.memory_space<hbm>>
      tpu.wait_dma2 semaphore(%arg12 : memref<!tpu.dma_semaphore, #tpu.memory_space<semaphore_mem>>) src(%dma_wait3A_2050 : memref<64x64xf32, #tpu.memory_space<hbm>>) dst(%dma_wait3A_2048 : memref<64x64xf32, #tpu.memory_space<vmem>>)
      %dma_wait3A_2051 = arith.constant 1 : i32
      %dma_wait3A_2052 = arith.constant 1 : i32
      %dma_wait3A_2053 = arith.constant 0 : i32
      %dma_wait3A_2054 = arith.constant 0 : i32
      %dma_wait3A_2055 = tpu.memref_slice %arg10[%dma_wait3A_2052, %dma_wait3A_2053, %dma_wait3A_2054] : memref<3x64x64xf32, #tpu.memory_space<vmem>> -> memref<1x64x64xf32, #tpu.memory_space<vmem>>
      %dma_wait3A_2056 = tpu.memref_squeeze %dma_wait3A_2055 : memref<1x64x64xf32, #tpu.memory_space<vmem>> -> memref<64x64xf32, #tpu.memory_space<vmem>>
      %dma_wait3A_2057 = tpu.memref_slice %arg2[%select_n3A_1980, %dma_wait3A_2051, %multiple_of3A_1946, %multiple_of3A_1949] : memref<16x3x512x512xf32, #tpu.memory_space<hbm>> -> memref<1x1x64x64xf32, #tpu.memory_space<hbm>>
      %dma_wait3A_2058 = tpu.memref_squeeze %dma_wait3A_2057 : memref<1x1x64x64xf32, #tpu.memory_space<hbm>> -> memref<64x64xf32, #tpu.memory_space<hbm>>
      %dma_wait3A_2059 = arith.constant 0 : i32
      %dma_wait3A_2060 = arith.constant 0 : i32
      %dma_wait3A_2061 = tpu.memref_slice %arg10[%dma_wait3A_2052, %dma_wait3A_2059, %dma_wait3A_2060] : memref<3x64x64xf32, #tpu.memory_space<vmem>> -> memref<1x64x64xf32, #tpu.memory_space<vmem>>
      %dma_wait3A_2062 = tpu.memref_squeeze %dma_wait3A_2061 : memref<1x64x64xf32, #tpu.memory_space<vmem>> -> memref<64x64xf32, #tpu.memory_space<vmem>>
      %dma_wait3A_2063 = tpu.memref_slice %arg2[%select_n3A_1980, %dma_wait3A_2051, %multiple_of3A_1946, %multiple_of3A_1949] : memref<16x3x512x512xf32, #tpu.memory_space<hbm>> -> memref<1x1x64x64xf32, #tpu.memory_space<hbm>>
      %dma_wait3A_2064 = tpu.memref_squeeze %dma_wait3A_2063 : memref<1x1x64x64xf32, #tpu.memory_space<hbm>> -> memref<64x64xf32, #tpu.memory_space<hbm>>
      tpu.wait_dma2 semaphore(%arg12 : memref<!tpu.dma_semaphore, #tpu.memory_space<semaphore_mem>>) src(%dma_wait3A_2064 : memref<64x64xf32, #tpu.memory_space<hbm>>) dst(%dma_wait3A_2062 : memref<64x64xf32, #tpu.memory_space<vmem>>)
      %dma_wait3A_2065 = arith.constant 2 : i32
      %dma_wait3A_2066 = arith.constant 2 : i32
      %dma_wait3A_2067 = arith.constant 0 : i32
      %dma_wait3A_2068 = arith.constant 0 : i32
      %dma_wait3A_2069 = tpu.memref_slice %arg10[%dma_wait3A_2066, %dma_wait3A_2067, %dma_wait3A_2068] : memref<3x64x64xf32, #tpu.memory_space<vmem>> -> memref<1x64x64xf32, #tpu.memory_space<vmem>>
      %dma_wait3A_2070 = tpu.memref_squeeze %dma_wait3A_2069 : memref<1x64x64xf32, #tpu.memory_space<vmem>> -> memref<64x64xf32, #tpu.memory_space<vmem>>
      %dma_wait3A_2071 = tpu.memref_slice %arg2[%select_n3A_1980, %dma_wait3A_2065, %multiple_of3A_1946, %multiple_of3A_1949] : memref<16x3x512x512xf32, #tpu.memory_space<hbm>> -> memref<1x1x64x64xf32, #tpu.memory_space<hbm>>
      %dma_wait3A_2072 = tpu.memref_squeeze %dma_wait3A_2071 : memref<1x1x64x64xf32, #tpu.memory_space<hbm>> -> memref<64x64xf32, #tpu.memory_space<hbm>>
      %dma_wait3A_2073 = arith.constant 0 : i32
      %dma_wait3A_2074 = arith.constant 0 : i32
      %dma_wait3A_2075 = tpu.memref_slice %arg10[%dma_wait3A_2066, %dma_wait3A_2073, %dma_wait3A_2074] : memref<3x64x64xf32, #tpu.memory_space<vmem>> -> memref<1x64x64xf32, #tpu.memory_space<vmem>>
      %dma_wait3A_2076 = tpu.memref_squeeze %dma_wait3A_2075 : memref<1x64x64xf32, #tpu.memory_space<vmem>> -> memref<64x64xf32, #tpu.memory_space<vmem>>
      %dma_wait3A_2077 = tpu.memref_slice %arg2[%select_n3A_1980, %dma_wait3A_2065, %multiple_of3A_1946, %multiple_of3A_1949] : memref<16x3x512x512xf32, #tpu.memory_space<hbm>> -> memref<1x1x64x64xf32, #tpu.memory_space<hbm>>
      %dma_wait3A_2078 = tpu.memref_squeeze %dma_wait3A_2077 : memref<1x1x64x64xf32, #tpu.memory_space<hbm>> -> memref<64x64xf32, #tpu.memory_space<hbm>>
      tpu.wait_dma2 semaphore(%arg12 : memref<!tpu.dma_semaphore, #tpu.memory_space<semaphore_mem>>) src(%dma_wait3A_2078 : memref<64x64xf32, #tpu.memory_space<hbm>>) dst(%dma_wait3A_2076 : memref<64x64xf32, #tpu.memory_space<vmem>>)
      %dma_wait3A_2079 = arith.constant 0 : i32
      %dma_wait3A_2080 = arith.constant 0 : i32
      %dma_wait3A_2081 = arith.constant 0 : i32
      %dma_wait3A_2082 = arith.constant 0 : i32
      %dma_wait3A_2083 = tpu.memref_slice %arg11[%dma_wait3A_2080, %dma_wait3A_2081, %dma_wait3A_2082] : memref<1x64x64xf32, #tpu.memory_space<vmem>> -> memref<1x64x64xf32, #tpu.memory_space<vmem>>
      %dma_wait3A_2084 = tpu.memref_squeeze %dma_wait3A_2083 : memref<1x64x64xf32, #tpu.memory_space<vmem>> -> memref<64x64xf32, #tpu.memory_space<vmem>>
      %dma_wait3A_2085 = tpu.memref_slice %arg3[%select_n3A_1980, %dma_wait3A_2079, %multiple_of3A_1946, %multiple_of3A_1949] : memref<16x1x512x512xf32, #tpu.memory_space<hbm>> -> memref<1x1x64x64xf32, #tpu.memory_space<hbm>>
      %dma_wait3A_2086 = tpu.memref_squeeze %dma_wait3A_2085 : memref<1x1x64x64xf32, #tpu.memory_space<hbm>> -> memref<64x64xf32, #tpu.memory_space<hbm>>
      %dma_wait3A_2087 = arith.constant 0 : i32
      %dma_wait3A_2088 = arith.constant 0 : i32
      %dma_wait3A_2089 = tpu.memref_slice %arg11[%dma_wait3A_2080, %dma_wait3A_2087, %dma_wait3A_2088] : memref<1x64x64xf32, #tpu.memory_space<vmem>> -> memref<1x64x64xf32, #tpu.memory_space<vmem>>
      %dma_wait3A_2090 = tpu.memref_squeeze %dma_wait3A_2089 : memref<1x64x64xf32, #tpu.memory_space<vmem>> -> memref<64x64xf32, #tpu.memory_space<vmem>>
      %dma_wait3A_2091 = tpu.memref_slice %arg3[%select_n3A_1980, %dma_wait3A_2079, %multiple_of3A_1946, %multiple_of3A_1949] : memref<16x1x512x512xf32, #tpu.memory_space<hbm>> -> memref<1x1x64x64xf32, #tpu.memory_space<hbm>>
      %dma_wait3A_2092 = tpu.memref_squeeze %dma_wait3A_2091 : memref<1x1x64x64xf32, #tpu.memory_space<hbm>> -> memref<64x64xf32, #tpu.memory_space<hbm>>
      tpu.wait_dma2 semaphore(%arg12 : memref<!tpu.dma_semaphore, #tpu.memory_space<semaphore_mem>>) src(%dma_wait3A_2092 : memref<64x64xf32, #tpu.memory_space<hbm>>) dst(%dma_wait3A_2090 : memref<64x64xf32, #tpu.memory_space<vmem>>)
      "tpu.region"() ({
        %run_scoped3A = tpu.sem_alloc : memref<!tpu.dma_semaphore, #tpu.memory_space<semaphore_mem>>
        %dma_start3A_2391 = arith.constant 0 : i32
        %dma_start3A_2392 = arith.constant 0 : i32
        %dma_start3A_2393 = arith.constant 0 : i32
        %dma_start3A_2394 = tpu.memref_slice %arg6[%add3A_1956, %dma_start3A_2391, %dma_start3A_2392, %dma_start3A_2393] : memref<1024x3x64x64xf32, #tpu.memory_space<hbm>> -> memref<1x3x64x64xf32, #tpu.memory_space<hbm>>
        %dma_start3A_2395 = tpu.memref_squeeze %dma_start3A_2394 : memref<1x3x64x64xf32, #tpu.memory_space<hbm>> -> memref<3x64x64xf32, #tpu.memory_space<hbm>>
        %dma_start3A_2396 = arith.constant 0 : i32
        %dma_start3A_2397 = arith.constant 0 : i32
        %dma_start3A_2398 = arith.constant 0 : i32
        %dma_start3A_2399 = tpu.memref_slice %arg6[%add3A_1956, %dma_start3A_2396, %dma_start3A_2397, %dma_start3A_2398] : memref<1024x3x64x64xf32, #tpu.memory_space<hbm>> -> memref<1x3x64x64xf32, #tpu.memory_space<hbm>>
        %dma_start3A_2400 = tpu.memref_squeeze %dma_start3A_2399 : memref<1x3x64x64xf32, #tpu.memory_space<hbm>> -> memref<3x64x64xf32, #tpu.memory_space<hbm>>
        tpu.enqueue_dma source(%arg10 : memref<3x64x64xf32, #tpu.memory_space<vmem>>) target(%dma_start3A_2400 : memref<3x64x64xf32, #tpu.memory_space<hbm>>) target_semaphore(%run_scoped3A : memref<!tpu.dma_semaphore, #tpu.memory_space<semaphore_mem>>)
        %dma_wait3A_2401 = arith.constant 0 : i32
        %dma_wait3A_2402 = arith.constant 0 : i32
        %dma_wait3A_2403 = arith.constant 0 : i32
        %dma_wait3A_2404 = tpu.memref_slice %arg6[%add3A_1956, %dma_wait3A_2401, %dma_wait3A_2402, %dma_wait3A_2403] : memref<1024x3x64x64xf32, #tpu.memory_space<hbm>> -> memref<1x3x64x64xf32, #tpu.memory_space<hbm>>
        %dma_wait3A_2405 = tpu.memref_squeeze %dma_wait3A_2404 : memref<1x3x64x64xf32, #tpu.memory_space<hbm>> -> memref<3x64x64xf32, #tpu.memory_space<hbm>>
        %dma_wait3A_2406 = arith.constant 0 : i32
        %dma_wait3A_2407 = arith.constant 0 : i32
        %dma_wait3A_2408 = arith.constant 0 : i32
        %dma_wait3A_2409 = tpu.memref_slice %arg6[%add3A_1956, %dma_wait3A_2406, %dma_wait3A_2407, %dma_wait3A_2408] : memref<1024x3x64x64xf32, #tpu.memory_space<hbm>> -> memref<1x3x64x64xf32, #tpu.memory_space<hbm>>
        %dma_wait3A_2410 = tpu.memref_squeeze %dma_wait3A_2409 : memref<1x3x64x64xf32, #tpu.memory_space<hbm>> -> memref<3x64x64xf32, #tpu.memory_space<hbm>>
        tpu.wait_dma2 semaphore(%run_scoped3A : memref<!tpu.dma_semaphore, #tpu.memory_space<semaphore_mem>>) src(%arg10 : memref<3x64x64xf32, #tpu.memory_space<vmem>>) dst(%dma_wait3A_2410 : memref<3x64x64xf32, #tpu.memory_space<hbm>>)
        tpu.yield
      }) : () -> ()
      "tpu.region"() ({
        %run_scoped3A = tpu.sem_alloc : memref<!tpu.dma_semaphore, #tpu.memory_space<semaphore_mem>>
        %dma_start3A_2391 = arith.constant 0 : i32
        %dma_start3A_2392 = arith.constant 0 : i32
        %dma_start3A_2393 = arith.constant 0 : i32
        %dma_start3A_2394 = tpu.memref_slice %arg7[%add3A_1956, %dma_start3A_2391, %dma_start3A_2392, %dma_start3A_2393] : memref<1024x1x64x64xf32, #tpu.memory_space<hbm>> -> memref<1x1x64x64xf32, #tpu.memory_space<hbm>>
        %dma_start3A_2395 = tpu.memref_squeeze %dma_start3A_2394 : memref<1x1x64x64xf32, #tpu.memory_space<hbm>> -> memref<1x64x64xf32, #tpu.memory_space<hbm>>
        %dma_start3A_2396 = arith.constant 0 : i32
        %dma_start3A_2397 = arith.constant 0 : i32
        %dma_start3A_2398 = arith.constant 0 : i32
        %dma_start3A_2399 = tpu.memref_slice %arg7[%add3A_1956, %dma_start3A_2396, %dma_start3A_2397, %dma_start3A_2398] : memref<1024x1x64x64xf32, #tpu.memory_space<hbm>> -> memref<1x1x64x64xf32, #tpu.memory_space<hbm>>
        %dma_start3A_2400 = tpu.memref_squeeze %dma_start3A_2399 : memref<1x1x64x64xf32, #tpu.memory_space<hbm>> -> memref<1x64x64xf32, #tpu.memory_space<hbm>>
        tpu.enqueue_dma source(%arg11 : memref<1x64x64xf32, #tpu.memory_space<vmem>>) target(%dma_start3A_2400 : memref<1x64x64xf32, #tpu.memory_space<hbm>>) target_semaphore(%run_scoped3A : memref<!tpu.dma_semaphore, #tpu.memory_space<semaphore_mem>>)
        %dma_wait3A_2401 = arith.constant 0 : i32
        %dma_wait3A_2402 = arith.constant 0 : i32
        %dma_wait3A_2403 = arith.constant 0 : i32
        %dma_wait3A_2404 = tpu.memref_slice %arg7[%add3A_1956, %dma_wait3A_2401, %dma_wait3A_2402, %dma_wait3A_2403] : memref<1024x1x64x64xf32, #tpu.memory_space<hbm>> -> memref<1x1x64x64xf32, #tpu.memory_space<hbm>>
        %dma_wait3A_2405 = tpu.memref_squeeze %dma_wait3A_2404 : memref<1x1x64x64xf32, #tpu.memory_space<hbm>> -> memref<1x64x64xf32, #tpu.memory_space<hbm>>
        %dma_wait3A_2406 = arith.constant 0 : i32
        %dma_wait3A_2407 = arith.constant 0 : i32
        %dma_wait3A_2408 = arith.constant 0 : i32
        %dma_wait3A_2409 = tpu.memref_slice %arg7[%add3A_1956, %dma_wait3A_2406, %dma_wait3A_2407, %dma_wait3A_2408] : memref<1024x1x64x64xf32, #tpu.memory_space<hbm>> -> memref<1x1x64x64xf32, #tpu.memory_space<hbm>>
        %dma_wait3A_2410 = tpu.memref_squeeze %dma_wait3A_2409 : memref<1x1x64x64xf32, #tpu.memory_space<hbm>> -> memref<1x64x64xf32, #tpu.memory_space<hbm>>
        tpu.wait_dma2 semaphore(%run_scoped3A : memref<!tpu.dma_semaphore, #tpu.memory_space<semaphore_mem>>) src(%arg11 : memref<1x64x64xf32, #tpu.memory_space<vmem>>) dst(%dma_wait3A_2410 : memref<1x64x64xf32, #tpu.memory_space<hbm>>)
        tpu.yield
      }) : () -> ()
      %slice3A_2093 = vector.extract_strided_slice %get3A_14 {offsets = [14], sizes = [1], strides = [1]} : vector<16xi32> to vector<1xi32>
      %squeeze3A_2094 = vector.extract %slice3A_2093[0] : i32 from vector<1xi32>
      %multiple_of3A_2095 = tpu.assume_multiple %squeeze3A_2094, 16 : i32
      %slice3A_2096 = vector.extract_strided_slice %get3A_19 {offsets = [14], sizes = [1], strides = [1]} : vector<16xi32> to vector<1xi32>
      %squeeze3A_2097 = vector.extract %slice3A_2096[0] : i32 from vector<1xi32>
      %multiple_of3A_2098 = tpu.assume_multiple %squeeze3A_2097, 16 : i32
      %mul3A_2099 = arith.constant 32 : i32
      %mul3A_2100 = arith.muli %add3A, %mul3A_2099 : i32
      %mul3A_2101 = arith.constant 16 : i32
      %mul3A_2102 = arith.muli %scan3A_10, %mul3A_2101 : i32
      %add3A_2103 = arith.addi %mul3A_2100, %mul3A_2102 : i32
      %add3A_2104 = arith.constant 14 : i32
      %add3A_2105 = arith.addi %add3A_2103, %add3A_2104 : i32
      %jit3A_2106 = arith.constant 64 : i32
      %div3A_2107 = arith.divsi %add3A_2105, %jit3A_2106 : i32
      %sign3A_2108 = arith.constant 0 : i32
      %sign3A_2109 = arith.cmpi sgt, %add3A_2105, %sign3A_2108 : i32
      %sign3A_2110 = arith.extui %sign3A_2109 : i1 to i32
      %sign3A_2111 = arith.constant 0 : i32
      %sign3A_2112 = arith.cmpi slt, %add3A_2105, %sign3A_2111 : i32
      %sign3A_2113 = arith.extui %sign3A_2112 : i1 to i32
      %sign3A_2114 = arith.subi %sign3A_2110, %sign3A_2113 : i32
      %sign3A_2115 = arith.constant 0 : i32
      %sign3A_2116 = arith.cmpi sgt, %jit3A_2106, %sign3A_2115 : i32
      %sign3A_2117 = arith.extui %sign3A_2116 : i1 to i32
      %sign3A_2118 = arith.constant 0 : i32
      %sign3A_2119 = arith.cmpi slt, %jit3A_2106, %sign3A_2118 : i32
      %sign3A_2120 = arith.extui %sign3A_2119 : i1 to i32
      %sign3A_2121 = arith.subi %sign3A_2117, %sign3A_2120 : i32
      %ne3A_2122 = arith.cmpi ne, %sign3A_2114, %sign3A_2121 : i32
      %rem3A_2123 = arith.remsi %add3A_2105, %jit3A_2106 : i32
      %ne3A_2124 = arith.constant 0 : i32
      %ne3A_2125 = arith.cmpi ne, %rem3A_2123, %ne3A_2124 : i32
      %and3A_2126 = arith.andi %ne3A_2122, %ne3A_2125 : i1
      %sub3A_2127 = arith.constant 1 : i32
      %sub3A_2128 = arith.subi %div3A_2107, %sub3A_2127 : i32
      %select_n3A_2129 = arith.select %and3A_2126, %sub3A_2128, %div3A_2107 : i32
      %dma_start3A_2130 = arith.constant 0 : i32
      %dma_start3A_2131 = arith.constant 0 : i32
      %dma_start3A_2132 = arith.constant 0 : i32
      %dma_start3A_2133 = arith.constant 0 : i32
      %dma_start3A_2134 = tpu.memref_slice %arg10[%dma_start3A_2131, %dma_start3A_2132, %dma_start3A_2133] : memref<3x64x64xf32, #tpu.memory_space<vmem>> -> memref<1x64x64xf32, #tpu.memory_space<vmem>>
      %dma_start3A_2135 = tpu.memref_squeeze %dma_start3A_2134 : memref<1x64x64xf32, #tpu.memory_space<vmem>> -> memref<64x64xf32, #tpu.memory_space<vmem>>
      %dma_start3A_2136 = tpu.memref_slice %arg2[%select_n3A_2129, %dma_start3A_2130, %multiple_of3A_2095, %multiple_of3A_2098] : memref<16x3x512x512xf32, #tpu.memory_space<hbm>> -> memref<1x1x64x64xf32, #tpu.memory_space<hbm>>
      %dma_start3A_2137 = tpu.memref_squeeze %dma_start3A_2136 : memref<1x1x64x64xf32, #tpu.memory_space<hbm>> -> memref<64x64xf32, #tpu.memory_space<hbm>>
      %dma_start3A_2138 = arith.constant 0 : i32
      %dma_start3A_2139 = arith.constant 0 : i32
      %dma_start3A_2140 = tpu.memref_slice %arg10[%dma_start3A_2131, %dma_start3A_2138, %dma_start3A_2139] : memref<3x64x64xf32, #tpu.memory_space<vmem>> -> memref<1x64x64xf32, #tpu.memory_space<vmem>>
      %dma_start3A_2141 = tpu.memref_squeeze %dma_start3A_2140 : memref<1x64x64xf32, #tpu.memory_space<vmem>> -> memref<64x64xf32, #tpu.memory_space<vmem>>
      %dma_start3A_2142 = tpu.memref_slice %arg2[%select_n3A_2129, %dma_start3A_2130, %multiple_of3A_2095, %multiple_of3A_2098] : memref<16x3x512x512xf32, #tpu.memory_space<hbm>> -> memref<1x1x64x64xf32, #tpu.memory_space<hbm>>
      %dma_start3A_2143 = tpu.memref_squeeze %dma_start3A_2142 : memref<1x1x64x64xf32, #tpu.memory_space<hbm>> -> memref<64x64xf32, #tpu.memory_space<hbm>>
      tpu.enqueue_dma source(%dma_start3A_2143 : memref<64x64xf32, #tpu.memory_space<hbm>>) target(%dma_start3A_2141 : memref<64x64xf32, #tpu.memory_space<vmem>>) target_semaphore(%arg12 : memref<!tpu.dma_semaphore, #tpu.memory_space<semaphore_mem>>)
      %dma_start3A_2144 = arith.constant 1 : i32
      %dma_start3A_2145 = arith.constant 1 : i32
      %dma_start3A_2146 = arith.constant 0 : i32
      %dma_start3A_2147 = arith.constant 0 : i32
      %dma_start3A_2148 = tpu.memref_slice %arg10[%dma_start3A_2145, %dma_start3A_2146, %dma_start3A_2147] : memref<3x64x64xf32, #tpu.memory_space<vmem>> -> memref<1x64x64xf32, #tpu.memory_space<vmem>>
      %dma_start3A_2149 = tpu.memref_squeeze %dma_start3A_2148 : memref<1x64x64xf32, #tpu.memory_space<vmem>> -> memref<64x64xf32, #tpu.memory_space<vmem>>
      %dma_start3A_2150 = tpu.memref_slice %arg2[%select_n3A_2129, %dma_start3A_2144, %multiple_of3A_2095, %multiple_of3A_2098] : memref<16x3x512x512xf32, #tpu.memory_space<hbm>> -> memref<1x1x64x64xf32, #tpu.memory_space<hbm>>
      %dma_start3A_2151 = tpu.memref_squeeze %dma_start3A_2150 : memref<1x1x64x64xf32, #tpu.memory_space<hbm>> -> memref<64x64xf32, #tpu.memory_space<hbm>>
      %dma_start3A_2152 = arith.constant 0 : i32
      %dma_start3A_2153 = arith.constant 0 : i32
      %dma_start3A_2154 = tpu.memref_slice %arg10[%dma_start3A_2145, %dma_start3A_2152, %dma_start3A_2153] : memref<3x64x64xf32, #tpu.memory_space<vmem>> -> memref<1x64x64xf32, #tpu.memory_space<vmem>>
      %dma_start3A_2155 = tpu.memref_squeeze %dma_start3A_2154 : memref<1x64x64xf32, #tpu.memory_space<vmem>> -> memref<64x64xf32, #tpu.memory_space<vmem>>
      %dma_start3A_2156 = tpu.memref_slice %arg2[%select_n3A_2129, %dma_start3A_2144, %multiple_of3A_2095, %multiple_of3A_2098] : memref<16x3x512x512xf32, #tpu.memory_space<hbm>> -> memref<1x1x64x64xf32, #tpu.memory_space<hbm>>
      %dma_start3A_2157 = tpu.memref_squeeze %dma_start3A_2156 : memref<1x1x64x64xf32, #tpu.memory_space<hbm>> -> memref<64x64xf32, #tpu.memory_space<hbm>>
      tpu.enqueue_dma source(%dma_start3A_2157 : memref<64x64xf32, #tpu.memory_space<hbm>>) target(%dma_start3A_2155 : memref<64x64xf32, #tpu.memory_space<vmem>>) target_semaphore(%arg12 : memref<!tpu.dma_semaphore, #tpu.memory_space<semaphore_mem>>)
      %dma_start3A_2158 = arith.constant 2 : i32
      %dma_start3A_2159 = arith.constant 2 : i32
      %dma_start3A_2160 = arith.constant 0 : i32
      %dma_start3A_2161 = arith.constant 0 : i32
      %dma_start3A_2162 = tpu.memref_slice %arg10[%dma_start3A_2159, %dma_start3A_2160, %dma_start3A_2161] : memref<3x64x64xf32, #tpu.memory_space<vmem>> -> memref<1x64x64xf32, #tpu.memory_space<vmem>>
      %dma_start3A_2163 = tpu.memref_squeeze %dma_start3A_2162 : memref<1x64x64xf32, #tpu.memory_space<vmem>> -> memref<64x64xf32, #tpu.memory_space<vmem>>
      %dma_start3A_2164 = tpu.memref_slice %arg2[%select_n3A_2129, %dma_start3A_2158, %multiple_of3A_2095, %multiple_of3A_2098] : memref<16x3x512x512xf32, #tpu.memory_space<hbm>> -> memref<1x1x64x64xf32, #tpu.memory_space<hbm>>
      %dma_start3A_2165 = tpu.memref_squeeze %dma_start3A_2164 : memref<1x1x64x64xf32, #tpu.memory_space<hbm>> -> memref<64x64xf32, #tpu.memory_space<hbm>>
      %dma_start3A_2166 = arith.constant 0 : i32
      %dma_start3A_2167 = arith.constant 0 : i32
      %dma_start3A_2168 = tpu.memref_slice %arg10[%dma_start3A_2159, %dma_start3A_2166, %dma_start3A_2167] : memref<3x64x64xf32, #tpu.memory_space<vmem>> -> memref<1x64x64xf32, #tpu.memory_space<vmem>>
      %dma_start3A_2169 = tpu.memref_squeeze %dma_start3A_2168 : memref<1x64x64xf32, #tpu.memory_space<vmem>> -> memref<64x64xf32, #tpu.memory_space<vmem>>
      %dma_start3A_2170 = tpu.memref_slice %arg2[%select_n3A_2129, %dma_start3A_2158, %multiple_of3A_2095, %multiple_of3A_2098] : memref<16x3x512x512xf32, #tpu.memory_space<hbm>> -> memref<1x1x64x64xf32, #tpu.memory_space<hbm>>
      %dma_start3A_2171 = tpu.memref_squeeze %dma_start3A_2170 : memref<1x1x64x64xf32, #tpu.memory_space<hbm>> -> memref<64x64xf32, #tpu.memory_space<hbm>>
      tpu.enqueue_dma source(%dma_start3A_2171 : memref<64x64xf32, #tpu.memory_space<hbm>>) target(%dma_start3A_2169 : memref<64x64xf32, #tpu.memory_space<vmem>>) target_semaphore(%arg12 : memref<!tpu.dma_semaphore, #tpu.memory_space<semaphore_mem>>)
      %dma_start3A_2172 = arith.constant 0 : i32
      %dma_start3A_2173 = arith.constant 0 : i32
      %dma_start3A_2174 = arith.constant 0 : i32
      %dma_start3A_2175 = arith.constant 0 : i32
      %dma_start3A_2176 = tpu.memref_slice %arg11[%dma_start3A_2173, %dma_start3A_2174, %dma_start3A_2175] : memref<1x64x64xf32, #tpu.memory_space<vmem>> -> memref<1x64x64xf32, #tpu.memory_space<vmem>>
      %dma_start3A_2177 = tpu.memref_squeeze %dma_start3A_2176 : memref<1x64x64xf32, #tpu.memory_space<vmem>> -> memref<64x64xf32, #tpu.memory_space<vmem>>
      %dma_start3A_2178 = tpu.memref_slice %arg3[%select_n3A_2129, %dma_start3A_2172, %multiple_of3A_2095, %multiple_of3A_2098] : memref<16x1x512x512xf32, #tpu.memory_space<hbm>> -> memref<1x1x64x64xf32, #tpu.memory_space<hbm>>
      %dma_start3A_2179 = tpu.memref_squeeze %dma_start3A_2178 : memref<1x1x64x64xf32, #tpu.memory_space<hbm>> -> memref<64x64xf32, #tpu.memory_space<hbm>>
      %dma_start3A_2180 = arith.constant 0 : i32
      %dma_start3A_2181 = arith.constant 0 : i32
      %dma_start3A_2182 = tpu.memref_slice %arg11[%dma_start3A_2173, %dma_start3A_2180, %dma_start3A_2181] : memref<1x64x64xf32, #tpu.memory_space<vmem>> -> memref<1x64x64xf32, #tpu.memory_space<vmem>>
      %dma_start3A_2183 = tpu.memref_squeeze %dma_start3A_2182 : memref<1x64x64xf32, #tpu.memory_space<vmem>> -> memref<64x64xf32, #tpu.memory_space<vmem>>
      %dma_start3A_2184 = tpu.memref_slice %arg3[%select_n3A_2129, %dma_start3A_2172, %multiple_of3A_2095, %multiple_of3A_2098] : memref<16x1x512x512xf32, #tpu.memory_space<hbm>> -> memref<1x1x64x64xf32, #tpu.memory_space<hbm>>
      %dma_start3A_2185 = tpu.memref_squeeze %dma_start3A_2184 : memref<1x1x64x64xf32, #tpu.memory_space<hbm>> -> memref<64x64xf32, #tpu.memory_space<hbm>>
      tpu.enqueue_dma source(%dma_start3A_2185 : memref<64x64xf32, #tpu.memory_space<hbm>>) target(%dma_start3A_2183 : memref<64x64xf32, #tpu.memory_space<vmem>>) target_semaphore(%arg12 : memref<!tpu.dma_semaphore, #tpu.memory_space<semaphore_mem>>)
      %dma_wait3A_2186 = arith.constant 0 : i32
      %dma_wait3A_2187 = arith.constant 0 : i32
      %dma_wait3A_2188 = arith.constant 0 : i32
      %dma_wait3A_2189 = arith.constant 0 : i32
      %dma_wait3A_2190 = tpu.memref_slice %arg10[%dma_wait3A_2187, %dma_wait3A_2188, %dma_wait3A_2189] : memref<3x64x64xf32, #tpu.memory_space<vmem>> -> memref<1x64x64xf32, #tpu.memory_space<vmem>>
      %dma_wait3A_2191 = tpu.memref_squeeze %dma_wait3A_2190 : memref<1x64x64xf32, #tpu.memory_space<vmem>> -> memref<64x64xf32, #tpu.memory_space<vmem>>
      %dma_wait3A_2192 = tpu.memref_slice %arg2[%select_n3A_2129, %dma_wait3A_2186, %multiple_of3A_2095, %multiple_of3A_2098] : memref<16x3x512x512xf32, #tpu.memory_space<hbm>> -> memref<1x1x64x64xf32, #tpu.memory_space<hbm>>
      %dma_wait3A_2193 = tpu.memref_squeeze %dma_wait3A_2192 : memref<1x1x64x64xf32, #tpu.memory_space<hbm>> -> memref<64x64xf32, #tpu.memory_space<hbm>>
      %dma_wait3A_2194 = arith.constant 0 : i32
      %dma_wait3A_2195 = arith.constant 0 : i32
      %dma_wait3A_2196 = tpu.memref_slice %arg10[%dma_wait3A_2187, %dma_wait3A_2194, %dma_wait3A_2195] : memref<3x64x64xf32, #tpu.memory_space<vmem>> -> memref<1x64x64xf32, #tpu.memory_space<vmem>>
      %dma_wait3A_2197 = tpu.memref_squeeze %dma_wait3A_2196 : memref<1x64x64xf32, #tpu.memory_space<vmem>> -> memref<64x64xf32, #tpu.memory_space<vmem>>
      %dma_wait3A_2198 = tpu.memref_slice %arg2[%select_n3A_2129, %dma_wait3A_2186, %multiple_of3A_2095, %multiple_of3A_2098] : memref<16x3x512x512xf32, #tpu.memory_space<hbm>> -> memref<1x1x64x64xf32, #tpu.memory_space<hbm>>
      %dma_wait3A_2199 = tpu.memref_squeeze %dma_wait3A_2198 : memref<1x1x64x64xf32, #tpu.memory_space<hbm>> -> memref<64x64xf32, #tpu.memory_space<hbm>>
      tpu.wait_dma2 semaphore(%arg12 : memref<!tpu.dma_semaphore, #tpu.memory_space<semaphore_mem>>) src(%dma_wait3A_2199 : memref<64x64xf32, #tpu.memory_space<hbm>>) dst(%dma_wait3A_2197 : memref<64x64xf32, #tpu.memory_space<vmem>>)
      %dma_wait3A_2200 = arith.constant 1 : i32
      %dma_wait3A_2201 = arith.constant 1 : i32
      %dma_wait3A_2202 = arith.constant 0 : i32
      %dma_wait3A_2203 = arith.constant 0 : i32
      %dma_wait3A_2204 = tpu.memref_slice %arg10[%dma_wait3A_2201, %dma_wait3A_2202, %dma_wait3A_2203] : memref<3x64x64xf32, #tpu.memory_space<vmem>> -> memref<1x64x64xf32, #tpu.memory_space<vmem>>
      %dma_wait3A_2205 = tpu.memref_squeeze %dma_wait3A_2204 : memref<1x64x64xf32, #tpu.memory_space<vmem>> -> memref<64x64xf32, #tpu.memory_space<vmem>>
      %dma_wait3A_2206 = tpu.memref_slice %arg2[%select_n3A_2129, %dma_wait3A_2200, %multiple_of3A_2095, %multiple_of3A_2098] : memref<16x3x512x512xf32, #tpu.memory_space<hbm>> -> memref<1x1x64x64xf32, #tpu.memory_space<hbm>>
      %dma_wait3A_2207 = tpu.memref_squeeze %dma_wait3A_2206 : memref<1x1x64x64xf32, #tpu.memory_space<hbm>> -> memref<64x64xf32, #tpu.memory_space<hbm>>
      %dma_wait3A_2208 = arith.constant 0 : i32
      %dma_wait3A_2209 = arith.constant 0 : i32
      %dma_wait3A_2210 = tpu.memref_slice %arg10[%dma_wait3A_2201, %dma_wait3A_2208, %dma_wait3A_2209] : memref<3x64x64xf32, #tpu.memory_space<vmem>> -> memref<1x64x64xf32, #tpu.memory_space<vmem>>
      %dma_wait3A_2211 = tpu.memref_squeeze %dma_wait3A_2210 : memref<1x64x64xf32, #tpu.memory_space<vmem>> -> memref<64x64xf32, #tpu.memory_space<vmem>>
      %dma_wait3A_2212 = tpu.memref_slice %arg2[%select_n3A_2129, %dma_wait3A_2200, %multiple_of3A_2095, %multiple_of3A_2098] : memref<16x3x512x512xf32, #tpu.memory_space<hbm>> -> memref<1x1x64x64xf32, #tpu.memory_space<hbm>>
      %dma_wait3A_2213 = tpu.memref_squeeze %dma_wait3A_2212 : memref<1x1x64x64xf32, #tpu.memory_space<hbm>> -> memref<64x64xf32, #tpu.memory_space<hbm>>
      tpu.wait_dma2 semaphore(%arg12 : memref<!tpu.dma_semaphore, #tpu.memory_space<semaphore_mem>>) src(%dma_wait3A_2213 : memref<64x64xf32, #tpu.memory_space<hbm>>) dst(%dma_wait3A_2211 : memref<64x64xf32, #tpu.memory_space<vmem>>)
      %dma_wait3A_2214 = arith.constant 2 : i32
      %dma_wait3A_2215 = arith.constant 2 : i32
      %dma_wait3A_2216 = arith.constant 0 : i32
      %dma_wait3A_2217 = arith.constant 0 : i32
      %dma_wait3A_2218 = tpu.memref_slice %arg10[%dma_wait3A_2215, %dma_wait3A_2216, %dma_wait3A_2217] : memref<3x64x64xf32, #tpu.memory_space<vmem>> -> memref<1x64x64xf32, #tpu.memory_space<vmem>>
      %dma_wait3A_2219 = tpu.memref_squeeze %dma_wait3A_2218 : memref<1x64x64xf32, #tpu.memory_space<vmem>> -> memref<64x64xf32, #tpu.memory_space<vmem>>
      %dma_wait3A_2220 = tpu.memref_slice %arg2[%select_n3A_2129, %dma_wait3A_2214, %multiple_of3A_2095, %multiple_of3A_2098] : memref<16x3x512x512xf32, #tpu.memory_space<hbm>> -> memref<1x1x64x64xf32, #tpu.memory_space<hbm>>
      %dma_wait3A_2221 = tpu.memref_squeeze %dma_wait3A_2220 : memref<1x1x64x64xf32, #tpu.memory_space<hbm>> -> memref<64x64xf32, #tpu.memory_space<hbm>>
      %dma_wait3A_2222 = arith.constant 0 : i32
      %dma_wait3A_2223 = arith.constant 0 : i32
      %dma_wait3A_2224 = tpu.memref_slice %arg10[%dma_wait3A_2215, %dma_wait3A_2222, %dma_wait3A_2223] : memref<3x64x64xf32, #tpu.memory_space<vmem>> -> memref<1x64x64xf32, #tpu.memory_space<vmem>>
      %dma_wait3A_2225 = tpu.memref_squeeze %dma_wait3A_2224 : memref<1x64x64xf32, #tpu.memory_space<vmem>> -> memref<64x64xf32, #tpu.memory_space<vmem>>
      %dma_wait3A_2226 = tpu.memref_slice %arg2[%select_n3A_2129, %dma_wait3A_2214, %multiple_of3A_2095, %multiple_of3A_2098] : memref<16x3x512x512xf32, #tpu.memory_space<hbm>> -> memref<1x1x64x64xf32, #tpu.memory_space<hbm>>
      %dma_wait3A_2227 = tpu.memref_squeeze %dma_wait3A_2226 : memref<1x1x64x64xf32, #tpu.memory_space<hbm>> -> memref<64x64xf32, #tpu.memory_space<hbm>>
      tpu.wait_dma2 semaphore(%arg12 : memref<!tpu.dma_semaphore, #tpu.memory_space<semaphore_mem>>) src(%dma_wait3A_2227 : memref<64x64xf32, #tpu.memory_space<hbm>>) dst(%dma_wait3A_2225 : memref<64x64xf32, #tpu.memory_space<vmem>>)
      %dma_wait3A_2228 = arith.constant 0 : i32
      %dma_wait3A_2229 = arith.constant 0 : i32
      %dma_wait3A_2230 = arith.constant 0 : i32
      %dma_wait3A_2231 = arith.constant 0 : i32
      %dma_wait3A_2232 = tpu.memref_slice %arg11[%dma_wait3A_2229, %dma_wait3A_2230, %dma_wait3A_2231] : memref<1x64x64xf32, #tpu.memory_space<vmem>> -> memref<1x64x64xf32, #tpu.memory_space<vmem>>
      %dma_wait3A_2233 = tpu.memref_squeeze %dma_wait3A_2232 : memref<1x64x64xf32, #tpu.memory_space<vmem>> -> memref<64x64xf32, #tpu.memory_space<vmem>>
      %dma_wait3A_2234 = tpu.memref_slice %arg3[%select_n3A_2129, %dma_wait3A_2228, %multiple_of3A_2095, %multiple_of3A_2098] : memref<16x1x512x512xf32, #tpu.memory_space<hbm>> -> memref<1x1x64x64xf32, #tpu.memory_space<hbm>>
      %dma_wait3A_2235 = tpu.memref_squeeze %dma_wait3A_2234 : memref<1x1x64x64xf32, #tpu.memory_space<hbm>> -> memref<64x64xf32, #tpu.memory_space<hbm>>
      %dma_wait3A_2236 = arith.constant 0 : i32
      %dma_wait3A_2237 = arith.constant 0 : i32
      %dma_wait3A_2238 = tpu.memref_slice %arg11[%dma_wait3A_2229, %dma_wait3A_2236, %dma_wait3A_2237] : memref<1x64x64xf32, #tpu.memory_space<vmem>> -> memref<1x64x64xf32, #tpu.memory_space<vmem>>
      %dma_wait3A_2239 = tpu.memref_squeeze %dma_wait3A_2238 : memref<1x64x64xf32, #tpu.memory_space<vmem>> -> memref<64x64xf32, #tpu.memory_space<vmem>>
      %dma_wait3A_2240 = tpu.memref_slice %arg3[%select_n3A_2129, %dma_wait3A_2228, %multiple_of3A_2095, %multiple_of3A_2098] : memref<16x1x512x512xf32, #tpu.memory_space<hbm>> -> memref<1x1x64x64xf32, #tpu.memory_space<hbm>>
      %dma_wait3A_2241 = tpu.memref_squeeze %dma_wait3A_2240 : memref<1x1x64x64xf32, #tpu.memory_space<hbm>> -> memref<64x64xf32, #tpu.memory_space<hbm>>
      tpu.wait_dma2 semaphore(%arg12 : memref<!tpu.dma_semaphore, #tpu.memory_space<semaphore_mem>>) src(%dma_wait3A_2241 : memref<64x64xf32, #tpu.memory_space<hbm>>) dst(%dma_wait3A_2239 : memref<64x64xf32, #tpu.memory_space<vmem>>)
      "tpu.region"() ({
        %run_scoped3A = tpu.sem_alloc : memref<!tpu.dma_semaphore, #tpu.memory_space<semaphore_mem>>
        %dma_start3A_2391 = arith.constant 0 : i32
        %dma_start3A_2392 = arith.constant 0 : i32
        %dma_start3A_2393 = arith.constant 0 : i32
        %dma_start3A_2394 = tpu.memref_slice %arg6[%add3A_2105, %dma_start3A_2391, %dma_start3A_2392, %dma_start3A_2393] : memref<1024x3x64x64xf32, #tpu.memory_space<hbm>> -> memref<1x3x64x64xf32, #tpu.memory_space<hbm>>
        %dma_start3A_2395 = tpu.memref_squeeze %dma_start3A_2394 : memref<1x3x64x64xf32, #tpu.memory_space<hbm>> -> memref<3x64x64xf32, #tpu.memory_space<hbm>>
        %dma_start3A_2396 = arith.constant 0 : i32
        %dma_start3A_2397 = arith.constant 0 : i32
        %dma_start3A_2398 = arith.constant 0 : i32
        %dma_start3A_2399 = tpu.memref_slice %arg6[%add3A_2105, %dma_start3A_2396, %dma_start3A_2397, %dma_start3A_2398] : memref<1024x3x64x64xf32, #tpu.memory_space<hbm>> -> memref<1x3x64x64xf32, #tpu.memory_space<hbm>>
        %dma_start3A_2400 = tpu.memref_squeeze %dma_start3A_2399 : memref<1x3x64x64xf32, #tpu.memory_space<hbm>> -> memref<3x64x64xf32, #tpu.memory_space<hbm>>
        tpu.enqueue_dma source(%arg10 : memref<3x64x64xf32, #tpu.memory_space<vmem>>) target(%dma_start3A_2400 : memref<3x64x64xf32, #tpu.memory_space<hbm>>) target_semaphore(%run_scoped3A : memref<!tpu.dma_semaphore, #tpu.memory_space<semaphore_mem>>)
        %dma_wait3A_2401 = arith.constant 0 : i32
        %dma_wait3A_2402 = arith.constant 0 : i32
        %dma_wait3A_2403 = arith.constant 0 : i32
        %dma_wait3A_2404 = tpu.memref_slice %arg6[%add3A_2105, %dma_wait3A_2401, %dma_wait3A_2402, %dma_wait3A_2403] : memref<1024x3x64x64xf32, #tpu.memory_space<hbm>> -> memref<1x3x64x64xf32, #tpu.memory_space<hbm>>
        %dma_wait3A_2405 = tpu.memref_squeeze %dma_wait3A_2404 : memref<1x3x64x64xf32, #tpu.memory_space<hbm>> -> memref<3x64x64xf32, #tpu.memory_space<hbm>>
        %dma_wait3A_2406 = arith.constant 0 : i32
        %dma_wait3A_2407 = arith.constant 0 : i32
        %dma_wait3A_2408 = arith.constant 0 : i32
        %dma_wait3A_2409 = tpu.memref_slice %arg6[%add3A_2105, %dma_wait3A_2406, %dma_wait3A_2407, %dma_wait3A_2408] : memref<1024x3x64x64xf32, #tpu.memory_space<hbm>> -> memref<1x3x64x64xf32, #tpu.memory_space<hbm>>
        %dma_wait3A_2410 = tpu.memref_squeeze %dma_wait3A_2409 : memref<1x3x64x64xf32, #tpu.memory_space<hbm>> -> memref<3x64x64xf32, #tpu.memory_space<hbm>>
        tpu.wait_dma2 semaphore(%run_scoped3A : memref<!tpu.dma_semaphore, #tpu.memory_space<semaphore_mem>>) src(%arg10 : memref<3x64x64xf32, #tpu.memory_space<vmem>>) dst(%dma_wait3A_2410 : memref<3x64x64xf32, #tpu.memory_space<hbm>>)
        tpu.yield
      }) : () -> ()
      "tpu.region"() ({
        %run_scoped3A = tpu.sem_alloc : memref<!tpu.dma_semaphore, #tpu.memory_space<semaphore_mem>>
        %dma_start3A_2391 = arith.constant 0 : i32
        %dma_start3A_2392 = arith.constant 0 : i32
        %dma_start3A_2393 = arith.constant 0 : i32
        %dma_start3A_2394 = tpu.memref_slice %arg7[%add3A_2105, %dma_start3A_2391, %dma_start3A_2392, %dma_start3A_2393] : memref<1024x1x64x64xf32, #tpu.memory_space<hbm>> -> memref<1x1x64x64xf32, #tpu.memory_space<hbm>>
        %dma_start3A_2395 = tpu.memref_squeeze %dma_start3A_2394 : memref<1x1x64x64xf32, #tpu.memory_space<hbm>> -> memref<1x64x64xf32, #tpu.memory_space<hbm>>
        %dma_start3A_2396 = arith.constant 0 : i32
        %dma_start3A_2397 = arith.constant 0 : i32
        %dma_start3A_2398 = arith.constant 0 : i32
        %dma_start3A_2399 = tpu.memref_slice %arg7[%add3A_2105, %dma_start3A_2396, %dma_start3A_2397, %dma_start3A_2398] : memref<1024x1x64x64xf32, #tpu.memory_space<hbm>> -> memref<1x1x64x64xf32, #tpu.memory_space<hbm>>
        %dma_start3A_2400 = tpu.memref_squeeze %dma_start3A_2399 : memref<1x1x64x64xf32, #tpu.memory_space<hbm>> -> memref<1x64x64xf32, #tpu.memory_space<hbm>>
        tpu.enqueue_dma source(%arg11 : memref<1x64x64xf32, #tpu.memory_space<vmem>>) target(%dma_start3A_2400 : memref<1x64x64xf32, #tpu.memory_space<hbm>>) target_semaphore(%run_scoped3A : memref<!tpu.dma_semaphore, #tpu.memory_space<semaphore_mem>>)
        %dma_wait3A_2401 = arith.constant 0 : i32
        %dma_wait3A_2402 = arith.constant 0 : i32
        %dma_wait3A_2403 = arith.constant 0 : i32
        %dma_wait3A_2404 = tpu.memref_slice %arg7[%add3A_2105, %dma_wait3A_2401, %dma_wait3A_2402, %dma_wait3A_2403] : memref<1024x1x64x64xf32, #tpu.memory_space<hbm>> -> memref<1x1x64x64xf32, #tpu.memory_space<hbm>>
        %dma_wait3A_2405 = tpu.memref_squeeze %dma_wait3A_2404 : memref<1x1x64x64xf32, #tpu.memory_space<hbm>> -> memref<1x64x64xf32, #tpu.memory_space<hbm>>
        %dma_wait3A_2406 = arith.constant 0 : i32
        %dma_wait3A_2407 = arith.constant 0 : i32
        %dma_wait3A_2408 = arith.constant 0 : i32
        %dma_wait3A_2409 = tpu.memref_slice %arg7[%add3A_2105, %dma_wait3A_2406, %dma_wait3A_2407, %dma_wait3A_2408] : memref<1024x1x64x64xf32, #tpu.memory_space<hbm>> -> memref<1x1x64x64xf32, #tpu.memory_space<hbm>>
        %dma_wait3A_2410 = tpu.memref_squeeze %dma_wait3A_2409 : memref<1x1x64x64xf32, #tpu.memory_space<hbm>> -> memref<1x64x64xf32, #tpu.memory_space<hbm>>
        tpu.wait_dma2 semaphore(%run_scoped3A : memref<!tpu.dma_semaphore, #tpu.memory_space<semaphore_mem>>) src(%arg11 : memref<1x64x64xf32, #tpu.memory_space<vmem>>) dst(%dma_wait3A_2410 : memref<1x64x64xf32, #tpu.memory_space<hbm>>)
        tpu.yield
      }) : () -> ()
      %slice3A_2242 = vector.extract_strided_slice %get3A_14 {offsets = [15], sizes = [1], strides = [1]} : vector<16xi32> to vector<1xi32>
      %squeeze3A_2243 = vector.extract %slice3A_2242[0] : i32 from vector<1xi32>
      %multiple_of3A_2244 = tpu.assume_multiple %squeeze3A_2243, 16 : i32
      %slice3A_2245 = vector.extract_strided_slice %get3A_19 {offsets = [15], sizes = [1], strides = [1]} : vector<16xi32> to vector<1xi32>
      %squeeze3A_2246 = vector.extract %slice3A_2245[0] : i32 from vector<1xi32>
      %multiple_of3A_2247 = tpu.assume_multiple %squeeze3A_2246, 16 : i32
      %mul3A_2248 = arith.constant 32 : i32
      %mul3A_2249 = arith.muli %add3A, %mul3A_2248 : i32
      %mul3A_2250 = arith.constant 16 : i32
      %mul3A_2251 = arith.muli %scan3A_10, %mul3A_2250 : i32
      %add3A_2252 = arith.addi %mul3A_2249, %mul3A_2251 : i32
      %add3A_2253 = arith.constant 15 : i32
      %add3A_2254 = arith.addi %add3A_2252, %add3A_2253 : i32
      %jit3A_2255 = arith.constant 64 : i32
      %div3A_2256 = arith.divsi %add3A_2254, %jit3A_2255 : i32
      %sign3A_2257 = arith.constant 0 : i32
      %sign3A_2258 = arith.cmpi sgt, %add3A_2254, %sign3A_2257 : i32
      %sign3A_2259 = arith.extui %sign3A_2258 : i1 to i32
      %sign3A_2260 = arith.constant 0 : i32
      %sign3A_2261 = arith.cmpi slt, %add3A_2254, %sign3A_2260 : i32
      %sign3A_2262 = arith.extui %sign3A_2261 : i1 to i32
      %sign3A_2263 = arith.subi %sign3A_2259, %sign3A_2262 : i32
      %sign3A_2264 = arith.constant 0 : i32
      %sign3A_2265 = arith.cmpi sgt, %jit3A_2255, %sign3A_2264 : i32
      %sign3A_2266 = arith.extui %sign3A_2265 : i1 to i32
      %sign3A_2267 = arith.constant 0 : i32
      %sign3A_2268 = arith.cmpi slt, %jit3A_2255, %sign3A_2267 : i32
      %sign3A_2269 = arith.extui %sign3A_2268 : i1 to i32
      %sign3A_2270 = arith.subi %sign3A_2266, %sign3A_2269 : i32
      %ne3A_2271 = arith.cmpi ne, %sign3A_2263, %sign3A_2270 : i32
      %rem3A_2272 = arith.remsi %add3A_2254, %jit3A_2255 : i32
      %ne3A_2273 = arith.constant 0 : i32
      %ne3A_2274 = arith.cmpi ne, %rem3A_2272, %ne3A_2273 : i32
      %and3A_2275 = arith.andi %ne3A_2271, %ne3A_2274 : i1
      %sub3A_2276 = arith.constant 1 : i32
      %sub3A_2277 = arith.subi %div3A_2256, %sub3A_2276 : i32
      %select_n3A_2278 = arith.select %and3A_2275, %sub3A_2277, %div3A_2256 : i32
      %dma_start3A_2279 = arith.constant 0 : i32
      %dma_start3A_2280 = arith.constant 0 : i32
      %dma_start3A_2281 = arith.constant 0 : i32
      %dma_start3A_2282 = arith.constant 0 : i32
      %dma_start3A_2283 = tpu.memref_slice %arg10[%dma_start3A_2280, %dma_start3A_2281, %dma_start3A_2282] : memref<3x64x64xf32, #tpu.memory_space<vmem>> -> memref<1x64x64xf32, #tpu.memory_space<vmem>>
      %dma_start3A_2284 = tpu.memref_squeeze %dma_start3A_2283 : memref<1x64x64xf32, #tpu.memory_space<vmem>> -> memref<64x64xf32, #tpu.memory_space<vmem>>
      %dma_start3A_2285 = tpu.memref_slice %arg2[%select_n3A_2278, %dma_start3A_2279, %multiple_of3A_2244, %multiple_of3A_2247] : memref<16x3x512x512xf32, #tpu.memory_space<hbm>> -> memref<1x1x64x64xf32, #tpu.memory_space<hbm>>
      %dma_start3A_2286 = tpu.memref_squeeze %dma_start3A_2285 : memref<1x1x64x64xf32, #tpu.memory_space<hbm>> -> memref<64x64xf32, #tpu.memory_space<hbm>>
      %dma_start3A_2287 = arith.constant 0 : i32
      %dma_start3A_2288 = arith.constant 0 : i32
      %dma_start3A_2289 = tpu.memref_slice %arg10[%dma_start3A_2280, %dma_start3A_2287, %dma_start3A_2288] : memref<3x64x64xf32, #tpu.memory_space<vmem>> -> memref<1x64x64xf32, #tpu.memory_space<vmem>>
      %dma_start3A_2290 = tpu.memref_squeeze %dma_start3A_2289 : memref<1x64x64xf32, #tpu.memory_space<vmem>> -> memref<64x64xf32, #tpu.memory_space<vmem>>
      %dma_start3A_2291 = tpu.memref_slice %arg2[%select_n3A_2278, %dma_start3A_2279, %multiple_of3A_2244, %multiple_of3A_2247] : memref<16x3x512x512xf32, #tpu.memory_space<hbm>> -> memref<1x1x64x64xf32, #tpu.memory_space<hbm>>
      %dma_start3A_2292 = tpu.memref_squeeze %dma_start3A_2291 : memref<1x1x64x64xf32, #tpu.memory_space<hbm>> -> memref<64x64xf32, #tpu.memory_space<hbm>>
      tpu.enqueue_dma source(%dma_start3A_2292 : memref<64x64xf32, #tpu.memory_space<hbm>>) target(%dma_start3A_2290 : memref<64x64xf32, #tpu.memory_space<vmem>>) target_semaphore(%arg12 : memref<!tpu.dma_semaphore, #tpu.memory_space<semaphore_mem>>)
      %dma_start3A_2293 = arith.constant 1 : i32
      %dma_start3A_2294 = arith.constant 1 : i32
      %dma_start3A_2295 = arith.constant 0 : i32
      %dma_start3A_2296 = arith.constant 0 : i32
      %dma_start3A_2297 = tpu.memref_slice %arg10[%dma_start3A_2294, %dma_start3A_2295, %dma_start3A_2296] : memref<3x64x64xf32, #tpu.memory_space<vmem>> -> memref<1x64x64xf32, #tpu.memory_space<vmem>>
      %dma_start3A_2298 = tpu.memref_squeeze %dma_start3A_2297 : memref<1x64x64xf32, #tpu.memory_space<vmem>> -> memref<64x64xf32, #tpu.memory_space<vmem>>
      %dma_start3A_2299 = tpu.memref_slice %arg2[%select_n3A_2278, %dma_start3A_2293, %multiple_of3A_2244, %multiple_of3A_2247] : memref<16x3x512x512xf32, #tpu.memory_space<hbm>> -> memref<1x1x64x64xf32, #tpu.memory_space<hbm>>
      %dma_start3A_2300 = tpu.memref_squeeze %dma_start3A_2299 : memref<1x1x64x64xf32, #tpu.memory_space<hbm>> -> memref<64x64xf32, #tpu.memory_space<hbm>>
      %dma_start3A_2301 = arith.constant 0 : i32
      %dma_start3A_2302 = arith.constant 0 : i32
      %dma_start3A_2303 = tpu.memref_slice %arg10[%dma_start3A_2294, %dma_start3A_2301, %dma_start3A_2302] : memref<3x64x64xf32, #tpu.memory_space<vmem>> -> memref<1x64x64xf32, #tpu.memory_space<vmem>>
      %dma_start3A_2304 = tpu.memref_squeeze %dma_start3A_2303 : memref<1x64x64xf32, #tpu.memory_space<vmem>> -> memref<64x64xf32, #tpu.memory_space<vmem>>
      %dma_start3A_2305 = tpu.memref_slice %arg2[%select_n3A_2278, %dma_start3A_2293, %multiple_of3A_2244, %multiple_of3A_2247] : memref<16x3x512x512xf32, #tpu.memory_space<hbm>> -> memref<1x1x64x64xf32, #tpu.memory_space<hbm>>
      %dma_start3A_2306 = tpu.memref_squeeze %dma_start3A_2305 : memref<1x1x64x64xf32, #tpu.memory_space<hbm>> -> memref<64x64xf32, #tpu.memory_space<hbm>>
      tpu.enqueue_dma source(%dma_start3A_2306 : memref<64x64xf32, #tpu.memory_space<hbm>>) target(%dma_start3A_2304 : memref<64x64xf32, #tpu.memory_space<vmem>>) target_semaphore(%arg12 : memref<!tpu.dma_semaphore, #tpu.memory_space<semaphore_mem>>)
      %dma_start3A_2307 = arith.constant 2 : i32
      %dma_start3A_2308 = arith.constant 2 : i32
      %dma_start3A_2309 = arith.constant 0 : i32
      %dma_start3A_2310 = arith.constant 0 : i32
      %dma_start3A_2311 = tpu.memref_slice %arg10[%dma_start3A_2308, %dma_start3A_2309, %dma_start3A_2310] : memref<3x64x64xf32, #tpu.memory_space<vmem>> -> memref<1x64x64xf32, #tpu.memory_space<vmem>>
      %dma_start3A_2312 = tpu.memref_squeeze %dma_start3A_2311 : memref<1x64x64xf32, #tpu.memory_space<vmem>> -> memref<64x64xf32, #tpu.memory_space<vmem>>
      %dma_start3A_2313 = tpu.memref_slice %arg2[%select_n3A_2278, %dma_start3A_2307, %multiple_of3A_2244, %multiple_of3A_2247] : memref<16x3x512x512xf32, #tpu.memory_space<hbm>> -> memref<1x1x64x64xf32, #tpu.memory_space<hbm>>
      %dma_start3A_2314 = tpu.memref_squeeze %dma_start3A_2313 : memref<1x1x64x64xf32, #tpu.memory_space<hbm>> -> memref<64x64xf32, #tpu.memory_space<hbm>>
      %dma_start3A_2315 = arith.constant 0 : i32
      %dma_start3A_2316 = arith.constant 0 : i32
      %dma_start3A_2317 = tpu.memref_slice %arg10[%dma_start3A_2308, %dma_start3A_2315, %dma_start3A_2316] : memref<3x64x64xf32, #tpu.memory_space<vmem>> -> memref<1x64x64xf32, #tpu.memory_space<vmem>>
      %dma_start3A_2318 = tpu.memref_squeeze %dma_start3A_2317 : memref<1x64x64xf32, #tpu.memory_space<vmem>> -> memref<64x64xf32, #tpu.memory_space<vmem>>
      %dma_start3A_2319 = tpu.memref_slice %arg2[%select_n3A_2278, %dma_start3A_2307, %multiple_of3A_2244, %multiple_of3A_2247] : memref<16x3x512x512xf32, #tpu.memory_space<hbm>> -> memref<1x1x64x64xf32, #tpu.memory_space<hbm>>
      %dma_start3A_2320 = tpu.memref_squeeze %dma_start3A_2319 : memref<1x1x64x64xf32, #tpu.memory_space<hbm>> -> memref<64x64xf32, #tpu.memory_space<hbm>>
      tpu.enqueue_dma source(%dma_start3A_2320 : memref<64x64xf32, #tpu.memory_space<hbm>>) target(%dma_start3A_2318 : memref<64x64xf32, #tpu.memory_space<vmem>>) target_semaphore(%arg12 : memref<!tpu.dma_semaphore, #tpu.memory_space<semaphore_mem>>)
      %dma_start3A_2321 = arith.constant 0 : i32
      %dma_start3A_2322 = arith.constant 0 : i32
      %dma_start3A_2323 = arith.constant 0 : i32
      %dma_start3A_2324 = arith.constant 0 : i32
      %dma_start3A_2325 = tpu.memref_slice %arg11[%dma_start3A_2322, %dma_start3A_2323, %dma_start3A_2324] : memref<1x64x64xf32, #tpu.memory_space<vmem>> -> memref<1x64x64xf32, #tpu.memory_space<vmem>>
      %dma_start3A_2326 = tpu.memref_squeeze %dma_start3A_2325 : memref<1x64x64xf32, #tpu.memory_space<vmem>> -> memref<64x64xf32, #tpu.memory_space<vmem>>
      %dma_start3A_2327 = tpu.memref_slice %arg3[%select_n3A_2278, %dma_start3A_2321, %multiple_of3A_2244, %multiple_of3A_2247] : memref<16x1x512x512xf32, #tpu.memory_space<hbm>> -> memref<1x1x64x64xf32, #tpu.memory_space<hbm>>
      %dma_start3A_2328 = tpu.memref_squeeze %dma_start3A_2327 : memref<1x1x64x64xf32, #tpu.memory_space<hbm>> -> memref<64x64xf32, #tpu.memory_space<hbm>>
      %dma_start3A_2329 = arith.constant 0 : i32
      %dma_start3A_2330 = arith.constant 0 : i32
      %dma_start3A_2331 = tpu.memref_slice %arg11[%dma_start3A_2322, %dma_start3A_2329, %dma_start3A_2330] : memref<1x64x64xf32, #tpu.memory_space<vmem>> -> memref<1x64x64xf32, #tpu.memory_space<vmem>>
      %dma_start3A_2332 = tpu.memref_squeeze %dma_start3A_2331 : memref<1x64x64xf32, #tpu.memory_space<vmem>> -> memref<64x64xf32, #tpu.memory_space<vmem>>
      %dma_start3A_2333 = tpu.memref_slice %arg3[%select_n3A_2278, %dma_start3A_2321, %multiple_of3A_2244, %multiple_of3A_2247] : memref<16x1x512x512xf32, #tpu.memory_space<hbm>> -> memref<1x1x64x64xf32, #tpu.memory_space<hbm>>
      %dma_start3A_2334 = tpu.memref_squeeze %dma_start3A_2333 : memref<1x1x64x64xf32, #tpu.memory_space<hbm>> -> memref<64x64xf32, #tpu.memory_space<hbm>>
      tpu.enqueue_dma source(%dma_start3A_2334 : memref<64x64xf32, #tpu.memory_space<hbm>>) target(%dma_start3A_2332 : memref<64x64xf32, #tpu.memory_space<vmem>>) target_semaphore(%arg12 : memref<!tpu.dma_semaphore, #tpu.memory_space<semaphore_mem>>)
      %dma_wait3A_2335 = arith.constant 0 : i32
      %dma_wait3A_2336 = arith.constant 0 : i32
      %dma_wait3A_2337 = arith.constant 0 : i32
      %dma_wait3A_2338 = arith.constant 0 : i32
      %dma_wait3A_2339 = tpu.memref_slice %arg10[%dma_wait3A_2336, %dma_wait3A_2337, %dma_wait3A_2338] : memref<3x64x64xf32, #tpu.memory_space<vmem>> -> memref<1x64x64xf32, #tpu.memory_space<vmem>>
      %dma_wait3A_2340 = tpu.memref_squeeze %dma_wait3A_2339 : memref<1x64x64xf32, #tpu.memory_space<vmem>> -> memref<64x64xf32, #tpu.memory_space<vmem>>
      %dma_wait3A_2341 = tpu.memref_slice %arg2[%select_n3A_2278, %dma_wait3A_2335, %multiple_of3A_2244, %multiple_of3A_2247] : memref<16x3x512x512xf32, #tpu.memory_space<hbm>> -> memref<1x1x64x64xf32, #tpu.memory_space<hbm>>
      %dma_wait3A_2342 = tpu.memref_squeeze %dma_wait3A_2341 : memref<1x1x64x64xf32, #tpu.memory_space<hbm>> -> memref<64x64xf32, #tpu.memory_space<hbm>>
      %dma_wait3A_2343 = arith.constant 0 : i32
      %dma_wait3A_2344 = arith.constant 0 : i32
      %dma_wait3A_2345 = tpu.memref_slice %arg10[%dma_wait3A_2336, %dma_wait3A_2343, %dma_wait3A_2344] : memref<3x64x64xf32, #tpu.memory_space<vmem>> -> memref<1x64x64xf32, #tpu.memory_space<vmem>>
      %dma_wait3A_2346 = tpu.memref_squeeze %dma_wait3A_2345 : memref<1x64x64xf32, #tpu.memory_space<vmem>> -> memref<64x64xf32, #tpu.memory_space<vmem>>
      %dma_wait3A_2347 = tpu.memref_slice %arg2[%select_n3A_2278, %dma_wait3A_2335, %multiple_of3A_2244, %multiple_of3A_2247] : memref<16x3x512x512xf32, #tpu.memory_space<hbm>> -> memref<1x1x64x64xf32, #tpu.memory_space<hbm>>
      %dma_wait3A_2348 = tpu.memref_squeeze %dma_wait3A_2347 : memref<1x1x64x64xf32, #tpu.memory_space<hbm>> -> memref<64x64xf32, #tpu.memory_space<hbm>>
      tpu.wait_dma2 semaphore(%arg12 : memref<!tpu.dma_semaphore, #tpu.memory_space<semaphore_mem>>) src(%dma_wait3A_2348 : memref<64x64xf32, #tpu.memory_space<hbm>>) dst(%dma_wait3A_2346 : memref<64x64xf32, #tpu.memory_space<vmem>>)
      %dma_wait3A_2349 = arith.constant 1 : i32
      %dma_wait3A_2350 = arith.constant 1 : i32
      %dma_wait3A_2351 = arith.constant 0 : i32
      %dma_wait3A_2352 = arith.constant 0 : i32
      %dma_wait3A_2353 = tpu.memref_slice %arg10[%dma_wait3A_2350, %dma_wait3A_2351, %dma_wait3A_2352] : memref<3x64x64xf32, #tpu.memory_space<vmem>> -> memref<1x64x64xf32, #tpu.memory_space<vmem>>
      %dma_wait3A_2354 = tpu.memref_squeeze %dma_wait3A_2353 : memref<1x64x64xf32, #tpu.memory_space<vmem>> -> memref<64x64xf32, #tpu.memory_space<vmem>>
      %dma_wait3A_2355 = tpu.memref_slice %arg2[%select_n3A_2278, %dma_wait3A_2349, %multiple_of3A_2244, %multiple_of3A_2247] : memref<16x3x512x512xf32, #tpu.memory_space<hbm>> -> memref<1x1x64x64xf32, #tpu.memory_space<hbm>>
      %dma_wait3A_2356 = tpu.memref_squeeze %dma_wait3A_2355 : memref<1x1x64x64xf32, #tpu.memory_space<hbm>> -> memref<64x64xf32, #tpu.memory_space<hbm>>
      %dma_wait3A_2357 = arith.constant 0 : i32
      %dma_wait3A_2358 = arith.constant 0 : i32
      %dma_wait3A_2359 = tpu.memref_slice %arg10[%dma_wait3A_2350, %dma_wait3A_2357, %dma_wait3A_2358] : memref<3x64x64xf32, #tpu.memory_space<vmem>> -> memref<1x64x64xf32, #tpu.memory_space<vmem>>
      %dma_wait3A_2360 = tpu.memref_squeeze %dma_wait3A_2359 : memref<1x64x64xf32, #tpu.memory_space<vmem>> -> memref<64x64xf32, #tpu.memory_space<vmem>>
      %dma_wait3A_2361 = tpu.memref_slice %arg2[%select_n3A_2278, %dma_wait3A_2349, %multiple_of3A_2244, %multiple_of3A_2247] : memref<16x3x512x512xf32, #tpu.memory_space<hbm>> -> memref<1x1x64x64xf32, #tpu.memory_space<hbm>>
      %dma_wait3A_2362 = tpu.memref_squeeze %dma_wait3A_2361 : memref<1x1x64x64xf32, #tpu.memory_space<hbm>> -> memref<64x64xf32, #tpu.memory_space<hbm>>
      tpu.wait_dma2 semaphore(%arg12 : memref<!tpu.dma_semaphore, #tpu.memory_space<semaphore_mem>>) src(%dma_wait3A_2362 : memref<64x64xf32, #tpu.memory_space<hbm>>) dst(%dma_wait3A_2360 : memref<64x64xf32, #tpu.memory_space<vmem>>)
      %dma_wait3A_2363 = arith.constant 2 : i32
      %dma_wait3A_2364 = arith.constant 2 : i32
      %dma_wait3A_2365 = arith.constant 0 : i32
      %dma_wait3A_2366 = arith.constant 0 : i32
      %dma_wait3A_2367 = tpu.memref_slice %arg10[%dma_wait3A_2364, %dma_wait3A_2365, %dma_wait3A_2366] : memref<3x64x64xf32, #tpu.memory_space<vmem>> -> memref<1x64x64xf32, #tpu.memory_space<vmem>>
      %dma_wait3A_2368 = tpu.memref_squeeze %dma_wait3A_2367 : memref<1x64x64xf32, #tpu.memory_space<vmem>> -> memref<64x64xf32, #tpu.memory_space<vmem>>
      %dma_wait3A_2369 = tpu.memref_slice %arg2[%select_n3A_2278, %dma_wait3A_2363, %multiple_of3A_2244, %multiple_of3A_2247] : memref<16x3x512x512xf32, #tpu.memory_space<hbm>> -> memref<1x1x64x64xf32, #tpu.memory_space<hbm>>
      %dma_wait3A_2370 = tpu.memref_squeeze %dma_wait3A_2369 : memref<1x1x64x64xf32, #tpu.memory_space<hbm>> -> memref<64x64xf32, #tpu.memory_space<hbm>>
      %dma_wait3A_2371 = arith.constant 0 : i32
      %dma_wait3A_2372 = arith.constant 0 : i32
      %dma_wait3A_2373 = tpu.memref_slice %arg10[%dma_wait3A_2364, %dma_wait3A_2371, %dma_wait3A_2372] : memref<3x64x64xf32, #tpu.memory_space<vmem>> -> memref<1x64x64xf32, #tpu.memory_space<vmem>>
      %dma_wait3A_2374 = tpu.memref_squeeze %dma_wait3A_2373 : memref<1x64x64xf32, #tpu.memory_space<vmem>> -> memref<64x64xf32, #tpu.memory_space<vmem>>
      %dma_wait3A_2375 = tpu.memref_slice %arg2[%select_n3A_2278, %dma_wait3A_2363, %multiple_of3A_2244, %multiple_of3A_2247] : memref<16x3x512x512xf32, #tpu.memory_space<hbm>> -> memref<1x1x64x64xf32, #tpu.memory_space<hbm>>
      %dma_wait3A_2376 = tpu.memref_squeeze %dma_wait3A_2375 : memref<1x1x64x64xf32, #tpu.memory_space<hbm>> -> memref<64x64xf32, #tpu.memory_space<hbm>>
      tpu.wait_dma2 semaphore(%arg12 : memref<!tpu.dma_semaphore, #tpu.memory_space<semaphore_mem>>) src(%dma_wait3A_2376 : memref<64x64xf32, #tpu.memory_space<hbm>>) dst(%dma_wait3A_2374 : memref<64x64xf32, #tpu.memory_space<vmem>>)
      %dma_wait3A_2377 = arith.constant 0 : i32
      %dma_wait3A_2378 = arith.constant 0 : i32
      %dma_wait3A_2379 = arith.constant 0 : i32
      %dma_wait3A_2380 = arith.constant 0 : i32
      %dma_wait3A_2381 = tpu.memref_slice %arg11[%dma_wait3A_2378, %dma_wait3A_2379, %dma_wait3A_2380] : memref<1x64x64xf32, #tpu.memory_space<vmem>> -> memref<1x64x64xf32, #tpu.memory_space<vmem>>
      %dma_wait3A_2382 = tpu.memref_squeeze %dma_wait3A_2381 : memref<1x64x64xf32, #tpu.memory_space<vmem>> -> memref<64x64xf32, #tpu.memory_space<vmem>>
      %dma_wait3A_2383 = tpu.memref_slice %arg3[%select_n3A_2278, %dma_wait3A_2377, %multiple_of3A_2244, %multiple_of3A_2247] : memref<16x1x512x512xf32, #tpu.memory_space<hbm>> -> memref<1x1x64x64xf32, #tpu.memory_space<hbm>>
      %dma_wait3A_2384 = tpu.memref_squeeze %dma_wait3A_2383 : memref<1x1x64x64xf32, #tpu.memory_space<hbm>> -> memref<64x64xf32, #tpu.memory_space<hbm>>
      %dma_wait3A_2385 = arith.constant 0 : i32
      %dma_wait3A_2386 = arith.constant 0 : i32
      %dma_wait3A_2387 = tpu.memref_slice %arg11[%dma_wait3A_2378, %dma_wait3A_2385, %dma_wait3A_2386] : memref<1x64x64xf32, #tpu.memory_space<vmem>> -> memref<1x64x64xf32, #tpu.memory_space<vmem>>
      %dma_wait3A_2388 = tpu.memref_squeeze %dma_wait3A_2387 : memref<1x64x64xf32, #tpu.memory_space<vmem>> -> memref<64x64xf32, #tpu.memory_space<vmem>>
      %dma_wait3A_2389 = tpu.memref_slice %arg3[%select_n3A_2278, %dma_wait3A_2377, %multiple_of3A_2244, %multiple_of3A_2247] : memref<16x1x512x512xf32, #tpu.memory_space<hbm>> -> memref<1x1x64x64xf32, #tpu.memory_space<hbm>>
      %dma_wait3A_2390 = tpu.memref_squeeze %dma_wait3A_2389 : memref<1x1x64x64xf32, #tpu.memory_space<hbm>> -> memref<64x64xf32, #tpu.memory_space<hbm>>
      tpu.wait_dma2 semaphore(%arg12 : memref<!tpu.dma_semaphore, #tpu.memory_space<semaphore_mem>>) src(%dma_wait3A_2390 : memref<64x64xf32, #tpu.memory_space<hbm>>) dst(%dma_wait3A_2388 : memref<64x64xf32, #tpu.memory_space<vmem>>)
      "tpu.region"() ({
        %run_scoped3A = tpu.sem_alloc : memref<!tpu.dma_semaphore, #tpu.memory_space<semaphore_mem>>
        %dma_start3A_2391 = arith.constant 0 : i32
        %dma_start3A_2392 = arith.constant 0 : i32
        %dma_start3A_2393 = arith.constant 0 : i32
        %dma_start3A_2394 = tpu.memref_slice %arg6[%add3A_2254, %dma_start3A_2391, %dma_start3A_2392, %dma_start3A_2393] : memref<1024x3x64x64xf32, #tpu.memory_space<hbm>> -> memref<1x3x64x64xf32, #tpu.memory_space<hbm>>
        %dma_start3A_2395 = tpu.memref_squeeze %dma_start3A_2394 : memref<1x3x64x64xf32, #tpu.memory_space<hbm>> -> memref<3x64x64xf32, #tpu.memory_space<hbm>>
        %dma_start3A_2396 = arith.constant 0 : i32
        %dma_start3A_2397 = arith.constant 0 : i32
        %dma_start3A_2398 = arith.constant 0 : i32
        %dma_start3A_2399 = tpu.memref_slice %arg6[%add3A_2254, %dma_start3A_2396, %dma_start3A_2397, %dma_start3A_2398] : memref<1024x3x64x64xf32, #tpu.memory_space<hbm>> -> memref<1x3x64x64xf32, #tpu.memory_space<hbm>>
        %dma_start3A_2400 = tpu.memref_squeeze %dma_start3A_2399 : memref<1x3x64x64xf32, #tpu.memory_space<hbm>> -> memref<3x64x64xf32, #tpu.memory_space<hbm>>
        tpu.enqueue_dma source(%arg10 : memref<3x64x64xf32, #tpu.memory_space<vmem>>) target(%dma_start3A_2400 : memref<3x64x64xf32, #tpu.memory_space<hbm>>) target_semaphore(%run_scoped3A : memref<!tpu.dma_semaphore, #tpu.memory_space<semaphore_mem>>)
        %dma_wait3A_2401 = arith.constant 0 : i32
        %dma_wait3A_2402 = arith.constant 0 : i32
        %dma_wait3A_2403 = arith.constant 0 : i32
        %dma_wait3A_2404 = tpu.memref_slice %arg6[%add3A_2254, %dma_wait3A_2401, %dma_wait3A_2402, %dma_wait3A_2403] : memref<1024x3x64x64xf32, #tpu.memory_space<hbm>> -> memref<1x3x64x64xf32, #tpu.memory_space<hbm>>
        %dma_wait3A_2405 = tpu.memref_squeeze %dma_wait3A_2404 : memref<1x3x64x64xf32, #tpu.memory_space<hbm>> -> memref<3x64x64xf32, #tpu.memory_space<hbm>>
        %dma_wait3A_2406 = arith.constant 0 : i32
        %dma_wait3A_2407 = arith.constant 0 : i32
        %dma_wait3A_2408 = arith.constant 0 : i32
        %dma_wait3A_2409 = tpu.memref_slice %arg6[%add3A_2254, %dma_wait3A_2406, %dma_wait3A_2407, %dma_wait3A_2408] : memref<1024x3x64x64xf32, #tpu.memory_space<hbm>> -> memref<1x3x64x64xf32, #tpu.memory_space<hbm>>
        %dma_wait3A_2410 = tpu.memref_squeeze %dma_wait3A_2409 : memref<1x3x64x64xf32, #tpu.memory_space<hbm>> -> memref<3x64x64xf32, #tpu.memory_space<hbm>>
        tpu.wait_dma2 semaphore(%run_scoped3A : memref<!tpu.dma_semaphore, #tpu.memory_space<semaphore_mem>>) src(%arg10 : memref<3x64x64xf32, #tpu.memory_space<vmem>>) dst(%dma_wait3A_2410 : memref<3x64x64xf32, #tpu.memory_space<hbm>>)
        tpu.yield
      }) : () -> ()
      "tpu.region"() ({
        %run_scoped3A = tpu.sem_alloc : memref<!tpu.dma_semaphore, #tpu.memory_space<semaphore_mem>>
        %dma_start3A_2391 = arith.constant 0 : i32
        %dma_start3A_2392 = arith.constant 0 : i32
        %dma_start3A_2393 = arith.constant 0 : i32
        %dma_start3A_2394 = tpu.memref_slice %arg7[%add3A_2254, %dma_start3A_2391, %dma_start3A_2392, %dma_start3A_2393] : memref<1024x1x64x64xf32, #tpu.memory_space<hbm>> -> memref<1x1x64x64xf32, #tpu.memory_space<hbm>>
        %dma_start3A_2395 = tpu.memref_squeeze %dma_start3A_2394 : memref<1x1x64x64xf32, #tpu.memory_space<hbm>> -> memref<1x64x64xf32, #tpu.memory_space<hbm>>
        %dma_start3A_2396 = arith.constant 0 : i32
        %dma_start3A_2397 = arith.constant 0 : i32
        %dma_start3A_2398 = arith.constant 0 : i32
        %dma_start3A_2399 = tpu.memref_slice %arg7[%add3A_2254, %dma_start3A_2396, %dma_start3A_2397, %dma_start3A_2398] : memref<1024x1x64x64xf32, #tpu.memory_space<hbm>> -> memref<1x1x64x64xf32, #tpu.memory_space<hbm>>
        %dma_start3A_2400 = tpu.memref_squeeze %dma_start3A_2399 : memref<1x1x64x64xf32, #tpu.memory_space<hbm>> -> memref<1x64x64xf32, #tpu.memory_space<hbm>>
        tpu.enqueue_dma source(%arg11 : memref<1x64x64xf32, #tpu.memory_space<vmem>>) target(%dma_start3A_2400 : memref<1x64x64xf32, #tpu.memory_space<hbm>>) target_semaphore(%run_scoped3A : memref<!tpu.dma_semaphore, #tpu.memory_space<semaphore_mem>>)
        %dma_wait3A_2401 = arith.constant 0 : i32
        %dma_wait3A_2402 = arith.constant 0 : i32
        %dma_wait3A_2403 = arith.constant 0 : i32
        %dma_wait3A_2404 = tpu.memref_slice %arg7[%add3A_2254, %dma_wait3A_2401, %dma_wait3A_2402, %dma_wait3A_2403] : memref<1024x1x64x64xf32, #tpu.memory_space<hbm>> -> memref<1x1x64x64xf32, #tpu.memory_space<hbm>>
        %dma_wait3A_2405 = tpu.memref_squeeze %dma_wait3A_2404 : memref<1x1x64x64xf32, #tpu.memory_space<hbm>> -> memref<1x64x64xf32, #tpu.memory_space<hbm>>
        %dma_wait3A_2406 = arith.constant 0 : i32
        %dma_wait3A_2407 = arith.constant 0 : i32
        %dma_wait3A_2408 = arith.constant 0 : i32
        %dma_wait3A_2409 = tpu.memref_slice %arg7[%add3A_2254, %dma_wait3A_2406, %dma_wait3A_2407, %dma_wait3A_2408] : memref<1024x1x64x64xf32, #tpu.memory_space<hbm>> -> memref<1x1x64x64xf32, #tpu.memory_space<hbm>>
        %dma_wait3A_2410 = tpu.memref_squeeze %dma_wait3A_2409 : memref<1x1x64x64xf32, #tpu.memory_space<hbm>> -> memref<1x64x64xf32, #tpu.memory_space<hbm>>
        tpu.wait_dma2 semaphore(%run_scoped3A : memref<!tpu.dma_semaphore, #tpu.memory_space<semaphore_mem>>) src(%arg11 : memref<1x64x64xf32, #tpu.memory_space<vmem>>) dst(%dma_wait3A_2410 : memref<1x64x64xf32, #tpu.memory_space<hbm>>)
        tpu.yield
      }) : () -> ()
    }
    %scan3A_9 = arith.constant 2 : i32
    return
  }
}

</mosaic_0001>

<sc_bundles>
// kernel: kernel.3.cloned.1.call-start
scs
__scs_entry_jumppad:
0x0: {  	(pc) =	sbr.rel $0x88, $3  }
0x1: {  	(tag) =	ssettag $0x0;
	lr =	simm.s32 $0x1  }
0x2: {  	[smem:$0x3F9E] =	sst lr;
	_ =	strace $0xD0000000  }
0x3: {  	_ = 	snop  }
0x4: {  	_ = 	snop  }
0x5: {  	_ = 	snop  }
0x6: {  	_ = 	snop  }
0x7: {  	_ = 	snop  }
__scs_overlays_trampoline_lowered:
0x8: {  	[smem:$0x3FAD] =	sst s0  }
0x9: {  	[smem:$0x3FAE] =	sst s1  }
0xa: {  	[smem:$0x3FAF] =	sst s2  }
0xb: {  	[smem:$0x3FB0] =	sst s3  }
0xc: {  	[smem:$0x3FB1] =	sst s4  }
0xd: {  	[smem:$0x3FB2] =	sst s5  }
0xe: {  	[smem:$0x3FB3] =	sst s6  }
0xf: {  	[smem:$0x3FB4] =	sst s7  }
0x10: {  	[smem:$0x3FB5] =	sst s8  }
0x11: {  	[smem:$0x3FB6] =	sst s9;
	s0 =	simm.s32 @!p0 $0x0  }
0x12: {  	s1 =	sld [smem:$0x3F9C];
	s0 =	simm.s32 @p0 $0x1  }
0x13: {  	[smem:$0x3FB7] =	sst s0;
	s0 =	simm.s32 @!p1 $0x0  }
0x14: {  	s2 =	sld [smem:$0x3F9B];
	s0 =	simm.s32 @p1 $0x1  }
0x15: {  	[smem:$0x3FB8] =	sst s0;
	s0 =	simm.s32 @!p2 $0x0  }
0x16: {  	s3 =	sld [smem:$0x3FDB];
	s0 =	simm.s32 @p2 $0x1  }
0x17: {  	s4 =	simm.s32 $0x1BF5;
	[smem:$0x3FBA] =	sst s0  }
0x18: {  	s0 =	sld [smem:$0x3F9D];
	_ =	swait.ge [sflag:s4], $0x0  }
0x19: {  	s7 =	sld [smem:$0x3F9E]  }
0x1a: {  	s8 =	sadd.s32 $0xFFFFE003, lr  }
0x1b: {  	s9 =	sadd.s32 $0xFFFFFEF7, lr;
	s5 =	simm.s32 $0xFFFFFFFF;
	p2 =	slt.u32 s8, $0xFFFFF086  }
0x1c: {  	p1 =	slt.u32 s9, $0xF7A;
	s5 =	simm.s32 @!p2 $0x0  }
0x1d: {  	s5 =	simm.s32 @p1 $0x1;
	p0 =	seq.s32 s7, s2  }
0x1e: {  	s7 =	smul.u32 @!p0 $0xF7A, s2;
	p2 =	seq.s32 @!p0 s5, $0x0  }
0x1f: {  	s9 =	smul.u32 $0xF7A, s1;
	s8 =	simm.s32 @!p0 $0x1BF5;
	p2 =	por !p2, p0  }
0x20: {  	[sflag:s8] =	ssyncset.s32 @!p0 $0xFFFFF086;
	s6 =	sadd.s32 @!p0 s3, s7;
	s7 =	simm.s32 @!p0 $0x108  }
0x21: {  	s3 =	sadd.s32 s3, s9;
	s6 =	sadd.s32 @!p0 $0x88, s6;
	s7 =	simm.s32 @p2 $0x1082  }
0x22: {  	[simem:s7], [sflag:s8] =	dma.local @!p0 [hbm:s6], $0xF7A  }
0x23: {  	s9 =	sor.u32 $0xD0000000, s2;
	s6 =	simm.s32 $0x108;
	_ =	swait.ge @!p0 [sflag:s8], $0x0  }
0x24: {  	s3 =	sadd.s32 $0x88, s3;
	s6 =	simm.s32 @!p1 $0x1082;
	[sflag:s4] =	ssyncset.s32 $0xFFFFF086  }
0x25: {  	[simem:s6], [sflag:s4] =	dma.local [hbm:s3], $0xF7A  }
0x26: {  	[smem:$0x3F9E] =	sst s1;
	(tag) =	ssettag s2;
	_ =	strace s9  }
0x27: {  	s1 =	sld [smem:$0x3FAE]  }
0x28: {  	s2 =	sld [smem:$0x3FAF]  }
0x29: {  	s4 =	sld [smem:$0x3FB1]  }
0x2a: {  	p0 =	seq.s32 s5, $0x0;
	s5 =	sld [smem:$0x3FB2]  }
0x2b: {  	s6 =	sld [smem:$0x3FB3]  }
0x2c: {  	s7 =	sld [smem:$0x3FB4]  }
0x2d: {  	s3 =	simm.s32 $0x108;
	s8 =	sld [smem:$0x3FB5]  }
0x2e: {  	s3 =	simm.s32 @!p0 $0x1082;
	s9 =	sld [smem:$0x3FB6]  }
0x2f: {  	lr =	sadd.s32 s0, s3;
	s0 =	sld [smem:$0x3FAD]  }
0x30: {  	s3 =	sld [smem:$0x3FB0]  }
0x31: {  	[smem:$0x3FB9] =	sst s10  }
0x32: {  	s10 =	sld [smem:$0x3FB7];
	_ =	sdelay $0x3  }
0x33: {  	p0 =	seq.s32 s10, $0x1;
	s10 =	sld [smem:$0x3FB9];
	_ =	sdelay $0x3  }
0x34: {  	[smem:$0x3FB9] =	sst s10  }
0x35: {  	s10 =	sld [smem:$0x3FB8];
	_ =	sdelay $0x3  }
0x36: {  	p1 =	seq.s32 s10, $0x1;
	s10 =	sld [smem:$0x3FB9];
	_ =	sdelay $0x3  }
0x37: {  	[smem:$0x3FB9] =	sst s10  }
0x38: {  	s10 =	sld [smem:$0x3FBA]  }
0x39: {  	_ = 	snop;
	(pc) =	sbr.ind lr, $3  }
0x3a: {  	_ = 	snop  }
0x3b: {  	_ = 	snop  }
0x3c: {  	p2 =	seq.s32 s10, $0x1;
	s10 =	sld [smem:$0x3FB9]  }
0x3d: {  	_ =	shalt  }
0x3e: {  	_ =	shalt  }
0x3f: {  	_ =	shalt  }
0x40: {  	_ =	shalt  }
0x41: {  	_ =	shalt  }
0x42: {  	_ =	shalt  }
0x43: {  	_ =	shalt  }
0x44: {  	_ =	shalt  }
0x45: {  	_ =	shalt  }
0x46: {  	_ =	shalt  }
0x47: {  	_ =	shalt  }
0x48: {  	_ =	shalt  }
0x49: {  	_ =	shalt  }
0x4a: {  	_ =	shalt  }
0x4b: {  	_ =	shalt  }
0x4c: {  	_ =	shalt  }
0x4d: {  	_ =	shalt  }
0x4e: {  	_ =	shalt  }
0x4f: {  	_ =	shalt  }
0x50: {  	_ =	shalt  }
0x51: {  	_ =	shalt  }
0x52: {  	_ =	shalt  }
0x53: {  	_ =	shalt  }
0x54: {  	_ =	shalt  }
0x55: {  	_ =	shalt  }
0x56: {  	_ =	shalt  }
0x57: {  	_ =	shalt  }
0x58: {  	_ =	shalt  }
0x59: {  	_ =	shalt  }
0x5a: {  	_ =	shalt  }
0x5b: {  	_ =	shalt  }
0x5c: {  	_ =	shalt  }
0x5d: {  	_ =	shalt  }
0x5e: {  	_ =	shalt  }
0x5f: {  	_ =	shalt  }
0x60: {  	_ =	shalt  }
0x61: {  	_ =	shalt  }
0x62: {  	_ =	shalt  }
0x63: {  	_ =	shalt  }
0x64: {  	_ =	shalt  }
0x65: {  	_ =	shalt  }
0x66: {  	_ =	shalt  }
0x67: {  	_ =	shalt  }
0x68: {  	_ =	shalt  }
0x69: {  	_ =	shalt  }
0x6a: {  	_ =	shalt  }
0x6b: {  	_ =	shalt  }
0x6c: {  	_ =	shalt  }
0x6d: {  	_ =	shalt  }
0x6e: {  	_ =	shalt  }
0x6f: {  	_ =	shalt  }
0x70: {  	_ =	shalt  }
0x71: {  	_ =	shalt  }
0x72: {  	_ =	shalt  }
0x73: {  	_ =	shalt  }
0x74: {  	_ =	shalt  }
0x75: {  	_ =	shalt  }
0x76: {  	_ =	shalt  }
0x77: {  	_ =	shalt  }
0x78: {  	_ =	shalt  }
0x79: {  	_ =	shalt  }
0x7a: {  	_ =	shalt  }
0x7b: {  	_ =	shalt  }
0x7c: {  	_ =	shalt  }
0x7d: {  	_ =	shalt  }
0x7e: {  	_ =	shalt  }
0x7f: {  	_ =	shalt  }
0x80: {  	_ =	shalt  }
0x81: {  	_ =	shalt  }
0x82: {  	_ =	shalt  }
0x83: {  	_ =	shalt  }
0x84: {  	_ =	shalt  }
0x85: {  	_ =	shalt  }
0x86: {  	_ =	shalt  }
0x87: {  	_ =	shalt  }
.Lfunc_end0:
.L_simem_size_0:
called_computation.1_lowered:
.L_overlay_start_0:
0x88: {  	s2 =	sld [smem:$0x3FD9]  }
0x89: {  	s3 =	sld [smem:$0x3FFE];
	_ =	sdelay $0x1  }
0x8a: {  	s1 =	srdreg.scid  }
0x8b: {  	s0 =	sand.u32 $0x1, s1  }
0x8c: {  	s14 =	sshll.u32 s0, $0xA;
	s2 =	sadd.s32 s3, s2  }
0x8d: {  	s2 =	sadd.s32 s2, s14  }
0x8e: {  	[smem:$0x3FC5] =	sst s2  }
0x8f: {  	_ = 	snop  }
0x90: {  	s2 =	sld [smem:$0x3FD0];
	_ =	sdelay $0x2  }
0x91: {  	s15 =	simm.s32 $0xA;
	s4 =	simm.s32 $0x10  }
0x92: {  	[smem:s4], [sflag:s15] =	dma.local [hbm:s2], $0x1  }
0x93: {  	_ =	swait.eq [sflag:s15], $0x1  }
0x94: {  	[sflag:s15] =	ssyncset.done $0x0  }
0x95: {  	s16 =	sld [smem:$0x10];
	[sflag:s15] =	ssyncadd.s32 $0xFFFFFFFF  }
0x96: {  	s17 =	sld [smem:$0x11];
	(tm) =	ssettm $0x1  }
0x97: {  	s18 =	sld [smem:$0x3FFB];
	_ =	sdelay $0x3  }
0x98: {  	_ =	strace s18  }
0x99: {  	s4 =	sld [smem:$0x3FFC];
	_ =	sdelay $0x3  }
0x9a: {  	_ =	strace s4  }
0x9b: {  	s4 =	sld [smem:$0x3FFD];
	_ =	sdelay $0x3  }
0x9c: {  	_ =	strace s4  }
0x9d: {  	_ =	strace $0x8FFFFFFF  }
0x9e: {  	s19 =	sld [smem:$0x3FDB];
	_ =	sdelay $0x1  }
0x9f: {  	s5 =	simm.s32 $_scs_section_size  }
0xa0: {  	s6 =	simm.s32 $_size__tile_overlayer_lowered;
	s7 =	simm.s32 $_tile_overlayer_lowered  }
0xa1: {  	s22 =	simm.s32 $0x1BFF;
	s21 =	sshll.u32 s7, $0x1;
	s4 =	sadd.s32 s5, s19  }
0xa2: {  	s8 =	simm.s32 $0x0;
	s20 =	sshll.u32 s6, $0x1;
	s6 =	sadd.s32 s21, s4  }
0xa3: {  	[timem:s8], [sflag:s22] =	dma.local [hbm:s6], s20  }
0xa4: {  	_ =	swait.ge [sflag:s22], s20  }
0xa5: {  	s5 =	ssub.s32 $0x0, s20;
	[sflag:s22] =	ssyncset.done $0x0  }
0xa6: {  	[sflag:s22] =	ssyncadd.s32 s5;
	_ =	sdelay $0x1  }
0xa7: {  	s23 =	simm.s32 $0x1B8B  }
0xa8: {  	_ =	swait.ge [sflag:s23], $0x1  }
0xa9: {  	[sflag:s23] =	ssyncset.done $0x0  }
0xaa: {  	s25 =	simm.s32 $0x1B8E;
	s24 =	sld [smem:$0x3FFE];
	[sflag:s23] =	ssyncadd.s32 $0xFFFFFFFF  }
0xab: {  	s26 =	simm.s32 $execute0_lowered;
	[smem:$0x3FD2] =	sst s25  }
0xac: {  	s6 =	sshll.u32 s26, $0x1;
	_ =	strace $0x80000049;
	[dreg:$0x1] =	wrdreg $0xFFFFFFFF  }
0xad: {  	s28 =	simm.s32 $_size_execute0_lowered;
	s4 =	sadd.s32 s4, s6;
	[dreg:$0x0] =	wrdreg $0x0  }
0xae: {  	s6 =	sshll.u32 s28, $0x1;
	[dreg:$0x2] =	wrdreg s4  }
0xaf: {  	[dreg:$0x3] =	wrdreg s6  }
0xb0: {  	[dreg:$0x4] =	wrdreg $0xC0  }
0xb1: {  	_ =	task [dreg:s8], $0x5FFFF  }
0xb2: {  	[dreg:$0x1] =	wrdreg $0xFFFFFFFF  }
0xb3: {  	[dreg:$0x0] =	wrdreg $0x60  }
0xb4: {  	[dreg:$0x2] =	wrdreg s16  }
0xb5: {  	[dreg:$0x3] =	wrdreg s17  }
0xb6: {  	[dreg:$0x4] =	wrdreg s24  }
0xb7: {  	[dreg:$0x5] =	wrdreg $0x9  }
0xb8: {  	_ =	task.clear_ibuf [dreg:s8], $0x6FFFF;
	_ =	strace $0x90000049  }
0xb9: {  	s29 =	simm.s32 $0x9;
	_ =	strace $0x8000004B  }
0xba: {  	_ =	swait.ge [sflag:s29], $0x1  }
0xbb: {  	[sflag:s29] =	ssyncadd.s32 $0xFFFFFFFF  }
0xbc: {  	_ =	strace $0x9000004B  }
0xbd: {  	_ =	sfence  }
0xbe: {  	s30 =	sld [smem:$0x0];
	_ =	sdelay $0x2  }
0xbf: {  	s31 =	sshll.u32 s1, $0xD;
	s1 =	sshrl.u32 s1, $0x2  }
0xc0: {  	s3 =	sand.u32 $0x4000, s31;
	s1 =	sadd.s32 s1, s30  }
0xc1: {  	s0 =	sor.u32 s3, s0;
	s1 =	sshll.u32 s1, $0x11  }
0xc2: {  	s0 =	sor.u32 s1, s0  }
0xc3: {  	s0 =	sadd.s32 $0x8F2B, s0  }
0xc4: {  	[sflag:s0] =	ssyncadd.remote.s32 $0x1  }
0xc5: {  	_ =	sfence.sel $0xFFFF  }
0xc6: {  	[dreg:$0x0] =	wrdreg $0xFFFFFFFF;
	(pc) =	sbr.abs _section_cstart, $3  }
0xc7: {  	[dreg:$0x1] =	wrdreg $0xFFFFFFFF  }
0xc8: {  	_ =	task.clear_ibuf [dreg:s8], $0x2FFFF;
	_ =	strace $0x9FFFFFFF  }
0xc9: {  	(tm) =	ssettm $0x7FFFFFFF  }
tec
execute0_lowered:
.L_overlay_start_1:
0x0: {  	(tag) =	ssettag $0x1  }
0x1: {  	s1 =	rddreg [dreg:$0x0]  }
0x2: {  	s3 =	rddreg [dreg:$0x1]  }
0x3: {  	s8 =	rddreg [dreg:$0x2];
	s4 =	srdreg.scid  }
0x4: {  	s0 =	rddreg [dreg:$0x3];
	s2 =	stileid.u32  }
0x5: {  	s13 =	simm.s32 $0x2;
	s14 =	simm.s32 $0x20;
	s15 =	simm.s32 $0x200  }
0x6: {  	s16 =	simm.s32 $0x40;
	s17 =	simm.s32 $0x1040;
	s18 =	simm.s32 $0x2040  }
0x7: {  	s19 =	simm.s32 $0x3040;
	s20 =	simm.s32 $0x1;
	s21 =	simm.s32 $0x0  }
0x8: {  	s6 =	sand.u32 $0x1, s4;
	s4 =	simm.s32 $0x0;
	s5 =	sshll.u32 s2, $0x6  }
0x9: {  	s11 =	sshll.u32 s2, $0x12;
	s7 =	sshll.u32 s6, $0x5;
	[smem:$0x7FF] =	sst s4  }
0xa: {  	s9 =	ssub.s32 $0x2, s6;
	s6 =	sadd.s32 $0x400, s8;
	s5 =	sor.u32 s7, s5  }
0xb: {  	_ =	strace $0x8000004A;
	s10 =	sshrl.u32 s9, $0x1;
	s7 =	sshrl.u32 s5, $0x3  }
0xc: {  	s12 =	ssub.s32 s9, s10;
	s10 =	smul.u32 $0xC0000, s2;
	s7 =	sadd.s32 s8, s7  }
0xd: {  	s8 =	sadd.s32 $0x180400, s8;
	s12 =	smax.u32 s12, $0x1;
	s9 =	sadd.s32 $0x200, s7  }
.LBB2_1:
0xe: {  	[tilespmem:s4], [sflag:$0x2] =	stream.linear.gather [hbm4b:s9+s4], $0x20, $0x38;
	[tilespmem:$0x4040] =	vst v63  }
0xf: {  	_ =	swait.ge [sflag:s13], $0x20  }
0x10: {  	[sflag:s13] =	ssyncset.done $0x0  }
0x11: {  	[sflag:s13] =	ssyncadd.s32 $0xFFFFFFE0  }
0x12: {  	[tilespmem:s14], [sflag:$0x2] =	stream.linear.gather [hbm4b:s7+s4], $0x20, $0x38;
	[tilespmem:$0x4040] =	vst v63  }
0x13: {  	_ =	swait.ge [sflag:s13], $0x20  }
0x14: {  	[sflag:s13] =	ssyncset.done $0x0  }
0x15: {  	p0 =	por $0x1, $0x1;
	s22 =	simm.s32 $0x0;
	[sflag:s13] =	ssyncadd.s32 $0xFFFFFFE0  }
.LBB2_2:
0x16: {  	v1 =	vld [tilespmem:s22+$0x0]  }
0x17: {  	v0 =	vld [tilespmem:s22+$0x20];
	_ =	sdelay $0x4  }
0x18: {  	(v2sf) =	vpush v0, $0x0;
	v1 =	vshll.u32 v1, $0x9  }
0x19: {  	(v2sf) =	vpush v1, $0x0;
	_ =	sdelay $0xd  }
0x1a: {  	s23 =	spop (v2sf)  }
0x1b: {  	s24 =	spop (v2sf)  }
0x1c: {  	s23 =	sadd.s32 s24, s23  }
0x1d: {  	s24 =	sadd.s32 s10, s23  }
0x1e: {  	s25 =	sshrl.u32 s24, $0x3  }
0x1f: {  	s31 =	sadd.s32 $0x40000, s24;
	s25 =	sadd.s32 s1, s25  }
0x20: {  	[tilespmem:s16], [sflag:$0x1] =	stream.strided.gather [hbm4b:s25+s16], $0x1000, s15, s16, $0x38;
	[tilespmem:$0x4040] =	vst v63  }
0x21: {  	s24 =	sadd.s32 $0x80000, s24;
	s25 =	sshrl.u32 s31, $0x3  }
0x22: {  	s23 =	sadd.s32 s11, s23;
	s24 =	sshrl.u32 s24, $0x3;
	s25 =	sadd.s32 s1, s25  }
0x23: {  	[tilespmem:s17], [sflag:$0x1] =	stream.strided.gather [hbm4b:s25+s16], $0x1000, s15, s16, $0x38;
	[tilespmem:$0x4040] =	vst v63  }
0x24: {  	s23 =	sshrl.u32 s23, $0x3;
	s24 =	sadd.s32 s1, s24  }
0x25: {  	[tilespmem:s18], [sflag:$0x1] =	stream.strided.gather [hbm4b:s24+s16], $0x1000, s15, s16, $0x38;
	[tilespmem:$0x4040] =	vst v63  }
0x26: {  	s23 =	sadd.s32 s3, s23  }
0x27: {  	[tilespmem:s19], [sflag:$0x1] =	stream.strided.gather [hbm4b:s23+s16], $0x1000, s15, s16, $0x38;
	[tilespmem:$0x4040] =	vst v63  }
0x28: {  	_ =	swait.ge [sflag:s20], $0x1000  }
0x29: {  	[sflag:s20] =	ssyncset.done $0x0  }
0x2a: {  	[sflag:s20] =	ssyncadd.s32 $0xFFFFF000  }
0x2b: {  	_ =	swait.ge [sflag:s20], $0x1000  }
0x2c: {  	[sflag:s20] =	ssyncset.done $0x0  }
0x2d: {  	[sflag:s20] =	ssyncadd.s32 $0xFFFFF000  }
0x2e: {  	_ =	swait.ge [sflag:s20], $0x1000  }
0x2f: {  	[sflag:s20] =	ssyncset.done $0x0  }
0x30: {  	s22 =	sor.u32 s5, s22;
	[sflag:s20] =	ssyncadd.s32 $0xFFFFF000  }
0x31: {  	s24 =	smul.u32 $0x600, s22;
	_ =	swait.ge [sflag:s20], $0x1000  }
0x32: {  	[sflag:s20] =	ssyncset.done $0x0  }
0x33: {  	s23 =	sadd.s32 s6, s24;
	[sflag:s20] =	ssyncadd.s32 $0xFFFFF000  }
0x34: {  	[hbm4b:s23+s4] =	stream.linear.scatter [tilespmem:s16], [sflag:$0x2], $0x3000, $0x38;
	[tilespmem:$0x4040] =	vst v63  }
0x35: {  	_ =	swait.ge [sflag:s13], $0x3000  }
0x36: {  	s25 =	sshll.u32 s22, $0x9;
	[sflag:s13] =	ssyncset.done $0x0  }
0x37: {  	s23 =	sadd.s32 s8, s25;
	[sflag:s13] =	ssyncadd.s32 $0xFFFFD000  }
0x38: {  	[hbm4b:s23+s4] =	stream.linear.scatter [tilespmem:s19], [sflag:$0x2], $0x1000, $0x38;
	[tilespmem:$0x4040] =	vst v63  }
0x39: {  	_ =	swait.ge [sflag:s13], $0x1000  }
0x3a: {  	(v2sf) =	vpush v0, $0x1  }
0x3b: {  	(v2sf) =	vpush v1, $0x1;
	_ =	sdelay $0xd  }
0x3c: {  	s26 =	spop (v2sf)  }
0x3d: {  	s28 =	spop (v2sf)  }
0x3e: {  	s23 =	sadd.s32 s28, s26  }
0x3f: {  	s24 =	sadd.s32 s10, s23  }
0x40: {  	[sflag:s13] =	ssyncset.done $0x0;
	s29 =	sshrl.u32 s24, $0x3  }
0x41: {  	[sflag:s13] =	ssyncadd.s32 $0xFFFFF000;
	s30 =	sadd.s32 $0x40000, s24;
	s25 =	sadd.s32 s1, s29  }
0x42: {  	[tilespmem:s16], [sflag:$0x1] =	stream.strided.gather [hbm4b:s25+s16], $0x1000, s15, s16, $0x38;
	[tilespmem:$0x4040] =	vst v63  }
0x43: {  	s24 =	sadd.s32 $0x80000, s24;
	s25 =	sshrl.u32 s30, $0x3  }
0x44: {  	s23 =	sadd.s32 s11, s23;
	s24 =	sshrl.u32 s24, $0x3;
	s25 =	sadd.s32 s1, s25  }
0x45: {  	[tilespmem:s17], [sflag:$0x1] =	stream.strided.gather [hbm4b:s25+s16], $0x1000, s15, s16, $0x38;
	[tilespmem:$0x4040] =	vst v63  }
0x46: {  	s23 =	sshrl.u32 s23, $0x3;
	s24 =	sadd.s32 s1, s24  }
0x47: {  	[tilespmem:s18], [sflag:$0x1] =	stream.strided.gather [hbm4b:s24+s16], $0x1000, s15, s16, $0x38;
	[tilespmem:$0x4040] =	vst v63  }
0x48: {  	s23 =	sadd.s32 s3, s23  }
0x49: {  	[tilespmem:s19], [sflag:$0x1] =	stream.strided.gather [hbm4b:s23+s16], $0x1000, s15, s16, $0x38;
	[tilespmem:$0x4040] =	vst v63  }
0x4a: {  	_ =	swait.ge [sflag:s20], $0x1000  }
0x4b: {  	[sflag:s20] =	ssyncset.done $0x0  }
0x4c: {  	[sflag:s20] =	ssyncadd.s32 $0xFFFFF000  }
0x4d: {  	_ =	swait.ge [sflag:s20], $0x1000  }
0x4e: {  	[sflag:s20] =	ssyncset.done $0x0  }
0x4f: {  	[sflag:s20] =	ssyncadd.s32 $0xFFFFF000  }
0x50: {  	_ =	swait.ge [sflag:s20], $0x1000  }
0x51: {  	[sflag:s20] =	ssyncset.done $0x0  }
0x52: {  	s31 =	sor.u32 $0x1, s22;
	[sflag:s20] =	ssyncadd.s32 $0xFFFFF000  }
0x53: {  	s25 =	smul.u32 $0x600, s31;
	_ =	swait.ge [sflag:s20], $0x1000  }
0x54: {  	[sflag:s20] =	ssyncset.done $0x0  }
0x55: {  	s24 =	sadd.s32 s6, s25;
	[sflag:s20] =	ssyncadd.s32 $0xFFFFF000  }
0x56: {  	[hbm4b:s24+s4] =	stream.linear.scatter [tilespmem:s16], [sflag:$0x2], $0x3000, $0x38;
	[tilespmem:$0x4040] =	vst v63  }
0x57: {  	s23 =	sshll.u32 s31, $0x9;
	_ =	swait.ge [sflag:s13], $0x3000  }
0x58: {  	s23 =	sand.u32 $0x1FFFE200, s23;
	[sflag:s13] =	ssyncset.done $0x0  }
0x59: {  	s23 =	sadd.s32 s8, s23;
	[sflag:s13] =	ssyncadd.s32 $0xFFFFD000  }
0x5a: {  	[hbm4b:s23+s4] =	stream.linear.scatter [tilespmem:s19], [sflag:$0x2], $0x1000, $0x38;
	[tilespmem:$0x4040] =	vst v63  }
0x5b: {  	_ =	swait.ge [sflag:s13], $0x1000  }
0x5c: {  	(v2sf) =	vpush v0, $0x2  }
0x5d: {  	(v2sf) =	vpush v1, $0x2;
	_ =	sdelay $0xd  }
0x5e: {  	s26 =	spop (v2sf)  }
0x5f: {  	s28 =	spop (v2sf)  }
0x60: {  	s23 =	sadd.s32 s28, s26  }
0x61: {  	s24 =	sadd.s32 s10, s23  }
0x62: {  	[sflag:s13] =	ssyncset.done $0x0;
	s29 =	sshrl.u32 s24, $0x3  }
0x63: {  	[sflag:s13] =	ssyncadd.s32 $0xFFFFF000;
	s30 =	sadd.s32 $0x40000, s24;
	s25 =	sadd.s32 s1, s29  }
0x64: {  	[tilespmem:s16], [sflag:$0x1] =	stream.strided.gather [hbm4b:s25+s16], $0x1000, s15, s16, $0x38;
	[tilespmem:$0x4040] =	vst v63  }
0x65: {  	s24 =	sadd.s32 $0x80000, s24;
	s25 =	sshrl.u32 s30, $0x3  }
0x66: {  	s23 =	sadd.s32 s11, s23;
	s24 =	sshrl.u32 s24, $0x3;
	s25 =	sadd.s32 s1, s25  }
0x67: {  	[tilespmem:s17], [sflag:$0x1] =	stream.strided.gather [hbm4b:s25+s16], $0x1000, s15, s16, $0x38;
	[tilespmem:$0x4040] =	vst v63  }
0x68: {  	s23 =	sshrl.u32 s23, $0x3;
	s24 =	sadd.s32 s1, s24  }
0x69: {  	[tilespmem:s18], [sflag:$0x1] =	stream.strided.gather [hbm4b:s24+s16], $0x1000, s15, s16, $0x38;
	[tilespmem:$0x4040] =	vst v63  }
0x6a: {  	s23 =	sadd.s32 s3, s23  }
0x6b: {  	[tilespmem:s19], [sflag:$0x1] =	stream.strided.gather [hbm4b:s23+s16], $0x1000, s15, s16, $0x38;
	[tilespmem:$0x4040] =	vst v63  }
0x6c: {  	_ =	swait.ge [sflag:s20], $0x1000  }
0x6d: {  	[sflag:s20] =	ssyncset.done $0x0  }
0x6e: {  	[sflag:s20] =	ssyncadd.s32 $0xFFFFF000  }
0x6f: {  	_ =	swait.ge [sflag:s20], $0x1000  }
0x70: {  	[sflag:s20] =	ssyncset.done $0x0  }
0x71: {  	[sflag:s20] =	ssyncadd.s32 $0xFFFFF000  }
0x72: {  	_ =	swait.ge [sflag:s20], $0x1000  }
0x73: {  	[sflag:s20] =	ssyncset.done $0x0  }
0x74: {  	s31 =	sor.u32 $0x2, s22;
	[sflag:s20] =	ssyncadd.s32 $0xFFFFF000  }
0x75: {  	s25 =	smul.u32 $0x600, s31;
	_ =	swait.ge [sflag:s20], $0x1000  }
0x76: {  	[sflag:s20] =	ssyncset.done $0x0  }
0x77: {  	s24 =	sadd.s32 s6, s25;
	[sflag:s20] =	ssyncadd.s32 $0xFFFFF000  }
0x78: {  	[hbm4b:s24+s4] =	stream.linear.scatter [tilespmem:s16], [sflag:$0x2], $0x3000, $0x38;
	[tilespmem:$0x4040] =	vst v63  }
0x79: {  	s23 =	sshll.u32 s31, $0x9;
	_ =	swait.ge [sflag:s13], $0x3000  }
0x7a: {  	s23 =	sand.u32 $0x1FFFE400, s23;
	[sflag:s13] =	ssyncset.done $0x0  }
0x7b: {  	s23 =	sadd.s32 s8, s23;
	[sflag:s13] =	ssyncadd.s32 $0xFFFFD000  }
0x7c: {  	[hbm4b:s23+s4] =	stream.linear.scatter [tilespmem:s19], [sflag:$0x2], $0x1000, $0x38;
	[tilespmem:$0x4040] =	vst v63  }
0x7d: {  	_ =	swait.ge [sflag:s13], $0x1000  }
0x7e: {  	(v2sf) =	vpush v0, $0x3  }
0x7f: {  	(v2sf) =	vpush v1, $0x3;
	_ =	sdelay $0xd  }
0x80: {  	s26 =	spop (v2sf)  }
0x81: {  	s28 =	spop (v2sf)  }
0x82: {  	s23 =	sadd.s32 s28, s26  }
0x83: {  	s24 =	sadd.s32 s10, s23  }
0x84: {  	[sflag:s13] =	ssyncset.done $0x0;
	s29 =	sshrl.u32 s24, $0x3  }
0x85: {  	[sflag:s13] =	ssyncadd.s32 $0xFFFFF000;
	s30 =	sadd.s32 $0x40000, s24;
	s25 =	sadd.s32 s1, s29  }
0x86: {  	[tilespmem:s16], [sflag:$0x1] =	stream.strided.gather [hbm4b:s25+s16], $0x1000, s15, s16, $0x38;
	[tilespmem:$0x4040] =	vst v63  }
0x87: {  	s24 =	sadd.s32 $0x80000, s24;
	s25 =	sshrl.u32 s30, $0x3  }
0x88: {  	s23 =	sadd.s32 s11, s23;
	s24 =	sshrl.u32 s24, $0x3;
	s25 =	sadd.s32 s1, s25  }
0x89: {  	[tilespmem:s17], [sflag:$0x1] =	stream.strided.gather [hbm4b:s25+s16], $0x1000, s15, s16, $0x38;
	[tilespmem:$0x4040] =	vst v63  }
0x8a: {  	s23 =	sshrl.u32 s23, $0x3;
	s24 =	sadd.s32 s1, s24  }
0x8b: {  	[tilespmem:s18], [sflag:$0x1] =	stream.strided.gather [hbm4b:s24+s16], $0x1000, s15, s16, $0x38;
	[tilespmem:$0x4040] =	vst v63  }
0x8c: {  	s23 =	sadd.s32 s3, s23  }
0x8d: {  	[tilespmem:s19], [sflag:$0x1] =	stream.strided.gather [hbm4b:s23+s16], $0x1000, s15, s16, $0x38;
	[tilespmem:$0x4040] =	vst v63  }
0x8e: {  	_ =	swait.ge [sflag:s20], $0x1000  }
0x8f: {  	[sflag:s20] =	ssyncset.done $0x0  }
0x90: {  	[sflag:s20] =	ssyncadd.s32 $0xFFFFF000  }
0x91: {  	_ =	swait.ge [sflag:s20], $0x1000  }
0x92: {  	[sflag:s20] =	ssyncset.done $0x0  }
0x93: {  	[sflag:s20] =	ssyncadd.s32 $0xFFFFF000  }
0x94: {  	_ =	swait.ge [sflag:s20], $0x1000  }
0x95: {  	[sflag:s20] =	ssyncset.done $0x0  }
0x96: {  	s31 =	sor.u32 $0x3, s22;
	[sflag:s20] =	ssyncadd.s32 $0xFFFFF000  }
0x97: {  	s25 =	smul.u32 $0x600, s31;
	_ =	swait.ge [sflag:s20], $0x1000  }
0x98: {  	[sflag:s20] =	ssyncset.done $0x0  }
0x99: {  	s24 =	sadd.s32 s6, s25;
	[sflag:s20] =	ssyncadd.s32 $0xFFFFF000  }
0x9a: {  	[hbm4b:s24+s4] =	stream.linear.scatter [tilespmem:s16], [sflag:$0x2], $0x3000, $0x38;
	[tilespmem:$0x4040] =	vst v63  }
0x9b: {  	s23 =	sshll.u32 s31, $0x9;
	_ =	swait.ge [sflag:s13], $0x3000  }
0x9c: {  	s23 =	sand.u32 $0x1FFFE600, s23;
	[sflag:s13] =	ssyncset.done $0x0  }
0x9d: {  	s23 =	sadd.s32 s8, s23;
	[sflag:s13] =	ssyncadd.s32 $0xFFFFD000  }
0x9e: {  	[hbm4b:s23+s4] =	stream.linear.scatter [tilespmem:s19], [sflag:$0x2], $0x1000, $0x38;
	[tilespmem:$0x4040] =	vst v63  }
0x9f: {  	_ =	swait.ge [sflag:s13], $0x1000  }
0xa0: {  	(v2sf) =	vpush v0, $0x4  }
0xa1: {  	(v2sf) =	vpush v1, $0x4;
	_ =	sdelay $0xd  }
0xa2: {  	s26 =	spop (v2sf)  }
0xa3: {  	s28 =	spop (v2sf)  }
0xa4: {  	s23 =	sadd.s32 s28, s26  }
0xa5: {  	s24 =	sadd.s32 s10, s23  }
0xa6: {  	[sflag:s13] =	ssyncset.done $0x0;
	s29 =	sshrl.u32 s24, $0x3  }
0xa7: {  	[sflag:s13] =	ssyncadd.s32 $0xFFFFF000;
	s30 =	sadd.s32 $0x40000, s24;
	s25 =	sadd.s32 s1, s29  }
0xa8: {  	[tilespmem:s16], [sflag:$0x1] =	stream.strided.gather [hbm4b:s25+s16], $0x1000, s15, s16, $0x38;
	[tilespmem:$0x4040] =	vst v63  }
0xa9: {  	s24 =	sadd.s32 $0x80000, s24;
	s25 =	sshrl.u32 s30, $0x3  }
0xaa: {  	s23 =	sadd.s32 s11, s23;
	s24 =	sshrl.u32 s24, $0x3;
	s25 =	sadd.s32 s1, s25  }
0xab: {  	[tilespmem:s17], [sflag:$0x1] =	stream.strided.gather [hbm4b:s25+s16], $0x1000, s15, s16, $0x38;
	[tilespmem:$0x4040] =	vst v63  }
0xac: {  	s23 =	sshrl.u32 s23, $0x3;
	s24 =	sadd.s32 s1, s24  }
0xad: {  	[tilespmem:s18], [sflag:$0x1] =	stream.strided.gather [hbm4b:s24+s16], $0x1000, s15, s16, $0x38;
	[tilespmem:$0x4040] =	vst v63  }
0xae: {  	s23 =	sadd.s32 s3, s23  }
0xaf: {  	[tilespmem:s19], [sflag:$0x1] =	stream.strided.gather [hbm4b:s23+s16], $0x1000, s15, s16, $0x38;
	[tilespmem:$0x4040] =	vst v63  }
0xb0: {  	_ =	swait.ge [sflag:s20], $0x1000  }
0xb1: {  	[sflag:s20] =	ssyncset.done $0x0  }
0xb2: {  	[sflag:s20] =	ssyncadd.s32 $0xFFFFF000  }
0xb3: {  	_ =	swait.ge [sflag:s20], $0x1000  }
0xb4: {  	[sflag:s20] =	ssyncset.done $0x0  }
0xb5: {  	[sflag:s20] =	ssyncadd.s32 $0xFFFFF000  }
0xb6: {  	_ =	swait.ge [sflag:s20], $0x1000  }
0xb7: {  	[sflag:s20] =	ssyncset.done $0x0  }
0xb8: {  	s31 =	sor.u32 $0x4, s22;
	[sflag:s20] =	ssyncadd.s32 $0xFFFFF000  }
0xb9: {  	s25 =	smul.u32 $0x600, s31;
	_ =	swait.ge [sflag:s20], $0x1000  }
0xba: {  	[sflag:s20] =	ssyncset.done $0x0  }
0xbb: {  	s24 =	sadd.s32 s6, s25;
	[sflag:s20] =	ssyncadd.s32 $0xFFFFF000  }
0xbc: {  	[hbm4b:s24+s4] =	stream.linear.scatter [tilespmem:s16], [sflag:$0x2], $0x3000, $0x38;
	[tilespmem:$0x4040] =	vst v63  }
0xbd: {  	s23 =	sshll.u32 s31, $0x9;
	_ =	swait.ge [sflag:s13], $0x3000  }
0xbe: {  	s23 =	sand.u32 $0x1FFFE800, s23;
	[sflag:s13] =	ssyncset.done $0x0  }
0xbf: {  	s23 =	sadd.s32 s8, s23;
	[sflag:s13] =	ssyncadd.s32 $0xFFFFD000  }
0xc0: {  	[hbm4b:s23+s4] =	stream.linear.scatter [tilespmem:s19], [sflag:$0x2], $0x1000, $0x38;
	[tilespmem:$0x4040] =	vst v63  }
0xc1: {  	_ =	swait.ge [sflag:s13], $0x1000  }
0xc2: {  	(v2sf) =	vpush v0, $0x5  }
0xc3: {  	(v2sf) =	vpush v1, $0x5;
	_ =	sdelay $0xd  }
0xc4: {  	s26 =	spop (v2sf)  }
0xc5: {  	s28 =	spop (v2sf)  }
0xc6: {  	s23 =	sadd.s32 s28, s26  }
0xc7: {  	s24 =	sadd.s32 s10, s23  }
0xc8: {  	[sflag:s13] =	ssyncset.done $0x0;
	s29 =	sshrl.u32 s24, $0x3  }
0xc9: {  	[sflag:s13] =	ssyncadd.s32 $0xFFFFF000;
	s30 =	sadd.s32 $0x40000, s24;
	s25 =	sadd.s32 s1, s29  }
0xca: {  	[tilespmem:s16], [sflag:$0x1] =	stream.strided.gather [hbm4b:s25+s16], $0x1000, s15, s16, $0x38;
	[tilespmem:$0x4040] =	vst v63  }
0xcb: {  	s24 =	sadd.s32 $0x80000, s24;
	s25 =	sshrl.u32 s30, $0x3  }
0xcc: {  	s23 =	sadd.s32 s11, s23;
	s24 =	sshrl.u32 s24, $0x3;
	s25 =	sadd.s32 s1, s25  }
0xcd: {  	[tilespmem:s17], [sflag:$0x1] =	stream.strided.gather [hbm4b:s25+s16], $0x1000, s15, s16, $0x38;
	[tilespmem:$0x4040] =	vst v63  }
0xce: {  	s23 =	sshrl.u32 s23, $0x3;
	s24 =	sadd.s32 s1, s24  }
0xcf: {  	[tilespmem:s18], [sflag:$0x1] =	stream.strided.gather [hbm4b:s24+s16], $0x1000, s15, s16, $0x38;
	[tilespmem:$0x4040] =	vst v63  }
0xd0: {  	s23 =	sadd.s32 s3, s23  }
0xd1: {  	[tilespmem:s19], [sflag:$0x1] =	stream.strided.gather [hbm4b:s23+s16], $0x1000, s15, s16, $0x38;
	[tilespmem:$0x4040] =	vst v63  }
0xd2: {  	_ =	swait.ge [sflag:s20], $0x1000  }
0xd3: {  	[sflag:s20] =	ssyncset.done $0x0  }
0xd4: {  	[sflag:s20] =	ssyncadd.s32 $0xFFFFF000  }
0xd5: {  	_ =	swait.ge [sflag:s20], $0x1000  }
0xd6: {  	[sflag:s20] =	ssyncset.done $0x0  }
0xd7: {  	[sflag:s20] =	ssyncadd.s32 $0xFFFFF000  }
0xd8: {  	_ =	swait.ge [sflag:s20], $0x1000  }
0xd9: {  	[sflag:s20] =	ssyncset.done $0x0  }
0xda: {  	s31 =	sor.u32 $0x5, s22;
	[sflag:s20] =	ssyncadd.s32 $0xFFFFF000  }
0xdb: {  	s25 =	smul.u32 $0x600, s31;
	_ =	swait.ge [sflag:s20], $0x1000  }
0xdc: {  	[sflag:s20] =	ssyncset.done $0x0  }
0xdd: {  	s24 =	sadd.s32 s6, s25;
	[sflag:s20] =	ssyncadd.s32 $0xFFFFF000  }
0xde: {  	[hbm4b:s24+s4] =	stream.linear.scatter [tilespmem:s16], [sflag:$0x2], $0x3000, $0x38;
	[tilespmem:$0x4040] =	vst v63  }
0xdf: {  	s23 =	sshll.u32 s31, $0x9;
	_ =	swait.ge [sflag:s13], $0x3000  }
0xe0: {  	s23 =	sand.u32 $0x1FFFEA00, s23;
	[sflag:s13] =	ssyncset.done $0x0  }
0xe1: {  	s23 =	sadd.s32 s8, s23;
	[sflag:s13] =	ssyncadd.s32 $0xFFFFD000  }
0xe2: {  	[hbm4b:s23+s4] =	stream.linear.scatter [tilespmem:s19], [sflag:$0x2], $0x1000, $0x38;
	[tilespmem:$0x4040] =	vst v63  }
0xe3: {  	_ =	swait.ge [sflag:s13], $0x1000  }
0xe4: {  	(v2sf) =	vpush v0, $0x6  }
0xe5: {  	(v2sf) =	vpush v1, $0x6;
	_ =	sdelay $0xd  }
0xe6: {  	s26 =	spop (v2sf)  }
0xe7: {  	s28 =	spop (v2sf)  }
0xe8: {  	s23 =	sadd.s32 s28, s26  }
0xe9: {  	s24 =	sadd.s32 s10, s23  }
0xea: {  	[sflag:s13] =	ssyncset.done $0x0;
	s29 =	sshrl.u32 s24, $0x3  }
0xeb: {  	[sflag:s13] =	ssyncadd.s32 $0xFFFFF000;
	s30 =	sadd.s32 $0x40000, s24;
	s25 =	sadd.s32 s1, s29  }
0xec: {  	[tilespmem:s16], [sflag:$0x1] =	stream.strided.gather [hbm4b:s25+s16], $0x1000, s15, s16, $0x38;
	[tilespmem:$0x4040] =	vst v63  }
0xed: {  	s24 =	sadd.s32 $0x80000, s24;
	s25 =	sshrl.u32 s30, $0x3  }
0xee: {  	s23 =	sadd.s32 s11, s23;
	s24 =	sshrl.u32 s24, $0x3;
	s25 =	sadd.s32 s1, s25  }
0xef: {  	[tilespmem:s17], [sflag:$0x1] =	stream.strided.gather [hbm4b:s25+s16], $0x1000, s15, s16, $0x38;
	[tilespmem:$0x4040] =	vst v63  }
0xf0: {  	s23 =	sshrl.u32 s23, $0x3;
	s24 =	sadd.s32 s1, s24  }
0xf1: {  	[tilespmem:s18], [sflag:$0x1] =	stream.strided.gather [hbm4b:s24+s16], $0x1000, s15, s16, $0x38;
	[tilespmem:$0x4040] =	vst v63  }
0xf2: {  	s23 =	sadd.s32 s3, s23  }
0xf3: {  	[tilespmem:s19], [sflag:$0x1] =	stream.strided.gather [hbm4b:s23+s16], $0x1000, s15, s16, $0x38;
	[tilespmem:$0x4040] =	vst v63  }
0xf4: {  	_ =	swait.ge [sflag:s20], $0x1000  }
0xf5: {  	[sflag:s20] =	ssyncset.done $0x0  }
0xf6: {  	[sflag:s20] =	ssyncadd.s32 $0xFFFFF000  }
0xf7: {  	_ =	swait.ge [sflag:s20], $0x1000  }
0xf8: {  	[sflag:s20] =	ssyncset.done $0x0  }
0xf9: {  	[sflag:s20] =	ssyncadd.s32 $0xFFFFF000  }
0xfa: {  	_ =	swait.ge [sflag:s20], $0x1000  }
0xfb: {  	[sflag:s20] =	ssyncset.done $0x0  }
0xfc: {  	s31 =	sor.u32 $0x6, s22;
	[sflag:s20] =	ssyncadd.s32 $0xFFFFF000  }
0xfd: {  	s25 =	smul.u32 $0x600, s31;
	_ =	swait.ge [sflag:s20], $0x1000  }
0xfe: {  	[sflag:s20] =	ssyncset.done $0x0  }
0xff: {  	s24 =	sadd.s32 s6, s25;
	[sflag:s20] =	ssyncadd.s32 $0xFFFFF000  }
0x100: {  	[hbm4b:s24+s4] =	stream.linear.scatter [tilespmem:s16], [sflag:$0x2], $0x3000, $0x38;
	[tilespmem:$0x4040] =	vst v63  }
0x101: {  	s23 =	sshll.u32 s31, $0x9;
	_ =	swait.ge [sflag:s13], $0x3000  }
0x102: {  	s23 =	sand.u32 $0x1FFFEC00, s23;
	[sflag:s13] =	ssyncset.done $0x0  }
0x103: {  	s23 =	sadd.s32 s8, s23;
	[sflag:s13] =	ssyncadd.s32 $0xFFFFD000  }
0x104: {  	[hbm4b:s23+s4] =	stream.linear.scatter [tilespmem:s19], [sflag:$0x2], $0x1000, $0x38;
	[tilespmem:$0x4040] =	vst v63  }
0x105: {  	_ =	swait.ge [sflag:s13], $0x1000  }
0x106: {  	(v2sf) =	vpush v0, $0x7  }
0x107: {  	(v2sf) =	vpush v1, $0x7;
	_ =	sdelay $0xd  }
0x108: {  	s26 =	spop (v2sf)  }
0x109: {  	s28 =	spop (v2sf)  }
0x10a: {  	s23 =	sadd.s32 s28, s26  }
0x10b: {  	s24 =	sadd.s32 s10, s23  }
0x10c: {  	[sflag:s13] =	ssyncset.done $0x0;
	s29 =	sshrl.u32 s24, $0x3  }
0x10d: {  	[sflag:s13] =	ssyncadd.s32 $0xFFFFF000;
	s30 =	sadd.s32 $0x40000, s24;
	s25 =	sadd.s32 s1, s29  }
0x10e: {  	[tilespmem:s16], [sflag:$0x1] =	stream.strided.gather [hbm4b:s25+s16], $0x1000, s15, s16, $0x38;
	[tilespmem:$0x4040] =	vst v63  }
0x10f: {  	s24 =	sadd.s32 $0x80000, s24;
	s25 =	sshrl.u32 s30, $0x3  }
0x110: {  	s23 =	sadd.s32 s11, s23;
	s24 =	sshrl.u32 s24, $0x3;
	s25 =	sadd.s32 s1, s25  }
0x111: {  	[tilespmem:s17], [sflag:$0x1] =	stream.strided.gather [hbm4b:s25+s16], $0x1000, s15, s16, $0x38;
	[tilespmem:$0x4040] =	vst v63  }
0x112: {  	s23 =	sshrl.u32 s23, $0x3;
	s24 =	sadd.s32 s1, s24  }
0x113: {  	[tilespmem:s18], [sflag:$0x1] =	stream.strided.gather [hbm4b:s24+s16], $0x1000, s15, s16, $0x38;
	[tilespmem:$0x4040] =	vst v63  }
0x114: {  	s23 =	sadd.s32 s3, s23  }
0x115: {  	[tilespmem:s19], [sflag:$0x1] =	stream.strided.gather [hbm4b:s23+s16], $0x1000, s15, s16, $0x38;
	[tilespmem:$0x4040] =	vst v63  }
0x116: {  	_ =	swait.ge [sflag:s20], $0x1000  }
0x117: {  	[sflag:s20] =	ssyncset.done $0x0  }
0x118: {  	[sflag:s20] =	ssyncadd.s32 $0xFFFFF000  }
0x119: {  	_ =	swait.ge [sflag:s20], $0x1000  }
0x11a: {  	[sflag:s20] =	ssyncset.done $0x0  }
0x11b: {  	[sflag:s20] =	ssyncadd.s32 $0xFFFFF000  }
0x11c: {  	_ =	swait.ge [sflag:s20], $0x1000  }
0x11d: {  	[sflag:s20] =	ssyncset.done $0x0  }
0x11e: {  	s31 =	sor.u32 $0x7, s22;
	[sflag:s20] =	ssyncadd.s32 $0xFFFFF000  }
0x11f: {  	s25 =	smul.u32 $0x600, s31;
	_ =	swait.ge [sflag:s20], $0x1000  }
0x120: {  	[sflag:s20] =	ssyncset.done $0x0  }
0x121: {  	s24 =	sadd.s32 s6, s25;
	[sflag:s20] =	ssyncadd.s32 $0xFFFFF000  }
0x122: {  	[hbm4b:s24+s4] =	stream.linear.scatter [tilespmem:s16], [sflag:$0x2], $0x3000, $0x38;
	[tilespmem:$0x4040] =	vst v63  }
0x123: {  	s23 =	sshll.u32 s31, $0x9;
	_ =	swait.ge [sflag:s13], $0x3000  }
0x124: {  	s23 =	sand.u32 $0x1FFFEE00, s23;
	[sflag:s13] =	ssyncset.done $0x0  }
0x125: {  	s23 =	sadd.s32 s8, s23;
	[sflag:s13] =	ssyncadd.s32 $0xFFFFD000  }
0x126: {  	[hbm4b:s23+s4] =	stream.linear.scatter [tilespmem:s19], [sflag:$0x2], $0x1000, $0x38;
	[tilespmem:$0x4040] =	vst v63  }
0x127: {  	_ =	swait.ge [sflag:s13], $0x1000  }
0x128: {  	(v2sf) =	vpush v0, $0x8  }
0x129: {  	(v2sf) =	vpush v1, $0x8;
	_ =	sdelay $0xd  }
0x12a: {  	s26 =	spop (v2sf)  }
0x12b: {  	s28 =	spop (v2sf)  }
0x12c: {  	s23 =	sadd.s32 s28, s26  }
0x12d: {  	s24 =	sadd.s32 s10, s23  }
0x12e: {  	[sflag:s13] =	ssyncset.done $0x0;
	s29 =	sshrl.u32 s24, $0x3  }
0x12f: {  	[sflag:s13] =	ssyncadd.s32 $0xFFFFF000;
	s30 =	sadd.s32 $0x40000, s24;
	s25 =	sadd.s32 s1, s29  }
0x130: {  	[tilespmem:s16], [sflag:$0x1] =	stream.strided.gather [hbm4b:s25+s16], $0x1000, s15, s16, $0x38;
	[tilespmem:$0x4040] =	vst v63  }
0x131: {  	s24 =	sadd.s32 $0x80000, s24;
	s25 =	sshrl.u32 s30, $0x3  }
0x132: {  	s23 =	sadd.s32 s11, s23;
	s24 =	sshrl.u32 s24, $0x3;
	s25 =	sadd.s32 s1, s25  }
0x133: {  	[tilespmem:s17], [sflag:$0x1] =	stream.strided.gather [hbm4b:s25+s16], $0x1000, s15, s16, $0x38;
	[tilespmem:$0x4040] =	vst v63  }
0x134: {  	s23 =	sshrl.u32 s23, $0x3;
	s24 =	sadd.s32 s1, s24  }
0x135: {  	[tilespmem:s18], [sflag:$0x1] =	stream.strided.gather [hbm4b:s24+s16], $0x1000, s15, s16, $0x38;
	[tilespmem:$0x4040] =	vst v63  }
0x136: {  	s23 =	sadd.s32 s3, s23  }
0x137: {  	[tilespmem:s19], [sflag:$0x1] =	stream.strided.gather [hbm4b:s23+s16], $0x1000, s15, s16, $0x38;
	[tilespmem:$0x4040] =	vst v63  }
0x138: {  	_ =	swait.ge [sflag:s20], $0x1000  }
0x139: {  	[sflag:s20] =	ssyncset.done $0x0  }
0x13a: {  	[sflag:s20] =	ssyncadd.s32 $0xFFFFF000  }
0x13b: {  	_ =	swait.ge [sflag:s20], $0x1000  }
0x13c: {  	[sflag:s20] =	ssyncset.done $0x0  }
0x13d: {  	[sflag:s20] =	ssyncadd.s32 $0xFFFFF000  }
0x13e: {  	_ =	swait.ge [sflag:s20], $0x1000  }
0x13f: {  	[sflag:s20] =	ssyncset.done $0x0  }
0x140: {  	s31 =	sor.u32 $0x8, s22;
	[sflag:s20] =	ssyncadd.s32 $0xFFFFF000  }
0x141: {  	s25 =	smul.u32 $0x600, s31;
	_ =	swait.ge [sflag:s20], $0x1000  }
0x142: {  	[sflag:s20] =	ssyncset.done $0x0  }
0x143: {  	s24 =	sadd.s32 s6, s25;
	[sflag:s20] =	ssyncadd.s32 $0xFFFFF000  }
0x144: {  	[hbm4b:s24+s4] =	stream.linear.scatter [tilespmem:s16], [sflag:$0x2], $0x3000, $0x38;
	[tilespmem:$0x4040] =	vst v63  }
0x145: {  	s23 =	sshll.u32 s31, $0x9;
	_ =	swait.ge [sflag:s13], $0x3000  }
0x146: {  	s23 =	sand.u32 $0x1FFFF000, s23;
	[sflag:s13] =	ssyncset.done $0x0  }
0x147: {  	s23 =	sadd.s32 s8, s23;
	[sflag:s13] =	ssyncadd.s32 $0xFFFFD000  }
0x148: {  	[hbm4b:s23+s4] =	stream.linear.scatter [tilespmem:s19], [sflag:$0x2], $0x1000, $0x38;
	[tilespmem:$0x4040] =	vst v63  }
0x149: {  	_ =	swait.ge [sflag:s13], $0x1000  }
0x14a: {  	(v2sf) =	vpush v0, $0x9  }
0x14b: {  	(v2sf) =	vpush v1, $0x9;
	_ =	sdelay $0xd  }
0x14c: {  	s26 =	spop (v2sf)  }
0x14d: {  	s28 =	spop (v2sf)  }
0x14e: {  	s23 =	sadd.s32 s28, s26  }
0x14f: {  	s24 =	sadd.s32 s10, s23  }
0x150: {  	[sflag:s13] =	ssyncset.done $0x0;
	s29 =	sshrl.u32 s24, $0x3  }
0x151: {  	[sflag:s13] =	ssyncadd.s32 $0xFFFFF000;
	s30 =	sadd.s32 $0x40000, s24;
	s25 =	sadd.s32 s1, s29  }
0x152: {  	[tilespmem:s16], [sflag:$0x1] =	stream.strided.gather [hbm4b:s25+s16], $0x1000, s15, s16, $0x38;
	[tilespmem:$0x4040] =	vst v63  }
0x153: {  	s24 =	sadd.s32 $0x80000, s24;
	s25 =	sshrl.u32 s30, $0x3  }
0x154: {  	s23 =	sadd.s32 s11, s23;
	s24 =	sshrl.u32 s24, $0x3;
	s25 =	sadd.s32 s1, s25  }
0x155: {  	[tilespmem:s17], [sflag:$0x1] =	stream.strided.gather [hbm4b:s25+s16], $0x1000, s15, s16, $0x38;
	[tilespmem:$0x4040] =	vst v63  }
0x156: {  	s23 =	sshrl.u32 s23, $0x3;
	s24 =	sadd.s32 s1, s24  }
0x157: {  	[tilespmem:s18], [sflag:$0x1] =	stream.strided.gather [hbm4b:s24+s16], $0x1000, s15, s16, $0x38;
	[tilespmem:$0x4040] =	vst v63  }
0x158: {  	s23 =	sadd.s32 s3, s23  }
0x159: {  	[tilespmem:s19], [sflag:$0x1] =	stream.strided.gather [hbm4b:s23+s16], $0x1000, s15, s16, $0x38;
	[tilespmem:$0x4040] =	vst v63  }
0x15a: {  	_ =	swait.ge [sflag:s20], $0x1000  }
0x15b: {  	[sflag:s20] =	ssyncset.done $0x0  }
0x15c: {  	[sflag:s20] =	ssyncadd.s32 $0xFFFFF000  }
0x15d: {  	_ =	swait.ge [sflag:s20], $0x1000  }
0x15e: {  	[sflag:s20] =	ssyncset.done $0x0  }
0x15f: {  	[sflag:s20] =	ssyncadd.s32 $0xFFFFF000  }
0x160: {  	_ =	swait.ge [sflag:s20], $0x1000  }
0x161: {  	[sflag:s20] =	ssyncset.done $0x0  }
0x162: {  	s31 =	sor.u32 $0x9, s22;
	[sflag:s20] =	ssyncadd.s32 $0xFFFFF000  }
0x163: {  	s25 =	smul.u32 $0x600, s31;
	_ =	swait.ge [sflag:s20], $0x1000  }
0x164: {  	[sflag:s20] =	ssyncset.done $0x0  }
0x165: {  	s24 =	sadd.s32 s6, s25;
	[sflag:s20] =	ssyncadd.s32 $0xFFFFF000  }
0x166: {  	[hbm4b:s24+s4] =	stream.linear.scatter [tilespmem:s16], [sflag:$0x2], $0x3000, $0x38;
	[tilespmem:$0x4040] =	vst v63  }
0x167: {  	s23 =	sshll.u32 s31, $0x9;
	_ =	swait.ge [sflag:s13], $0x3000  }
0x168: {  	s23 =	sand.u32 $0x1FFFF200, s23;
	[sflag:s13] =	ssyncset.done $0x0  }
0x169: {  	s23 =	sadd.s32 s8, s23;
	[sflag:s13] =	ssyncadd.s32 $0xFFFFD000  }
0x16a: {  	[hbm4b:s23+s4] =	stream.linear.scatter [tilespmem:s19], [sflag:$0x2], $0x1000, $0x38;
	[tilespmem:$0x4040] =	vst v63  }
0x16b: {  	_ =	swait.ge [sflag:s13], $0x1000  }
0x16c: {  	(v2sf) =	vpush v0, $0xA  }
0x16d: {  	(v2sf) =	vpush v1, $0xA;
	_ =	sdelay $0xd  }
0x16e: {  	s26 =	spop (v2sf)  }
0x16f: {  	s28 =	spop (v2sf)  }
0x170: {  	s23 =	sadd.s32 s28, s26  }
0x171: {  	s24 =	sadd.s32 s10, s23  }
0x172: {  	[sflag:s13] =	ssyncset.done $0x0;
	s29 =	sshrl.u32 s24, $0x3  }
0x173: {  	[sflag:s13] =	ssyncadd.s32 $0xFFFFF000;
	s30 =	sadd.s32 $0x40000, s24;
	s25 =	sadd.s32 s1, s29  }
0x174: {  	[tilespmem:s16], [sflag:$0x1] =	stream.strided.gather [hbm4b:s25+s16], $0x1000, s15, s16, $0x38;
	[tilespmem:$0x4040] =	vst v63  }
0x175: {  	s24 =	sadd.s32 $0x80000, s24;
	s25 =	sshrl.u32 s30, $0x3  }
0x176: {  	s23 =	sadd.s32 s11, s23;
	s24 =	sshrl.u32 s24, $0x3;
	s25 =	sadd.s32 s1, s25  }
0x177: {  	[tilespmem:s17], [sflag:$0x1] =	stream.strided.gather [hbm4b:s25+s16], $0x1000, s15, s16, $0x38;
	[tilespmem:$0x4040] =	vst v63  }
0x178: {  	s23 =	sshrl.u32 s23, $0x3;
	s24 =	sadd.s32 s1, s24  }
0x179: {  	[tilespmem:s18], [sflag:$0x1] =	stream.strided.gather [hbm4b:s24+s16], $0x1000, s15, s16, $0x38;
	[tilespmem:$0x4040] =	vst v63  }
0x17a: {  	s23 =	sadd.s32 s3, s23  }
0x17b: {  	[tilespmem:s19], [sflag:$0x1] =	stream.strided.gather [hbm4b:s23+s16], $0x1000, s15, s16, $0x38;
	[tilespmem:$0x4040] =	vst v63  }
0x17c: {  	_ =	swait.ge [sflag:s20], $0x1000  }
0x17d: {  	[sflag:s20] =	ssyncset.done $0x0  }
0x17e: {  	[sflag:s20] =	ssyncadd.s32 $0xFFFFF000  }
0x17f: {  	_ =	swait.ge [sflag:s20], $0x1000  }
0x180: {  	[sflag:s20] =	ssyncset.done $0x0  }
0x181: {  	[sflag:s20] =	ssyncadd.s32 $0xFFFFF000  }
0x182: {  	_ =	swait.ge [sflag:s20], $0x1000  }
0x183: {  	[sflag:s20] =	ssyncset.done $0x0  }
0x184: {  	s31 =	sor.u32 $0xA, s22;
	[sflag:s20] =	ssyncadd.s32 $0xFFFFF000  }
0x185: {  	s25 =	smul.u32 $0x600, s31;
	_ =	swait.ge [sflag:s20], $0x1000  }
0x186: {  	[sflag:s20] =	ssyncset.done $0x0  }
0x187: {  	s24 =	sadd.s32 s6, s25;
	[sflag:s20] =	ssyncadd.s32 $0xFFFFF000  }
0x188: {  	[hbm4b:s24+s4] =	stream.linear.scatter [tilespmem:s16], [sflag:$0x2], $0x3000, $0x38;
	[tilespmem:$0x4040] =	vst v63  }
0x189: {  	s23 =	sshll.u32 s31, $0x9;
	_ =	swait.ge [sflag:s13], $0x3000  }
0x18a: {  	s23 =	sand.u32 $0x1FFFF400, s23;
	[sflag:s13] =	ssyncset.done $0x0  }
0x18b: {  	s23 =	sadd.s32 s8, s23;
	[sflag:s13] =	ssyncadd.s32 $0xFFFFD000  }
0x18c: {  	[hbm4b:s23+s4] =	stream.linear.scatter [tilespmem:s19], [sflag:$0x2], $0x1000, $0x38;
	[tilespmem:$0x4040] =	vst v63  }
0x18d: {  	_ =	swait.ge [sflag:s13], $0x1000  }
0x18e: {  	(v2sf) =	vpush v0, $0xB  }
0x18f: {  	(v2sf) =	vpush v1, $0xB;
	_ =	sdelay $0xd  }
0x190: {  	s26 =	spop (v2sf)  }
0x191: {  	s28 =	spop (v2sf)  }
0x192: {  	s23 =	sadd.s32 s28, s26  }
0x193: {  	s24 =	sadd.s32 s10, s23  }
0x194: {  	[sflag:s13] =	ssyncset.done $0x0;
	s29 =	sshrl.u32 s24, $0x3  }
0x195: {  	[sflag:s13] =	ssyncadd.s32 $0xFFFFF000;
	s30 =	sadd.s32 $0x40000, s24;
	s25 =	sadd.s32 s1, s29  }
0x196: {  	[tilespmem:s16], [sflag:$0x1] =	stream.strided.gather [hbm4b:s25+s16], $0x1000, s15, s16, $0x38;
	[tilespmem:$0x4040] =	vst v63  }
0x197: {  	s24 =	sadd.s32 $0x80000, s24;
	s25 =	sshrl.u32 s30, $0x3  }
0x198: {  	s23 =	sadd.s32 s11, s23;
	s24 =	sshrl.u32 s24, $0x3;
	s25 =	sadd.s32 s1, s25  }
0x199: {  	[tilespmem:s17], [sflag:$0x1] =	stream.strided.gather [hbm4b:s25+s16], $0x1000, s15, s16, $0x38;
	[tilespmem:$0x4040] =	vst v63  }
0x19a: {  	s23 =	sshrl.u32 s23, $0x3;
	s24 =	sadd.s32 s1, s24  }
0x19b: {  	[tilespmem:s18], [sflag:$0x1] =	stream.strided.gather [hbm4b:s24+s16], $0x1000, s15, s16, $0x38;
	[tilespmem:$0x4040] =	vst v63  }
0x19c: {  	s23 =	sadd.s32 s3, s23  }
0x19d: {  	[tilespmem:s19], [sflag:$0x1] =	stream.strided.gather [hbm4b:s23+s16], $0x1000, s15, s16, $0x38;
	[tilespmem:$0x4040] =	vst v63  }
0x19e: {  	_ =	swait.ge [sflag:s20], $0x1000  }
0x19f: {  	[sflag:s20] =	ssyncset.done $0x0  }
0x1a0: {  	[sflag:s20] =	ssyncadd.s32 $0xFFFFF000  }
0x1a1: {  	_ =	swait.ge [sflag:s20], $0x1000  }
0x1a2: {  	[sflag:s20] =	ssyncset.done $0x0  }
0x1a3: {  	[sflag:s20] =	ssyncadd.s32 $0xFFFFF000  }
0x1a4: {  	_ =	swait.ge [sflag:s20], $0x1000  }
0x1a5: {  	[sflag:s20] =	ssyncset.done $0x0  }
0x1a6: {  	s31 =	sor.u32 $0xB, s22;
	[sflag:s20] =	ssyncadd.s32 $0xFFFFF000  }
0x1a7: {  	s25 =	smul.u32 $0x600, s31;
	_ =	swait.ge [sflag:s20], $0x1000  }
0x1a8: {  	[sflag:s20] =	ssyncset.done $0x0  }
0x1a9: {  	s24 =	sadd.s32 s6, s25;
	[sflag:s20] =	ssyncadd.s32 $0xFFFFF000  }
0x1aa: {  	[hbm4b:s24+s4] =	stream.linear.scatter [tilespmem:s16], [sflag:$0x2], $0x3000, $0x38;
	[tilespmem:$0x4040] =	vst v63  }
0x1ab: {  	s23 =	sshll.u32 s31, $0x9;
	_ =	swait.ge [sflag:s13], $0x3000  }
0x1ac: {  	s23 =	sand.u32 $0x1FFFF600, s23;
	[sflag:s13] =	ssyncset.done $0x0  }
0x1ad: {  	s23 =	sadd.s32 s8, s23;
	[sflag:s13] =	ssyncadd.s32 $0xFFFFD000  }
0x1ae: {  	[hbm4b:s23+s4] =	stream.linear.scatter [tilespmem:s19], [sflag:$0x2], $0x1000, $0x38;
	[tilespmem:$0x4040] =	vst v63  }
0x1af: {  	_ =	swait.ge [sflag:s13], $0x1000  }
0x1b0: {  	(v2sf) =	vpush v0, $0xC  }
0x1b1: {  	(v2sf) =	vpush v1, $0xC;
	_ =	sdelay $0xd  }
0x1b2: {  	s26 =	spop (v2sf)  }
0x1b3: {  	s28 =	spop (v2sf)  }
0x1b4: {  	s23 =	sadd.s32 s28, s26  }
0x1b5: {  	s24 =	sadd.s32 s10, s23  }
0x1b6: {  	[sflag:s13] =	ssyncset.done $0x0;
	s29 =	sshrl.u32 s24, $0x3  }
0x1b7: {  	[sflag:s13] =	ssyncadd.s32 $0xFFFFF000;
	s30 =	sadd.s32 $0x40000, s24;
	s25 =	sadd.s32 s1, s29  }
0x1b8: {  	[tilespmem:s16], [sflag:$0x1] =	stream.strided.gather [hbm4b:s25+s16], $0x1000, s15, s16, $0x38;
	[tilespmem:$0x4040] =	vst v63  }
0x1b9: {  	s24 =	sadd.s32 $0x80000, s24;
	s25 =	sshrl.u32 s30, $0x3  }
0x1ba: {  	s23 =	sadd.s32 s11, s23;
	s24 =	sshrl.u32 s24, $0x3;
	s25 =	sadd.s32 s1, s25  }
0x1bb: {  	[tilespmem:s17], [sflag:$0x1] =	stream.strided.gather [hbm4b:s25+s16], $0x1000, s15, s16, $0x38;
	[tilespmem:$0x4040] =	vst v63  }
0x1bc: {  	s23 =	sshrl.u32 s23, $0x3;
	s24 =	sadd.s32 s1, s24  }
0x1bd: {  	[tilespmem:s18], [sflag:$0x1] =	stream.strided.gather [hbm4b:s24+s16], $0x1000, s15, s16, $0x38;
	[tilespmem:$0x4040] =	vst v63  }
0x1be: {  	s23 =	sadd.s32 s3, s23  }
0x1bf: {  	[tilespmem:s19], [sflag:$0x1] =	stream.strided.gather [hbm4b:s23+s16], $0x1000, s15, s16, $0x38;
	[tilespmem:$0x4040] =	vst v63  }
0x1c0: {  	_ =	swait.ge [sflag:s20], $0x1000  }
0x1c1: {  	[sflag:s20] =	ssyncset.done $0x0  }
0x1c2: {  	[sflag:s20] =	ssyncadd.s32 $0xFFFFF000  }
0x1c3: {  	_ =	swait.ge [sflag:s20], $0x1000  }
0x1c4: {  	[sflag:s20] =	ssyncset.done $0x0  }
0x1c5: {  	[sflag:s20] =	ssyncadd.s32 $0xFFFFF000  }
0x1c6: {  	_ =	swait.ge [sflag:s20], $0x1000  }
0x1c7: {  	[sflag:s20] =	ssyncset.done $0x0  }
0x1c8: {  	s31 =	sor.u32 $0xC, s22;
	[sflag:s20] =	ssyncadd.s32 $0xFFFFF000  }
0x1c9: {  	s25 =	smul.u32 $0x600, s31;
	_ =	swait.ge [sflag:s20], $0x1000  }
0x1ca: {  	[sflag:s20] =	ssyncset.done $0x0  }
0x1cb: {  	s24 =	sadd.s32 s6, s25;
	[sflag:s20] =	ssyncadd.s32 $0xFFFFF000  }
0x1cc: {  	[hbm4b:s24+s4] =	stream.linear.scatter [tilespmem:s16], [sflag:$0x2], $0x3000, $0x38;
	[tilespmem:$0x4040] =	vst v63  }
0x1cd: {  	s23 =	sshll.u32 s31, $0x9;
	_ =	swait.ge [sflag:s13], $0x3000  }
0x1ce: {  	s23 =	sand.u32 $0x1FFFF800, s23;
	[sflag:s13] =	ssyncset.done $0x0  }
0x1cf: {  	s23 =	sadd.s32 s8, s23;
	[sflag:s13] =	ssyncadd.s32 $0xFFFFD000  }
0x1d0: {  	[hbm4b:s23+s4] =	stream.linear.scatter [tilespmem:s19], [sflag:$0x2], $0x1000, $0x38;
	[tilespmem:$0x4040] =	vst v63  }
0x1d1: {  	_ =	swait.ge [sflag:s13], $0x1000  }
0x1d2: {  	(v2sf) =	vpush v0, $0xD  }
0x1d3: {  	(v2sf) =	vpush v1, $0xD;
	_ =	sdelay $0xd  }
0x1d4: {  	s26 =	spop (v2sf)  }
0x1d5: {  	s28 =	spop (v2sf)  }
0x1d6: {  	s23 =	sadd.s32 s28, s26  }
0x1d7: {  	s24 =	sadd.s32 s10, s23  }
0x1d8: {  	[sflag:s13] =	ssyncset.done $0x0;
	s29 =	sshrl.u32 s24, $0x3  }
0x1d9: {  	[sflag:s13] =	ssyncadd.s32 $0xFFFFF000;
	s30 =	sadd.s32 $0x40000, s24;
	s25 =	sadd.s32 s1, s29  }
0x1da: {  	[tilespmem:s16], [sflag:$0x1] =	stream.strided.gather [hbm4b:s25+s16], $0x1000, s15, s16, $0x38;
	[tilespmem:$0x4040] =	vst v63  }
0x1db: {  	s24 =	sadd.s32 $0x80000, s24;
	s25 =	sshrl.u32 s30, $0x3  }
0x1dc: {  	s23 =	sadd.s32 s11, s23;
	s24 =	sshrl.u32 s24, $0x3;
	s25 =	sadd.s32 s1, s25  }
0x1dd: {  	[tilespmem:s17], [sflag:$0x1] =	stream.strided.gather [hbm4b:s25+s16], $0x1000, s15, s16, $0x38;
	[tilespmem:$0x4040] =	vst v63  }
0x1de: {  	s23 =	sshrl.u32 s23, $0x3;
	s24 =	sadd.s32 s1, s24  }
0x1df: {  	[tilespmem:s18], [sflag:$0x1] =	stream.strided.gather [hbm4b:s24+s16], $0x1000, s15, s16, $0x38;
	[tilespmem:$0x4040] =	vst v63  }
0x1e0: {  	s23 =	sadd.s32 s3, s23  }
0x1e1: {  	[tilespmem:s19], [sflag:$0x1] =	stream.strided.gather [hbm4b:s23+s16], $0x1000, s15, s16, $0x38;
	[tilespmem:$0x4040] =	vst v63  }
0x1e2: {  	_ =	swait.ge [sflag:s20], $0x1000  }
0x1e3: {  	[sflag:s20] =	ssyncset.done $0x0  }
0x1e4: {  	[sflag:s20] =	ssyncadd.s32 $0xFFFFF000  }
0x1e5: {  	_ =	swait.ge [sflag:s20], $0x1000  }
0x1e6: {  	[sflag:s20] =	ssyncset.done $0x0  }
0x1e7: {  	[sflag:s20] =	ssyncadd.s32 $0xFFFFF000  }
0x1e8: {  	_ =	swait.ge [sflag:s20], $0x1000  }
0x1e9: {  	[sflag:s20] =	ssyncset.done $0x0  }
0x1ea: {  	s31 =	sor.u32 $0xD, s22;
	[sflag:s20] =	ssyncadd.s32 $0xFFFFF000  }
0x1eb: {  	s25 =	smul.u32 $0x600, s31;
	_ =	swait.ge [sflag:s20], $0x1000  }
0x1ec: {  	[sflag:s20] =	ssyncset.done $0x0  }
0x1ed: {  	s24 =	sadd.s32 s6, s25;
	[sflag:s20] =	ssyncadd.s32 $0xFFFFF000  }
0x1ee: {  	[hbm4b:s24+s4] =	stream.linear.scatter [tilespmem:s16], [sflag:$0x2], $0x3000, $0x38;
	[tilespmem:$0x4040] =	vst v63  }
0x1ef: {  	s23 =	sshll.u32 s31, $0x9;
	_ =	swait.ge [sflag:s13], $0x3000  }
0x1f0: {  	s23 =	sand.u32 $0x1FFFFA00, s23;
	[sflag:s13] =	ssyncset.done $0x0  }
0x1f1: {  	s23 =	sadd.s32 s8, s23;
	[sflag:s13] =	ssyncadd.s32 $0xFFFFD000  }
0x1f2: {  	[hbm4b:s23+s4] =	stream.linear.scatter [tilespmem:s19], [sflag:$0x2], $0x1000, $0x38;
	[tilespmem:$0x4040] =	vst v63  }
0x1f3: {  	_ =	swait.ge [sflag:s13], $0x1000  }
0x1f4: {  	(v2sf) =	vpush v0, $0xE  }
0x1f5: {  	(v2sf) =	vpush v1, $0xE;
	_ =	sdelay $0xd  }
0x1f6: {  	s26 =	spop (v2sf)  }
0x1f7: {  	s28 =	spop (v2sf)  }
0x1f8: {  	s23 =	sadd.s32 s28, s26  }
0x1f9: {  	s24 =	sadd.s32 s10, s23  }
0x1fa: {  	[sflag:s13] =	ssyncset.done $0x0;
	s29 =	sshrl.u32 s24, $0x3  }
0x1fb: {  	[sflag:s13] =	ssyncadd.s32 $0xFFFFF000;
	s30 =	sadd.s32 $0x40000, s24;
	s25 =	sadd.s32 s1, s29  }
0x1fc: {  	[tilespmem:s16], [sflag:$0x1] =	stream.strided.gather [hbm4b:s25+s16], $0x1000, s15, s16, $0x38;
	[tilespmem:$0x4040] =	vst v63  }
0x1fd: {  	s24 =	sadd.s32 $0x80000, s24;
	s25 =	sshrl.u32 s30, $0x3  }
0x1fe: {  	s23 =	sadd.s32 s11, s23;
	s24 =	sshrl.u32 s24, $0x3;
	s25 =	sadd.s32 s1, s25  }
0x1ff: {  	[tilespmem:s17], [sflag:$0x1] =	stream.strided.gather [hbm4b:s25+s16], $0x1000, s15, s16, $0x38;
	[tilespmem:$0x4040] =	vst v63  }
0x200: {  	s23 =	sshrl.u32 s23, $0x3;
	s24 =	sadd.s32 s1, s24  }
0x201: {  	[tilespmem:s18], [sflag:$0x1] =	stream.strided.gather [hbm4b:s24+s16], $0x1000, s15, s16, $0x38;
	[tilespmem:$0x4040] =	vst v63  }
0x202: {  	s23 =	sadd.s32 s3, s23  }
0x203: {  	[tilespmem:s19], [sflag:$0x1] =	stream.strided.gather [hbm4b:s23+s16], $0x1000, s15, s16, $0x38;
	[tilespmem:$0x4040] =	vst v63  }
0x204: {  	_ =	swait.ge [sflag:s20], $0x1000  }
0x205: {  	[sflag:s20] =	ssyncset.done $0x0  }
0x206: {  	[sflag:s20] =	ssyncadd.s32 $0xFFFFF000  }
0x207: {  	_ =	swait.ge [sflag:s20], $0x1000  }
0x208: {  	[sflag:s20] =	ssyncset.done $0x0  }
0x209: {  	[sflag:s20] =	ssyncadd.s32 $0xFFFFF000  }
0x20a: {  	_ =	swait.ge [sflag:s20], $0x1000  }
0x20b: {  	[sflag:s20] =	ssyncset.done $0x0  }
0x20c: {  	s31 =	sor.u32 $0xE, s22;
	[sflag:s20] =	ssyncadd.s32 $0xFFFFF000  }
0x20d: {  	s25 =	smul.u32 $0x600, s31;
	_ =	swait.ge [sflag:s20], $0x1000  }
0x20e: {  	[sflag:s20] =	ssyncset.done $0x0  }
0x20f: {  	s24 =	sadd.s32 s6, s25;
	[sflag:s20] =	ssyncadd.s32 $0xFFFFF000  }
0x210: {  	[hbm4b:s24+s4] =	stream.linear.scatter [tilespmem:s16], [sflag:$0x2], $0x3000, $0x38;
	[tilespmem:$0x4040] =	vst v63  }
0x211: {  	s23 =	sshll.u32 s31, $0x9;
	_ =	swait.ge [sflag:s13], $0x3000  }
0x212: {  	s23 =	sand.u32 $0x1FFFFC00, s23;
	[sflag:s13] =	ssyncset.done $0x0  }
0x213: {  	s23 =	sadd.s32 s8, s23;
	[sflag:s13] =	ssyncadd.s32 $0xFFFFD000  }
0x214: {  	[hbm4b:s23+s4] =	stream.linear.scatter [tilespmem:s19], [sflag:$0x2], $0x1000, $0x38;
	[tilespmem:$0x4040] =	vst v63  }
0x215: {  	_ =	swait.ge [sflag:s13], $0x1000  }
0x216: {  	(v2sf) =	vpush v0, $0xF  }
0x217: {  	(v2sf) =	vpush v1, $0xF;
	_ =	sdelay $0xd  }
0x218: {  	s26 =	spop (v2sf)  }
0x219: {  	s28 =	spop (v2sf)  }
0x21a: {  	s23 =	sadd.s32 s28, s26  }
0x21b: {  	s24 =	sadd.s32 s10, s23  }
0x21c: {  	[sflag:s13] =	ssyncset.done $0x0;
	s29 =	sshrl.u32 s24, $0x3  }
0x21d: {  	[sflag:s13] =	ssyncadd.s32 $0xFFFFF000;
	s30 =	sadd.s32 $0x40000, s24;
	s25 =	sadd.s32 s1, s29  }
0x21e: {  	[tilespmem:s16], [sflag:$0x1] =	stream.strided.gather [hbm4b:s25+s16], $0x1000, s15, s16, $0x38;
	[tilespmem:$0x4040] =	vst v63  }
0x21f: {  	s24 =	sadd.s32 $0x80000, s24;
	s25 =	sshrl.u32 s30, $0x3  }
0x220: {  	s23 =	sadd.s32 s11, s23;
	s24 =	sshrl.u32 s24, $0x3;
	s25 =	sadd.s32 s1, s25  }
0x221: {  	[tilespmem:s17], [sflag:$0x1] =	stream.strided.gather [hbm4b:s25+s16], $0x1000, s15, s16, $0x38;
	[tilespmem:$0x4040] =	vst v63  }
0x222: {  	s23 =	sshrl.u32 s23, $0x3;
	s24 =	sadd.s32 s1, s24  }
0x223: {  	[tilespmem:s18], [sflag:$0x1] =	stream.strided.gather [hbm4b:s24+s16], $0x1000, s15, s16, $0x38;
	[tilespmem:$0x4040] =	vst v63  }
0x224: {  	s23 =	sadd.s32 s3, s23  }
0x225: {  	[tilespmem:s19], [sflag:$0x1] =	stream.strided.gather [hbm4b:s23+s16], $0x1000, s15, s16, $0x38;
	[tilespmem:$0x4040] =	vst v63  }
0x226: {  	_ =	swait.ge [sflag:s20], $0x1000  }
0x227: {  	[sflag:s20] =	ssyncset.done $0x0  }
0x228: {  	[sflag:s20] =	ssyncadd.s32 $0xFFFFF000  }
0x229: {  	_ =	swait.ge [sflag:s20], $0x1000  }
0x22a: {  	[sflag:s20] =	ssyncset.done $0x0  }
0x22b: {  	[sflag:s20] =	ssyncadd.s32 $0xFFFFF000  }
0x22c: {  	_ =	swait.ge [sflag:s20], $0x1000  }
0x22d: {  	[sflag:s20] =	ssyncset.done $0x0  }
0x22e: {  	s22 =	sor.u32 $0xF, s22;
	[sflag:s20] =	ssyncadd.s32 $0xFFFFF000  }
0x22f: {  	s31 =	smul.u32 $0x600, s22;
	_ =	swait.ge [sflag:s20], $0x1000  }
0x230: {  	[sflag:s20] =	ssyncset.done $0x0  }
0x231: {  	s23 =	sadd.s32 s6, s31;
	[sflag:s20] =	ssyncadd.s32 $0xFFFFF000  }
0x232: {  	[hbm4b:s23+s4] =	stream.linear.scatter [tilespmem:s16], [sflag:$0x2], $0x3000, $0x38;
	[tilespmem:$0x4040] =	vst v63  }
0x233: {  	s22 =	sshll.u32 s22, $0x9;
	_ =	swait.ge [sflag:s13], $0x3000  }
0x234: {  	p1 =	por p0, p0;
	s22 =	sand.u32 $0x1FFFFE00, s22;
	[sflag:s13] =	ssyncset.done $0x0  }
.Ltmp0:
0x235: {  	s22 =	sadd.s32 s8, s22;
	[sflag:s13] =	ssyncadd.s32 $0xFFFFD000;
	(pc) =	sbr.rel @p1 .LBB2_2-.Ltmp0, $4  }
0x236: {  	[hbm4b:s22+s4] =	stream.linear.scatter [tilespmem:s19], [sflag:$0x2], $0x1000, $0x38;
	[tilespmem:$0x4040] =	vst v63  }
0x237: {  	_ =	swait.ge [sflag:s13], $0x1000  }
0x238: {  	[sflag:s13] =	ssyncset.done $0x0  }
0x239: {  	p0 =	por $0x0, $0x0;
	s22 =	simm.s32 $0x10;
	[sflag:s13] =	ssyncadd.s32 $0xFFFFF000  }
0x23a: {  	s21 =	sadd.s32 $0x1, s21  }
0x23b: {  	p0 =	sne.s32 s21, s12  }
.Ltmp1:
0x23c: {  	_ = 	snop;
	(pc) =	sbr.rel @p0 .LBB2_1-.Ltmp1, $1  }
0x23d: {  	_ =	sdelay $0x3  }
0x23e: {  	_ =	sfence.sel $0x180000  }
0x23f: {  	[bflag:$0x0] =	sbarrier.arrive $0xFFFF  }
0x240: {  	p0 =	sne.s32 s2, $0x0;
	_ =	strace $0x9000004A  }
0x241: {  	s0 =	sadd.s32 @!p0 $0x100000, s0;
	[bflag:$0x2] =	sbarrier.arrive $0xFFFF  }
0x242: {  	[sflag:s0] =	ssyncadd.tile.s32 @!p0 $0x1;
	_ =	shalt  }
.Lfunc_end2:
_tile_overlayer_lowered:
.L_overlay_start_2:
0x243: {  	(tag) =	ssettag $0x2  }
0x244: {  	s0 =	rddreg [dreg:$0x0];
	s2 =	stileid.u32  }
0x245: {  	s1 =	rddreg [dreg:$0x1];
	p0 =	sne.s32 s2, $0x0  }
0x246: {  	s3 =	rddreg [dreg:$0x2];
	[bflag:$0x3] =	sbarrier.arrive $0xFFFF;
	s2 =	simm.s32 @!p0 $0x1C02  }
0x247: {  	[timem:s3], [sflag:s2] =	dma.local @!p0 [hbm:s0], s1  }
0x248: {  	s0 =	simm.s32 @!p0 $0x2  }
0x249: {  	_ =	swait.ge @!p0 [sflag:s0], s1  }
0x24a: {  	s1 =	ssub.s32 @!p0 $0x0, s1;
	[sflag:s0] =	ssyncset.done @!p0 $0x0  }
0x24b: {  	[sflag:s0] =	ssyncadd.s32 @!p0 s1  }
0x24c: {  	[bflag:$0x3] =	sbarrier.arrive $0xFFFF  }
0x24d: {  	_ =	shalt  }

// kernel: sparse-core-data-format-call.cloned.1.call-start
scs
called_computation_lowered:
.L_overlay_start_0:
0x0: {  	s2 =	sld [smem:$0x3FD9]  }
0x1: {  	s3 =	sld [smem:$0x3FFE];
	_ =	sdelay $0x1  }
0x2: {  	s1 =	srdreg.scid  }
0x3: {  	s0 =	sand.u32 $0x1, s1  }
0x4: {  	s16 =	sshll.u32 s0, $0xA;
	s2 =	sadd.s32 s3, s2  }
0x5: {  	s2 =	sadd.s32 s2, s16  }
0x6: {  	[smem:$0x3FC5] =	sst s2  }
0x7: {  	_ = 	snop  }
0x8: {  	s2 =	sld [smem:$0x3FD0];
	_ =	sdelay $0x2  }
0x9: {  	s4 =	simm.s32 $0xA;
	s5 =	simm.s32 $0x10;
	s17 =	sld [smem:$0x3FC9]  }
0xa: {  	[smem:s5], [sflag:s4] =	dma.local [hbm:s2], $0x1  }
0xb: {  	_ =	swait.eq [sflag:s4], $0x1  }
0xc: {  	[sflag:s4] =	ssyncset.done $0x0  }
0xd: {  	[sflag:s4] =	ssyncadd.s32 $0xFFFFFFFF  }
0xe: {  	s18 =	sld [smem:$0x10];
	(tm) =	ssettm $0x1  }
0xf: {  	s19 =	sld [smem:$0x3FFB];
	_ =	sdelay $0x3  }
0x10: {  	_ =	strace s19  }
0x11: {  	s4 =	sld [smem:$0x3FFC];
	_ =	sdelay $0x3  }
0x12: {  	_ =	strace s4  }
0x13: {  	s4 =	sld [smem:$0x3FFD];
	_ =	sdelay $0x3  }
0x14: {  	_ =	strace s4  }
0x15: {  	_ =	strace $0x8FFFFFFF  }
0x16: {  	s20 =	sld [smem:$0x3FDB];
	_ =	sdelay $0x1  }
0x17: {  	s21 =	simm.s32 $_scs_section_size  }
0x18: {  	s6 =	simm.s32 $_size__tile_overlayer_lowered;
	s7 =	simm.s32 $_tile_overlayer_lowered  }
0x19: {  	s24 =	simm.s32 $0x1BFF;
	s23 =	sshll.u32 s7, $0x1;
	s4 =	sadd.s32 s21, s20  }
0x1a: {  	s8 =	simm.s32 $0x0;
	s22 =	sshll.u32 s6, $0x1;
	s6 =	sadd.s32 s23, s4  }
0x1b: {  	[timem:s8], [sflag:s24] =	dma.local [hbm:s6], s22  }
0x1c: {  	_ =	swait.ge [sflag:s24], s22  }
0x1d: {  	s5 =	ssub.s32 $0x0, s22;
	[sflag:s24] =	ssyncset.done $0x0  }
0x1e: {  	[sflag:s24] =	ssyncadd.s32 s5;
	_ =	sdelay $0x1  }
0x1f: {  	s25 =	simm.s32 $0x1B8B  }
0x20: {  	_ =	swait.ge [sflag:s25], $0x1  }
0x21: {  	[sflag:s25] =	ssyncset.done $0x0  }
0x22: {  	s26 =	simm.s32 $0x1B8E;
	[sflag:s25] =	ssyncadd.s32 $0xFFFFFFFF  }
0x23: {  	s27 =	simm.s32 $execute0_lowered;
	[smem:$0x3FD2] =	sst s26  }
0x24: {  	s5 =	sshll.u32 s27, $0x1;
	_ =	strace $0x80000046;
	[dreg:$0x1] =	wrdreg $0xFFFFFFFF  }
0x25: {  	s28 =	simm.s32 $_size_execute0_lowered;
	s4 =	sadd.s32 s4, s5;
	[dreg:$0x0] =	wrdreg $0x0  }
0x26: {  	s5 =	sshll.u32 s28, $0x1;
	[dreg:$0x2] =	wrdreg s4  }
0x27: {  	[dreg:$0x3] =	wrdreg s5  }
0x28: {  	[dreg:$0x4] =	wrdreg $0xC0  }
0x29: {  	_ =	task [dreg:s8], $0x5FFFF  }
0x2a: {  	[dreg:$0x1] =	wrdreg $0xFFFFFFFF  }
0x2b: {  	[dreg:$0x0] =	wrdreg $0x60  }
0x2c: {  	[dreg:$0x2] =	wrdreg s17  }
0x2d: {  	[dreg:$0x3] =	wrdreg s18  }
0x2e: {  	[dreg:$0x4] =	wrdreg $0x9  }
0x2f: {  	_ =	task.clear_ibuf [dreg:s8], $0x5FFFF;
	_ =	strace $0x90000046  }
0x30: {  	s29 =	simm.s32 $0x9;
	_ =	strace $0x80000048  }
0x31: {  	_ =	swait.ge [sflag:s29], $0x1  }
0x32: {  	[sflag:s29] =	ssyncadd.s32 $0xFFFFFFFF  }
0x33: {  	_ =	strace $0x90000048  }
0x34: {  	_ =	sfence  }
0x35: {  	s30 =	sld [smem:$0x0];
	_ =	sdelay $0x2  }
0x36: {  	s31 =	sshll.u32 s1, $0xD;
	s1 =	sshrl.u32 s1, $0x2  }
0x37: {  	s3 =	sand.u32 $0x4000, s31;
	s1 =	sadd.s32 s1, s30  }
0x38: {  	s0 =	sor.u32 s3, s0;
	s1 =	sshll.u32 s1, $0x11  }
0x39: {  	s0 =	sor.u32 s1, s0  }
0x3a: {  	s0 =	sadd.s32 $0x8F2B, s0  }
0x3b: {  	[sflag:s0] =	ssyncadd.remote.s32 $0x1  }
0x3c: {  	_ =	sfence.sel $0xFFFF  }
0x3d: {  	[dreg:$0x0] =	wrdreg $0xFFFFFFFF;
	(pc) =	sbr.abs _section_cstart, $3  }
0x3e: {  	[dreg:$0x1] =	wrdreg $0xFFFFFFFF  }
0x3f: {  	_ =	task.clear_ibuf [dreg:s8], $0x2FFFF;
	_ =	strace $0x9FFFFFFF  }
0x40: {  	(tm) =	ssettm $0x7FFFFFFF  }
0x41: {  	_ =	shalt  }
tec
execute0_lowered:
.L_overlay_start_1:
0x0: {  	(tag) =	ssettag $0x1  }
0x1: {  	s0 =	srdreg.scid  }
0x2: {  	s1 =	sshll.u32 s0, $0x4  }
0x3: {  	s2 =	rddreg [dreg:$0x0];
	s0 =	stileid.u32;
	s1 =	sand.u32 $0x10, s1  }
0x4: {  	s4 =	rddreg [dreg:$0x1];
	s1 =	sor.u32 s0, s1  }
0x5: {  	s7 =	simm.s32 $0x1;
	s8 =	simm.s32 $0x2;
	s3 =	sshll.u32 s1, $0x2  }
0x6: {  	s9 =	simm.s32 $0x0;
	s12 =	simm.s32 $0x0;
	s6 =	ssub.s32 $0xC00, s3  }
.Ltmp0:
0x7: {  	s11 =	simm.s32 $0x0;
	s5 =	sand.u32 $0x7C, s6;
	(pc) =	sbr.rel .LBB1_1-.Ltmp0, $4  }
0x8: {  	s1 =	rddreg [dreg:$0x2];
	_ =	strace $0x80000047;
	p0 =	sne.s32 s5, $0x0  }
0x9: {  	s6 =	sshrl.u32 s6, $0x7;
	s5 =	simm.s32 $0x1;
	s7 =	simm.s32 @!p0 $0x0  }
0xa: {  	s10 =	smov.u32 s3;
	[sflag:s5] =	ssyncpa.u1 $0x0;
	s6 =	sadd.s32 s7, s6  }
0xb: {  	[sflag:s8] =	ssyncpa.u1 $0x0;
	s8 =	simm.s32 $0x0;
	s7 =	sadd.s32 $0x1, s6  }
.LBB1_9:
0xc: {  	s14 =	sadd.s32 $0x80, s10  }
0xd: {  	p1 =	sgt.s32 s14, $0xBFF  }
0xe: {  	s14 =	smov.u32 @p1 s3;
	p1 =	sne.s32 s11, s7  }
.Ltmp1:
0xf: {  	p0 =	slt.u32 s11, $0x2;
	(pc) =	sbr.rel @!p1 .LBB1_10-.Ltmp1, $4  }
0x10: {  	s13 =	simm.s32 @!p0 $0x2  }
0x11: {  	s15 =	sadd.s32 $0x1, s11;
	_ =	swait.ge @!p0 [sflag:s13], $0x4000  }
0x12: {  	s12 =	smov.u32 s10;
	s9 =	sadd.s32 $0x4000, s9;
	[sflag:s13] =	ssyncset.done @!p0 $0x0  }
0x13: {  	s11 =	smov.u32 s15;
	s10 =	smov.u32 s14;
	[sflag:s13] =	ssyncadd.s32 @!p0 $0xFFFFC000  }
.LBB1_1:
0x14: {  	p0 =	sge.u32 s11, s6  }
0x15: {  	s13 =	sxor.u32 @!p0 $0xFFFFFFFF, s11  }
0x16: {  	s31 =	sadd.s32 $0xFFFFFFFF, s11;
	s14 =	sshll.u32 @!p0 s10, $0x9;
	s13 =	sshll.u32 @!p0 s13, $0xE  }
0x17: {  	s15 =	simm.s32 @!p0 $0x0;
	s14 =	sadd.s32 @!p0 s2, s14;
	s13 =	sand.u32 @!p0 $0x4000, s13  }
0x18: {  	[tilespmem:s13], [sflag:$0x1] =	stream.linear.gather @!p0 [hbm4b:s14+s15], $0x4000, $0x38;
	[tilespmem:$0x10000] =	vst v63  }
0x19: {  	p0 =	sge.u32 s31, s6  }
.Ltmp2:
0x1a: {  	_ = 	snop;
	(pc) =	sbr.rel @p0 .LBB1_9-.Ltmp2, $1  }
0x1b: {  	_ =	sdelay $0x3  }
0x1c: {  	s14 =	sand.u32 $0x4000, s9  }
0x1d: {  	_ =	swait.ge [sflag:s5], $0x4000;
	s15 =	sshll.u32 s11, $0xE;
	s16 =	simm.s32 $0x0  }
0x1e: {  	s13 =	sor.u32 $0x40, s14;
	[sflag:s5] =	ssyncset.done $0x0;
	s15 =	sand.u32 $0x4000, s15  }
0x1f: {  	s14 =	sor.u32 $0x8040, s14;
	[sflag:s5] =	ssyncadd.s32 $0xFFFFC000;
	s15 =	sor.u32 $0x8000, s15  }
.LBB1_3:
0x20: {  	s17 =	smov.u32 s14;
	s18 =	smov.u32 s13;
	s19 =	simm.s32 $0x0  }
.LBB1_4:
0x21: {  	v0 =	vmov s17;
	v2 =	vld [tilespmem:s18+$0x30]  }
0x22: {  	v4 =	vld [tilespmem:s18+$0xFFFFFFD0]  }
0x23: {  	v6 =	vld [tilespmem:s18+$0xFFFFFFE0]  }
0x24: {  	v7 =	vld [tilespmem:s18+$0xFFFFFFF0]  }
0x25: {  	s20 =	simm.s32 $0x0;
	v1 =	vld [tilespmem:s18+$0x0]  }
0x26: {  	v3 =	vld [tilespmem:s18+$0x10];
	[tilespmem:v0+s20+$0x30 ss:$0x1] =	vst.idx.msk $0xffff, v2  }
0x27: {  	v5 =	vld [tilespmem:s18+$0x20];
	[tilespmem:v0+s20+$0xFFFFFFD0 ss:$0x1] =	vst.idx.msk $0xffff, v4  }
0x28: {  	s21 =	sadd.s32 $0x80, s18;
	v2 =	vld [tilespmem:s18+$0xFFFFFFC0];
	[tilespmem:v0+s20+$0xFFFFFFE0 ss:$0x1] =	vst.idx.msk $0xffff, v6  }
0x29: {  	s22 =	simm.s32 $0x800;
	s23 =	simm.s32 $0x1000;
	v4 =	vld [tilespmem:s21+$0x30];
	[tilespmem:v0+s20+$0xFFFFFFF0 ss:$0x1] =	vst.idx.msk $0xffff, v7  }
.LBB1_5:
0x2a: {  	p0 =	sne.s32 s23, $0x3800;
	v6 =	vld [tilespmem:s21+$0xFFFFFFD0];
	[tilespmem:v0+s20+$0x0 ss:$0x1] =	vst.idx.msk $0xffff, v1  }
0x2b: {  	v7 =	vld [tilespmem:s21+$0xFFFFFFE0];
	[tilespmem:v0+s20+$0x10 ss:$0x1] =	vst.idx.msk $0xffff, v3  }
0x2c: {  	v8 =	vld [tilespmem:s21+$0xFFFFFFF0];
	[tilespmem:v0+s20+$0x20 ss:$0x1] =	vst.idx.msk $0xffff, v5  }
.Ltmp3:
0x2d: {  	v1 =	vld [tilespmem:s21+$0x0];
	[tilespmem:v0+s20+$0xFFFFFFC0 ss:$0x1] =	vst.idx.msk $0xffff, v2;
	s20 =	sshra.s32 s22, $0x2;
	s22 =	smov.u32 s23;
	(pc) =	sbr.rel @p0 .LBB1_5-.Ltmp3, $4  }
0x2e: {  	v3 =	vld [tilespmem:s21+$0x10];
	[tilespmem:v0+s20+$0x30 ss:$0x1] =	vst.idx.msk $0xffff, v4  }
0x2f: {  	[tilespmem:v0+s20+$0xFFFFFFD0 ss:$0x1] =	vst.idx.msk $0xffff, v6;
	v5 =	vld [tilespmem:s21+$0x20]  }
0x30: {  	v2 =	vld [tilespmem:s21+$0xFFFFFFC0];
	[tilespmem:v0+s20+$0xFFFFFFE0 ss:$0x1] =	vst.idx.msk $0xffff, v7;
	s21 =	sadd.s32 $0x80, s21  }
0x31: {  	s23 =	sadd.s32 $0x800, s23;
	v4 =	vld [tilespmem:s21+$0x30];
	[tilespmem:v0+s20+$0xFFFFFFF0 ss:$0x1] =	vst.idx.msk $0xffff, v8  }
0x32: {  	_ =	sdelay $0x3  }
0x33: {  	v6 =	vld [tilespmem:s21+$0xFFFFFFD0];
	[tilespmem:v0+s20+$0x0 ss:$0x1] =	vst.idx.msk $0xffff, v1  }
0x34: {  	v58 =	vld [tilespmem:s21+$0xFFFFFFE0];
	[tilespmem:v0+s20+$0x10 ss:$0x1] =	vst.idx.msk $0xffff, v3  }
0x35: {  	v59 =	vld [tilespmem:s21+$0xFFFFFFF0];
	[tilespmem:v0+s20+$0x20 ss:$0x1] =	vst.idx.msk $0xffff, v5  }
0x36: {  	s22 =	sshra.s32 s22, $0x2;
	v60 =	vld [tilespmem:s21+$0x0];
	[tilespmem:v0+s20+$0xFFFFFFC0 ss:$0x1] =	vst.idx.msk $0xffff, v2  }
0x37: {  	v61 =	vld [tilespmem:s21+$0x10];
	[tilespmem:v0+s22+$0x30 ss:$0x1] =	vst.idx.msk $0xffff, v4  }
0x38: {  	v62 =	vld [tilespmem:s21+$0x20];
	s19 =	sadd.s32 $0x1, s19;
	[tilespmem:v0+s22+$0xFFFFFFD0 ss:$0x1] =	vst.idx.msk $0xffff, v6  }
0x39: {  	v63 =	vld [tilespmem:s21+$0xFFFFFFC0];
	p0 =	sne.s32 s19, $0x4;
	[tilespmem:v0+s22+$0xFFFFFFE0 ss:$0x1] =	vst.idx.msk $0xffff, v58  }
.Ltmp4:
0x3a: {  	[tilespmem:v0+s22+$0xFFFFFFF0 ss:$0x1] =	vst.idx.msk $0xffff, v59;
	(pc) =	sbr.rel @p0 .LBB1_4-.Ltmp4, $4  }
0x3b: {  	[tilespmem:v0+s22+$0x0 ss:$0x1] =	vst.idx.msk $0xffff, v60  }
0x3c: {  	[tilespmem:v0+s22+$0x10 ss:$0x1] =	vst.idx.msk $0xffff, v61  }
0x3d: {  	[tilespmem:v0+s22+$0x20 ss:$0x1] =	vst.idx.msk $0xffff, v62  }
0x3e: {  	s18 =	sadd.s32 $0x400, s18;
	s17 =	sadd.s32 $0x80, s17;
	[tilespmem:v0+s22+$0xFFFFFFC0 ss:$0x1] =	vst.idx.msk $0xffff, v63  }
0x3f: {  	s16 =	sadd.s32 $0x1, s16  }
0x40: {  	p0 =	sne.s32 s16, $0x4  }
.Ltmp5:
0x41: {  	_ = 	snop;
	(pc) =	sbr.rel @p0 .LBB1_3-.Ltmp5, $2  }
0x42: {  	_ =	sdelay $0x2  }
0x43: {  	s13 =	sadd.s32 $0x1000, s13;
	s14 =	sadd.s32 $0x1000, s14  }
.Ltmp6:
0x44: {  	(pc) =	sbr.rel .LBB1_9-.Ltmp6, $4  }
0x45: {  	_ = 	snop  }
0x46: {  	s12 =	sshll.u32 s12, $0x9  }
0x47: {  	s12 =	sadd.s32 s4, s12  }
0x48: {  	[hbm4b:s12+s8] =	stream.linear.scatter [tilespmem:s15], [sflag:$0x2], $0x4000, $0x38;
	[tilespmem:$0x10000] =	vst v63  }
.LBB1_10:
0x49: {  	_ =	sfence.sel $0x180000  }
0x4a: {  	s2 =	simm.s32 $0x1;
	[bflag:$0x0] =	sbarrier.arrive $0xFFFF  }
0x4b: {  	s31 =	simm.s32 $0x2;
	[sflag:s2] =	ssyncpa.u1 $0x1  }
0x4c: {  	[sflag:s31] =	ssyncpa.u1 $0x1  }
0x4d: {  	p0 =	sne.s32 s0, $0x0;
	_ =	strace $0x90000047  }
0x4e: {  	s0 =	sadd.s32 @!p0 $0x100000, s1;
	[bflag:$0x2] =	sbarrier.arrive $0xFFFF  }
0x4f: {  	[sflag:s0] =	ssyncadd.tile.s32 @!p0 $0x1;
	_ =	shalt  }
.Lfunc_end1:
_tile_overlayer_lowered:
.L_overlay_start_2:
0x50: {  	(tag) =	ssettag $0x2  }
0x51: {  	s0 =	rddreg [dreg:$0x0];
	s2 =	stileid.u32  }
0x52: {  	s1 =	rddreg [dreg:$0x1];
	p0 =	sne.s32 s2, $0x0  }
0x53: {  	s3 =	rddreg [dreg:$0x2];
	[bflag:$0x3] =	sbarrier.arrive $0xFFFF;
	s2 =	simm.s32 @!p0 $0x1C01  }
0x54: {  	[timem:s3], [sflag:s2] =	dma.local @!p0 [hbm:s0], s1  }
0x55: {  	s0 =	simm.s32 @!p0 $0x1  }
0x56: {  	_ =	swait.ge @!p0 [sflag:s0], s1  }
0x57: {  	s1 =	ssub.s32 @!p0 $0x0, s1;
	[sflag:s0] =	ssyncset.done @!p0 $0x0  }
0x58: {  	[sflag:s0] =	ssyncadd.s32 @!p0 s1  }
0x59: {  	[bflag:$0x3] =	sbarrier.arrive $0xFFFF  }
0x5a: {  	_ =	shalt  }

</sc_bundles>
